<compile_context>
chip_gen: v7x
topology: tpu7x:2x2x1
jax: 0.10.2.dev20260603
libtpu: 0.0.44.dev20260713+nightly
codegen_flags: <defaults>
</compile_context>

<pallas_src>
import functools

import jax
import jax.numpy as jnp
from jax import lax
from jax.experimental import pallas as pl
from jax.experimental.pallas import tpu as pltpu
from jax.experimental.pallas import tpu_sc as plsc

B = 8
P = 1024
N = B * P
K = 16
EPS = 1e-5
NEG_SLOPE = 0.2
DG = 128

NW = 32
PPW = N // NW
CH = 8
NCH = PPW // CH

_DEFAULT = jax.lax.Precision.DEFAULT


def _lrelu(x):
    return jnp.where(x >= 0, x, NEG_SLOPE * x)


def _dot(a, b):
    return jax.lax.dot_general(
        a, b, (((1,), (0,)), ((), ())),
        preferred_element_type=jnp.float32, precision=_DEFAULT)



def _conv_a_body(x_ref, sq_ref, w_ref, b_ref, idx_ref, xit_ref, xpad_ref,
                 *, d, o):
    x = x_ref[...]
    g = jax.lax.dot_general(
        x, x, (((1,), (1,)), ((), ())),
        preferred_element_type=jnp.float32, precision=_DEFAULT)
    sq = sq_ref[...][0, 0, :]
    d2 = sq[:, None] + sq[None, :] - 2.0 * g

    colf = lax.broadcasted_iota(jnp.int32, (P, P), 1).astype(jnp.float32)
    base = pl.program_id(0) * P
    inf = jnp.float32(jnp.inf)
    big = jnp.float32(P)
    cols = []
    for _ in range(K):
        m = jnp.min(d2, axis=1)
        am = jnp.min(jnp.where(d2 == m[:, None], colf, big), axis=1)
        cols.append(am)
        d2 = jnp.where(colf == am[:, None], inf, d2)
    idx_ref[...] = jnp.stack(cols, axis=1).astype(jnp.int32) + base

    xit_ref[...] = _dot(x, w_ref[:d, :]) + b_ref[...]
    if d < DG:
        xpad_ref[...] = jnp.concatenate(
            [x, jnp.zeros((P, DG - d), jnp.float32)], axis=1)
    else:
        xpad_ref[...] = x


def _conv_a(x, w, b):
    d = x.shape[1]
    o = w.shape[1]
    nb = x.shape[0] // P
    xb = x.reshape(nb, P, d)
    sq = jnp.sum(xb * xb, axis=-1).reshape(nb, 1, P)
    return pl.pallas_call(
        functools.partial(_conv_a_body, d=d, o=o),
        grid=(nb,),
        in_specs=[
            pl.BlockSpec((P, d), lambda i: (i, 0)),
            pl.BlockSpec((1, 1, P), lambda i: (i, 0, 0)),
            pl.BlockSpec((2 * d, o), lambda i: (0, 0)),
            pl.BlockSpec((o,), lambda i: (0,)),
        ],
        out_specs=[
            pl.BlockSpec((P, K), lambda i: (i, 0)),
            pl.BlockSpec((P, o), lambda i: (i, 0)),
            pl.BlockSpec((P, DG), lambda i: (i, 0)),
        ],
        out_shape=[
            jax.ShapeDtypeStruct((nb * P, K), jnp.int32),
            jax.ShapeDtypeStruct((nb * P, o), jnp.float32),
            jax.ShapeDtypeStruct((nb * P, DG), jnp.float32),
        ],
    )(x, sq, w, b)



def _gather_sc(xpad, idx3):
    n = xpad.shape[0]
    nch = idx3.shape[1]
    mesh = plsc.VectorSubcoreMesh(core_axis_name="c", subcore_axis_name="s")

    @functools.partial(
        pl.kernel,
        mesh=mesh,
        out_type=jax.ShapeDtypeStruct((n * K, DG), jnp.float32),
        scratch_types=[
            pltpu.VMEM((CH * K,), jnp.int32),
            pltpu.VMEM((CH * K, DG), jnp.float32),
            pltpu.SemaphoreType.DMA,
        ],
    )
    def k(x_hbm, idx_hbm, out_hbm, idxv, rows, sem):
        wid = lax.axis_index("s") * 2 + lax.axis_index("c")

        def chunk(t, _):
            pltpu.sync_copy(idx_hbm.at[wid, t], idxv)
            pltpu.async_copy(x_hbm.at[idxv], rows, sem).wait()
            pltpu.sync_copy(
                rows, out_hbm.at[pl.ds((wid * nch + t) * CH * K, CH * K)])
            return 0

        lax.fori_loop(0, nch, chunk, 0)

    return k(xpad, idx3)



CBLK = 512


def _conv_c_body(xj_ref, x_ref, xit_ref, wb_ref, out_ref, *, d, o):
    xj = xj_ref[:, :d]
    xi = x_ref[...]
    diff = (xj.reshape(CBLK, K, d) - xi[:, None, :]).reshape(CBLK * K, d)
    e = _dot(diff, wb_ref[...])
    m = jnp.max(e.reshape(CBLK, K, o), axis=1)
    out_ref[...] = xit_ref[...] + m


def _conv_c(xj, x, xit, wb):
    d = x.shape[1]
    o = wb.shape[1]
    n = x.shape[0]
    return pl.pallas_call(
        functools.partial(_conv_c_body, d=d, o=o),
        grid=(n // CBLK,),
        in_specs=[
            pl.BlockSpec((CBLK * K, DG), lambda i: (i, 0)),
            pl.BlockSpec((CBLK, d), lambda i: (i, 0)),
            pl.BlockSpec((CBLK, o), lambda i: (i, 0)),
            pl.BlockSpec((d, o), lambda i: (0, 0)),
        ],
        out_specs=pl.BlockSpec((CBLK, o), lambda i: (i, 0)),
        out_shape=jax.ShapeDtypeStruct((n, o), jnp.float32),
    )(xj, x, xit, wb)


def _edge_conv_pallas(x, w, b):
    d = x.shape[1]
    n = x.shape[0]
    idx, xit, xpad = _conv_a(x, w, b)
    nch = n // (NW * CH)
    xj = _gather_sc(xpad, idx.reshape(NW, nch, CH * K))
    return _conv_c(xj, x, xit, w[d:])



def _head1_body(x1, x2, x3, x4, wl_ref, bl_ref, lin_ref, s_ref):
    lin = jnp.broadcast_to(bl_ref[...][None, :], (P, 1024))
    o0 = 0
    for xr in (x1, x2, x3, x4):
        x = xr[...]
        lin = lin + _dot(x, wl_ref[o0:o0 + x.shape[1], :])
        o0 += x.shape[1]
    lin_ref[...] = lin
    s_ref[...] = jnp.sum(lin, axis=0)[None, None, :]


def _head1(x1, x2, x3, x4, wl, bl):
    splits = (64, 64, 128, 256)
    specs = [pl.BlockSpec((P, oi), lambda i: (i, 0)) for oi in splits]
    specs.append(pl.BlockSpec((512, 1024), lambda i: (0, 0)))
    specs.append(pl.BlockSpec((1024,), lambda i: (0,)))
    return pl.pallas_call(
        _head1_body,
        grid=(B,),
        in_specs=specs,
        out_specs=[
            pl.BlockSpec((P, 1024), lambda i: (i, 0)),
            pl.BlockSpec((1, 1, 1024), lambda i: (i, 0, 0)),
        ],
        out_shape=[
            jax.ShapeDtypeStruct((N, 1024), jnp.float32),
            jax.ShapeDtypeStruct((B, 1, 1024), jnp.float32),
        ],
    )(x1, x2, x3, x4, wl, bl)


def _head1b_body(lin_ref, s_ref, s2_ref):
    mu = jnp.sum(s_ref[...], axis=(0, 1)) / N
    d = lin_ref[...] - mu[None, :]
    s2_ref[...] = jnp.sum(d * d, axis=0)[None, None, :]


def _head1b(lin, s):
    return pl.pallas_call(
        _head1b_body,
        grid=(B,),
        in_specs=[
            pl.BlockSpec((P, 1024), lambda i: (i, 0)),
            pl.BlockSpec((B, 1, 1024), lambda i: (0, 0, 0)),
        ],
        out_specs=pl.BlockSpec((1, 1, 1024), lambda i: (i, 0, 0)),
        out_shape=jax.ShapeDtypeStruct((B, 1, 1024), jnp.float32),
    )(lin, s)


def _head2_body(lin_ref, s_ref, s2_ref, gl_ref, betal_ref, pooled_ref):
    s = jnp.sum(s_ref[...], axis=(0, 1))
    s2 = jnp.sum(s2_ref[...], axis=(0, 1))
    mu = s / N
    var = s2 / N
    scale = gl_ref[...] / jnp.sqrt(var + EPS)
    shift = betal_ref[...] - mu * scale
    v = _lrelu(lin_ref[...] * scale[None, :] + shift[None, :])
    pooled_ref[...] = jnp.max(v, axis=0)[None, None, :]


def _head2(lin, s, s2, gl, betal):
    return pl.pallas_call(
        _head2_body,
        grid=(B,),
        in_specs=[
            pl.BlockSpec((P, 1024), lambda i: (i, 0)),
            pl.BlockSpec((B, 1, 1024), lambda i: (0, 0, 0)),
            pl.BlockSpec((B, 1, 1024), lambda i: (0, 0, 0)),
            pl.BlockSpec((1024,), lambda i: (0,)),
            pl.BlockSpec((1024,), lambda i: (0,)),
        ],
        out_specs=pl.BlockSpec((1, 1, 1024), lambda i: (i, 0, 0)),
        out_shape=jax.ShapeDtypeStruct((B, 1, 1024), jnp.float32),
    )(lin, s, s2, gl, betal)


def _bn_rows(x, gamma, beta):
    mu = jnp.mean(x, axis=0, keepdims=True)
    var = jnp.mean((x - mu) * (x - mu), axis=0, keepdims=True)
    return gamma * (x - mu) / jnp.sqrt(var + EPS) + beta


def _head3_body(pooled_ref, wm1_ref, bm1_ref, g1_ref, be1_ref,
                wm2_ref, bm2_ref, g2_ref, be2_ref, wm3_ref, bm3_ref, out_ref):
    h = pooled_ref[...]
    h = _lrelu(_bn_rows(_dot(h, wm1_ref[...]) + bm1_ref[...][None, :],
                        g1_ref[...], be1_ref[...]))
    h = _lrelu(_bn_rows(_dot(h, wm2_ref[...]) + bm2_ref[...][None, :],
                        g2_ref[...], be2_ref[...]))
    out_ref[...] = _dot(h, wm3_ref[...]) + bm3_ref[...][None, :]


def _head3(pooled, wm1, bm1, g1, be1, wm2, bm2, g2, be2, wm3, bm3):
    return pl.pallas_call(
        _head3_body,
        out_shape=jax.ShapeDtypeStruct((B, 40), jnp.float32),
    )(pooled, wm1, bm1, g1, be1, wm2, bm2, g2, be2, wm3, bm3)



NG = 2
GP = N // NG


def kernel(pos, batch, W1, b1, W2, b2, W3, b3, W4, b4, Wl, bl, gl, betal,
           Wm1, bm1, g1, be1, Wm2, bm2, g2, be2, Wm3, bm3):
    xg = [pos[g * GP:(g + 1) * GP] for g in range(NG)]
    feats = []
    for (w, b) in ((W1, b1), (W2, b2), (W3, b3), (W4, b4)):
        xg = [_edge_conv_pallas(x, w, b) for x in xg]
        feats.append(jnp.concatenate(xg, axis=0) if NG > 1 else xg[0])
    x1, x2, x3, x4 = feats
    lin, s = _head1(x1, x2, x3, x4, Wl, bl)
    s2 = _head1b(lin, s)
    pooled = _head2(lin, s, s2, gl, betal).reshape(B, 1024)
    return _head3(pooled, Wm1, bm1, g1, be1, Wm2, bm2, g2, be2, Wm3, bm3)

# --- scband reference (transcript-rebuilt; emitter-appended) ---
"""Pipeline reference for scband-dgcnnpaper-47193100648615 (READ-ONLY COPY).

The authoritative reference and input builder live on the scoring server;
editing this copy changes nothing except your own understanding.
"""

import jax, jax.numpy as jnp
import numpy as np

B = 8
P = 1024
N = B * P
K = 16
EPS = 1e-5


def _knn_idx(x):
    xb = x.reshape(B, P, -1)
    sq = jnp.sum(xb * xb, axis=-1)
    d2 = sq[:, :, None] + sq[:, None, :] - 2.0 * jnp.einsum('bpd,bqd->bpq', xb, xb)
    _, idx = jax.lax.top_k(-d2, K)  # k nearest within each cloud (self included, as PyG knn does)
    idx = idx + (jnp.arange(B) * P)[:, None, None]
    return idx.reshape(N, K)


def _edge_conv(x, W, b):
    # DynamicEdgeConv with single-layer MLP (PyG MLP plain_last=True -> pure Linear)
    # message = Linear(cat([x_i, x_j - x_i])) ; aggr = max over k neighbors
    idx = _knn_idx(x)
    d = x.shape[1]
    Wa = W[:d]
    Wb = W[d:]
    xi_term = x @ Wa + b            # [N, out]
    xj = x[idx]                     # [N, K, d] gather
    diff = xj - x[:, None, :]
    msg = xi_term[:, None, :] + jnp.einsum('nkd,do->nko', diff, Wb)
    return jnp.max(msg, axis=1)


def _bn(x, gamma, beta):
    mu = jnp.mean(x, axis=0, keepdims=True)
    var = jnp.var(x, axis=0, keepdims=True)
    return gamma * (x - mu) / jnp.sqrt(var + EPS) + beta


def _lrelu(x):
    return jax.nn.leaky_relu(x, negative_slope=0.2)


def setup_inputs(seed: int = 0) -> dict:
    key = jax.random.key(seed)
    ks = jax.random.split(key, 32)

    def w(i, shape):
        scale = 1.0 / np.sqrt(shape[0])
        return jax.random.normal(ks[i], shape, jnp.float32) * scale

    inp = {}
    inp['pos'] = jax.random.normal(ks[0], (N, 3), jnp.float32)
    inp['batch'] = jnp.repeat(jnp.arange(B, dtype=jnp.int32), P)
    inp['W1'] = w(1, (6, 64));      inp['b1'] = jnp.zeros((64,), jnp.float32)
    inp['W2'] = w(2, (128, 64));    inp['b2'] = jnp.zeros((64,), jnp.float32)
    inp['W3'] = w(3, (128, 128));   inp['b3'] = jnp.zeros((128,), jnp.float32)
    inp['W4'] = w(4, (256, 256));   inp['b4'] = jnp.zeros((256,), jnp.float32)
    inp['Wl'] = w(5, (512, 1024));  inp['bl'] = jnp.zeros((1024,), jnp.float32)
    inp['gl'] = jnp.ones((1024,), jnp.float32); inp['betal'] = jnp.zeros((1024,), jnp.float32)
    inp['Wm1'] = w(6, (1024, 512)); inp['bm1'] = jnp.zeros((512,), jnp.float32)
    inp['g1'] = jnp.ones((512,), jnp.float32);  inp['be1'] = jnp.zeros((512,), jnp.float32)
    inp['Wm2'] = w(7, (512, 256));  inp['bm2'] = jnp.zeros((256,), jnp.float32)
    inp['g2'] = jnp.ones((256,), jnp.float32);  inp['be2'] = jnp.zeros((256,), jnp.float32)
    inp['Wm3'] = w(8, (256, 40));   inp['bm3'] = jnp.zeros((40,), jnp.float32)
    return inp


def reference(pos, batch, W1, b1, W2, b2, W3, b3, W4, b4, Wl, bl, gl, betal, Wm1, bm1, g1, be1, Wm2, bm2, g2, be2, Wm3, bm3):
    x1 = _edge_conv(pos, W1, b1)
    x2 = _edge_conv(x1, W2, b2)
    x3 = _edge_conv(x2, W3, b3)
    x4 = _edge_conv(x3, W4, b4)
    cat = jnp.concatenate([x1, x2, x3, x4], axis=1)
    lin = _lrelu(_bn(cat @ Wl + bl, gl, betal))
    pooled = jax.ops.segment_max(lin, batch, num_segments=B)
    h = _lrelu(_bn(pooled @ Wm1 + bm1, g1, be1))
    h = _lrelu(_bn(h @ Wm2 + bm2, g2, be2))
    out = h @ Wm3 + bm3
    return out

if __name__ == "__main__":
    import jax
    _d = setup_inputs()
    print(jax.jit(kernel)(*tuple(_d.values())))

</pallas_src>

<mosaic_0001>
#map = affine_map<(d0, d1) -> (0, 0)>
#map1 = affine_map<(d0, d1) -> (0, 0, 0)>
module attributes {stable_mosaic.version = 14 : i64} {
  func.func @k(%arg0: i32, %arg1: i32, %arg2: memref<4096x128xf32, #tpu.memory_space<hbm>>, %arg3: memref<32x16x128xi32, #tpu.memory_space<hbm>>, %arg4: memref<65536x128xf32, #tpu.memory_space<hbm>>, %arg5: memref<128xi32, #tpu.memory_space<vmem>>, %arg6: memref<128x128xf32, #tpu.memory_space<vmem>>, %arg7: memref<!tpu.dma_semaphore, #tpu.memory_space<semaphore_mem>>) attributes {dimension_semantics = [#tpu.dimension_semantics<core_parallel>, #tpu.dimension_semantics<subcore_parallel>], iteration_bounds = array<i64: 2, 16>, scalar_prefetch = 0 : i64, scratch_operands = 3 : i64, tpu.core_type = #tpu.core_type<sc_vector_subcore>, window_params = [{transform_indices = #map}, {transform_indices = #map1}, {transform_indices = #map}]} {
    %mul3A = arith.constant 2 : i32
    %mul3A_0 = arith.muli %arg1, %mul3A : i32
    %add3A = arith.addi %mul3A_0, %arg0 : i32
    %scan3A = arith.constant 0 : i32
    %scan3A_1 = arith.constant 0 : i32
    %scan3A_2 = arith.constant 16 : i32
    %scan3A_3 = arith.addi %scan3A_1, %scan3A_2 : i32
    %scan3A_4 = arith.constant 1 : i32
    %scan3A_5 = scf.for %scan3A_7 = %scan3A_1 to %scan3A_3 step %scan3A_4 iter_args(%scan3A_8 = %scan3A) -> (i32)  : i32 {
      "tpu.region"() ({
        %run_scoped3A = tpu.sem_alloc : memref<!tpu.dma_semaphore, #tpu.memory_space<semaphore_mem>>
        %dma_start3A_21 = arith.constant 0 : i32
        %dma_start3A_22 = tpu.memref_slice %arg3[%add3A, %scan3A_7, %dma_start3A_21] : memref<32x16x128xi32, #tpu.memory_space<hbm>> -> memref<1x1x128xi32, #tpu.memory_space<hbm>>
        %dma_start3A_23 = tpu.memref_squeeze %dma_start3A_22 : memref<1x1x128xi32, #tpu.memory_space<hbm>> -> memref<128xi32, #tpu.memory_space<hbm>>
        %dma_start3A_24 = arith.constant 0 : i32
        %dma_start3A_25 = tpu.memref_slice %arg3[%add3A, %scan3A_7, %dma_start3A_24] : memref<32x16x128xi32, #tpu.memory_space<hbm>> -> memref<1x1x128xi32, #tpu.memory_space<hbm>>
        %dma_start3A_26 = tpu.memref_squeeze %dma_start3A_25 : memref<1x1x128xi32, #tpu.memory_space<hbm>> -> memref<128xi32, #tpu.memory_space<hbm>>
        tpu.enqueue_dma source(%dma_start3A_26 : memref<128xi32, #tpu.memory_space<hbm>>) target(%arg5 : memref<128xi32, #tpu.memory_space<vmem>>) target_semaphore(%run_scoped3A : memref<!tpu.dma_semaphore, #tpu.memory_space<semaphore_mem>>)
        %dma_wait3A_27 = arith.constant 0 : i32
        %dma_wait3A_28 = tpu.memref_slice %arg3[%add3A, %scan3A_7, %dma_wait3A_27] : memref<32x16x128xi32, #tpu.memory_space<hbm>> -> memref<1x1x128xi32, #tpu.memory_space<hbm>>
        %dma_wait3A_29 = tpu.memref_squeeze %dma_wait3A_28 : memref<1x1x128xi32, #tpu.memory_space<hbm>> -> memref<128xi32, #tpu.memory_space<hbm>>
        %dma_wait3A_30 = arith.constant 0 : i32
        %dma_wait3A_31 = tpu.memref_slice %arg3[%add3A, %scan3A_7, %dma_wait3A_30] : memref<32x16x128xi32, #tpu.memory_space<hbm>> -> memref<1x1x128xi32, #tpu.memory_space<hbm>>
        %dma_wait3A_32 = tpu.memref_squeeze %dma_wait3A_31 : memref<1x1x128xi32, #tpu.memory_space<hbm>> -> memref<128xi32, #tpu.memory_space<hbm>>
        tpu.wait_dma2 semaphore(%run_scoped3A : memref<!tpu.dma_semaphore, #tpu.memory_space<semaphore_mem>>) src(%dma_wait3A_32 : memref<128xi32, #tpu.memory_space<hbm>>) dst(%arg5 : memref<128xi32, #tpu.memory_space<vmem>>)
        tpu.yield
      }) : () -> ()
      %dma_start3A = arith.constant 0 : i32
      %dma_start3A_9 = arith.constant 0 : i32
      %dma_start3A_10 = tpu.memref_slice %arg2[%dma_start3A, %dma_start3A_9] : memref<4096x128xf32, #tpu.memory_space<hbm>> -> memref<4096x128xf32, #tpu.memory_space<hbm>>
      tpu.enqueue_indirect_dma source(%dma_start3A_10 : memref<4096x128xf32, #tpu.memory_space<hbm>>) target(%arg6 : memref<128x128xf32, #tpu.memory_space<vmem>>) offsets(%arg5 : memref<128xi32, #tpu.memory_space<vmem>>) semaphore(%arg7 : memref<!tpu.dma_semaphore, #tpu.memory_space<semaphore_mem>>)
      %dma_wait3A = arith.constant 0 : i32
      %dma_wait3A_11 = arith.constant 0 : i32
      %dma_wait3A_12 = tpu.memref_slice %arg2[%dma_wait3A, %dma_wait3A_11] : memref<4096x128xf32, #tpu.memory_space<hbm>> -> memref<4096x128xf32, #tpu.memory_space<hbm>>
      tpu.wait_indirect_dma semaphore(%arg7 : memref<!tpu.dma_semaphore, #tpu.memory_space<semaphore_mem>>) src(%dma_wait3A_12 : memref<4096x128xf32, #tpu.memory_space<hbm>>) dst(%arg6 : memref<128x128xf32, #tpu.memory_space<vmem>>)
      %mul3A_13 = arith.constant 16 : i32
      %mul3A_14 = arith.muli %add3A, %mul3A_13 : i32
      %add3A_15 = arith.addi %mul3A_14, %scan3A_7 : i32
      %mul3A_16 = arith.constant 8 : i32
      %mul3A_17 = arith.muli %add3A_15, %mul3A_16 : i32
      %mul3A_18 = arith.constant 16 : i32
      %mul3A_19 = arith.muli %mul3A_17, %mul3A_18 : i32
      "tpu.region"() ({
        %run_scoped3A = tpu.sem_alloc : memref<!tpu.dma_semaphore, #tpu.memory_space<semaphore_mem>>
        %dma_start3A_21 = arith.constant 0 : i32
        %dma_start3A_22 = tpu.memref_slice %arg4[%mul3A_19, %dma_start3A_21] : memref<65536x128xf32, #tpu.memory_space<hbm>> -> memref<128x128xf32, #tpu.memory_space<hbm>>
        %dma_start3A_23 = arith.constant 0 : i32
        %dma_start3A_24 = tpu.memref_slice %arg4[%mul3A_19, %dma_start3A_23] : memref<65536x128xf32, #tpu.memory_space<hbm>> -> memref<128x128xf32, #tpu.memory_space<hbm>>
        tpu.enqueue_dma source(%arg6 : memref<128x128xf32, #tpu.memory_space<vmem>>) target(%dma_start3A_24 : memref<128x128xf32, #tpu.memory_space<hbm>>) target_semaphore(%run_scoped3A : memref<!tpu.dma_semaphore, #tpu.memory_space<semaphore_mem>>)
        %dma_wait3A_25 = arith.constant 0 : i32
        %dma_wait3A_26 = tpu.memref_slice %arg4[%mul3A_19, %dma_wait3A_25] : memref<65536x128xf32, #tpu.memory_space<hbm>> -> memref<128x128xf32, #tpu.memory_space<hbm>>
        %dma_wait3A_27 = arith.constant 0 : i32
        %dma_wait3A_28 = tpu.memref_slice %arg4[%mul3A_19, %dma_wait3A_27] : memref<65536x128xf32, #tpu.memory_space<hbm>> -> memref<128x128xf32, #tpu.memory_space<hbm>>
        tpu.wait_dma2 semaphore(%run_scoped3A : memref<!tpu.dma_semaphore, #tpu.memory_space<semaphore_mem>>) src(%arg6 : memref<128x128xf32, #tpu.memory_space<vmem>>) dst(%dma_wait3A_28 : memref<128x128xf32, #tpu.memory_space<hbm>>)
        tpu.yield
      }) : () -> ()
      %scan3A_20 = arith.constant 0 : i32
      scf.yield %scan3A_20 : i32
    }
    %scan3A_6 = arith.constant 16 : i32
    return
  }
}

#map = affine_map<(d0, d1) -> (0, 0)>
#map1 = affine_map<(d0, d1) -> (0, 0, 0)>
module attributes {stable_mosaic.version = 14 : i64} {
  func.func @k(%arg0: i32, %arg1: i32, %arg2: memref<4096x128xf32, #tpu.memory_space<hbm>>, %arg3: memref<32x16x128xi32, #tpu.memory_space<hbm>>, %arg4: memref<65536x128xf32, #tpu.memory_space<hbm>>, %arg5: memref<128xi32, #tpu.memory_space<vmem>>, %arg6: memref<128x128xf32, #tpu.memory_space<vmem>>, %arg7: memref<!tpu.dma_semaphore, #tpu.memory_space<semaphore_mem>>) attributes {dimension_semantics = [#tpu.dimension_semantics<core_parallel>, #tpu.dimension_semantics<subcore_parallel>], iteration_bounds = array<i64: 2, 16>, scalar_prefetch = 0 : i64, scratch_operands = 3 : i64, tpu.core_type = #tpu.core_type<sc_vector_subcore>, window_params = [{transform_indices = #map}, {transform_indices = #map1}, {transform_indices = #map}]} {
    %mul3A = arith.constant 2 : i32
    %mul3A_0 = arith.muli %arg1, %mul3A : i32
    %add3A = arith.addi %mul3A_0, %arg0 : i32
    %scan3A = arith.constant 0 : i32
    %scan3A_1 = arith.constant 0 : i32
    %scan3A_2 = arith.constant 16 : i32
    %scan3A_3 = arith.addi %scan3A_1, %scan3A_2 : i32
    %scan3A_4 = arith.constant 1 : i32
    %scan3A_5 = scf.for %scan3A_7 = %scan3A_1 to %scan3A_3 step %scan3A_4 iter_args(%scan3A_8 = %scan3A) -> (i32)  : i32 {
      "tpu.region"() ({
        %run_scoped3A = tpu.sem_alloc : memref<!tpu.dma_semaphore, #tpu.memory_space<semaphore_mem>>
        %dma_start3A_21 = arith.constant 0 : i32
        %dma_start3A_22 = tpu.memref_slice %arg3[%add3A, %scan3A_7, %dma_start3A_21] : memref<32x16x128xi32, #tpu.memory_space<hbm>> -> memref<1x1x128xi32, #tpu.memory_space<hbm>>
        %dma_start3A_23 = tpu.memref_squeeze %dma_start3A_22 : memref<1x1x128xi32, #tpu.memory_space<hbm>> -> memref<128xi32, #tpu.memory_space<hbm>>
        %dma_start3A_24 = arith.constant 0 : i32
        %dma_start3A_25 = tpu.memref_slice %arg3[%add3A, %scan3A_7, %dma_start3A_24] : memref<32x16x128xi32, #tpu.memory_space<hbm>> -> memref<1x1x128xi32, #tpu.memory_space<hbm>>
        %dma_start3A_26 = tpu.memref_squeeze %dma_start3A_25 : memref<1x1x128xi32, #tpu.memory_space<hbm>> -> memref<128xi32, #tpu.memory_space<hbm>>
        tpu.enqueue_dma source(%dma_start3A_26 : memref<128xi32, #tpu.memory_space<hbm>>) target(%arg5 : memref<128xi32, #tpu.memory_space<vmem>>) target_semaphore(%run_scoped3A : memref<!tpu.dma_semaphore, #tpu.memory_space<semaphore_mem>>)
        %dma_wait3A_27 = arith.constant 0 : i32
        %dma_wait3A_28 = tpu.memref_slice %arg3[%add3A, %scan3A_7, %dma_wait3A_27] : memref<32x16x128xi32, #tpu.memory_space<hbm>> -> memref<1x1x128xi32, #tpu.memory_space<hbm>>
        %dma_wait3A_29 = tpu.memref_squeeze %dma_wait3A_28 : memref<1x1x128xi32, #tpu.memory_space<hbm>> -> memref<128xi32, #tpu.memory_space<hbm>>
        %dma_wait3A_30 = arith.constant 0 : i32
        %dma_wait3A_31 = tpu.memref_slice %arg3[%add3A, %scan3A_7, %dma_wait3A_30] : memref<32x16x128xi32, #tpu.memory_space<hbm>> -> memref<1x1x128xi32, #tpu.memory_space<hbm>>
        %dma_wait3A_32 = tpu.memref_squeeze %dma_wait3A_31 : memref<1x1x128xi32, #tpu.memory_space<hbm>> -> memref<128xi32, #tpu.memory_space<hbm>>
        tpu.wait_dma2 semaphore(%run_scoped3A : memref<!tpu.dma_semaphore, #tpu.memory_space<semaphore_mem>>) src(%dma_wait3A_32 : memref<128xi32, #tpu.memory_space<hbm>>) dst(%arg5 : memref<128xi32, #tpu.memory_space<vmem>>)
        tpu.yield
      }) : () -> ()
      %dma_start3A = arith.constant 0 : i32
      %dma_start3A_9 = arith.constant 0 : i32
      %dma_start3A_10 = tpu.memref_slice %arg2[%dma_start3A, %dma_start3A_9] : memref<4096x128xf32, #tpu.memory_space<hbm>> -> memref<4096x128xf32, #tpu.memory_space<hbm>>
      tpu.enqueue_indirect_dma source(%dma_start3A_10 : memref<4096x128xf32, #tpu.memory_space<hbm>>) target(%arg6 : memref<128x128xf32, #tpu.memory_space<vmem>>) offsets(%arg5 : memref<128xi32, #tpu.memory_space<vmem>>) semaphore(%arg7 : memref<!tpu.dma_semaphore, #tpu.memory_space<semaphore_mem>>)
      %dma_wait3A = arith.constant 0 : i32
      %dma_wait3A_11 = arith.constant 0 : i32
      %dma_wait3A_12 = tpu.memref_slice %arg2[%dma_wait3A, %dma_wait3A_11] : memref<4096x128xf32, #tpu.memory_space<hbm>> -> memref<4096x128xf32, #tpu.memory_space<hbm>>
      tpu.wait_indirect_dma semaphore(%arg7 : memref<!tpu.dma_semaphore, #tpu.memory_space<semaphore_mem>>) src(%dma_wait3A_12 : memref<4096x128xf32, #tpu.memory_space<hbm>>) dst(%arg6 : memref<128x128xf32, #tpu.memory_space<vmem>>)
      %mul3A_13 = arith.constant 16 : i32
      %mul3A_14 = arith.muli %add3A, %mul3A_13 : i32
      %add3A_15 = arith.addi %mul3A_14, %scan3A_7 : i32
      %mul3A_16 = arith.constant 8 : i32
      %mul3A_17 = arith.muli %add3A_15, %mul3A_16 : i32
      %mul3A_18 = arith.constant 16 : i32
      %mul3A_19 = arith.muli %mul3A_17, %mul3A_18 : i32
      "tpu.region"() ({
        %run_scoped3A = tpu.sem_alloc : memref<!tpu.dma_semaphore, #tpu.memory_space<semaphore_mem>>
        %dma_start3A_21 = arith.constant 0 : i32
        %dma_start3A_22 = tpu.memref_slice %arg4[%mul3A_19, %dma_start3A_21] : memref<65536x128xf32, #tpu.memory_space<hbm>> -> memref<128x128xf32, #tpu.memory_space<hbm>>
        %dma_start3A_23 = arith.constant 0 : i32
        %dma_start3A_24 = tpu.memref_slice %arg4[%mul3A_19, %dma_start3A_23] : memref<65536x128xf32, #tpu.memory_space<hbm>> -> memref<128x128xf32, #tpu.memory_space<hbm>>
        tpu.enqueue_dma source(%arg6 : memref<128x128xf32, #tpu.memory_space<vmem>>) target(%dma_start3A_24 : memref<128x128xf32, #tpu.memory_space<hbm>>) target_semaphore(%run_scoped3A : memref<!tpu.dma_semaphore, #tpu.memory_space<semaphore_mem>>)
        %dma_wait3A_25 = arith.constant 0 : i32
        %dma_wait3A_26 = tpu.memref_slice %arg4[%mul3A_19, %dma_wait3A_25] : memref<65536x128xf32, #tpu.memory_space<hbm>> -> memref<128x128xf32, #tpu.memory_space<hbm>>
        %dma_wait3A_27 = arith.constant 0 : i32
        %dma_wait3A_28 = tpu.memref_slice %arg4[%mul3A_19, %dma_wait3A_27] : memref<65536x128xf32, #tpu.memory_space<hbm>> -> memref<128x128xf32, #tpu.memory_space<hbm>>
        tpu.wait_dma2 semaphore(%run_scoped3A : memref<!tpu.dma_semaphore, #tpu.memory_space<semaphore_mem>>) src(%arg6 : memref<128x128xf32, #tpu.memory_space<vmem>>) dst(%dma_wait3A_28 : memref<128x128xf32, #tpu.memory_space<hbm>>)
        tpu.yield
      }) : () -> ()
      %scan3A_20 = arith.constant 0 : i32
      scf.yield %scan3A_20 : i32
    }
    %scan3A_6 = arith.constant 16 : i32
    return
  }
}

#map = affine_map<(d0, d1) -> (0, 0)>
#map1 = affine_map<(d0, d1) -> (0, 0, 0)>
module attributes {stable_mosaic.version = 14 : i64} {
  func.func @k(%arg0: i32, %arg1: i32, %arg2: memref<4096x128xf32, #tpu.memory_space<hbm>>, %arg3: memref<32x16x128xi32, #tpu.memory_space<hbm>>, %arg4: memref<65536x128xf32, #tpu.memory_space<hbm>>, %arg5: memref<128xi32, #tpu.memory_space<vmem>>, %arg6: memref<128x128xf32, #tpu.memory_space<vmem>>, %arg7: memref<!tpu.dma_semaphore, #tpu.memory_space<semaphore_mem>>) attributes {dimension_semantics = [#tpu.dimension_semantics<core_parallel>, #tpu.dimension_semantics<subcore_parallel>], iteration_bounds = array<i64: 2, 16>, scalar_prefetch = 0 : i64, scratch_operands = 3 : i64, tpu.core_type = #tpu.core_type<sc_vector_subcore>, window_params = [{transform_indices = #map}, {transform_indices = #map1}, {transform_indices = #map}]} {
    %mul3A = arith.constant 2 : i32
    %mul3A_0 = arith.muli %arg1, %mul3A : i32
    %add3A = arith.addi %mul3A_0, %arg0 : i32
    %scan3A = arith.constant 0 : i32
    %scan3A_1 = arith.constant 0 : i32
    %scan3A_2 = arith.constant 16 : i32
    %scan3A_3 = arith.addi %scan3A_1, %scan3A_2 : i32
    %scan3A_4 = arith.constant 1 : i32
    %scan3A_5 = scf.for %scan3A_7 = %scan3A_1 to %scan3A_3 step %scan3A_4 iter_args(%scan3A_8 = %scan3A) -> (i32)  : i32 {
      "tpu.region"() ({
        %run_scoped3A = tpu.sem_alloc : memref<!tpu.dma_semaphore, #tpu.memory_space<semaphore_mem>>
        %dma_start3A_21 = arith.constant 0 : i32
        %dma_start3A_22 = tpu.memref_slice %arg3[%add3A, %scan3A_7, %dma_start3A_21] : memref<32x16x128xi32, #tpu.memory_space<hbm>> -> memref<1x1x128xi32, #tpu.memory_space<hbm>>
        %dma_start3A_23 = tpu.memref_squeeze %dma_start3A_22 : memref<1x1x128xi32, #tpu.memory_space<hbm>> -> memref<128xi32, #tpu.memory_space<hbm>>
        %dma_start3A_24 = arith.constant 0 : i32
        %dma_start3A_25 = tpu.memref_slice %arg3[%add3A, %scan3A_7, %dma_start3A_24] : memref<32x16x128xi32, #tpu.memory_space<hbm>> -> memref<1x1x128xi32, #tpu.memory_space<hbm>>
        %dma_start3A_26 = tpu.memref_squeeze %dma_start3A_25 : memref<1x1x128xi32, #tpu.memory_space<hbm>> -> memref<128xi32, #tpu.memory_space<hbm>>
        tpu.enqueue_dma source(%dma_start3A_26 : memref<128xi32, #tpu.memory_space<hbm>>) target(%arg5 : memref<128xi32, #tpu.memory_space<vmem>>) target_semaphore(%run_scoped3A : memref<!tpu.dma_semaphore, #tpu.memory_space<semaphore_mem>>)
        %dma_wait3A_27 = arith.constant 0 : i32
        %dma_wait3A_28 = tpu.memref_slice %arg3[%add3A, %scan3A_7, %dma_wait3A_27] : memref<32x16x128xi32, #tpu.memory_space<hbm>> -> memref<1x1x128xi32, #tpu.memory_space<hbm>>
        %dma_wait3A_29 = tpu.memref_squeeze %dma_wait3A_28 : memref<1x1x128xi32, #tpu.memory_space<hbm>> -> memref<128xi32, #tpu.memory_space<hbm>>
        %dma_wait3A_30 = arith.constant 0 : i32
        %dma_wait3A_31 = tpu.memref_slice %arg3[%add3A, %scan3A_7, %dma_wait3A_30] : memref<32x16x128xi32, #tpu.memory_space<hbm>> -> memref<1x1x128xi32, #tpu.memory_space<hbm>>
        %dma_wait3A_32 = tpu.memref_squeeze %dma_wait3A_31 : memref<1x1x128xi32, #tpu.memory_space<hbm>> -> memref<128xi32, #tpu.memory_space<hbm>>
        tpu.wait_dma2 semaphore(%run_scoped3A : memref<!tpu.dma_semaphore, #tpu.memory_space<semaphore_mem>>) src(%dma_wait3A_32 : memref<128xi32, #tpu.memory_space<hbm>>) dst(%arg5 : memref<128xi32, #tpu.memory_space<vmem>>)
        tpu.yield
      }) : () -> ()
      %dma_start3A = arith.constant 0 : i32
      %dma_start3A_9 = arith.constant 0 : i32
      %dma_start3A_10 = tpu.memref_slice %arg2[%dma_start3A, %dma_start3A_9] : memref<4096x128xf32, #tpu.memory_space<hbm>> -> memref<4096x128xf32, #tpu.memory_space<hbm>>
      tpu.enqueue_indirect_dma source(%dma_start3A_10 : memref<4096x128xf32, #tpu.memory_space<hbm>>) target(%arg6 : memref<128x128xf32, #tpu.memory_space<vmem>>) offsets(%arg5 : memref<128xi32, #tpu.memory_space<vmem>>) semaphore(%arg7 : memref<!tpu.dma_semaphore, #tpu.memory_space<semaphore_mem>>)
      %dma_wait3A = arith.constant 0 : i32
      %dma_wait3A_11 = arith.constant 0 : i32
      %dma_wait3A_12 = tpu.memref_slice %arg2[%dma_wait3A, %dma_wait3A_11] : memref<4096x128xf32, #tpu.memory_space<hbm>> -> memref<4096x128xf32, #tpu.memory_space<hbm>>
      tpu.wait_indirect_dma semaphore(%arg7 : memref<!tpu.dma_semaphore, #tpu.memory_space<semaphore_mem>>) src(%dma_wait3A_12 : memref<4096x128xf32, #tpu.memory_space<hbm>>) dst(%arg6 : memref<128x128xf32, #tpu.memory_space<vmem>>)
      %mul3A_13 = arith.constant 16 : i32
      %mul3A_14 = arith.muli %add3A, %mul3A_13 : i32
      %add3A_15 = arith.addi %mul3A_14, %scan3A_7 : i32
      %mul3A_16 = arith.constant 8 : i32
      %mul3A_17 = arith.muli %add3A_15, %mul3A_16 : i32
      %mul3A_18 = arith.constant 16 : i32
      %mul3A_19 = arith.muli %mul3A_17, %mul3A_18 : i32
      "tpu.region"() ({
        %run_scoped3A = tpu.sem_alloc : memref<!tpu.dma_semaphore, #tpu.memory_space<semaphore_mem>>
        %dma_start3A_21 = arith.constant 0 : i32
        %dma_start3A_22 = tpu.memref_slice %arg4[%mul3A_19, %dma_start3A_21] : memref<65536x128xf32, #tpu.memory_space<hbm>> -> memref<128x128xf32, #tpu.memory_space<hbm>>
        %dma_start3A_23 = arith.constant 0 : i32
        %dma_start3A_24 = tpu.memref_slice %arg4[%mul3A_19, %dma_start3A_23] : memref<65536x128xf32, #tpu.memory_space<hbm>> -> memref<128x128xf32, #tpu.memory_space<hbm>>
        tpu.enqueue_dma source(%arg6 : memref<128x128xf32, #tpu.memory_space<vmem>>) target(%dma_start3A_24 : memref<128x128xf32, #tpu.memory_space<hbm>>) target_semaphore(%run_scoped3A : memref<!tpu.dma_semaphore, #tpu.memory_space<semaphore_mem>>)
        %dma_wait3A_25 = arith.constant 0 : i32
        %dma_wait3A_26 = tpu.memref_slice %arg4[%mul3A_19, %dma_wait3A_25] : memref<65536x128xf32, #tpu.memory_space<hbm>> -> memref<128x128xf32, #tpu.memory_space<hbm>>
        %dma_wait3A_27 = arith.constant 0 : i32
        %dma_wait3A_28 = tpu.memref_slice %arg4[%mul3A_19, %dma_wait3A_27] : memref<65536x128xf32, #tpu.memory_space<hbm>> -> memref<128x128xf32, #tpu.memory_space<hbm>>
        tpu.wait_dma2 semaphore(%run_scoped3A : memref<!tpu.dma_semaphore, #tpu.memory_space<semaphore_mem>>) src(%arg6 : memref<128x128xf32, #tpu.memory_space<vmem>>) dst(%dma_wait3A_28 : memref<128x128xf32, #tpu.memory_space<hbm>>)
        tpu.yield
      }) : () -> ()
      %scan3A_20 = arith.constant 0 : i32
      scf.yield %scan3A_20 : i32
    }
    %scan3A_6 = arith.constant 16 : i32
    return
  }
}

#map = affine_map<(d0, d1) -> (0, 0)>
#map1 = affine_map<(d0, d1) -> (0, 0, 0)>
module attributes {stable_mosaic.version = 14 : i64} {
  func.func @k(%arg0: i32, %arg1: i32, %arg2: memref<4096x128xf32, #tpu.memory_space<hbm>>, %arg3: memref<32x16x128xi32, #tpu.memory_space<hbm>>, %arg4: memref<65536x128xf32, #tpu.memory_space<hbm>>, %arg5: memref<128xi32, #tpu.memory_space<vmem>>, %arg6: memref<128x128xf32, #tpu.memory_space<vmem>>, %arg7: memref<!tpu.dma_semaphore, #tpu.memory_space<semaphore_mem>>) attributes {dimension_semantics = [#tpu.dimension_semantics<core_parallel>, #tpu.dimension_semantics<subcore_parallel>], iteration_bounds = array<i64: 2, 16>, scalar_prefetch = 0 : i64, scratch_operands = 3 : i64, tpu.core_type = #tpu.core_type<sc_vector_subcore>, window_params = [{transform_indices = #map}, {transform_indices = #map1}, {transform_indices = #map}]} {
    %mul3A = arith.constant 2 : i32
    %mul3A_0 = arith.muli %arg1, %mul3A : i32
    %add3A = arith.addi %mul3A_0, %arg0 : i32
    %scan3A = arith.constant 0 : i32
    %scan3A_1 = arith.constant 0 : i32
    %scan3A_2 = arith.constant 16 : i32
    %scan3A_3 = arith.addi %scan3A_1, %scan3A_2 : i32
    %scan3A_4 = arith.constant 1 : i32
    %scan3A_5 = scf.for %scan3A_7 = %scan3A_1 to %scan3A_3 step %scan3A_4 iter_args(%scan3A_8 = %scan3A) -> (i32)  : i32 {
      "tpu.region"() ({
        %run_scoped3A = tpu.sem_alloc : memref<!tpu.dma_semaphore, #tpu.memory_space<semaphore_mem>>
        %dma_start3A_21 = arith.constant 0 : i32
        %dma_start3A_22 = tpu.memref_slice %arg3[%add3A, %scan3A_7, %dma_start3A_21] : memref<32x16x128xi32, #tpu.memory_space<hbm>> -> memref<1x1x128xi32, #tpu.memory_space<hbm>>
        %dma_start3A_23 = tpu.memref_squeeze %dma_start3A_22 : memref<1x1x128xi32, #tpu.memory_space<hbm>> -> memref<128xi32, #tpu.memory_space<hbm>>
        %dma_start3A_24 = arith.constant 0 : i32
        %dma_start3A_25 = tpu.memref_slice %arg3[%add3A, %scan3A_7, %dma_start3A_24] : memref<32x16x128xi32, #tpu.memory_space<hbm>> -> memref<1x1x128xi32, #tpu.memory_space<hbm>>
        %dma_start3A_26 = tpu.memref_squeeze %dma_start3A_25 : memref<1x1x128xi32, #tpu.memory_space<hbm>> -> memref<128xi32, #tpu.memory_space<hbm>>
        tpu.enqueue_dma source(%dma_start3A_26 : memref<128xi32, #tpu.memory_space<hbm>>) target(%arg5 : memref<128xi32, #tpu.memory_space<vmem>>) target_semaphore(%run_scoped3A : memref<!tpu.dma_semaphore, #tpu.memory_space<semaphore_mem>>)
        %dma_wait3A_27 = arith.constant 0 : i32
        %dma_wait3A_28 = tpu.memref_slice %arg3[%add3A, %scan3A_7, %dma_wait3A_27] : memref<32x16x128xi32, #tpu.memory_space<hbm>> -> memref<1x1x128xi32, #tpu.memory_space<hbm>>
        %dma_wait3A_29 = tpu.memref_squeeze %dma_wait3A_28 : memref<1x1x128xi32, #tpu.memory_space<hbm>> -> memref<128xi32, #tpu.memory_space<hbm>>
        %dma_wait3A_30 = arith.constant 0 : i32
        %dma_wait3A_31 = tpu.memref_slice %arg3[%add3A, %scan3A_7, %dma_wait3A_30] : memref<32x16x128xi32, #tpu.memory_space<hbm>> -> memref<1x1x128xi32, #tpu.memory_space<hbm>>
        %dma_wait3A_32 = tpu.memref_squeeze %dma_wait3A_31 : memref<1x1x128xi32, #tpu.memory_space<hbm>> -> memref<128xi32, #tpu.memory_space<hbm>>
        tpu.wait_dma2 semaphore(%run_scoped3A : memref<!tpu.dma_semaphore, #tpu.memory_space<semaphore_mem>>) src(%dma_wait3A_32 : memref<128xi32, #tpu.memory_space<hbm>>) dst(%arg5 : memref<128xi32, #tpu.memory_space<vmem>>)
        tpu.yield
      }) : () -> ()
      %dma_start3A = arith.constant 0 : i32
      %dma_start3A_9 = arith.constant 0 : i32
      %dma_start3A_10 = tpu.memref_slice %arg2[%dma_start3A, %dma_start3A_9] : memref<4096x128xf32, #tpu.memory_space<hbm>> -> memref<4096x128xf32, #tpu.memory_space<hbm>>
      tpu.enqueue_indirect_dma source(%dma_start3A_10 : memref<4096x128xf32, #tpu.memory_space<hbm>>) target(%arg6 : memref<128x128xf32, #tpu.memory_space<vmem>>) offsets(%arg5 : memref<128xi32, #tpu.memory_space<vmem>>) semaphore(%arg7 : memref<!tpu.dma_semaphore, #tpu.memory_space<semaphore_mem>>)
      %dma_wait3A = arith.constant 0 : i32
      %dma_wait3A_11 = arith.constant 0 : i32
      %dma_wait3A_12 = tpu.memref_slice %arg2[%dma_wait3A, %dma_wait3A_11] : memref<4096x128xf32, #tpu.memory_space<hbm>> -> memref<4096x128xf32, #tpu.memory_space<hbm>>
      tpu.wait_indirect_dma semaphore(%arg7 : memref<!tpu.dma_semaphore, #tpu.memory_space<semaphore_mem>>) src(%dma_wait3A_12 : memref<4096x128xf32, #tpu.memory_space<hbm>>) dst(%arg6 : memref<128x128xf32, #tpu.memory_space<vmem>>)
      %mul3A_13 = arith.constant 16 : i32
      %mul3A_14 = arith.muli %add3A, %mul3A_13 : i32
      %add3A_15 = arith.addi %mul3A_14, %scan3A_7 : i32
      %mul3A_16 = arith.constant 8 : i32
      %mul3A_17 = arith.muli %add3A_15, %mul3A_16 : i32
      %mul3A_18 = arith.constant 16 : i32
      %mul3A_19 = arith.muli %mul3A_17, %mul3A_18 : i32
      "tpu.region"() ({
        %run_scoped3A = tpu.sem_alloc : memref<!tpu.dma_semaphore, #tpu.memory_space<semaphore_mem>>
        %dma_start3A_21 = arith.constant 0 : i32
        %dma_start3A_22 = tpu.memref_slice %arg4[%mul3A_19, %dma_start3A_21] : memref<65536x128xf32, #tpu.memory_space<hbm>> -> memref<128x128xf32, #tpu.memory_space<hbm>>
        %dma_start3A_23 = arith.constant 0 : i32
        %dma_start3A_24 = tpu.memref_slice %arg4[%mul3A_19, %dma_start3A_23] : memref<65536x128xf32, #tpu.memory_space<hbm>> -> memref<128x128xf32, #tpu.memory_space<hbm>>
        tpu.enqueue_dma source(%arg6 : memref<128x128xf32, #tpu.memory_space<vmem>>) target(%dma_start3A_24 : memref<128x128xf32, #tpu.memory_space<hbm>>) target_semaphore(%run_scoped3A : memref<!tpu.dma_semaphore, #tpu.memory_space<semaphore_mem>>)
        %dma_wait3A_25 = arith.constant 0 : i32
        %dma_wait3A_26 = tpu.memref_slice %arg4[%mul3A_19, %dma_wait3A_25] : memref<65536x128xf32, #tpu.memory_space<hbm>> -> memref<128x128xf32, #tpu.memory_space<hbm>>
        %dma_wait3A_27 = arith.constant 0 : i32
        %dma_wait3A_28 = tpu.memref_slice %arg4[%mul3A_19, %dma_wait3A_27] : memref<65536x128xf32, #tpu.memory_space<hbm>> -> memref<128x128xf32, #tpu.memory_space<hbm>>
        tpu.wait_dma2 semaphore(%run_scoped3A : memref<!tpu.dma_semaphore, #tpu.memory_space<semaphore_mem>>) src(%arg6 : memref<128x128xf32, #tpu.memory_space<vmem>>) dst(%dma_wait3A_28 : memref<128x128xf32, #tpu.memory_space<hbm>>)
        tpu.yield
      }) : () -> ()
      %scan3A_20 = arith.constant 0 : i32
      scf.yield %scan3A_20 : i32
    }
    %scan3A_6 = arith.constant 16 : i32
    return
  }
}

#map = affine_map<(d0, d1) -> (0, 0)>
#map1 = affine_map<(d0, d1) -> (0, 0, 0)>
module attributes {stable_mosaic.version = 14 : i64} {
  func.func @k(%arg0: i32, %arg1: i32, %arg2: memref<4096x128xf32, #tpu.memory_space<hbm>>, %arg3: memref<32x16x128xi32, #tpu.memory_space<hbm>>, %arg4: memref<65536x128xf32, #tpu.memory_space<hbm>>, %arg5: memref<128xi32, #tpu.memory_space<vmem>>, %arg6: memref<128x128xf32, #tpu.memory_space<vmem>>, %arg7: memref<!tpu.dma_semaphore, #tpu.memory_space<semaphore_mem>>) attributes {dimension_semantics = [#tpu.dimension_semantics<core_parallel>, #tpu.dimension_semantics<subcore_parallel>], iteration_bounds = array<i64: 2, 16>, scalar_prefetch = 0 : i64, scratch_operands = 3 : i64, tpu.core_type = #tpu.core_type<sc_vector_subcore>, window_params = [{transform_indices = #map}, {transform_indices = #map1}, {transform_indices = #map}]} {
    %mul3A = arith.constant 2 : i32
    %mul3A_0 = arith.muli %arg1, %mul3A : i32
    %add3A = arith.addi %mul3A_0, %arg0 : i32
    %scan3A = arith.constant 0 : i32
    %scan3A_1 = arith.constant 0 : i32
    %scan3A_2 = arith.constant 16 : i32
    %scan3A_3 = arith.addi %scan3A_1, %scan3A_2 : i32
    %scan3A_4 = arith.constant 1 : i32
    %scan3A_5 = scf.for %scan3A_7 = %scan3A_1 to %scan3A_3 step %scan3A_4 iter_args(%scan3A_8 = %scan3A) -> (i32)  : i32 {
      "tpu.region"() ({
        %run_scoped3A = tpu.sem_alloc : memref<!tpu.dma_semaphore, #tpu.memory_space<semaphore_mem>>
        %dma_start3A_21 = arith.constant 0 : i32
        %dma_start3A_22 = tpu.memref_slice %arg3[%add3A, %scan3A_7, %dma_start3A_21] : memref<32x16x128xi32, #tpu.memory_space<hbm>> -> memref<1x1x128xi32, #tpu.memory_space<hbm>>
        %dma_start3A_23 = tpu.memref_squeeze %dma_start3A_22 : memref<1x1x128xi32, #tpu.memory_space<hbm>> -> memref<128xi32, #tpu.memory_space<hbm>>
        %dma_start3A_24 = arith.constant 0 : i32
        %dma_start3A_25 = tpu.memref_slice %arg3[%add3A, %scan3A_7, %dma_start3A_24] : memref<32x16x128xi32, #tpu.memory_space<hbm>> -> memref<1x1x128xi32, #tpu.memory_space<hbm>>
        %dma_start3A_26 = tpu.memref_squeeze %dma_start3A_25 : memref<1x1x128xi32, #tpu.memory_space<hbm>> -> memref<128xi32, #tpu.memory_space<hbm>>
        tpu.enqueue_dma source(%dma_start3A_26 : memref<128xi32, #tpu.memory_space<hbm>>) target(%arg5 : memref<128xi32, #tpu.memory_space<vmem>>) target_semaphore(%run_scoped3A : memref<!tpu.dma_semaphore, #tpu.memory_space<semaphore_mem>>)
        %dma_wait3A_27 = arith.constant 0 : i32
        %dma_wait3A_28 = tpu.memref_slice %arg3[%add3A, %scan3A_7, %dma_wait3A_27] : memref<32x16x128xi32, #tpu.memory_space<hbm>> -> memref<1x1x128xi32, #tpu.memory_space<hbm>>
        %dma_wait3A_29 = tpu.memref_squeeze %dma_wait3A_28 : memref<1x1x128xi32, #tpu.memory_space<hbm>> -> memref<128xi32, #tpu.memory_space<hbm>>
        %dma_wait3A_30 = arith.constant 0 : i32
        %dma_wait3A_31 = tpu.memref_slice %arg3[%add3A, %scan3A_7, %dma_wait3A_30] : memref<32x16x128xi32, #tpu.memory_space<hbm>> -> memref<1x1x128xi32, #tpu.memory_space<hbm>>
        %dma_wait3A_32 = tpu.memref_squeeze %dma_wait3A_31 : memref<1x1x128xi32, #tpu.memory_space<hbm>> -> memref<128xi32, #tpu.memory_space<hbm>>
        tpu.wait_dma2 semaphore(%run_scoped3A : memref<!tpu.dma_semaphore, #tpu.memory_space<semaphore_mem>>) src(%dma_wait3A_32 : memref<128xi32, #tpu.memory_space<hbm>>) dst(%arg5 : memref<128xi32, #tpu.memory_space<vmem>>)
        tpu.yield
      }) : () -> ()
      %dma_start3A = arith.constant 0 : i32
      %dma_start3A_9 = arith.constant 0 : i32
      %dma_start3A_10 = tpu.memref_slice %arg2[%dma_start3A, %dma_start3A_9] : memref<4096x128xf32, #tpu.memory_space<hbm>> -> memref<4096x128xf32, #tpu.memory_space<hbm>>
      tpu.enqueue_indirect_dma source(%dma_start3A_10 : memref<4096x128xf32, #tpu.memory_space<hbm>>) target(%arg6 : memref<128x128xf32, #tpu.memory_space<vmem>>) offsets(%arg5 : memref<128xi32, #tpu.memory_space<vmem>>) semaphore(%arg7 : memref<!tpu.dma_semaphore, #tpu.memory_space<semaphore_mem>>)
      %dma_wait3A = arith.constant 0 : i32
      %dma_wait3A_11 = arith.constant 0 : i32
      %dma_wait3A_12 = tpu.memref_slice %arg2[%dma_wait3A, %dma_wait3A_11] : memref<4096x128xf32, #tpu.memory_space<hbm>> -> memref<4096x128xf32, #tpu.memory_space<hbm>>
      tpu.wait_indirect_dma semaphore(%arg7 : memref<!tpu.dma_semaphore, #tpu.memory_space<semaphore_mem>>) src(%dma_wait3A_12 : memref<4096x128xf32, #tpu.memory_space<hbm>>) dst(%arg6 : memref<128x128xf32, #tpu.memory_space<vmem>>)
      %mul3A_13 = arith.constant 16 : i32
      %mul3A_14 = arith.muli %add3A, %mul3A_13 : i32
      %add3A_15 = arith.addi %mul3A_14, %scan3A_7 : i32
      %mul3A_16 = arith.constant 8 : i32
      %mul3A_17 = arith.muli %add3A_15, %mul3A_16 : i32
      %mul3A_18 = arith.constant 16 : i32
      %mul3A_19 = arith.muli %mul3A_17, %mul3A_18 : i32
      "tpu.region"() ({
        %run_scoped3A = tpu.sem_alloc : memref<!tpu.dma_semaphore, #tpu.memory_space<semaphore_mem>>
        %dma_start3A_21 = arith.constant 0 : i32
        %dma_start3A_22 = tpu.memref_slice %arg4[%mul3A_19, %dma_start3A_21] : memref<65536x128xf32, #tpu.memory_space<hbm>> -> memref<128x128xf32, #tpu.memory_space<hbm>>
        %dma_start3A_23 = arith.constant 0 : i32
        %dma_start3A_24 = tpu.memref_slice %arg4[%mul3A_19, %dma_start3A_23] : memref<65536x128xf32, #tpu.memory_space<hbm>> -> memref<128x128xf32, #tpu.memory_space<hbm>>
        tpu.enqueue_dma source(%arg6 : memref<128x128xf32, #tpu.memory_space<vmem>>) target(%dma_start3A_24 : memref<128x128xf32, #tpu.memory_space<hbm>>) target_semaphore(%run_scoped3A : memref<!tpu.dma_semaphore, #tpu.memory_space<semaphore_mem>>)
        %dma_wait3A_25 = arith.constant 0 : i32
        %dma_wait3A_26 = tpu.memref_slice %arg4[%mul3A_19, %dma_wait3A_25] : memref<65536x128xf32, #tpu.memory_space<hbm>> -> memref<128x128xf32, #tpu.memory_space<hbm>>
        %dma_wait3A_27 = arith.constant 0 : i32
        %dma_wait3A_28 = tpu.memref_slice %arg4[%mul3A_19, %dma_wait3A_27] : memref<65536x128xf32, #tpu.memory_space<hbm>> -> memref<128x128xf32, #tpu.memory_space<hbm>>
        tpu.wait_dma2 semaphore(%run_scoped3A : memref<!tpu.dma_semaphore, #tpu.memory_space<semaphore_mem>>) src(%arg6 : memref<128x128xf32, #tpu.memory_space<vmem>>) dst(%dma_wait3A_28 : memref<128x128xf32, #tpu.memory_space<hbm>>)
        tpu.yield
      }) : () -> ()
      %scan3A_20 = arith.constant 0 : i32
      scf.yield %scan3A_20 : i32
    }
    %scan3A_6 = arith.constant 16 : i32
    return
  }
}

#map = affine_map<(d0, d1) -> (0, 0)>
#map1 = affine_map<(d0, d1) -> (0, 0, 0)>
module attributes {stable_mosaic.version = 14 : i64} {
  func.func @k(%arg0: i32, %arg1: i32, %arg2: memref<4096x128xf32, #tpu.memory_space<hbm>>, %arg3: memref<32x16x128xi32, #tpu.memory_space<hbm>>, %arg4: memref<65536x128xf32, #tpu.memory_space<hbm>>, %arg5: memref<128xi32, #tpu.memory_space<vmem>>, %arg6: memref<128x128xf32, #tpu.memory_space<vmem>>, %arg7: memref<!tpu.dma_semaphore, #tpu.memory_space<semaphore_mem>>) attributes {dimension_semantics = [#tpu.dimension_semantics<core_parallel>, #tpu.dimension_semantics<subcore_parallel>], iteration_bounds = array<i64: 2, 16>, scalar_prefetch = 0 : i64, scratch_operands = 3 : i64, tpu.core_type = #tpu.core_type<sc_vector_subcore>, window_params = [{transform_indices = #map}, {transform_indices = #map1}, {transform_indices = #map}]} {
    %mul3A = arith.constant 2 : i32
    %mul3A_0 = arith.muli %arg1, %mul3A : i32
    %add3A = arith.addi %mul3A_0, %arg0 : i32
    %scan3A = arith.constant 0 : i32
    %scan3A_1 = arith.constant 0 : i32
    %scan3A_2 = arith.constant 16 : i32
    %scan3A_3 = arith.addi %scan3A_1, %scan3A_2 : i32
    %scan3A_4 = arith.constant 1 : i32
    %scan3A_5 = scf.for %scan3A_7 = %scan3A_1 to %scan3A_3 step %scan3A_4 iter_args(%scan3A_8 = %scan3A) -> (i32)  : i32 {
      "tpu.region"() ({
        %run_scoped3A = tpu.sem_alloc : memref<!tpu.dma_semaphore, #tpu.memory_space<semaphore_mem>>
        %dma_start3A_21 = arith.constant 0 : i32
        %dma_start3A_22 = tpu.memref_slice %arg3[%add3A, %scan3A_7, %dma_start3A_21] : memref<32x16x128xi32, #tpu.memory_space<hbm>> -> memref<1x1x128xi32, #tpu.memory_space<hbm>>
        %dma_start3A_23 = tpu.memref_squeeze %dma_start3A_22 : memref<1x1x128xi32, #tpu.memory_space<hbm>> -> memref<128xi32, #tpu.memory_space<hbm>>
        %dma_start3A_24 = arith.constant 0 : i32
        %dma_start3A_25 = tpu.memref_slice %arg3[%add3A, %scan3A_7, %dma_start3A_24] : memref<32x16x128xi32, #tpu.memory_space<hbm>> -> memref<1x1x128xi32, #tpu.memory_space<hbm>>
        %dma_start3A_26 = tpu.memref_squeeze %dma_start3A_25 : memref<1x1x128xi32, #tpu.memory_space<hbm>> -> memref<128xi32, #tpu.memory_space<hbm>>
        tpu.enqueue_dma source(%dma_start3A_26 : memref<128xi32, #tpu.memory_space<hbm>>) target(%arg5 : memref<128xi32, #tpu.memory_space<vmem>>) target_semaphore(%run_scoped3A : memref<!tpu.dma_semaphore, #tpu.memory_space<semaphore_mem>>)
        %dma_wait3A_27 = arith.constant 0 : i32
        %dma_wait3A_28 = tpu.memref_slice %arg3[%add3A, %scan3A_7, %dma_wait3A_27] : memref<32x16x128xi32, #tpu.memory_space<hbm>> -> memref<1x1x128xi32, #tpu.memory_space<hbm>>
        %dma_wait3A_29 = tpu.memref_squeeze %dma_wait3A_28 : memref<1x1x128xi32, #tpu.memory_space<hbm>> -> memref<128xi32, #tpu.memory_space<hbm>>
        %dma_wait3A_30 = arith.constant 0 : i32
        %dma_wait3A_31 = tpu.memref_slice %arg3[%add3A, %scan3A_7, %dma_wait3A_30] : memref<32x16x128xi32, #tpu.memory_space<hbm>> -> memref<1x1x128xi32, #tpu.memory_space<hbm>>
        %dma_wait3A_32 = tpu.memref_squeeze %dma_wait3A_31 : memref<1x1x128xi32, #tpu.memory_space<hbm>> -> memref<128xi32, #tpu.memory_space<hbm>>
        tpu.wait_dma2 semaphore(%run_scoped3A : memref<!tpu.dma_semaphore, #tpu.memory_space<semaphore_mem>>) src(%dma_wait3A_32 : memref<128xi32, #tpu.memory_space<hbm>>) dst(%arg5 : memref<128xi32, #tpu.memory_space<vmem>>)
        tpu.yield
      }) : () -> ()
      %dma_start3A = arith.constant 0 : i32
      %dma_start3A_9 = arith.constant 0 : i32
      %dma_start3A_10 = tpu.memref_slice %arg2[%dma_start3A, %dma_start3A_9] : memref<4096x128xf32, #tpu.memory_space<hbm>> -> memref<4096x128xf32, #tpu.memory_space<hbm>>
      tpu.enqueue_indirect_dma source(%dma_start3A_10 : memref<4096x128xf32, #tpu.memory_space<hbm>>) target(%arg6 : memref<128x128xf32, #tpu.memory_space<vmem>>) offsets(%arg5 : memref<128xi32, #tpu.memory_space<vmem>>) semaphore(%arg7 : memref<!tpu.dma_semaphore, #tpu.memory_space<semaphore_mem>>)
      %dma_wait3A = arith.constant 0 : i32
      %dma_wait3A_11 = arith.constant 0 : i32
      %dma_wait3A_12 = tpu.memref_slice %arg2[%dma_wait3A, %dma_wait3A_11] : memref<4096x128xf32, #tpu.memory_space<hbm>> -> memref<4096x128xf32, #tpu.memory_space<hbm>>
      tpu.wait_indirect_dma semaphore(%arg7 : memref<!tpu.dma_semaphore, #tpu.memory_space<semaphore_mem>>) src(%dma_wait3A_12 : memref<4096x128xf32, #tpu.memory_space<hbm>>) dst(%arg6 : memref<128x128xf32, #tpu.memory_space<vmem>>)
      %mul3A_13 = arith.constant 16 : i32
      %mul3A_14 = arith.muli %add3A, %mul3A_13 : i32
      %add3A_15 = arith.addi %mul3A_14, %scan3A_7 : i32
      %mul3A_16 = arith.constant 8 : i32
      %mul3A_17 = arith.muli %add3A_15, %mul3A_16 : i32
      %mul3A_18 = arith.constant 16 : i32
      %mul3A_19 = arith.muli %mul3A_17, %mul3A_18 : i32
      "tpu.region"() ({
        %run_scoped3A = tpu.sem_alloc : memref<!tpu.dma_semaphore, #tpu.memory_space<semaphore_mem>>
        %dma_start3A_21 = arith.constant 0 : i32
        %dma_start3A_22 = tpu.memref_slice %arg4[%mul3A_19, %dma_start3A_21] : memref<65536x128xf32, #tpu.memory_space<hbm>> -> memref<128x128xf32, #tpu.memory_space<hbm>>
        %dma_start3A_23 = arith.constant 0 : i32
        %dma_start3A_24 = tpu.memref_slice %arg4[%mul3A_19, %dma_start3A_23] : memref<65536x128xf32, #tpu.memory_space<hbm>> -> memref<128x128xf32, #tpu.memory_space<hbm>>
        tpu.enqueue_dma source(%arg6 : memref<128x128xf32, #tpu.memory_space<vmem>>) target(%dma_start3A_24 : memref<128x128xf32, #tpu.memory_space<hbm>>) target_semaphore(%run_scoped3A : memref<!tpu.dma_semaphore, #tpu.memory_space<semaphore_mem>>)
        %dma_wait3A_25 = arith.constant 0 : i32
        %dma_wait3A_26 = tpu.memref_slice %arg4[%mul3A_19, %dma_wait3A_25] : memref<65536x128xf32, #tpu.memory_space<hbm>> -> memref<128x128xf32, #tpu.memory_space<hbm>>
        %dma_wait3A_27 = arith.constant 0 : i32
        %dma_wait3A_28 = tpu.memref_slice %arg4[%mul3A_19, %dma_wait3A_27] : memref<65536x128xf32, #tpu.memory_space<hbm>> -> memref<128x128xf32, #tpu.memory_space<hbm>>
        tpu.wait_dma2 semaphore(%run_scoped3A : memref<!tpu.dma_semaphore, #tpu.memory_space<semaphore_mem>>) src(%arg6 : memref<128x128xf32, #tpu.memory_space<vmem>>) dst(%dma_wait3A_28 : memref<128x128xf32, #tpu.memory_space<hbm>>)
        tpu.yield
      }) : () -> ()
      %scan3A_20 = arith.constant 0 : i32
      scf.yield %scan3A_20 : i32
    }
    %scan3A_6 = arith.constant 16 : i32
    return
  }
}

#map = affine_map<(d0, d1) -> (0, 0)>
#map1 = affine_map<(d0, d1) -> (0, 0, 0)>
module attributes {stable_mosaic.version = 14 : i64} {
  func.func @k(%arg0: i32, %arg1: i32, %arg2: memref<4096x128xf32, #tpu.memory_space<hbm>>, %arg3: memref<32x16x128xi32, #tpu.memory_space<hbm>>, %arg4: memref<65536x128xf32, #tpu.memory_space<hbm>>, %arg5: memref<128xi32, #tpu.memory_space<vmem>>, %arg6: memref<128x128xf32, #tpu.memory_space<vmem>>, %arg7: memref<!tpu.dma_semaphore, #tpu.memory_space<semaphore_mem>>) attributes {dimension_semantics = [#tpu.dimension_semantics<core_parallel>, #tpu.dimension_semantics<subcore_parallel>], iteration_bounds = array<i64: 2, 16>, scalar_prefetch = 0 : i64, scratch_operands = 3 : i64, tpu.core_type = #tpu.core_type<sc_vector_subcore>, window_params = [{transform_indices = #map}, {transform_indices = #map1}, {transform_indices = #map}]} {
    %mul3A = arith.constant 2 : i32
    %mul3A_0 = arith.muli %arg1, %mul3A : i32
    %add3A = arith.addi %mul3A_0, %arg0 : i32
    %scan3A = arith.constant 0 : i32
    %scan3A_1 = arith.constant 0 : i32
    %scan3A_2 = arith.constant 16 : i32
    %scan3A_3 = arith.addi %scan3A_1, %scan3A_2 : i32
    %scan3A_4 = arith.constant 1 : i32
    %scan3A_5 = scf.for %scan3A_7 = %scan3A_1 to %scan3A_3 step %scan3A_4 iter_args(%scan3A_8 = %scan3A) -> (i32)  : i32 {
      "tpu.region"() ({
        %run_scoped3A = tpu.sem_alloc : memref<!tpu.dma_semaphore, #tpu.memory_space<semaphore_mem>>
        %dma_start3A_21 = arith.constant 0 : i32
        %dma_start3A_22 = tpu.memref_slice %arg3[%add3A, %scan3A_7, %dma_start3A_21] : memref<32x16x128xi32, #tpu.memory_space<hbm>> -> memref<1x1x128xi32, #tpu.memory_space<hbm>>
        %dma_start3A_23 = tpu.memref_squeeze %dma_start3A_22 : memref<1x1x128xi32, #tpu.memory_space<hbm>> -> memref<128xi32, #tpu.memory_space<hbm>>
        %dma_start3A_24 = arith.constant 0 : i32
        %dma_start3A_25 = tpu.memref_slice %arg3[%add3A, %scan3A_7, %dma_start3A_24] : memref<32x16x128xi32, #tpu.memory_space<hbm>> -> memref<1x1x128xi32, #tpu.memory_space<hbm>>
        %dma_start3A_26 = tpu.memref_squeeze %dma_start3A_25 : memref<1x1x128xi32, #tpu.memory_space<hbm>> -> memref<128xi32, #tpu.memory_space<hbm>>
        tpu.enqueue_dma source(%dma_start3A_26 : memref<128xi32, #tpu.memory_space<hbm>>) target(%arg5 : memref<128xi32, #tpu.memory_space<vmem>>) target_semaphore(%run_scoped3A : memref<!tpu.dma_semaphore, #tpu.memory_space<semaphore_mem>>)
        %dma_wait3A_27 = arith.constant 0 : i32
        %dma_wait3A_28 = tpu.memref_slice %arg3[%add3A, %scan3A_7, %dma_wait3A_27] : memref<32x16x128xi32, #tpu.memory_space<hbm>> -> memref<1x1x128xi32, #tpu.memory_space<hbm>>
        %dma_wait3A_29 = tpu.memref_squeeze %dma_wait3A_28 : memref<1x1x128xi32, #tpu.memory_space<hbm>> -> memref<128xi32, #tpu.memory_space<hbm>>
        %dma_wait3A_30 = arith.constant 0 : i32
        %dma_wait3A_31 = tpu.memref_slice %arg3[%add3A, %scan3A_7, %dma_wait3A_30] : memref<32x16x128xi32, #tpu.memory_space<hbm>> -> memref<1x1x128xi32, #tpu.memory_space<hbm>>
        %dma_wait3A_32 = tpu.memref_squeeze %dma_wait3A_31 : memref<1x1x128xi32, #tpu.memory_space<hbm>> -> memref<128xi32, #tpu.memory_space<hbm>>
        tpu.wait_dma2 semaphore(%run_scoped3A : memref<!tpu.dma_semaphore, #tpu.memory_space<semaphore_mem>>) src(%dma_wait3A_32 : memref<128xi32, #tpu.memory_space<hbm>>) dst(%arg5 : memref<128xi32, #tpu.memory_space<vmem>>)
        tpu.yield
      }) : () -> ()
      %dma_start3A = arith.constant 0 : i32
      %dma_start3A_9 = arith.constant 0 : i32
      %dma_start3A_10 = tpu.memref_slice %arg2[%dma_start3A, %dma_start3A_9] : memref<4096x128xf32, #tpu.memory_space<hbm>> -> memref<4096x128xf32, #tpu.memory_space<hbm>>
      tpu.enqueue_indirect_dma source(%dma_start3A_10 : memref<4096x128xf32, #tpu.memory_space<hbm>>) target(%arg6 : memref<128x128xf32, #tpu.memory_space<vmem>>) offsets(%arg5 : memref<128xi32, #tpu.memory_space<vmem>>) semaphore(%arg7 : memref<!tpu.dma_semaphore, #tpu.memory_space<semaphore_mem>>)
      %dma_wait3A = arith.constant 0 : i32
      %dma_wait3A_11 = arith.constant 0 : i32
      %dma_wait3A_12 = tpu.memref_slice %arg2[%dma_wait3A, %dma_wait3A_11] : memref<4096x128xf32, #tpu.memory_space<hbm>> -> memref<4096x128xf32, #tpu.memory_space<hbm>>
      tpu.wait_indirect_dma semaphore(%arg7 : memref<!tpu.dma_semaphore, #tpu.memory_space<semaphore_mem>>) src(%dma_wait3A_12 : memref<4096x128xf32, #tpu.memory_space<hbm>>) dst(%arg6 : memref<128x128xf32, #tpu.memory_space<vmem>>)
      %mul3A_13 = arith.constant 16 : i32
      %mul3A_14 = arith.muli %add3A, %mul3A_13 : i32
      %add3A_15 = arith.addi %mul3A_14, %scan3A_7 : i32
      %mul3A_16 = arith.constant 8 : i32
      %mul3A_17 = arith.muli %add3A_15, %mul3A_16 : i32
      %mul3A_18 = arith.constant 16 : i32
      %mul3A_19 = arith.muli %mul3A_17, %mul3A_18 : i32
      "tpu.region"() ({
        %run_scoped3A = tpu.sem_alloc : memref<!tpu.dma_semaphore, #tpu.memory_space<semaphore_mem>>
        %dma_start3A_21 = arith.constant 0 : i32
        %dma_start3A_22 = tpu.memref_slice %arg4[%mul3A_19, %dma_start3A_21] : memref<65536x128xf32, #tpu.memory_space<hbm>> -> memref<128x128xf32, #tpu.memory_space<hbm>>
        %dma_start3A_23 = arith.constant 0 : i32
        %dma_start3A_24 = tpu.memref_slice %arg4[%mul3A_19, %dma_start3A_23] : memref<65536x128xf32, #tpu.memory_space<hbm>> -> memref<128x128xf32, #tpu.memory_space<hbm>>
        tpu.enqueue_dma source(%arg6 : memref<128x128xf32, #tpu.memory_space<vmem>>) target(%dma_start3A_24 : memref<128x128xf32, #tpu.memory_space<hbm>>) target_semaphore(%run_scoped3A : memref<!tpu.dma_semaphore, #tpu.memory_space<semaphore_mem>>)
        %dma_wait3A_25 = arith.constant 0 : i32
        %dma_wait3A_26 = tpu.memref_slice %arg4[%mul3A_19, %dma_wait3A_25] : memref<65536x128xf32, #tpu.memory_space<hbm>> -> memref<128x128xf32, #tpu.memory_space<hbm>>
        %dma_wait3A_27 = arith.constant 0 : i32
        %dma_wait3A_28 = tpu.memref_slice %arg4[%mul3A_19, %dma_wait3A_27] : memref<65536x128xf32, #tpu.memory_space<hbm>> -> memref<128x128xf32, #tpu.memory_space<hbm>>
        tpu.wait_dma2 semaphore(%run_scoped3A : memref<!tpu.dma_semaphore, #tpu.memory_space<semaphore_mem>>) src(%arg6 : memref<128x128xf32, #tpu.memory_space<vmem>>) dst(%dma_wait3A_28 : memref<128x128xf32, #tpu.memory_space<hbm>>)
        tpu.yield
      }) : () -> ()
      %scan3A_20 = arith.constant 0 : i32
      scf.yield %scan3A_20 : i32
    }
    %scan3A_6 = arith.constant 16 : i32
    return
  }
}

#map = affine_map<(d0, d1) -> (0, 0)>
#map1 = affine_map<(d0, d1) -> (0, 0, 0)>
module attributes {stable_mosaic.version = 14 : i64} {
  func.func @k(%arg0: i32, %arg1: i32, %arg2: memref<4096x128xf32, #tpu.memory_space<hbm>>, %arg3: memref<32x16x128xi32, #tpu.memory_space<hbm>>, %arg4: memref<65536x128xf32, #tpu.memory_space<hbm>>, %arg5: memref<128xi32, #tpu.memory_space<vmem>>, %arg6: memref<128x128xf32, #tpu.memory_space<vmem>>, %arg7: memref<!tpu.dma_semaphore, #tpu.memory_space<semaphore_mem>>) attributes {dimension_semantics = [#tpu.dimension_semantics<core_parallel>, #tpu.dimension_semantics<subcore_parallel>], iteration_bounds = array<i64: 2, 16>, scalar_prefetch = 0 : i64, scratch_operands = 3 : i64, tpu.core_type = #tpu.core_type<sc_vector_subcore>, window_params = [{transform_indices = #map}, {transform_indices = #map1}, {transform_indices = #map}]} {
    %mul3A = arith.constant 2 : i32
    %mul3A_0 = arith.muli %arg1, %mul3A : i32
    %add3A = arith.addi %mul3A_0, %arg0 : i32
    %scan3A = arith.constant 0 : i32
    %scan3A_1 = arith.constant 0 : i32
    %scan3A_2 = arith.constant 16 : i32
    %scan3A_3 = arith.addi %scan3A_1, %scan3A_2 : i32
    %scan3A_4 = arith.constant 1 : i32
    %scan3A_5 = scf.for %scan3A_7 = %scan3A_1 to %scan3A_3 step %scan3A_4 iter_args(%scan3A_8 = %scan3A) -> (i32)  : i32 {
      "tpu.region"() ({
        %run_scoped3A = tpu.sem_alloc : memref<!tpu.dma_semaphore, #tpu.memory_space<semaphore_mem>>
        %dma_start3A_21 = arith.constant 0 : i32
        %dma_start3A_22 = tpu.memref_slice %arg3[%add3A, %scan3A_7, %dma_start3A_21] : memref<32x16x128xi32, #tpu.memory_space<hbm>> -> memref<1x1x128xi32, #tpu.memory_space<hbm>>
        %dma_start3A_23 = tpu.memref_squeeze %dma_start3A_22 : memref<1x1x128xi32, #tpu.memory_space<hbm>> -> memref<128xi32, #tpu.memory_space<hbm>>
        %dma_start3A_24 = arith.constant 0 : i32
        %dma_start3A_25 = tpu.memref_slice %arg3[%add3A, %scan3A_7, %dma_start3A_24] : memref<32x16x128xi32, #tpu.memory_space<hbm>> -> memref<1x1x128xi32, #tpu.memory_space<hbm>>
        %dma_start3A_26 = tpu.memref_squeeze %dma_start3A_25 : memref<1x1x128xi32, #tpu.memory_space<hbm>> -> memref<128xi32, #tpu.memory_space<hbm>>
        tpu.enqueue_dma source(%dma_start3A_26 : memref<128xi32, #tpu.memory_space<hbm>>) target(%arg5 : memref<128xi32, #tpu.memory_space<vmem>>) target_semaphore(%run_scoped3A : memref<!tpu.dma_semaphore, #tpu.memory_space<semaphore_mem>>)
        %dma_wait3A_27 = arith.constant 0 : i32
        %dma_wait3A_28 = tpu.memref_slice %arg3[%add3A, %scan3A_7, %dma_wait3A_27] : memref<32x16x128xi32, #tpu.memory_space<hbm>> -> memref<1x1x128xi32, #tpu.memory_space<hbm>>
        %dma_wait3A_29 = tpu.memref_squeeze %dma_wait3A_28 : memref<1x1x128xi32, #tpu.memory_space<hbm>> -> memref<128xi32, #tpu.memory_space<hbm>>
        %dma_wait3A_30 = arith.constant 0 : i32
        %dma_wait3A_31 = tpu.memref_slice %arg3[%add3A, %scan3A_7, %dma_wait3A_30] : memref<32x16x128xi32, #tpu.memory_space<hbm>> -> memref<1x1x128xi32, #tpu.memory_space<hbm>>
        %dma_wait3A_32 = tpu.memref_squeeze %dma_wait3A_31 : memref<1x1x128xi32, #tpu.memory_space<hbm>> -> memref<128xi32, #tpu.memory_space<hbm>>
        tpu.wait_dma2 semaphore(%run_scoped3A : memref<!tpu.dma_semaphore, #tpu.memory_space<semaphore_mem>>) src(%dma_wait3A_32 : memref<128xi32, #tpu.memory_space<hbm>>) dst(%arg5 : memref<128xi32, #tpu.memory_space<vmem>>)
        tpu.yield
      }) : () -> ()
      %dma_start3A = arith.constant 0 : i32
      %dma_start3A_9 = arith.constant 0 : i32
      %dma_start3A_10 = tpu.memref_slice %arg2[%dma_start3A, %dma_start3A_9] : memref<4096x128xf32, #tpu.memory_space<hbm>> -> memref<4096x128xf32, #tpu.memory_space<hbm>>
      tpu.enqueue_indirect_dma source(%dma_start3A_10 : memref<4096x128xf32, #tpu.memory_space<hbm>>) target(%arg6 : memref<128x128xf32, #tpu.memory_space<vmem>>) offsets(%arg5 : memref<128xi32, #tpu.memory_space<vmem>>) semaphore(%arg7 : memref<!tpu.dma_semaphore, #tpu.memory_space<semaphore_mem>>)
      %dma_wait3A = arith.constant 0 : i32
      %dma_wait3A_11 = arith.constant 0 : i32
      %dma_wait3A_12 = tpu.memref_slice %arg2[%dma_wait3A, %dma_wait3A_11] : memref<4096x128xf32, #tpu.memory_space<hbm>> -> memref<4096x128xf32, #tpu.memory_space<hbm>>
      tpu.wait_indirect_dma semaphore(%arg7 : memref<!tpu.dma_semaphore, #tpu.memory_space<semaphore_mem>>) src(%dma_wait3A_12 : memref<4096x128xf32, #tpu.memory_space<hbm>>) dst(%arg6 : memref<128x128xf32, #tpu.memory_space<vmem>>)
      %mul3A_13 = arith.constant 16 : i32
      %mul3A_14 = arith.muli %add3A, %mul3A_13 : i32
      %add3A_15 = arith.addi %mul3A_14, %scan3A_7 : i32
      %mul3A_16 = arith.constant 8 : i32
      %mul3A_17 = arith.muli %add3A_15, %mul3A_16 : i32
      %mul3A_18 = arith.constant 16 : i32
      %mul3A_19 = arith.muli %mul3A_17, %mul3A_18 : i32
      "tpu.region"() ({
        %run_scoped3A = tpu.sem_alloc : memref<!tpu.dma_semaphore, #tpu.memory_space<semaphore_mem>>
        %dma_start3A_21 = arith.constant 0 : i32
        %dma_start3A_22 = tpu.memref_slice %arg4[%mul3A_19, %dma_start3A_21] : memref<65536x128xf32, #tpu.memory_space<hbm>> -> memref<128x128xf32, #tpu.memory_space<hbm>>
        %dma_start3A_23 = arith.constant 0 : i32
        %dma_start3A_24 = tpu.memref_slice %arg4[%mul3A_19, %dma_start3A_23] : memref<65536x128xf32, #tpu.memory_space<hbm>> -> memref<128x128xf32, #tpu.memory_space<hbm>>
        tpu.enqueue_dma source(%arg6 : memref<128x128xf32, #tpu.memory_space<vmem>>) target(%dma_start3A_24 : memref<128x128xf32, #tpu.memory_space<hbm>>) target_semaphore(%run_scoped3A : memref<!tpu.dma_semaphore, #tpu.memory_space<semaphore_mem>>)
        %dma_wait3A_25 = arith.constant 0 : i32
        %dma_wait3A_26 = tpu.memref_slice %arg4[%mul3A_19, %dma_wait3A_25] : memref<65536x128xf32, #tpu.memory_space<hbm>> -> memref<128x128xf32, #tpu.memory_space<hbm>>
        %dma_wait3A_27 = arith.constant 0 : i32
        %dma_wait3A_28 = tpu.memref_slice %arg4[%mul3A_19, %dma_wait3A_27] : memref<65536x128xf32, #tpu.memory_space<hbm>> -> memref<128x128xf32, #tpu.memory_space<hbm>>
        tpu.wait_dma2 semaphore(%run_scoped3A : memref<!tpu.dma_semaphore, #tpu.memory_space<semaphore_mem>>) src(%arg6 : memref<128x128xf32, #tpu.memory_space<vmem>>) dst(%dma_wait3A_28 : memref<128x128xf32, #tpu.memory_space<hbm>>)
        tpu.yield
      }) : () -> ()
      %scan3A_20 = arith.constant 0 : i32
      scf.yield %scan3A_20 : i32
    }
    %scan3A_6 = arith.constant 16 : i32
    return
  }
}

module attributes {stable_mosaic.version = 14 : i64} {
  func.func @_conv_a_body(%arg0: i32, %arg1: memref<1024x3xf32, #tpu.memory_space<vmem>>, %arg2: memref<1x1x1024xf32, #tpu.memory_space<vmem>>, %arg3: memref<6x64xf32, #tpu.memory_space<vmem>>, %arg4: memref<64xf32, #tpu.memory_space<vmem>>, %arg5: memref<1024x16xi32, #tpu.memory_space<vmem>>, %arg6: memref<1024x64xf32, #tpu.memory_space<vmem>>, %arg7: memref<1024x128xf32, #tpu.memory_space<vmem>>) attributes {dimension_semantics = [#tpu.dimension_semantics<arbitrary>], iteration_bounds = array<i64: 4>, scalar_prefetch = 0 : i64, scratch_operands = 0 : i64, tpu.core_type = #tpu.core_type<tc>, window_params = [{transform_indices = @transform_0, window_bounds = array<i64: 1024, 3>}, {transform_indices = @transform_1, window_bounds = array<i64: 1, 1, 1024>}, {pipeline_mode = #tpu.pipeline_mode<synchronous>, transform_indices = @transform_2, window_bounds = array<i64: 6, 64>}, {pipeline_mode = #tpu.pipeline_mode<synchronous>, transform_indices = @transform_3, window_bounds = array<i64: 64>}, {transform_indices = @transform_4, window_bounds = array<i64: 1024, 16>}, {transform_indices = @transform_5, window_bounds = array<i64: 1024, 64>}, {transform_indices = @transform_6, window_bounds = array<i64: 1024, 128>}]} {
    %get3A = arith.constant 0 : index
    %get3A_0 = arith.constant 0 : index
    %get3A_1 = vector.load %arg1[%get3A, %get3A_0] : memref<1024x3xf32, #tpu.memory_space<vmem>>, vector<1024x3xf32>
    %dot_general3A = arith.constant dense<0.000000e+00> : vector<1024x1024xf32>
    %dot_general3A_2 = tpu.matmul %get3A_1, %get3A_1, %dot_general3A {dimension_numbers = #tpu.dot_dimension_numbers<[1], [1], [0], [0], [0, 0, 1, 0], [], []>, transpose_lhs_hint = false} : vector<1024x3xf32>, vector<1024x3xf32>, vector<1024x1024xf32> -> vector<1024x1024xf32>
    %get3A_3 = arith.constant 0 : index
    %get3A_4 = arith.constant 0 : index
    %get3A_5 = arith.constant 0 : index
    %get3A_6 = vector.load %arg2[%get3A_3, %get3A_4, %get3A_5] : memref<1x1x1024xf32, #tpu.memory_space<vmem>>, vector<1x1x1024xf32>
    %squeeze3A = vector.shape_cast %get3A_6 : vector<1x1x1024xf32> to vector<1024xf32>
    %broadcast_in_dim3A = vector.shape_cast %squeeze3A : vector<1024xf32> to vector<1024x1xf32>
    %broadcast_in_dim3A_7 = vector.shape_cast %squeeze3A : vector<1024xf32> to vector<1x1024xf32>
    %add3A = vector.broadcast %broadcast_in_dim3A : vector<1024x1xf32> to vector<1024x1024xf32>
    %add3A_8 = vector.broadcast %broadcast_in_dim3A_7 : vector<1x1024xf32> to vector<1024x1024xf32>
    %add3A_9 = arith.addf %add3A, %add3A_8 : vector<1024x1024xf32>
    %mul3A = arith.constant 2.000000e+00 : f32
    %mul3A_10 = vector.broadcast %mul3A : f32 to vector<1024x1024xf32>
    %mul3A_11 = arith.mulf %mul3A_10, %dot_general3A_2 : vector<1024x1024xf32>
    %sub3A = arith.subf %add3A_9, %mul3A_11 : vector<1024x1024xf32>
    %iota3A = tpu.iota {dimensions = array<i32: 1>} : vector<1024x1024xi32>
    %convert_element_type3A = arith.sitofp %iota3A : vector<1024x1024xi32> to vector<1024x1024xf32>
    %mul3A_12 = arith.constant 1024 : i32
    %mul3A_13 = arith.muli %arg0, %mul3A_12 : i32
    %reduce_min3A = arith.constant dense<0x7F800000> : vector<1024xf32>
    %reduce_min3A_14 = vector.multi_reduction <minimumf>, %sub3A, %reduce_min3A [1] : vector<1024x1024xf32> to vector<1024xf32>
    %broadcast_in_dim3A_15 = vector.shape_cast %reduce_min3A_14 : vector<1024xf32> to vector<1024x1xf32>
    %eq3A = vector.broadcast %broadcast_in_dim3A_15 : vector<1024x1xf32> to vector<1024x1024xf32>
    %eq3A_16 = arith.cmpf oeq, %sub3A, %eq3A : vector<1024x1024xf32>
    %jit3A = arith.constant 1.024000e+03 : f32
    %broadcast_in_dim3A_17 = vector.broadcast %jit3A : f32 to vector<1024x1024xf32>
    %select_n3A = arith.select %eq3A_16, %convert_element_type3A, %broadcast_in_dim3A_17 : vector<1024x1024xi1>, vector<1024x1024xf32>
    %reduce_min3A_18 = arith.constant dense<0x7F800000> : vector<1024xf32>
    %reduce_min3A_19 = vector.multi_reduction <minimumf>, %select_n3A, %reduce_min3A_18 [1] : vector<1024x1024xf32> to vector<1024xf32>
    %broadcast_in_dim3A_20 = vector.shape_cast %reduce_min3A_19 : vector<1024xf32> to vector<1024x1xf32>
    %eq3A_21 = vector.broadcast %broadcast_in_dim3A_20 : vector<1024x1xf32> to vector<1024x1024xf32>
    %eq3A_22 = arith.cmpf oeq, %convert_element_type3A, %eq3A_21 : vector<1024x1024xf32>
    %jit3A_23 = arith.constant 0x7F800000 : f32
    %broadcast_in_dim3A_24 = vector.broadcast %jit3A_23 : f32 to vector<1024x1024xf32>
    %select_n3A_25 = arith.select %eq3A_22, %broadcast_in_dim3A_24, %sub3A : vector<1024x1024xi1>, vector<1024x1024xf32>
    %reduce_min3A_26 = arith.constant dense<0x7F800000> : vector<1024xf32>
    %reduce_min3A_27 = vector.multi_reduction <minimumf>, %select_n3A_25, %reduce_min3A_26 [1] : vector<1024x1024xf32> to vector<1024xf32>
    %broadcast_in_dim3A_28 = vector.shape_cast %reduce_min3A_27 : vector<1024xf32> to vector<1024x1xf32>
    %eq3A_29 = vector.broadcast %broadcast_in_dim3A_28 : vector<1024x1xf32> to vector<1024x1024xf32>
    %eq3A_30 = arith.cmpf oeq, %select_n3A_25, %eq3A_29 : vector<1024x1024xf32>
    %jit3A_31 = arith.constant 1.024000e+03 : f32
    %broadcast_in_dim3A_32 = vector.broadcast %jit3A_31 : f32 to vector<1024x1024xf32>
    %select_n3A_33 = arith.select %eq3A_30, %convert_element_type3A, %broadcast_in_dim3A_32 : vector<1024x1024xi1>, vector<1024x1024xf32>
    %reduce_min3A_34 = arith.constant dense<0x7F800000> : vector<1024xf32>
    %reduce_min3A_35 = vector.multi_reduction <minimumf>, %select_n3A_33, %reduce_min3A_34 [1] : vector<1024x1024xf32> to vector<1024xf32>
    %broadcast_in_dim3A_36 = vector.shape_cast %reduce_min3A_35 : vector<1024xf32> to vector<1024x1xf32>
    %eq3A_37 = vector.broadcast %broadcast_in_dim3A_36 : vector<1024x1xf32> to vector<1024x1024xf32>
    %eq3A_38 = arith.cmpf oeq, %convert_element_type3A, %eq3A_37 : vector<1024x1024xf32>
    %jit3A_39 = arith.constant 0x7F800000 : f32
    %broadcast_in_dim3A_40 = vector.broadcast %jit3A_39 : f32 to vector<1024x1024xf32>
    %select_n3A_41 = arith.select %eq3A_38, %broadcast_in_dim3A_40, %select_n3A_25 : vector<1024x1024xi1>, vector<1024x1024xf32>
    %reduce_min3A_42 = arith.constant dense<0x7F800000> : vector<1024xf32>
    %reduce_min3A_43 = vector.multi_reduction <minimumf>, %select_n3A_41, %reduce_min3A_42 [1] : vector<1024x1024xf32> to vector<1024xf32>
    %broadcast_in_dim3A_44 = vector.shape_cast %reduce_min3A_43 : vector<1024xf32> to vector<1024x1xf32>
    %eq3A_45 = vector.broadcast %broadcast_in_dim3A_44 : vector<1024x1xf32> to vector<1024x1024xf32>
    %eq3A_46 = arith.cmpf oeq, %select_n3A_41, %eq3A_45 : vector<1024x1024xf32>
    %jit3A_47 = arith.constant 1.024000e+03 : f32
    %broadcast_in_dim3A_48 = vector.broadcast %jit3A_47 : f32 to vector<1024x1024xf32>
    %select_n3A_49 = arith.select %eq3A_46, %convert_element_type3A, %broadcast_in_dim3A_48 : vector<1024x1024xi1>, vector<1024x1024xf32>
    %reduce_min3A_50 = arith.constant dense<0x7F800000> : vector<1024xf32>
    %reduce_min3A_51 = vector.multi_reduction <minimumf>, %select_n3A_49, %reduce_min3A_50 [1] : vector<1024x1024xf32> to vector<1024xf32>
    %broadcast_in_dim3A_52 = vector.shape_cast %reduce_min3A_51 : vector<1024xf32> to vector<1024x1xf32>
    %eq3A_53 = vector.broadcast %broadcast_in_dim3A_52 : vector<1024x1xf32> to vector<1024x1024xf32>
    %eq3A_54 = arith.cmpf oeq, %convert_element_type3A, %eq3A_53 : vector<1024x1024xf32>
    %jit3A_55 = arith.constant 0x7F800000 : f32
    %broadcast_in_dim3A_56 = vector.broadcast %jit3A_55 : f32 to vector<1024x1024xf32>
    %select_n3A_57 = arith.select %eq3A_54, %broadcast_in_dim3A_56, %select_n3A_41 : vector<1024x1024xi1>, vector<1024x1024xf32>
    %reduce_min3A_58 = arith.constant dense<0x7F800000> : vector<1024xf32>
    %reduce_min3A_59 = vector.multi_reduction <minimumf>, %select_n3A_57, %reduce_min3A_58 [1] : vector<1024x1024xf32> to vector<1024xf32>
    %broadcast_in_dim3A_60 = vector.shape_cast %reduce_min3A_59 : vector<1024xf32> to vector<1024x1xf32>
    %eq3A_61 = vector.broadcast %broadcast_in_dim3A_60 : vector<1024x1xf32> to vector<1024x1024xf32>
    %eq3A_62 = arith.cmpf oeq, %select_n3A_57, %eq3A_61 : vector<1024x1024xf32>
    %jit3A_63 = arith.constant 1.024000e+03 : f32
    %broadcast_in_dim3A_64 = vector.broadcast %jit3A_63 : f32 to vector<1024x1024xf32>
    %select_n3A_65 = arith.select %eq3A_62, %convert_element_type3A, %broadcast_in_dim3A_64 : vector<1024x1024xi1>, vector<1024x1024xf32>
    %reduce_min3A_66 = arith.constant dense<0x7F800000> : vector<1024xf32>
    %reduce_min3A_67 = vector.multi_reduction <minimumf>, %select_n3A_65, %reduce_min3A_66 [1] : vector<1024x1024xf32> to vector<1024xf32>
    %broadcast_in_dim3A_68 = vector.shape_cast %reduce_min3A_67 : vector<1024xf32> to vector<1024x1xf32>
    %eq3A_69 = vector.broadcast %broadcast_in_dim3A_68 : vector<1024x1xf32> to vector<1024x1024xf32>
    %eq3A_70 = arith.cmpf oeq, %convert_element_type3A, %eq3A_69 : vector<1024x1024xf32>
    %jit3A_71 = arith.constant 0x7F800000 : f32
    %broadcast_in_dim3A_72 = vector.broadcast %jit3A_71 : f32 to vector<1024x1024xf32>
    %select_n3A_73 = arith.select %eq3A_70, %broadcast_in_dim3A_72, %select_n3A_57 : vector<1024x1024xi1>, vector<1024x1024xf32>
    %reduce_min3A_74 = arith.constant dense<0x7F800000> : vector<1024xf32>
    %reduce_min3A_75 = vector.multi_reduction <minimumf>, %select_n3A_73, %reduce_min3A_74 [1] : vector<1024x1024xf32> to vector<1024xf32>
    %broadcast_in_dim3A_76 = vector.shape_cast %reduce_min3A_75 : vector<1024xf32> to vector<1024x1xf32>
    %eq3A_77 = vector.broadcast %broadcast_in_dim3A_76 : vector<1024x1xf32> to vector<1024x1024xf32>
    %eq3A_78 = arith.cmpf oeq, %select_n3A_73, %eq3A_77 : vector<1024x1024xf32>
    %jit3A_79 = arith.constant 1.024000e+03 : f32
    %broadcast_in_dim3A_80 = vector.broadcast %jit3A_79 : f32 to vector<1024x1024xf32>
    %select_n3A_81 = arith.select %eq3A_78, %convert_element_type3A, %broadcast_in_dim3A_80 : vector<1024x1024xi1>, vector<1024x1024xf32>
    %reduce_min3A_82 = arith.constant dense<0x7F800000> : vector<1024xf32>
    %reduce_min3A_83 = vector.multi_reduction <minimumf>, %select_n3A_81, %reduce_min3A_82 [1] : vector<1024x1024xf32> to vector<1024xf32>
    %broadcast_in_dim3A_84 = vector.shape_cast %reduce_min3A_83 : vector<1024xf32> to vector<1024x1xf32>
    %eq3A_85 = vector.broadcast %broadcast_in_dim3A_84 : vector<1024x1xf32> to vector<1024x1024xf32>
    %eq3A_86 = arith.cmpf oeq, %convert_element_type3A, %eq3A_85 : vector<1024x1024xf32>
    %jit3A_87 = arith.constant 0x7F800000 : f32
    %broadcast_in_dim3A_88 = vector.broadcast %jit3A_87 : f32 to vector<1024x1024xf32>
    %select_n3A_89 = arith.select %eq3A_86, %broadcast_in_dim3A_88, %select_n3A_73 : vector<1024x1024xi1>, vector<1024x1024xf32>
    %reduce_min3A_90 = arith.constant dense<0x7F800000> : vector<1024xf32>
    %reduce_min3A_91 = vector.multi_reduction <minimumf>, %select_n3A_89, %reduce_min3A_90 [1] : vector<1024x1024xf32> to vector<1024xf32>
    %broadcast_in_dim3A_92 = vector.shape_cast %reduce_min3A_91 : vector<1024xf32> to vector<1024x1xf32>
    %eq3A_93 = vector.broadcast %broadcast_in_dim3A_92 : vector<1024x1xf32> to vector<1024x1024xf32>
    %eq3A_94 = arith.cmpf oeq, %select_n3A_89, %eq3A_93 : vector<1024x1024xf32>
    %jit3A_95 = arith.constant 1.024000e+03 : f32
    %broadcast_in_dim3A_96 = vector.broadcast %jit3A_95 : f32 to vector<1024x1024xf32>
    %select_n3A_97 = arith.select %eq3A_94, %convert_element_type3A, %broadcast_in_dim3A_96 : vector<1024x1024xi1>, vector<1024x1024xf32>
    %reduce_min3A_98 = arith.constant dense<0x7F800000> : vector<1024xf32>
    %reduce_min3A_99 = vector.multi_reduction <minimumf>, %select_n3A_97, %reduce_min3A_98 [1] : vector<1024x1024xf32> to vector<1024xf32>
    %broadcast_in_dim3A_100 = vector.shape_cast %reduce_min3A_99 : vector<1024xf32> to vector<1024x1xf32>
    %eq3A_101 = vector.broadcast %broadcast_in_dim3A_100 : vector<1024x1xf32> to vector<1024x1024xf32>
    %eq3A_102 = arith.cmpf oeq, %convert_element_type3A, %eq3A_101 : vector<1024x1024xf32>
    %jit3A_103 = arith.constant 0x7F800000 : f32
    %broadcast_in_dim3A_104 = vector.broadcast %jit3A_103 : f32 to vector<1024x1024xf32>
    %select_n3A_105 = arith.select %eq3A_102, %broadcast_in_dim3A_104, %select_n3A_89 : vector<1024x1024xi1>, vector<1024x1024xf32>
    %reduce_min3A_106 = arith.constant dense<0x7F800000> : vector<1024xf32>
    %reduce_min3A_107 = vector.multi_reduction <minimumf>, %select_n3A_105, %reduce_min3A_106 [1] : vector<1024x1024xf32> to vector<1024xf32>
    %broadcast_in_dim3A_108 = vector.shape_cast %reduce_min3A_107 : vector<1024xf32> to vector<1024x1xf32>
    %eq3A_109 = vector.broadcast %broadcast_in_dim3A_108 : vector<1024x1xf32> to vector<1024x1024xf32>
    %eq3A_110 = arith.cmpf oeq, %select_n3A_105, %eq3A_109 : vector<1024x1024xf32>
    %jit3A_111 = arith.constant 1.024000e+03 : f32
    %broadcast_in_dim3A_112 = vector.broadcast %jit3A_111 : f32 to vector<1024x1024xf32>
    %select_n3A_113 = arith.select %eq3A_110, %convert_element_type3A, %broadcast_in_dim3A_112 : vector<1024x1024xi1>, vector<1024x1024xf32>
    %reduce_min3A_114 = arith.constant dense<0x7F800000> : vector<1024xf32>
    %reduce_min3A_115 = vector.multi_reduction <minimumf>, %select_n3A_113, %reduce_min3A_114 [1] : vector<1024x1024xf32> to vector<1024xf32>
    %broadcast_in_dim3A_116 = vector.shape_cast %reduce_min3A_115 : vector<1024xf32> to vector<1024x1xf32>
    %eq3A_117 = vector.broadcast %broadcast_in_dim3A_116 : vector<1024x1xf32> to vector<1024x1024xf32>
    %eq3A_118 = arith.cmpf oeq, %convert_element_type3A, %eq3A_117 : vector<1024x1024xf32>
    %jit3A_119 = arith.constant 0x7F800000 : f32
    %broadcast_in_dim3A_120 = vector.broadcast %jit3A_119 : f32 to vector<1024x1024xf32>
    %select_n3A_121 = arith.select %eq3A_118, %broadcast_in_dim3A_120, %select_n3A_105 : vector<1024x1024xi1>, vector<1024x1024xf32>
    %reduce_min3A_122 = arith.constant dense<0x7F800000> : vector<1024xf32>
    %reduce_min3A_123 = vector.multi_reduction <minimumf>, %select_n3A_121, %reduce_min3A_122 [1] : vector<1024x1024xf32> to vector<1024xf32>
    %broadcast_in_dim3A_124 = vector.shape_cast %reduce_min3A_123 : vector<1024xf32> to vector<1024x1xf32>
    %eq3A_125 = vector.broadcast %broadcast_in_dim3A_124 : vector<1024x1xf32> to vector<1024x1024xf32>
    %eq3A_126 = arith.cmpf oeq, %select_n3A_121, %eq3A_125 : vector<1024x1024xf32>
    %jit3A_127 = arith.constant 1.024000e+03 : f32
    %broadcast_in_dim3A_128 = vector.broadcast %jit3A_127 : f32 to vector<1024x1024xf32>
    %select_n3A_129 = arith.select %eq3A_126, %convert_element_type3A, %broadcast_in_dim3A_128 : vector<1024x1024xi1>, vector<1024x1024xf32>
    %reduce_min3A_130 = arith.constant dense<0x7F800000> : vector<1024xf32>
    %reduce_min3A_131 = vector.multi_reduction <minimumf>, %select_n3A_129, %reduce_min3A_130 [1] : vector<1024x1024xf32> to vector<1024xf32>
    %broadcast_in_dim3A_132 = vector.shape_cast %reduce_min3A_131 : vector<1024xf32> to vector<1024x1xf32>
    %eq3A_133 = vector.broadcast %broadcast_in_dim3A_132 : vector<1024x1xf32> to vector<1024x1024xf32>
    %eq3A_134 = arith.cmpf oeq, %convert_element_type3A, %eq3A_133 : vector<1024x1024xf32>
    %jit3A_135 = arith.constant 0x7F800000 : f32
    %broadcast_in_dim3A_136 = vector.broadcast %jit3A_135 : f32 to vector<1024x1024xf32>
    %select_n3A_137 = arith.select %eq3A_134, %broadcast_in_dim3A_136, %select_n3A_121 : vector<1024x1024xi1>, vector<1024x1024xf32>
    %reduce_min3A_138 = arith.constant dense<0x7F800000> : vector<1024xf32>
    %reduce_min3A_139 = vector.multi_reduction <minimumf>, %select_n3A_137, %reduce_min3A_138 [1] : vector<1024x1024xf32> to vector<1024xf32>
    %broadcast_in_dim3A_140 = vector.shape_cast %reduce_min3A_139 : vector<1024xf32> to vector<1024x1xf32>
    %eq3A_141 = vector.broadcast %broadcast_in_dim3A_140 : vector<1024x1xf32> to vector<1024x1024xf32>
    %eq3A_142 = arith.cmpf oeq, %select_n3A_137, %eq3A_141 : vector<1024x1024xf32>
    %jit3A_143 = arith.constant 1.024000e+03 : f32
    %broadcast_in_dim3A_144 = vector.broadcast %jit3A_143 : f32 to vector<1024x1024xf32>
    %select_n3A_145 = arith.select %eq3A_142, %convert_element_type3A, %broadcast_in_dim3A_144 : vector<1024x1024xi1>, vector<1024x1024xf32>
    %reduce_min3A_146 = arith.constant dense<0x7F800000> : vector<1024xf32>
    %reduce_min3A_147 = vector.multi_reduction <minimumf>, %select_n3A_145, %reduce_min3A_146 [1] : vector<1024x1024xf32> to vector<1024xf32>
    %broadcast_in_dim3A_148 = vector.shape_cast %reduce_min3A_147 : vector<1024xf32> to vector<1024x1xf32>
    %eq3A_149 = vector.broadcast %broadcast_in_dim3A_148 : vector<1024x1xf32> to vector<1024x1024xf32>
    %eq3A_150 = arith.cmpf oeq, %convert_element_type3A, %eq3A_149 : vector<1024x1024xf32>
    %jit3A_151 = arith.constant 0x7F800000 : f32
    %broadcast_in_dim3A_152 = vector.broadcast %jit3A_151 : f32 to vector<1024x1024xf32>
    %select_n3A_153 = arith.select %eq3A_150, %broadcast_in_dim3A_152, %select_n3A_137 : vector<1024x1024xi1>, vector<1024x1024xf32>
    %reduce_min3A_154 = arith.constant dense<0x7F800000> : vector<1024xf32>
    %reduce_min3A_155 = vector.multi_reduction <minimumf>, %select_n3A_153, %reduce_min3A_154 [1] : vector<1024x1024xf32> to vector<1024xf32>
    %broadcast_in_dim3A_156 = vector.shape_cast %reduce_min3A_155 : vector<1024xf32> to vector<1024x1xf32>
    %eq3A_157 = vector.broadcast %broadcast_in_dim3A_156 : vector<1024x1xf32> to vector<1024x1024xf32>
    %eq3A_158 = arith.cmpf oeq, %select_n3A_153, %eq3A_157 : vector<1024x1024xf32>
    %jit3A_159 = arith.constant 1.024000e+03 : f32
    %broadcast_in_dim3A_160 = vector.broadcast %jit3A_159 : f32 to vector<1024x1024xf32>
    %select_n3A_161 = arith.select %eq3A_158, %convert_element_type3A, %broadcast_in_dim3A_160 : vector<1024x1024xi1>, vector<1024x1024xf32>
    %reduce_min3A_162 = arith.constant dense<0x7F800000> : vector<1024xf32>
    %reduce_min3A_163 = vector.multi_reduction <minimumf>, %select_n3A_161, %reduce_min3A_162 [1] : vector<1024x1024xf32> to vector<1024xf32>
    %broadcast_in_dim3A_164 = vector.shape_cast %reduce_min3A_163 : vector<1024xf32> to vector<1024x1xf32>
    %eq3A_165 = vector.broadcast %broadcast_in_dim3A_164 : vector<1024x1xf32> to vector<1024x1024xf32>
    %eq3A_166 = arith.cmpf oeq, %convert_element_type3A, %eq3A_165 : vector<1024x1024xf32>
    %jit3A_167 = arith.constant 0x7F800000 : f32
    %broadcast_in_dim3A_168 = vector.broadcast %jit3A_167 : f32 to vector<1024x1024xf32>
    %select_n3A_169 = arith.select %eq3A_166, %broadcast_in_dim3A_168, %select_n3A_153 : vector<1024x1024xi1>, vector<1024x1024xf32>
    %reduce_min3A_170 = arith.constant dense<0x7F800000> : vector<1024xf32>
    %reduce_min3A_171 = vector.multi_reduction <minimumf>, %select_n3A_169, %reduce_min3A_170 [1] : vector<1024x1024xf32> to vector<1024xf32>
    %broadcast_in_dim3A_172 = vector.shape_cast %reduce_min3A_171 : vector<1024xf32> to vector<1024x1xf32>
    %eq3A_173 = vector.broadcast %broadcast_in_dim3A_172 : vector<1024x1xf32> to vector<1024x1024xf32>
    %eq3A_174 = arith.cmpf oeq, %select_n3A_169, %eq3A_173 : vector<1024x1024xf32>
    %jit3A_175 = arith.constant 1.024000e+03 : f32
    %broadcast_in_dim3A_176 = vector.broadcast %jit3A_175 : f32 to vector<1024x1024xf32>
    %select_n3A_177 = arith.select %eq3A_174, %convert_element_type3A, %broadcast_in_dim3A_176 : vector<1024x1024xi1>, vector<1024x1024xf32>
    %reduce_min3A_178 = arith.constant dense<0x7F800000> : vector<1024xf32>
    %reduce_min3A_179 = vector.multi_reduction <minimumf>, %select_n3A_177, %reduce_min3A_178 [1] : vector<1024x1024xf32> to vector<1024xf32>
    %broadcast_in_dim3A_180 = vector.shape_cast %reduce_min3A_179 : vector<1024xf32> to vector<1024x1xf32>
    %eq3A_181 = vector.broadcast %broadcast_in_dim3A_180 : vector<1024x1xf32> to vector<1024x1024xf32>
    %eq3A_182 = arith.cmpf oeq, %convert_element_type3A, %eq3A_181 : vector<1024x1024xf32>
    %jit3A_183 = arith.constant 0x7F800000 : f32
    %broadcast_in_dim3A_184 = vector.broadcast %jit3A_183 : f32 to vector<1024x1024xf32>
    %select_n3A_185 = arith.select %eq3A_182, %broadcast_in_dim3A_184, %select_n3A_169 : vector<1024x1024xi1>, vector<1024x1024xf32>
    %reduce_min3A_186 = arith.constant dense<0x7F800000> : vector<1024xf32>
    %reduce_min3A_187 = vector.multi_reduction <minimumf>, %select_n3A_185, %reduce_min3A_186 [1] : vector<1024x1024xf32> to vector<1024xf32>
    %broadcast_in_dim3A_188 = vector.shape_cast %reduce_min3A_187 : vector<1024xf32> to vector<1024x1xf32>
    %eq3A_189 = vector.broadcast %broadcast_in_dim3A_188 : vector<1024x1xf32> to vector<1024x1024xf32>
    %eq3A_190 = arith.cmpf oeq, %select_n3A_185, %eq3A_189 : vector<1024x1024xf32>
    %jit3A_191 = arith.constant 1.024000e+03 : f32
    %broadcast_in_dim3A_192 = vector.broadcast %jit3A_191 : f32 to vector<1024x1024xf32>
    %select_n3A_193 = arith.select %eq3A_190, %convert_element_type3A, %broadcast_in_dim3A_192 : vector<1024x1024xi1>, vector<1024x1024xf32>
    %reduce_min3A_194 = arith.constant dense<0x7F800000> : vector<1024xf32>
    %reduce_min3A_195 = vector.multi_reduction <minimumf>, %select_n3A_193, %reduce_min3A_194 [1] : vector<1024x1024xf32> to vector<1024xf32>
    %broadcast_in_dim3A_196 = vector.shape_cast %reduce_min3A_195 : vector<1024xf32> to vector<1024x1xf32>
    %eq3A_197 = vector.broadcast %broadcast_in_dim3A_196 : vector<1024x1xf32> to vector<1024x1024xf32>
    %eq3A_198 = arith.cmpf oeq, %convert_element_type3A, %eq3A_197 : vector<1024x1024xf32>
    %jit3A_199 = arith.constant 0x7F800000 : f32
    %broadcast_in_dim3A_200 = vector.broadcast %jit3A_199 : f32 to vector<1024x1024xf32>
    %select_n3A_201 = arith.select %eq3A_198, %broadcast_in_dim3A_200, %select_n3A_185 : vector<1024x1024xi1>, vector<1024x1024xf32>
    %reduce_min3A_202 = arith.constant dense<0x7F800000> : vector<1024xf32>
    %reduce_min3A_203 = vector.multi_reduction <minimumf>, %select_n3A_201, %reduce_min3A_202 [1] : vector<1024x1024xf32> to vector<1024xf32>
    %broadcast_in_dim3A_204 = vector.shape_cast %reduce_min3A_203 : vector<1024xf32> to vector<1024x1xf32>
    %eq3A_205 = vector.broadcast %broadcast_in_dim3A_204 : vector<1024x1xf32> to vector<1024x1024xf32>
    %eq3A_206 = arith.cmpf oeq, %select_n3A_201, %eq3A_205 : vector<1024x1024xf32>
    %jit3A_207 = arith.constant 1.024000e+03 : f32
    %broadcast_in_dim3A_208 = vector.broadcast %jit3A_207 : f32 to vector<1024x1024xf32>
    %select_n3A_209 = arith.select %eq3A_206, %convert_element_type3A, %broadcast_in_dim3A_208 : vector<1024x1024xi1>, vector<1024x1024xf32>
    %reduce_min3A_210 = arith.constant dense<0x7F800000> : vector<1024xf32>
    %reduce_min3A_211 = vector.multi_reduction <minimumf>, %select_n3A_209, %reduce_min3A_210 [1] : vector<1024x1024xf32> to vector<1024xf32>
    %broadcast_in_dim3A_212 = vector.shape_cast %reduce_min3A_211 : vector<1024xf32> to vector<1024x1xf32>
    %eq3A_213 = vector.broadcast %broadcast_in_dim3A_212 : vector<1024x1xf32> to vector<1024x1024xf32>
    %eq3A_214 = arith.cmpf oeq, %convert_element_type3A, %eq3A_213 : vector<1024x1024xf32>
    %jit3A_215 = arith.constant 0x7F800000 : f32
    %broadcast_in_dim3A_216 = vector.broadcast %jit3A_215 : f32 to vector<1024x1024xf32>
    %select_n3A_217 = arith.select %eq3A_214, %broadcast_in_dim3A_216, %select_n3A_201 : vector<1024x1024xi1>, vector<1024x1024xf32>
    %reduce_min3A_218 = arith.constant dense<0x7F800000> : vector<1024xf32>
    %reduce_min3A_219 = vector.multi_reduction <minimumf>, %select_n3A_217, %reduce_min3A_218 [1] : vector<1024x1024xf32> to vector<1024xf32>
    %broadcast_in_dim3A_220 = vector.shape_cast %reduce_min3A_219 : vector<1024xf32> to vector<1024x1xf32>
    %eq3A_221 = vector.broadcast %broadcast_in_dim3A_220 : vector<1024x1xf32> to vector<1024x1024xf32>
    %eq3A_222 = arith.cmpf oeq, %select_n3A_217, %eq3A_221 : vector<1024x1024xf32>
    %jit3A_223 = arith.constant 1.024000e+03 : f32
    %broadcast_in_dim3A_224 = vector.broadcast %jit3A_223 : f32 to vector<1024x1024xf32>
    %select_n3A_225 = arith.select %eq3A_222, %convert_element_type3A, %broadcast_in_dim3A_224 : vector<1024x1024xi1>, vector<1024x1024xf32>
    %reduce_min3A_226 = arith.constant dense<0x7F800000> : vector<1024xf32>
    %reduce_min3A_227 = vector.multi_reduction <minimumf>, %select_n3A_225, %reduce_min3A_226 [1] : vector<1024x1024xf32> to vector<1024xf32>
    %broadcast_in_dim3A_228 = vector.shape_cast %reduce_min3A_227 : vector<1024xf32> to vector<1024x1xf32>
    %eq3A_229 = vector.broadcast %broadcast_in_dim3A_228 : vector<1024x1xf32> to vector<1024x1024xf32>
    %eq3A_230 = arith.cmpf oeq, %convert_element_type3A, %eq3A_229 : vector<1024x1024xf32>
    %jit3A_231 = arith.constant 0x7F800000 : f32
    %broadcast_in_dim3A_232 = vector.broadcast %jit3A_231 : f32 to vector<1024x1024xf32>
    %select_n3A_233 = arith.select %eq3A_230, %broadcast_in_dim3A_232, %select_n3A_217 : vector<1024x1024xi1>, vector<1024x1024xf32>
    %reduce_min3A_234 = arith.constant dense<0x7F800000> : vector<1024xf32>
    %reduce_min3A_235 = vector.multi_reduction <minimumf>, %select_n3A_233, %reduce_min3A_234 [1] : vector<1024x1024xf32> to vector<1024xf32>
    %broadcast_in_dim3A_236 = vector.shape_cast %reduce_min3A_235 : vector<1024xf32> to vector<1024x1xf32>
    %eq3A_237 = vector.broadcast %broadcast_in_dim3A_236 : vector<1024x1xf32> to vector<1024x1024xf32>
    %eq3A_238 = arith.cmpf oeq, %select_n3A_233, %eq3A_237 : vector<1024x1024xf32>
    %jit3A_239 = arith.constant 1.024000e+03 : f32
    %broadcast_in_dim3A_240 = vector.broadcast %jit3A_239 : f32 to vector<1024x1024xf32>
    %select_n3A_241 = arith.select %eq3A_238, %convert_element_type3A, %broadcast_in_dim3A_240 : vector<1024x1024xi1>, vector<1024x1024xf32>
    %reduce_min3A_242 = arith.constant dense<0x7F800000> : vector<1024xf32>
    %reduce_min3A_243 = vector.multi_reduction <minimumf>, %select_n3A_241, %reduce_min3A_242 [1] : vector<1024x1024xf32> to vector<1024xf32>
    %broadcast_in_dim3A_244 = vector.shape_cast %reduce_min3A_243 : vector<1024xf32> to vector<1024x1xf32>
    %eq3A_245 = vector.broadcast %broadcast_in_dim3A_244 : vector<1024x1xf32> to vector<1024x1024xf32>
    %eq3A_246 = arith.cmpf oeq, %convert_element_type3A, %eq3A_245 : vector<1024x1024xf32>
    %jit3A_247 = arith.constant 0x7F800000 : f32
    %broadcast_in_dim3A_248 = vector.broadcast %jit3A_247 : f32 to vector<1024x1024xf32>
    %select_n3A_249 = arith.select %eq3A_246, %broadcast_in_dim3A_248, %select_n3A_233 : vector<1024x1024xi1>, vector<1024x1024xf32>
    %reduce_min3A_250 = arith.constant dense<0x7F800000> : vector<1024xf32>
    %reduce_min3A_251 = vector.multi_reduction <minimumf>, %select_n3A_249, %reduce_min3A_250 [1] : vector<1024x1024xf32> to vector<1024xf32>
    %broadcast_in_dim3A_252 = vector.shape_cast %reduce_min3A_251 : vector<1024xf32> to vector<1024x1xf32>
    %eq3A_253 = vector.broadcast %broadcast_in_dim3A_252 : vector<1024x1xf32> to vector<1024x1024xf32>
    %eq3A_254 = arith.cmpf oeq, %select_n3A_249, %eq3A_253 : vector<1024x1024xf32>
    %jit3A_255 = arith.constant 1.024000e+03 : f32
    %broadcast_in_dim3A_256 = vector.broadcast %jit3A_255 : f32 to vector<1024x1024xf32>
    %select_n3A_257 = arith.select %eq3A_254, %convert_element_type3A, %broadcast_in_dim3A_256 : vector<1024x1024xi1>, vector<1024x1024xf32>
    %reduce_min3A_258 = arith.constant dense<0x7F800000> : vector<1024xf32>
    %reduce_min3A_259 = vector.multi_reduction <minimumf>, %select_n3A_257, %reduce_min3A_258 [1] : vector<1024x1024xf32> to vector<1024xf32>
    %stack3A = vector.shape_cast %reduce_min3A_19 : vector<1024xf32> to vector<1024x1xf32>
    %stack3A_260 = vector.shape_cast %reduce_min3A_35 : vector<1024xf32> to vector<1024x1xf32>
    %stack3A_261 = vector.shape_cast %reduce_min3A_51 : vector<1024xf32> to vector<1024x1xf32>
    %stack3A_262 = vector.shape_cast %reduce_min3A_67 : vector<1024xf32> to vector<1024x1xf32>
    %stack3A_263 = vector.shape_cast %reduce_min3A_83 : vector<1024xf32> to vector<1024x1xf32>
    %stack3A_264 = vector.shape_cast %reduce_min3A_99 : vector<1024xf32> to vector<1024x1xf32>
    %stack3A_265 = vector.shape_cast %reduce_min3A_115 : vector<1024xf32> to vector<1024x1xf32>
    %stack3A_266 = vector.shape_cast %reduce_min3A_131 : vector<1024xf32> to vector<1024x1xf32>
    %stack3A_267 = vector.shape_cast %reduce_min3A_147 : vector<1024xf32> to vector<1024x1xf32>
    %stack3A_268 = vector.shape_cast %reduce_min3A_163 : vector<1024xf32> to vector<1024x1xf32>
    %stack3A_269 = vector.shape_cast %reduce_min3A_179 : vector<1024xf32> to vector<1024x1xf32>
    %stack3A_270 = vector.shape_cast %reduce_min3A_195 : vector<1024xf32> to vector<1024x1xf32>
    %stack3A_271 = vector.shape_cast %reduce_min3A_211 : vector<1024xf32> to vector<1024x1xf32>
    %stack3A_272 = vector.shape_cast %reduce_min3A_227 : vector<1024xf32> to vector<1024x1xf32>
    %stack3A_273 = vector.shape_cast %reduce_min3A_243 : vector<1024xf32> to vector<1024x1xf32>
    %stack3A_274 = vector.shape_cast %reduce_min3A_259 : vector<1024xf32> to vector<1024x1xf32>
    %stack3A_275 = tpu.concatenate %stack3A, %stack3A_260, %stack3A_261, %stack3A_262, %stack3A_263, %stack3A_264, %stack3A_265, %stack3A_266, %stack3A_267, %stack3A_268, %stack3A_269, %stack3A_270, %stack3A_271, %stack3A_272, %stack3A_273, %stack3A_274 in 1 : vector<1024x1xf32>, vector<1024x1xf32>, vector<1024x1xf32>, vector<1024x1xf32>, vector<1024x1xf32>, vector<1024x1xf32>, vector<1024x1xf32>, vector<1024x1xf32>, vector<1024x1xf32>, vector<1024x1xf32>, vector<1024x1xf32>, vector<1024x1xf32>, vector<1024x1xf32>, vector<1024x1xf32>, vector<1024x1xf32>, vector<1024x1xf32> -> vector<1024x16xf32>
    %convert_element_type3A_276 = arith.fptosi %stack3A_275 : vector<1024x16xf32> to vector<1024x16xi32>
    %add3A_277 = vector.broadcast %mul3A_13 : i32 to vector<1024x16xi32>
    %add3A_278 = arith.addi %convert_element_type3A_276, %add3A_277 : vector<1024x16xi32>
    %swap3A = arith.constant 0 : index
    %swap3A_279 = arith.constant 0 : index
    %swap3A_280 = vector.load %arg5[%swap3A, %swap3A_279] : memref<1024x16xi32, #tpu.memory_space<vmem>>, vector<1024x16xi32>
    tpu.vector_store %arg5[%swap3A, %swap3A_279], %add3A_278 {strides = array<i32>} : memref<1024x16xi32, #tpu.memory_space<vmem>>, vector<1024x16xi32>,
    %get3A_281 = arith.constant 0 : index
    %get3A_282 = arith.constant 0 : index
    %get3A_283 = vector.load %arg3[%get3A_281, %get3A_282] : memref<6x64xf32, #tpu.memory_space<vmem>>, vector<3x64xf32>
    %dot_general3A_284 = arith.constant dense<0.000000e+00> : vector<1024x64xf32>
    %dot_general3A_285 = tpu.matmul %get3A_1, %get3A_283, %dot_general3A_284 {dimension_numbers = #tpu.dot_dimension_numbers<[1], [0], [0], [1], [0, 0, 1, 1], [], []>, transpose_lhs_hint = false} : vector<1024x3xf32>, vector<3x64xf32>, vector<1024x64xf32> -> vector<1024x64xf32>
    %get3A_286 = arith.constant 0 : index
    %get3A_287 = vector.load %arg4[%get3A_286] : memref<64xf32, #tpu.memory_space<vmem>>, vector<64xf32>
    %broadcast_in_dim3A_288 = vector.shape_cast %get3A_287 : vector<64xf32> to vector<1x64xf32>
    %add3A_289 = vector.broadcast %broadcast_in_dim3A_288 : vector<1x64xf32> to vector<1024x64xf32>
    %add3A_290 = arith.addf %dot_general3A_285, %add3A_289 : vector<1024x64xf32>
    %swap3A_291 = arith.constant 0 : index
    %swap3A_292 = arith.constant 0 : index
    %swap3A_293 = vector.load %arg6[%swap3A_291, %swap3A_292] : memref<1024x64xf32, #tpu.memory_space<vmem>>, vector<1024x64xf32>
    tpu.vector_store %arg6[%swap3A_291, %swap3A_292], %add3A_290 {strides = array<i32>} : memref<1024x64xf32, #tpu.memory_space<vmem>>, vector<1024x64xf32>,
    %broadcast_in_dim3A_294 = arith.constant 0.000000e+00 : f32
    %broadcast_in_dim3A_295 = vector.broadcast %broadcast_in_dim3A_294 : f32 to vector<1024x125xf32>
    %concatenate3A = tpu.concatenate %get3A_1, %broadcast_in_dim3A_295 in 1 : vector<1024x3xf32>, vector<1024x125xf32> -> vector<1024x128xf32>
    %swap3A_296 = arith.constant 0 : index
    %swap3A_297 = arith.constant 0 : index
    %swap3A_298 = vector.load %arg7[%swap3A_296, %swap3A_297] : memref<1024x128xf32, #tpu.memory_space<vmem>>, vector<1024x128xf32>
    tpu.vector_store %arg7[%swap3A_296, %swap3A_297], %concatenate3A {strides = array<i32>} : memref<1024x128xf32, #tpu.memory_space<vmem>>, vector<1024x128xf32>,
    return
  }
  func.func @transform_0(%arg0: i32) -> (i32, i32) {
    %c0_i32 = arith.constant 0 : i32
    %c0_i32_0 = arith.constant 0 : i32
    return %arg0, %c0_i32 : i32, i32
  }
  func.func @transform_1(%arg0: i32) -> (i32, i32, i32) {
    %c0_i32 = arith.constant 0 : i32
    %c0_i32_0 = arith.constant 0 : i32
    %c0_i32_1 = arith.constant 0 : i32
    return %arg0, %c0_i32, %c0_i32_0 : i32, i32, i32
  }
  func.func @transform_2(%arg0: i32) -> (i32, i32) {
    %c0_i32 = arith.constant 0 : i32
    %c0_i32_0 = arith.constant 0 : i32
    %c0_i32_1 = arith.constant 0 : i32
    return %c0_i32, %c0_i32_0 : i32, i32
  }
  func.func @transform_3(%arg0: i32) -> i32 {
    %c0_i32 = arith.constant 0 : i32
    %c0_i32_0 = arith.constant 0 : i32
    return %c0_i32 : i32
  }
  func.func @transform_4(%arg0: i32) -> (i32, i32) {
    %c0_i32 = arith.constant 0 : i32
    %c0_i32_0 = arith.constant 0 : i32
    return %arg0, %c0_i32 : i32, i32
  }
  func.func @transform_5(%arg0: i32) -> (i32, i32) {
    %c0_i32 = arith.constant 0 : i32
    %c0_i32_0 = arith.constant 0 : i32
    return %arg0, %c0_i32 : i32, i32
  }
  func.func @transform_6(%arg0: i32) -> (i32, i32) {
    %c0_i32 = arith.constant 0 : i32
    %c0_i32_0 = arith.constant 0 : i32
    return %arg0, %c0_i32 : i32, i32
  }
}

module attributes {stable_mosaic.version = 14 : i64} {
  func.func @_conv_c_body(%arg0: i32, %arg1: memref<8192x128xf32, #tpu.memory_space<vmem>>, %arg2: memref<512x3xf32, #tpu.memory_space<vmem>>, %arg3: memref<512x64xf32, #tpu.memory_space<vmem>>, %arg4: memref<3x64xf32, #tpu.memory_space<vmem>>, %arg5: memref<512x64xf32, #tpu.memory_space<vmem>>) attributes {dimension_semantics = [#tpu.dimension_semantics<arbitrary>], iteration_bounds = array<i64: 8>, scalar_prefetch = 0 : i64, scratch_operands = 0 : i64, tpu.core_type = #tpu.core_type<tc>, window_params = [{transform_indices = @transform_0, window_bounds = array<i64: 8192, 128>}, {transform_indices = @transform_1, window_bounds = array<i64: 512, 3>}, {transform_indices = @transform_2, window_bounds = array<i64: 512, 64>}, {pipeline_mode = #tpu.pipeline_mode<synchronous>, transform_indices = @transform_3, window_bounds = array<i64: 3, 64>}, {transform_indices = @transform_4, window_bounds = array<i64: 512, 64>}]} {
    %get3A = arith.constant 0 : index
    %get3A_0 = arith.constant 0 : index
    %get3A_1 = vector.load %arg1[%get3A, %get3A_0] : memref<8192x128xf32, #tpu.memory_space<vmem>>, vector<8192x3xf32>
    %get3A_2 = arith.constant 0 : index
    %get3A_3 = arith.constant 0 : index
    %get3A_4 = vector.load %arg2[%get3A_2, %get3A_3] : memref<512x3xf32, #tpu.memory_space<vmem>>, vector<512x3xf32>
    %reshape3A = vector.shape_cast %get3A_1 : vector<8192x3xf32> to vector<512x16x3xf32>
    %broadcast_in_dim3A = vector.shape_cast %get3A_4 : vector<512x3xf32> to vector<512x1x3xf32>
    %sub3A = vector.broadcast %broadcast_in_dim3A : vector<512x1x3xf32> to vector<512x16x3xf32>
    %sub3A_5 = arith.subf %reshape3A, %sub3A : vector<512x16x3xf32>
    %reshape3A_6 = vector.shape_cast %sub3A_5 : vector<512x16x3xf32> to vector<8192x3xf32>
    %get3A_7 = arith.constant 0 : index
    %get3A_8 = arith.constant 0 : index
    %get3A_9 = vector.load %arg4[%get3A_7, %get3A_8] : memref<3x64xf32, #tpu.memory_space<vmem>>, vector<3x64xf32>
    %dot_general3A = arith.constant dense<0.000000e+00> : vector<8192x64xf32>
    %dot_general3A_10 = tpu.matmul %reshape3A_6, %get3A_9, %dot_general3A {dimension_numbers = #tpu.dot_dimension_numbers<[1], [0], [0], [1], [0, 0, 1, 1], [], []>, transpose_lhs_hint = false} : vector<8192x3xf32>, vector<3x64xf32>, vector<8192x64xf32> -> vector<8192x64xf32>
    %reshape3A_11 = vector.shape_cast %dot_general3A_10 : vector<8192x64xf32> to vector<512x16x64xf32>
    %reduce_max3A = arith.constant dense<0xFF800000> : vector<512x64xf32>
    %reduce_max3A_12 = vector.multi_reduction <maximumf>, %reshape3A_11, %reduce_max3A [1] : vector<512x16x64xf32> to vector<512x64xf32>
    %get3A_13 = arith.constant 0 : index
    %get3A_14 = arith.constant 0 : index
    %get3A_15 = vector.load %arg3[%get3A_13, %get3A_14] : memref<512x64xf32, #tpu.memory_space<vmem>>, vector<512x64xf32>
    %add3A = arith.addf %get3A_15, %reduce_max3A_12 : vector<512x64xf32>
    %swap3A = arith.constant 0 : index
    %swap3A_16 = arith.constant 0 : index
    %swap3A_17 = vector.load %arg5[%swap3A, %swap3A_16] : memref<512x64xf32, #tpu.memory_space<vmem>>, vector<512x64xf32>
    tpu.vector_store %arg5[%swap3A, %swap3A_16], %add3A {strides = array<i32>} : memref<512x64xf32, #tpu.memory_space<vmem>>, vector<512x64xf32>,
    return
  }
  func.func @transform_0(%arg0: i32) -> (i32, i32) {
    %c0_i32 = arith.constant 0 : i32
    %c0_i32_0 = arith.constant 0 : i32
    return %arg0, %c0_i32 : i32, i32
  }
  func.func @transform_1(%arg0: i32) -> (i32, i32) {
    %c0_i32 = arith.constant 0 : i32
    %c0_i32_0 = arith.constant 0 : i32
    return %arg0, %c0_i32 : i32, i32
  }
  func.func @transform_2(%arg0: i32) -> (i32, i32) {
    %c0_i32 = arith.constant 0 : i32
    %c0_i32_0 = arith.constant 0 : i32
    return %arg0, %c0_i32 : i32, i32
  }
  func.func @transform_3(%arg0: i32) -> (i32, i32) {
    %c0_i32 = arith.constant 0 : i32
    %c0_i32_0 = arith.constant 0 : i32
    %c0_i32_1 = arith.constant 0 : i32
    return %c0_i32, %c0_i32_0 : i32, i32
  }
  func.func @transform_4(%arg0: i32) -> (i32, i32) {
    %c0_i32 = arith.constant 0 : i32
    %c0_i32_0 = arith.constant 0 : i32
    return %arg0, %c0_i32 : i32, i32
  }
}

module attributes {stable_mosaic.version = 14 : i64} {
  func.func @_conv_a_body(%arg0: i32, %arg1: memref<1024x64xf32, #tpu.memory_space<vmem>>, %arg2: memref<1x1x1024xf32, #tpu.memory_space<vmem>>, %arg3: memref<128x64xf32, #tpu.memory_space<vmem>>, %arg4: memref<64xf32, #tpu.memory_space<vmem>>, %arg5: memref<1024x16xi32, #tpu.memory_space<vmem>>, %arg6: memref<1024x64xf32, #tpu.memory_space<vmem>>, %arg7: memref<1024x128xf32, #tpu.memory_space<vmem>>) attributes {dimension_semantics = [#tpu.dimension_semantics<arbitrary>], iteration_bounds = array<i64: 4>, scalar_prefetch = 0 : i64, scratch_operands = 0 : i64, tpu.core_type = #tpu.core_type<tc>, window_params = [{transform_indices = @transform_0, window_bounds = array<i64: 1024, 64>}, {transform_indices = @transform_1, window_bounds = array<i64: 1, 1, 1024>}, {pipeline_mode = #tpu.pipeline_mode<synchronous>, transform_indices = @transform_2, window_bounds = array<i64: 128, 64>}, {pipeline_mode = #tpu.pipeline_mode<synchronous>, transform_indices = @transform_3, window_bounds = array<i64: 64>}, {transform_indices = @transform_4, window_bounds = array<i64: 1024, 16>}, {transform_indices = @transform_5, window_bounds = array<i64: 1024, 64>}, {transform_indices = @transform_6, window_bounds = array<i64: 1024, 128>}]} {
    %get3A = arith.constant 0 : index
    %get3A_0 = arith.constant 0 : index
    %get3A_1 = vector.load %arg1[%get3A, %get3A_0] : memref<1024x64xf32, #tpu.memory_space<vmem>>, vector<1024x64xf32>
    %dot_general3A = arith.constant dense<0.000000e+00> : vector<1024x1024xf32>
    %dot_general3A_2 = tpu.matmul %get3A_1, %get3A_1, %dot_general3A {dimension_numbers = #tpu.dot_dimension_numbers<[1], [1], [0], [0], [0, 0, 1, 0], [], []>, transpose_lhs_hint = false} : vector<1024x64xf32>, vector<1024x64xf32>, vector<1024x1024xf32> -> vector<1024x1024xf32>
    %get3A_3 = arith.constant 0 : index
    %get3A_4 = arith.constant 0 : index
    %get3A_5 = arith.constant 0 : index
    %get3A_6 = vector.load %arg2[%get3A_3, %get3A_4, %get3A_5] : memref<1x1x1024xf32, #tpu.memory_space<vmem>>, vector<1x1x1024xf32>
    %squeeze3A = vector.shape_cast %get3A_6 : vector<1x1x1024xf32> to vector<1024xf32>
    %broadcast_in_dim3A = vector.shape_cast %squeeze3A : vector<1024xf32> to vector<1024x1xf32>
    %broadcast_in_dim3A_7 = vector.shape_cast %squeeze3A : vector<1024xf32> to vector<1x1024xf32>
    %add3A = vector.broadcast %broadcast_in_dim3A : vector<1024x1xf32> to vector<1024x1024xf32>
    %add3A_8 = vector.broadcast %broadcast_in_dim3A_7 : vector<1x1024xf32> to vector<1024x1024xf32>
    %add3A_9 = arith.addf %add3A, %add3A_8 : vector<1024x1024xf32>
    %mul3A = arith.constant 2.000000e+00 : f32
    %mul3A_10 = vector.broadcast %mul3A : f32 to vector<1024x1024xf32>
    %mul3A_11 = arith.mulf %mul3A_10, %dot_general3A_2 : vector<1024x1024xf32>
    %sub3A = arith.subf %add3A_9, %mul3A_11 : vector<1024x1024xf32>
    %iota3A = tpu.iota {dimensions = array<i32: 1>} : vector<1024x1024xi32>
    %convert_element_type3A = arith.sitofp %iota3A : vector<1024x1024xi32> to vector<1024x1024xf32>
    %mul3A_12 = arith.constant 1024 : i32
    %mul3A_13 = arith.muli %arg0, %mul3A_12 : i32
    %reduce_min3A = arith.constant dense<0x7F800000> : vector<1024xf32>
    %reduce_min3A_14 = vector.multi_reduction <minimumf>, %sub3A, %reduce_min3A [1] : vector<1024x1024xf32> to vector<1024xf32>
    %broadcast_in_dim3A_15 = vector.shape_cast %reduce_min3A_14 : vector<1024xf32> to vector<1024x1xf32>
    %eq3A = vector.broadcast %broadcast_in_dim3A_15 : vector<1024x1xf32> to vector<1024x1024xf32>
    %eq3A_16 = arith.cmpf oeq, %sub3A, %eq3A : vector<1024x1024xf32>
    %jit3A = arith.constant 1.024000e+03 : f32
    %broadcast_in_dim3A_17 = vector.broadcast %jit3A : f32 to vector<1024x1024xf32>
    %select_n3A = arith.select %eq3A_16, %convert_element_type3A, %broadcast_in_dim3A_17 : vector<1024x1024xi1>, vector<1024x1024xf32>
    %reduce_min3A_18 = arith.constant dense<0x7F800000> : vector<1024xf32>
    %reduce_min3A_19 = vector.multi_reduction <minimumf>, %select_n3A, %reduce_min3A_18 [1] : vector<1024x1024xf32> to vector<1024xf32>
    %broadcast_in_dim3A_20 = vector.shape_cast %reduce_min3A_19 : vector<1024xf32> to vector<1024x1xf32>
    %eq3A_21 = vector.broadcast %broadcast_in_dim3A_20 : vector<1024x1xf32> to vector<1024x1024xf32>
    %eq3A_22 = arith.cmpf oeq, %convert_element_type3A, %eq3A_21 : vector<1024x1024xf32>
    %jit3A_23 = arith.constant 0x7F800000 : f32
    %broadcast_in_dim3A_24 = vector.broadcast %jit3A_23 : f32 to vector<1024x1024xf32>
    %select_n3A_25 = arith.select %eq3A_22, %broadcast_in_dim3A_24, %sub3A : vector<1024x1024xi1>, vector<1024x1024xf32>
    %reduce_min3A_26 = arith.constant dense<0x7F800000> : vector<1024xf32>
    %reduce_min3A_27 = vector.multi_reduction <minimumf>, %select_n3A_25, %reduce_min3A_26 [1] : vector<1024x1024xf32> to vector<1024xf32>
    %broadcast_in_dim3A_28 = vector.shape_cast %reduce_min3A_27 : vector<1024xf32> to vector<1024x1xf32>
    %eq3A_29 = vector.broadcast %broadcast_in_dim3A_28 : vector<1024x1xf32> to vector<1024x1024xf32>
    %eq3A_30 = arith.cmpf oeq, %select_n3A_25, %eq3A_29 : vector<1024x1024xf32>
    %jit3A_31 = arith.constant 1.024000e+03 : f32
    %broadcast_in_dim3A_32 = vector.broadcast %jit3A_31 : f32 to vector<1024x1024xf32>
    %select_n3A_33 = arith.select %eq3A_30, %convert_element_type3A, %broadcast_in_dim3A_32 : vector<1024x1024xi1>, vector<1024x1024xf32>
    %reduce_min3A_34 = arith.constant dense<0x7F800000> : vector<1024xf32>
    %reduce_min3A_35 = vector.multi_reduction <minimumf>, %select_n3A_33, %reduce_min3A_34 [1] : vector<1024x1024xf32> to vector<1024xf32>
    %broadcast_in_dim3A_36 = vector.shape_cast %reduce_min3A_35 : vector<1024xf32> to vector<1024x1xf32>
    %eq3A_37 = vector.broadcast %broadcast_in_dim3A_36 : vector<1024x1xf32> to vector<1024x1024xf32>
    %eq3A_38 = arith.cmpf oeq, %convert_element_type3A, %eq3A_37 : vector<1024x1024xf32>
    %jit3A_39 = arith.constant 0x7F800000 : f32
    %broadcast_in_dim3A_40 = vector.broadcast %jit3A_39 : f32 to vector<1024x1024xf32>
    %select_n3A_41 = arith.select %eq3A_38, %broadcast_in_dim3A_40, %select_n3A_25 : vector<1024x1024xi1>, vector<1024x1024xf32>
    %reduce_min3A_42 = arith.constant dense<0x7F800000> : vector<1024xf32>
    %reduce_min3A_43 = vector.multi_reduction <minimumf>, %select_n3A_41, %reduce_min3A_42 [1] : vector<1024x1024xf32> to vector<1024xf32>
    %broadcast_in_dim3A_44 = vector.shape_cast %reduce_min3A_43 : vector<1024xf32> to vector<1024x1xf32>
    %eq3A_45 = vector.broadcast %broadcast_in_dim3A_44 : vector<1024x1xf32> to vector<1024x1024xf32>
    %eq3A_46 = arith.cmpf oeq, %select_n3A_41, %eq3A_45 : vector<1024x1024xf32>
    %jit3A_47 = arith.constant 1.024000e+03 : f32
    %broadcast_in_dim3A_48 = vector.broadcast %jit3A_47 : f32 to vector<1024x1024xf32>
    %select_n3A_49 = arith.select %eq3A_46, %convert_element_type3A, %broadcast_in_dim3A_48 : vector<1024x1024xi1>, vector<1024x1024xf32>
    %reduce_min3A_50 = arith.constant dense<0x7F800000> : vector<1024xf32>
    %reduce_min3A_51 = vector.multi_reduction <minimumf>, %select_n3A_49, %reduce_min3A_50 [1] : vector<1024x1024xf32> to vector<1024xf32>
    %broadcast_in_dim3A_52 = vector.shape_cast %reduce_min3A_51 : vector<1024xf32> to vector<1024x1xf32>
    %eq3A_53 = vector.broadcast %broadcast_in_dim3A_52 : vector<1024x1xf32> to vector<1024x1024xf32>
    %eq3A_54 = arith.cmpf oeq, %convert_element_type3A, %eq3A_53 : vector<1024x1024xf32>
    %jit3A_55 = arith.constant 0x7F800000 : f32
    %broadcast_in_dim3A_56 = vector.broadcast %jit3A_55 : f32 to vector<1024x1024xf32>
    %select_n3A_57 = arith.select %eq3A_54, %broadcast_in_dim3A_56, %select_n3A_41 : vector<1024x1024xi1>, vector<1024x1024xf32>
    %reduce_min3A_58 = arith.constant dense<0x7F800000> : vector<1024xf32>
    %reduce_min3A_59 = vector.multi_reduction <minimumf>, %select_n3A_57, %reduce_min3A_58 [1] : vector<1024x1024xf32> to vector<1024xf32>
    %broadcast_in_dim3A_60 = vector.shape_cast %reduce_min3A_59 : vector<1024xf32> to vector<1024x1xf32>
    %eq3A_61 = vector.broadcast %broadcast_in_dim3A_60 : vector<1024x1xf32> to vector<1024x1024xf32>
    %eq3A_62 = arith.cmpf oeq, %select_n3A_57, %eq3A_61 : vector<1024x1024xf32>
    %jit3A_63 = arith.constant 1.024000e+03 : f32
    %broadcast_in_dim3A_64 = vector.broadcast %jit3A_63 : f32 to vector<1024x1024xf32>
    %select_n3A_65 = arith.select %eq3A_62, %convert_element_type3A, %broadcast_in_dim3A_64 : vector<1024x1024xi1>, vector<1024x1024xf32>
    %reduce_min3A_66 = arith.constant dense<0x7F800000> : vector<1024xf32>
    %reduce_min3A_67 = vector.multi_reduction <minimumf>, %select_n3A_65, %reduce_min3A_66 [1] : vector<1024x1024xf32> to vector<1024xf32>
    %broadcast_in_dim3A_68 = vector.shape_cast %reduce_min3A_67 : vector<1024xf32> to vector<1024x1xf32>
    %eq3A_69 = vector.broadcast %broadcast_in_dim3A_68 : vector<1024x1xf32> to vector<1024x1024xf32>
    %eq3A_70 = arith.cmpf oeq, %convert_element_type3A, %eq3A_69 : vector<1024x1024xf32>
    %jit3A_71 = arith.constant 0x7F800000 : f32
    %broadcast_in_dim3A_72 = vector.broadcast %jit3A_71 : f32 to vector<1024x1024xf32>
    %select_n3A_73 = arith.select %eq3A_70, %broadcast_in_dim3A_72, %select_n3A_57 : vector<1024x1024xi1>, vector<1024x1024xf32>
    %reduce_min3A_74 = arith.constant dense<0x7F800000> : vector<1024xf32>
    %reduce_min3A_75 = vector.multi_reduction <minimumf>, %select_n3A_73, %reduce_min3A_74 [1] : vector<1024x1024xf32> to vector<1024xf32>
    %broadcast_in_dim3A_76 = vector.shape_cast %reduce_min3A_75 : vector<1024xf32> to vector<1024x1xf32>
    %eq3A_77 = vector.broadcast %broadcast_in_dim3A_76 : vector<1024x1xf32> to vector<1024x1024xf32>
    %eq3A_78 = arith.cmpf oeq, %select_n3A_73, %eq3A_77 : vector<1024x1024xf32>
    %jit3A_79 = arith.constant 1.024000e+03 : f32
    %broadcast_in_dim3A_80 = vector.broadcast %jit3A_79 : f32 to vector<1024x1024xf32>
    %select_n3A_81 = arith.select %eq3A_78, %convert_element_type3A, %broadcast_in_dim3A_80 : vector<1024x1024xi1>, vector<1024x1024xf32>
    %reduce_min3A_82 = arith.constant dense<0x7F800000> : vector<1024xf32>
    %reduce_min3A_83 = vector.multi_reduction <minimumf>, %select_n3A_81, %reduce_min3A_82 [1] : vector<1024x1024xf32> to vector<1024xf32>
    %broadcast_in_dim3A_84 = vector.shape_cast %reduce_min3A_83 : vector<1024xf32> to vector<1024x1xf32>
    %eq3A_85 = vector.broadcast %broadcast_in_dim3A_84 : vector<1024x1xf32> to vector<1024x1024xf32>
    %eq3A_86 = arith.cmpf oeq, %convert_element_type3A, %eq3A_85 : vector<1024x1024xf32>
    %jit3A_87 = arith.constant 0x7F800000 : f32
    %broadcast_in_dim3A_88 = vector.broadcast %jit3A_87 : f32 to vector<1024x1024xf32>
    %select_n3A_89 = arith.select %eq3A_86, %broadcast_in_dim3A_88, %select_n3A_73 : vector<1024x1024xi1>, vector<1024x1024xf32>
    %reduce_min3A_90 = arith.constant dense<0x7F800000> : vector<1024xf32>
    %reduce_min3A_91 = vector.multi_reduction <minimumf>, %select_n3A_89, %reduce_min3A_90 [1] : vector<1024x1024xf32> to vector<1024xf32>
    %broadcast_in_dim3A_92 = vector.shape_cast %reduce_min3A_91 : vector<1024xf32> to vector<1024x1xf32>
    %eq3A_93 = vector.broadcast %broadcast_in_dim3A_92 : vector<1024x1xf32> to vector<1024x1024xf32>
    %eq3A_94 = arith.cmpf oeq, %select_n3A_89, %eq3A_93 : vector<1024x1024xf32>
    %jit3A_95 = arith.constant 1.024000e+03 : f32
    %broadcast_in_dim3A_96 = vector.broadcast %jit3A_95 : f32 to vector<1024x1024xf32>
    %select_n3A_97 = arith.select %eq3A_94, %convert_element_type3A, %broadcast_in_dim3A_96 : vector<1024x1024xi1>, vector<1024x1024xf32>
    %reduce_min3A_98 = arith.constant dense<0x7F800000> : vector<1024xf32>
    %reduce_min3A_99 = vector.multi_reduction <minimumf>, %select_n3A_97, %reduce_min3A_98 [1] : vector<1024x1024xf32> to vector<1024xf32>
    %broadcast_in_dim3A_100 = vector.shape_cast %reduce_min3A_99 : vector<1024xf32> to vector<1024x1xf32>
    %eq3A_101 = vector.broadcast %broadcast_in_dim3A_100 : vector<1024x1xf32> to vector<1024x1024xf32>
    %eq3A_102 = arith.cmpf oeq, %convert_element_type3A, %eq3A_101 : vector<1024x1024xf32>
    %jit3A_103 = arith.constant 0x7F800000 : f32
    %broadcast_in_dim3A_104 = vector.broadcast %jit3A_103 : f32 to vector<1024x1024xf32>
    %select_n3A_105 = arith.select %eq3A_102, %broadcast_in_dim3A_104, %select_n3A_89 : vector<1024x1024xi1>, vector<1024x1024xf32>
    %reduce_min3A_106 = arith.constant dense<0x7F800000> : vector<1024xf32>
    %reduce_min3A_107 = vector.multi_reduction <minimumf>, %select_n3A_105, %reduce_min3A_106 [1] : vector<1024x1024xf32> to vector<1024xf32>
    %broadcast_in_dim3A_108 = vector.shape_cast %reduce_min3A_107 : vector<1024xf32> to vector<1024x1xf32>
    %eq3A_109 = vector.broadcast %broadcast_in_dim3A_108 : vector<1024x1xf32> to vector<1024x1024xf32>
    %eq3A_110 = arith.cmpf oeq, %select_n3A_105, %eq3A_109 : vector<1024x1024xf32>
    %jit3A_111 = arith.constant 1.024000e+03 : f32
    %broadcast_in_dim3A_112 = vector.broadcast %jit3A_111 : f32 to vector<1024x1024xf32>
    %select_n3A_113 = arith.select %eq3A_110, %convert_element_type3A, %broadcast_in_dim3A_112 : vector<1024x1024xi1>, vector<1024x1024xf32>
    %reduce_min3A_114 = arith.constant dense<0x7F800000> : vector<1024xf32>
    %reduce_min3A_115 = vector.multi_reduction <minimumf>, %select_n3A_113, %reduce_min3A_114 [1] : vector<1024x1024xf32> to vector<1024xf32>
    %broadcast_in_dim3A_116 = vector.shape_cast %reduce_min3A_115 : vector<1024xf32> to vector<1024x1xf32>
    %eq3A_117 = vector.broadcast %broadcast_in_dim3A_116 : vector<1024x1xf32> to vector<1024x1024xf32>
    %eq3A_118 = arith.cmpf oeq, %convert_element_type3A, %eq3A_117 : vector<1024x1024xf32>
    %jit3A_119 = arith.constant 0x7F800000 : f32
    %broadcast_in_dim3A_120 = vector.broadcast %jit3A_119 : f32 to vector<1024x1024xf32>
    %select_n3A_121 = arith.select %eq3A_118, %broadcast_in_dim3A_120, %select_n3A_105 : vector<1024x1024xi1>, vector<1024x1024xf32>
    %reduce_min3A_122 = arith.constant dense<0x7F800000> : vector<1024xf32>
    %reduce_min3A_123 = vector.multi_reduction <minimumf>, %select_n3A_121, %reduce_min3A_122 [1] : vector<1024x1024xf32> to vector<1024xf32>
    %broadcast_in_dim3A_124 = vector.shape_cast %reduce_min3A_123 : vector<1024xf32> to vector<1024x1xf32>
    %eq3A_125 = vector.broadcast %broadcast_in_dim3A_124 : vector<1024x1xf32> to vector<1024x1024xf32>
    %eq3A_126 = arith.cmpf oeq, %select_n3A_121, %eq3A_125 : vector<1024x1024xf32>
    %jit3A_127 = arith.constant 1.024000e+03 : f32
    %broadcast_in_dim3A_128 = vector.broadcast %jit3A_127 : f32 to vector<1024x1024xf32>
    %select_n3A_129 = arith.select %eq3A_126, %convert_element_type3A, %broadcast_in_dim3A_128 : vector<1024x1024xi1>, vector<1024x1024xf32>
    %reduce_min3A_130 = arith.constant dense<0x7F800000> : vector<1024xf32>
    %reduce_min3A_131 = vector.multi_reduction <minimumf>, %select_n3A_129, %reduce_min3A_130 [1] : vector<1024x1024xf32> to vector<1024xf32>
    %broadcast_in_dim3A_132 = vector.shape_cast %reduce_min3A_131 : vector<1024xf32> to vector<1024x1xf32>
    %eq3A_133 = vector.broadcast %broadcast_in_dim3A_132 : vector<1024x1xf32> to vector<1024x1024xf32>
    %eq3A_134 = arith.cmpf oeq, %convert_element_type3A, %eq3A_133 : vector<1024x1024xf32>
    %jit3A_135 = arith.constant 0x7F800000 : f32
    %broadcast_in_dim3A_136 = vector.broadcast %jit3A_135 : f32 to vector<1024x1024xf32>
    %select_n3A_137 = arith.select %eq3A_134, %broadcast_in_dim3A_136, %select_n3A_121 : vector<1024x1024xi1>, vector<1024x1024xf32>
    %reduce_min3A_138 = arith.constant dense<0x7F800000> : vector<1024xf32>
    %reduce_min3A_139 = vector.multi_reduction <minimumf>, %select_n3A_137, %reduce_min3A_138 [1] : vector<1024x1024xf32> to vector<1024xf32>
    %broadcast_in_dim3A_140 = vector.shape_cast %reduce_min3A_139 : vector<1024xf32> to vector<1024x1xf32>
    %eq3A_141 = vector.broadcast %broadcast_in_dim3A_140 : vector<1024x1xf32> to vector<1024x1024xf32>
    %eq3A_142 = arith.cmpf oeq, %select_n3A_137, %eq3A_141 : vector<1024x1024xf32>
    %jit3A_143 = arith.constant 1.024000e+03 : f32
    %broadcast_in_dim3A_144 = vector.broadcast %jit3A_143 : f32 to vector<1024x1024xf32>
    %select_n3A_145 = arith.select %eq3A_142, %convert_element_type3A, %broadcast_in_dim3A_144 : vector<1024x1024xi1>, vector<1024x1024xf32>
    %reduce_min3A_146 = arith.constant dense<0x7F800000> : vector<1024xf32>
    %reduce_min3A_147 = vector.multi_reduction <minimumf>, %select_n3A_145, %reduce_min3A_146 [1] : vector<1024x1024xf32> to vector<1024xf32>
    %broadcast_in_dim3A_148 = vector.shape_cast %reduce_min3A_147 : vector<1024xf32> to vector<1024x1xf32>
    %eq3A_149 = vector.broadcast %broadcast_in_dim3A_148 : vector<1024x1xf32> to vector<1024x1024xf32>
    %eq3A_150 = arith.cmpf oeq, %convert_element_type3A, %eq3A_149 : vector<1024x1024xf32>
    %jit3A_151 = arith.constant 0x7F800000 : f32
    %broadcast_in_dim3A_152 = vector.broadcast %jit3A_151 : f32 to vector<1024x1024xf32>
    %select_n3A_153 = arith.select %eq3A_150, %broadcast_in_dim3A_152, %select_n3A_137 : vector<1024x1024xi1>, vector<1024x1024xf32>
    %reduce_min3A_154 = arith.constant dense<0x7F800000> : vector<1024xf32>
    %reduce_min3A_155 = vector.multi_reduction <minimumf>, %select_n3A_153, %reduce_min3A_154 [1] : vector<1024x1024xf32> to vector<1024xf32>
    %broadcast_in_dim3A_156 = vector.shape_cast %reduce_min3A_155 : vector<1024xf32> to vector<1024x1xf32>
    %eq3A_157 = vector.broadcast %broadcast_in_dim3A_156 : vector<1024x1xf32> to vector<1024x1024xf32>
    %eq3A_158 = arith.cmpf oeq, %select_n3A_153, %eq3A_157 : vector<1024x1024xf32>
    %jit3A_159 = arith.constant 1.024000e+03 : f32
    %broadcast_in_dim3A_160 = vector.broadcast %jit3A_159 : f32 to vector<1024x1024xf32>
    %select_n3A_161 = arith.select %eq3A_158, %convert_element_type3A, %broadcast_in_dim3A_160 : vector<1024x1024xi1>, vector<1024x1024xf32>
    %reduce_min3A_162 = arith.constant dense<0x7F800000> : vector<1024xf32>
    %reduce_min3A_163 = vector.multi_reduction <minimumf>, %select_n3A_161, %reduce_min3A_162 [1] : vector<1024x1024xf32> to vector<1024xf32>
    %broadcast_in_dim3A_164 = vector.shape_cast %reduce_min3A_163 : vector<1024xf32> to vector<1024x1xf32>
    %eq3A_165 = vector.broadcast %broadcast_in_dim3A_164 : vector<1024x1xf32> to vector<1024x1024xf32>
    %eq3A_166 = arith.cmpf oeq, %convert_element_type3A, %eq3A_165 : vector<1024x1024xf32>
    %jit3A_167 = arith.constant 0x7F800000 : f32
    %broadcast_in_dim3A_168 = vector.broadcast %jit3A_167 : f32 to vector<1024x1024xf32>
    %select_n3A_169 = arith.select %eq3A_166, %broadcast_in_dim3A_168, %select_n3A_153 : vector<1024x1024xi1>, vector<1024x1024xf32>
    %reduce_min3A_170 = arith.constant dense<0x7F800000> : vector<1024xf32>
    %reduce_min3A_171 = vector.multi_reduction <minimumf>, %select_n3A_169, %reduce_min3A_170 [1] : vector<1024x1024xf32> to vector<1024xf32>
    %broadcast_in_dim3A_172 = vector.shape_cast %reduce_min3A_171 : vector<1024xf32> to vector<1024x1xf32>
    %eq3A_173 = vector.broadcast %broadcast_in_dim3A_172 : vector<1024x1xf32> to vector<1024x1024xf32>
    %eq3A_174 = arith.cmpf oeq, %select_n3A_169, %eq3A_173 : vector<1024x1024xf32>
    %jit3A_175 = arith.constant 1.024000e+03 : f32
    %broadcast_in_dim3A_176 = vector.broadcast %jit3A_175 : f32 to vector<1024x1024xf32>
    %select_n3A_177 = arith.select %eq3A_174, %convert_element_type3A, %broadcast_in_dim3A_176 : vector<1024x1024xi1>, vector<1024x1024xf32>
    %reduce_min3A_178 = arith.constant dense<0x7F800000> : vector<1024xf32>
    %reduce_min3A_179 = vector.multi_reduction <minimumf>, %select_n3A_177, %reduce_min3A_178 [1] : vector<1024x1024xf32> to vector<1024xf32>
    %broadcast_in_dim3A_180 = vector.shape_cast %reduce_min3A_179 : vector<1024xf32> to vector<1024x1xf32>
    %eq3A_181 = vector.broadcast %broadcast_in_dim3A_180 : vector<1024x1xf32> to vector<1024x1024xf32>
    %eq3A_182 = arith.cmpf oeq, %convert_element_type3A, %eq3A_181 : vector<1024x1024xf32>
    %jit3A_183 = arith.constant 0x7F800000 : f32
    %broadcast_in_dim3A_184 = vector.broadcast %jit3A_183 : f32 to vector<1024x1024xf32>
    %select_n3A_185 = arith.select %eq3A_182, %broadcast_in_dim3A_184, %select_n3A_169 : vector<1024x1024xi1>, vector<1024x1024xf32>
    %reduce_min3A_186 = arith.constant dense<0x7F800000> : vector<1024xf32>
    %reduce_min3A_187 = vector.multi_reduction <minimumf>, %select_n3A_185, %reduce_min3A_186 [1] : vector<1024x1024xf32> to vector<1024xf32>
    %broadcast_in_dim3A_188 = vector.shape_cast %reduce_min3A_187 : vector<1024xf32> to vector<1024x1xf32>
    %eq3A_189 = vector.broadcast %broadcast_in_dim3A_188 : vector<1024x1xf32> to vector<1024x1024xf32>
    %eq3A_190 = arith.cmpf oeq, %select_n3A_185, %eq3A_189 : vector<1024x1024xf32>
    %jit3A_191 = arith.constant 1.024000e+03 : f32
    %broadcast_in_dim3A_192 = vector.broadcast %jit3A_191 : f32 to vector<1024x1024xf32>
    %select_n3A_193 = arith.select %eq3A_190, %convert_element_type3A, %broadcast_in_dim3A_192 : vector<1024x1024xi1>, vector<1024x1024xf32>
    %reduce_min3A_194 = arith.constant dense<0x7F800000> : vector<1024xf32>
    %reduce_min3A_195 = vector.multi_reduction <minimumf>, %select_n3A_193, %reduce_min3A_194 [1] : vector<1024x1024xf32> to vector<1024xf32>
    %broadcast_in_dim3A_196 = vector.shape_cast %reduce_min3A_195 : vector<1024xf32> to vector<1024x1xf32>
    %eq3A_197 = vector.broadcast %broadcast_in_dim3A_196 : vector<1024x1xf32> to vector<1024x1024xf32>
    %eq3A_198 = arith.cmpf oeq, %convert_element_type3A, %eq3A_197 : vector<1024x1024xf32>
    %jit3A_199 = arith.constant 0x7F800000 : f32
    %broadcast_in_dim3A_200 = vector.broadcast %jit3A_199 : f32 to vector<1024x1024xf32>
    %select_n3A_201 = arith.select %eq3A_198, %broadcast_in_dim3A_200, %select_n3A_185 : vector<1024x1024xi1>, vector<1024x1024xf32>
    %reduce_min3A_202 = arith.constant dense<0x7F800000> : vector<1024xf32>
    %reduce_min3A_203 = vector.multi_reduction <minimumf>, %select_n3A_201, %reduce_min3A_202 [1] : vector<1024x1024xf32> to vector<1024xf32>
    %broadcast_in_dim3A_204 = vector.shape_cast %reduce_min3A_203 : vector<1024xf32> to vector<1024x1xf32>
    %eq3A_205 = vector.broadcast %broadcast_in_dim3A_204 : vector<1024x1xf32> to vector<1024x1024xf32>
    %eq3A_206 = arith.cmpf oeq, %select_n3A_201, %eq3A_205 : vector<1024x1024xf32>
    %jit3A_207 = arith.constant 1.024000e+03 : f32
    %broadcast_in_dim3A_208 = vector.broadcast %jit3A_207 : f32 to vector<1024x1024xf32>
    %select_n3A_209 = arith.select %eq3A_206, %convert_element_type3A, %broadcast_in_dim3A_208 : vector<1024x1024xi1>, vector<1024x1024xf32>
    %reduce_min3A_210 = arith.constant dense<0x7F800000> : vector<1024xf32>
    %reduce_min3A_211 = vector.multi_reduction <minimumf>, %select_n3A_209, %reduce_min3A_210 [1] : vector<1024x1024xf32> to vector<1024xf32>
    %broadcast_in_dim3A_212 = vector.shape_cast %reduce_min3A_211 : vector<1024xf32> to vector<1024x1xf32>
    %eq3A_213 = vector.broadcast %broadcast_in_dim3A_212 : vector<1024x1xf32> to vector<1024x1024xf32>
    %eq3A_214 = arith.cmpf oeq, %convert_element_type3A, %eq3A_213 : vector<1024x1024xf32>
    %jit3A_215 = arith.constant 0x7F800000 : f32
    %broadcast_in_dim3A_216 = vector.broadcast %jit3A_215 : f32 to vector<1024x1024xf32>
    %select_n3A_217 = arith.select %eq3A_214, %broadcast_in_dim3A_216, %select_n3A_201 : vector<1024x1024xi1>, vector<1024x1024xf32>
    %reduce_min3A_218 = arith.constant dense<0x7F800000> : vector<1024xf32>
    %reduce_min3A_219 = vector.multi_reduction <minimumf>, %select_n3A_217, %reduce_min3A_218 [1] : vector<1024x1024xf32> to vector<1024xf32>
    %broadcast_in_dim3A_220 = vector.shape_cast %reduce_min3A_219 : vector<1024xf32> to vector<1024x1xf32>
    %eq3A_221 = vector.broadcast %broadcast_in_dim3A_220 : vector<1024x1xf32> to vector<1024x1024xf32>
    %eq3A_222 = arith.cmpf oeq, %select_n3A_217, %eq3A_221 : vector<1024x1024xf32>
    %jit3A_223 = arith.constant 1.024000e+03 : f32
    %broadcast_in_dim3A_224 = vector.broadcast %jit3A_223 : f32 to vector<1024x1024xf32>
    %select_n3A_225 = arith.select %eq3A_222, %convert_element_type3A, %broadcast_in_dim3A_224 : vector<1024x1024xi1>, vector<1024x1024xf32>
    %reduce_min3A_226 = arith.constant dense<0x7F800000> : vector<1024xf32>
    %reduce_min3A_227 = vector.multi_reduction <minimumf>, %select_n3A_225, %reduce_min3A_226 [1] : vector<1024x1024xf32> to vector<1024xf32>
    %broadcast_in_dim3A_228 = vector.shape_cast %reduce_min3A_227 : vector<1024xf32> to vector<1024x1xf32>
    %eq3A_229 = vector.broadcast %broadcast_in_dim3A_228 : vector<1024x1xf32> to vector<1024x1024xf32>
    %eq3A_230 = arith.cmpf oeq, %convert_element_type3A, %eq3A_229 : vector<1024x1024xf32>
    %jit3A_231 = arith.constant 0x7F800000 : f32
    %broadcast_in_dim3A_232 = vector.broadcast %jit3A_231 : f32 to vector<1024x1024xf32>
    %select_n3A_233 = arith.select %eq3A_230, %broadcast_in_dim3A_232, %select_n3A_217 : vector<1024x1024xi1>, vector<1024x1024xf32>
    %reduce_min3A_234 = arith.constant dense<0x7F800000> : vector<1024xf32>
    %reduce_min3A_235 = vector.multi_reduction <minimumf>, %select_n3A_233, %reduce_min3A_234 [1] : vector<1024x1024xf32> to vector<1024xf32>
    %broadcast_in_dim3A_236 = vector.shape_cast %reduce_min3A_235 : vector<1024xf32> to vector<1024x1xf32>
    %eq3A_237 = vector.broadcast %broadcast_in_dim3A_236 : vector<1024x1xf32> to vector<1024x1024xf32>
    %eq3A_238 = arith.cmpf oeq, %select_n3A_233, %eq3A_237 : vector<1024x1024xf32>
    %jit3A_239 = arith.constant 1.024000e+03 : f32
    %broadcast_in_dim3A_240 = vector.broadcast %jit3A_239 : f32 to vector<1024x1024xf32>
    %select_n3A_241 = arith.select %eq3A_238, %convert_element_type3A, %broadcast_in_dim3A_240 : vector<1024x1024xi1>, vector<1024x1024xf32>
    %reduce_min3A_242 = arith.constant dense<0x7F800000> : vector<1024xf32>
    %reduce_min3A_243 = vector.multi_reduction <minimumf>, %select_n3A_241, %reduce_min3A_242 [1] : vector<1024x1024xf32> to vector<1024xf32>
    %broadcast_in_dim3A_244 = vector.shape_cast %reduce_min3A_243 : vector<1024xf32> to vector<1024x1xf32>
    %eq3A_245 = vector.broadcast %broadcast_in_dim3A_244 : vector<1024x1xf32> to vector<1024x1024xf32>
    %eq3A_246 = arith.cmpf oeq, %convert_element_type3A, %eq3A_245 : vector<1024x1024xf32>
    %jit3A_247 = arith.constant 0x7F800000 : f32
    %broadcast_in_dim3A_248 = vector.broadcast %jit3A_247 : f32 to vector<1024x1024xf32>
    %select_n3A_249 = arith.select %eq3A_246, %broadcast_in_dim3A_248, %select_n3A_233 : vector<1024x1024xi1>, vector<1024x1024xf32>
    %reduce_min3A_250 = arith.constant dense<0x7F800000> : vector<1024xf32>
    %reduce_min3A_251 = vector.multi_reduction <minimumf>, %select_n3A_249, %reduce_min3A_250 [1] : vector<1024x1024xf32> to vector<1024xf32>
    %broadcast_in_dim3A_252 = vector.shape_cast %reduce_min3A_251 : vector<1024xf32> to vector<1024x1xf32>
    %eq3A_253 = vector.broadcast %broadcast_in_dim3A_252 : vector<1024x1xf32> to vector<1024x1024xf32>
    %eq3A_254 = arith.cmpf oeq, %select_n3A_249, %eq3A_253 : vector<1024x1024xf32>
    %jit3A_255 = arith.constant 1.024000e+03 : f32
    %broadcast_in_dim3A_256 = vector.broadcast %jit3A_255 : f32 to vector<1024x1024xf32>
    %select_n3A_257 = arith.select %eq3A_254, %convert_element_type3A, %broadcast_in_dim3A_256 : vector<1024x1024xi1>, vector<1024x1024xf32>
    %reduce_min3A_258 = arith.constant dense<0x7F800000> : vector<1024xf32>
    %reduce_min3A_259 = vector.multi_reduction <minimumf>, %select_n3A_257, %reduce_min3A_258 [1] : vector<1024x1024xf32> to vector<1024xf32>
    %stack3A = vector.shape_cast %reduce_min3A_19 : vector<1024xf32> to vector<1024x1xf32>
    %stack3A_260 = vector.shape_cast %reduce_min3A_35 : vector<1024xf32> to vector<1024x1xf32>
    %stack3A_261 = vector.shape_cast %reduce_min3A_51 : vector<1024xf32> to vector<1024x1xf32>
    %stack3A_262 = vector.shape_cast %reduce_min3A_67 : vector<1024xf32> to vector<1024x1xf32>
    %stack3A_263 = vector.shape_cast %reduce_min3A_83 : vector<1024xf32> to vector<1024x1xf32>
    %stack3A_264 = vector.shape_cast %reduce_min3A_99 : vector<1024xf32> to vector<1024x1xf32>
    %stack3A_265 = vector.shape_cast %reduce_min3A_115 : vector<1024xf32> to vector<1024x1xf32>
    %stack3A_266 = vector.shape_cast %reduce_min3A_131 : vector<1024xf32> to vector<1024x1xf32>
    %stack3A_267 = vector.shape_cast %reduce_min3A_147 : vector<1024xf32> to vector<1024x1xf32>
    %stack3A_268 = vector.shape_cast %reduce_min3A_163 : vector<1024xf32> to vector<1024x1xf32>
    %stack3A_269 = vector.shape_cast %reduce_min3A_179 : vector<1024xf32> to vector<1024x1xf32>
    %stack3A_270 = vector.shape_cast %reduce_min3A_195 : vector<1024xf32> to vector<1024x1xf32>
    %stack3A_271 = vector.shape_cast %reduce_min3A_211 : vector<1024xf32> to vector<1024x1xf32>
    %stack3A_272 = vector.shape_cast %reduce_min3A_227 : vector<1024xf32> to vector<1024x1xf32>
    %stack3A_273 = vector.shape_cast %reduce_min3A_243 : vector<1024xf32> to vector<1024x1xf32>
    %stack3A_274 = vector.shape_cast %reduce_min3A_259 : vector<1024xf32> to vector<1024x1xf32>
    %stack3A_275 = tpu.concatenate %stack3A, %stack3A_260, %stack3A_261, %stack3A_262, %stack3A_263, %stack3A_264, %stack3A_265, %stack3A_266, %stack3A_267, %stack3A_268, %stack3A_269, %stack3A_270, %stack3A_271, %stack3A_272, %stack3A_273, %stack3A_274 in 1 : vector<1024x1xf32>, vector<1024x1xf32>, vector<1024x1xf32>, vector<1024x1xf32>, vector<1024x1xf32>, vector<1024x1xf32>, vector<1024x1xf32>, vector<1024x1xf32>, vector<1024x1xf32>, vector<1024x1xf32>, vector<1024x1xf32>, vector<1024x1xf32>, vector<1024x1xf32>, vector<1024x1xf32>, vector<1024x1xf32>, vector<1024x1xf32> -> vector<1024x16xf32>
    %convert_element_type3A_276 = arith.fptosi %stack3A_275 : vector<1024x16xf32> to vector<1024x16xi32>
    %add3A_277 = vector.broadcast %mul3A_13 : i32 to vector<1024x16xi32>
    %add3A_278 = arith.addi %convert_element_type3A_276, %add3A_277 : vector<1024x16xi32>
    %swap3A = arith.constant 0 : index
    %swap3A_279 = arith.constant 0 : index
    %swap3A_280 = vector.load %arg5[%swap3A, %swap3A_279] : memref<1024x16xi32, #tpu.memory_space<vmem>>, vector<1024x16xi32>
    tpu.vector_store %arg5[%swap3A, %swap3A_279], %add3A_278 {strides = array<i32>} : memref<1024x16xi32, #tpu.memory_space<vmem>>, vector<1024x16xi32>,
    %get3A_281 = arith.constant 0 : index
    %get3A_282 = arith.constant 0 : index
    %get3A_283 = vector.load %arg3[%get3A_281, %get3A_282] : memref<128x64xf32, #tpu.memory_space<vmem>>, vector<64x64xf32>
    %dot_general3A_284 = arith.constant dense<0.000000e+00> : vector<1024x64xf32>
    %dot_general3A_285 = tpu.matmul %get3A_1, %get3A_283, %dot_general3A_284 {dimension_numbers = #tpu.dot_dimension_numbers<[1], [0], [0], [1], [0, 0, 1, 1], [], []>, transpose_lhs_hint = false} : vector<1024x64xf32>, vector<64x64xf32>, vector<1024x64xf32> -> vector<1024x64xf32>
    %get3A_286 = arith.constant 0 : index
    %get3A_287 = vector.load %arg4[%get3A_286] : memref<64xf32, #tpu.memory_space<vmem>>, vector<64xf32>
    %broadcast_in_dim3A_288 = vector.shape_cast %get3A_287 : vector<64xf32> to vector<1x64xf32>
    %add3A_289 = vector.broadcast %broadcast_in_dim3A_288 : vector<1x64xf32> to vector<1024x64xf32>
    %add3A_290 = arith.addf %dot_general3A_285, %add3A_289 : vector<1024x64xf32>
    %swap3A_291 = arith.constant 0 : index
    %swap3A_292 = arith.constant 0 : index
    %swap3A_293 = vector.load %arg6[%swap3A_291, %swap3A_292] : memref<1024x64xf32, #tpu.memory_space<vmem>>, vector<1024x64xf32>
    tpu.vector_store %arg6[%swap3A_291, %swap3A_292], %add3A_290 {strides = array<i32>} : memref<1024x64xf32, #tpu.memory_space<vmem>>, vector<1024x64xf32>,
    %broadcast_in_dim3A_294 = arith.constant 0.000000e+00 : f32
    %broadcast_in_dim3A_295 = vector.broadcast %broadcast_in_dim3A_294 : f32 to vector<1024x64xf32>
    %concatenate3A = tpu.concatenate %get3A_1, %broadcast_in_dim3A_295 in 1 : vector<1024x64xf32>, vector<1024x64xf32> -> vector<1024x128xf32>
    %swap3A_296 = arith.constant 0 : index
    %swap3A_297 = arith.constant 0 : index
    %swap3A_298 = vector.load %arg7[%swap3A_296, %swap3A_297] : memref<1024x128xf32, #tpu.memory_space<vmem>>, vector<1024x128xf32>
    tpu.vector_store %arg7[%swap3A_296, %swap3A_297], %concatenate3A {strides = array<i32>} : memref<1024x128xf32, #tpu.memory_space<vmem>>, vector<1024x128xf32>,
    return
  }
  func.func @transform_0(%arg0: i32) -> (i32, i32) {
    %c0_i32 = arith.constant 0 : i32
    %c0_i32_0 = arith.constant 0 : i32
    return %arg0, %c0_i32 : i32, i32
  }
  func.func @transform_1(%arg0: i32) -> (i32, i32, i32) {
    %c0_i32 = arith.constant 0 : i32
    %c0_i32_0 = arith.constant 0 : i32
    %c0_i32_1 = arith.constant 0 : i32
    return %arg0, %c0_i32, %c0_i32_0 : i32, i32, i32
  }
  func.func @transform_2(%arg0: i32) -> (i32, i32) {
    %c0_i32 = arith.constant 0 : i32
    %c0_i32_0 = arith.constant 0 : i32
    %c0_i32_1 = arith.constant 0 : i32
    return %c0_i32, %c0_i32_0 : i32, i32
  }
  func.func @transform_3(%arg0: i32) -> i32 {
    %c0_i32 = arith.constant 0 : i32
    %c0_i32_0 = arith.constant 0 : i32
    return %c0_i32 : i32
  }
  func.func @transform_4(%arg0: i32) -> (i32, i32) {
    %c0_i32 = arith.constant 0 : i32
    %c0_i32_0 = arith.constant 0 : i32
    return %arg0, %c0_i32 : i32, i32
  }
  func.func @transform_5(%arg0: i32) -> (i32, i32) {
    %c0_i32 = arith.constant 0 : i32
    %c0_i32_0 = arith.constant 0 : i32
    return %arg0, %c0_i32 : i32, i32
  }
  func.func @transform_6(%arg0: i32) -> (i32, i32) {
    %c0_i32 = arith.constant 0 : i32
    %c0_i32_0 = arith.constant 0 : i32
    return %arg0, %c0_i32 : i32, i32
  }
}

module attributes {stable_mosaic.version = 14 : i64} {
  func.func @_conv_c_body(%arg0: i32, %arg1: memref<8192x128xf32, #tpu.memory_space<vmem>>, %arg2: memref<512x64xf32, #tpu.memory_space<vmem>>, %arg3: memref<512x64xf32, #tpu.memory_space<vmem>>, %arg4: memref<64x64xf32, #tpu.memory_space<vmem>>, %arg5: memref<512x64xf32, #tpu.memory_space<vmem>>) attributes {dimension_semantics = [#tpu.dimension_semantics<arbitrary>], iteration_bounds = array<i64: 8>, scalar_prefetch = 0 : i64, scratch_operands = 0 : i64, tpu.core_type = #tpu.core_type<tc>, window_params = [{transform_indices = @transform_0, window_bounds = array<i64: 8192, 128>}, {transform_indices = @transform_1, window_bounds = array<i64: 512, 64>}, {transform_indices = @transform_2, window_bounds = array<i64: 512, 64>}, {pipeline_mode = #tpu.pipeline_mode<synchronous>, transform_indices = @transform_3, window_bounds = array<i64: 64, 64>}, {transform_indices = @transform_4, window_bounds = array<i64: 512, 64>}]} {
    %get3A = arith.constant 0 : index
    %get3A_0 = arith.constant 0 : index
    %get3A_1 = vector.load %arg1[%get3A, %get3A_0] : memref<8192x128xf32, #tpu.memory_space<vmem>>, vector<8192x64xf32>
    %get3A_2 = arith.constant 0 : index
    %get3A_3 = arith.constant 0 : index
    %get3A_4 = vector.load %arg2[%get3A_2, %get3A_3] : memref<512x64xf32, #tpu.memory_space<vmem>>, vector<512x64xf32>
    %reshape3A = vector.shape_cast %get3A_1 : vector<8192x64xf32> to vector<512x16x64xf32>
    %broadcast_in_dim3A = vector.shape_cast %get3A_4 : vector<512x64xf32> to vector<512x1x64xf32>
    %sub3A = vector.broadcast %broadcast_in_dim3A : vector<512x1x64xf32> to vector<512x16x64xf32>
    %sub3A_5 = arith.subf %reshape3A, %sub3A : vector<512x16x64xf32>
    %reshape3A_6 = vector.shape_cast %sub3A_5 : vector<512x16x64xf32> to vector<8192x64xf32>
    %get3A_7 = arith.constant 0 : index
    %get3A_8 = arith.constant 0 : index
    %get3A_9 = vector.load %arg4[%get3A_7, %get3A_8] : memref<64x64xf32, #tpu.memory_space<vmem>>, vector<64x64xf32>
    %dot_general3A = arith.constant dense<0.000000e+00> : vector<8192x64xf32>
    %dot_general3A_10 = tpu.matmul %reshape3A_6, %get3A_9, %dot_general3A {dimension_numbers = #tpu.dot_dimension_numbers<[1], [0], [0], [1], [0, 0, 1, 1], [], []>, transpose_lhs_hint = false} : vector<8192x64xf32>, vector<64x64xf32>, vector<8192x64xf32> -> vector<8192x64xf32>
    %reshape3A_11 = vector.shape_cast %dot_general3A_10 : vector<8192x64xf32> to vector<512x16x64xf32>
    %reduce_max3A = arith.constant dense<0xFF800000> : vector<512x64xf32>
    %reduce_max3A_12 = vector.multi_reduction <maximumf>, %reshape3A_11, %reduce_max3A [1] : vector<512x16x64xf32> to vector<512x64xf32>
    %get3A_13 = arith.constant 0 : index
    %get3A_14 = arith.constant 0 : index
    %get3A_15 = vector.load %arg3[%get3A_13, %get3A_14] : memref<512x64xf32, #tpu.memory_space<vmem>>, vector<512x64xf32>
    %add3A = arith.addf %get3A_15, %reduce_max3A_12 : vector<512x64xf32>
    %swap3A = arith.constant 0 : index
    %swap3A_16 = arith.constant 0 : index
    %swap3A_17 = vector.load %arg5[%swap3A, %swap3A_16] : memref<512x64xf32, #tpu.memory_space<vmem>>, vector<512x64xf32>
    tpu.vector_store %arg5[%swap3A, %swap3A_16], %add3A {strides = array<i32>} : memref<512x64xf32, #tpu.memory_space<vmem>>, vector<512x64xf32>,
    return
  }
  func.func @transform_0(%arg0: i32) -> (i32, i32) {
    %c0_i32 = arith.constant 0 : i32
    %c0_i32_0 = arith.constant 0 : i32
    return %arg0, %c0_i32 : i32, i32
  }
  func.func @transform_1(%arg0: i32) -> (i32, i32) {
    %c0_i32 = arith.constant 0 : i32
    %c0_i32_0 = arith.constant 0 : i32
    return %arg0, %c0_i32 : i32, i32
  }
  func.func @transform_2(%arg0: i32) -> (i32, i32) {
    %c0_i32 = arith.constant 0 : i32
    %c0_i32_0 = arith.constant 0 : i32
    return %arg0, %c0_i32 : i32, i32
  }
  func.func @transform_3(%arg0: i32) -> (i32, i32) {
    %c0_i32 = arith.constant 0 : i32
    %c0_i32_0 = arith.constant 0 : i32
    %c0_i32_1 = arith.constant 0 : i32
    return %c0_i32, %c0_i32_0 : i32, i32
  }
  func.func @transform_4(%arg0: i32) -> (i32, i32) {
    %c0_i32 = arith.constant 0 : i32
    %c0_i32_0 = arith.constant 0 : i32
    return %arg0, %c0_i32 : i32, i32
  }
}

module attributes {stable_mosaic.version = 14 : i64} {
  func.func @_conv_a_body(%arg0: i32, %arg1: memref<1024x64xf32, #tpu.memory_space<vmem>>, %arg2: memref<1x1x1024xf32, #tpu.memory_space<vmem>>, %arg3: memref<128x128xf32, #tpu.memory_space<vmem>>, %arg4: memref<128xf32, #tpu.memory_space<vmem>>, %arg5: memref<1024x16xi32, #tpu.memory_space<vmem>>, %arg6: memref<1024x128xf32, #tpu.memory_space<vmem>>, %arg7: memref<1024x128xf32, #tpu.memory_space<vmem>>) attributes {dimension_semantics = [#tpu.dimension_semantics<arbitrary>], iteration_bounds = array<i64: 4>, scalar_prefetch = 0 : i64, scratch_operands = 0 : i64, tpu.core_type = #tpu.core_type<tc>, window_params = [{transform_indices = @transform_0, window_bounds = array<i64: 1024, 64>}, {transform_indices = @transform_1, window_bounds = array<i64: 1, 1, 1024>}, {pipeline_mode = #tpu.pipeline_mode<synchronous>, transform_indices = @transform_2, window_bounds = array<i64: 128, 128>}, {pipeline_mode = #tpu.pipeline_mode<synchronous>, transform_indices = @transform_3, window_bounds = array<i64: 128>}, {transform_indices = @transform_4, window_bounds = array<i64: 1024, 16>}, {transform_indices = @transform_5, window_bounds = array<i64: 1024, 128>}, {transform_indices = @transform_6, window_bounds = array<i64: 1024, 128>}]} {
    %get3A = arith.constant 0 : index
    %get3A_0 = arith.constant 0 : index
    %get3A_1 = vector.load %arg1[%get3A, %get3A_0] : memref<1024x64xf32, #tpu.memory_space<vmem>>, vector<1024x64xf32>
    %dot_general3A = arith.constant dense<0.000000e+00> : vector<1024x1024xf32>
    %dot_general3A_2 = tpu.matmul %get3A_1, %get3A_1, %dot_general3A {dimension_numbers = #tpu.dot_dimension_numbers<[1], [1], [0], [0], [0, 0, 1, 0], [], []>, transpose_lhs_hint = false} : vector<1024x64xf32>, vector<1024x64xf32>, vector<1024x1024xf32> -> vector<1024x1024xf32>
    %get3A_3 = arith.constant 0 : index
    %get3A_4 = arith.constant 0 : index
    %get3A_5 = arith.constant 0 : index
    %get3A_6 = vector.load %arg2[%get3A_3, %get3A_4, %get3A_5] : memref<1x1x1024xf32, #tpu.memory_space<vmem>>, vector<1x1x1024xf32>
    %squeeze3A = vector.shape_cast %get3A_6 : vector<1x1x1024xf32> to vector<1024xf32>
    %broadcast_in_dim3A = vector.shape_cast %squeeze3A : vector<1024xf32> to vector<1024x1xf32>
    %broadcast_in_dim3A_7 = vector.shape_cast %squeeze3A : vector<1024xf32> to vector<1x1024xf32>
    %add3A = vector.broadcast %broadcast_in_dim3A : vector<1024x1xf32> to vector<1024x1024xf32>
    %add3A_8 = vector.broadcast %broadcast_in_dim3A_7 : vector<1x1024xf32> to vector<1024x1024xf32>
    %add3A_9 = arith.addf %add3A, %add3A_8 : vector<1024x1024xf32>
    %mul3A = arith.constant 2.000000e+00 : f32
    %mul3A_10 = vector.broadcast %mul3A : f32 to vector<1024x1024xf32>
    %mul3A_11 = arith.mulf %mul3A_10, %dot_general3A_2 : vector<1024x1024xf32>
    %sub3A = arith.subf %add3A_9, %mul3A_11 : vector<1024x1024xf32>
    %iota3A = tpu.iota {dimensions = array<i32: 1>} : vector<1024x1024xi32>
    %convert_element_type3A = arith.sitofp %iota3A : vector<1024x1024xi32> to vector<1024x1024xf32>
    %mul3A_12 = arith.constant 1024 : i32
    %mul3A_13 = arith.muli %arg0, %mul3A_12 : i32
    %reduce_min3A = arith.constant dense<0x7F800000> : vector<1024xf32>
    %reduce_min3A_14 = vector.multi_reduction <minimumf>, %sub3A, %reduce_min3A [1] : vector<1024x1024xf32> to vector<1024xf32>
    %broadcast_in_dim3A_15 = vector.shape_cast %reduce_min3A_14 : vector<1024xf32> to vector<1024x1xf32>
    %eq3A = vector.broadcast %broadcast_in_dim3A_15 : vector<1024x1xf32> to vector<1024x1024xf32>
    %eq3A_16 = arith.cmpf oeq, %sub3A, %eq3A : vector<1024x1024xf32>
    %jit3A = arith.constant 1.024000e+03 : f32
    %broadcast_in_dim3A_17 = vector.broadcast %jit3A : f32 to vector<1024x1024xf32>
    %select_n3A = arith.select %eq3A_16, %convert_element_type3A, %broadcast_in_dim3A_17 : vector<1024x1024xi1>, vector<1024x1024xf32>
    %reduce_min3A_18 = arith.constant dense<0x7F800000> : vector<1024xf32>
    %reduce_min3A_19 = vector.multi_reduction <minimumf>, %select_n3A, %reduce_min3A_18 [1] : vector<1024x1024xf32> to vector<1024xf32>
    %broadcast_in_dim3A_20 = vector.shape_cast %reduce_min3A_19 : vector<1024xf32> to vector<1024x1xf32>
    %eq3A_21 = vector.broadcast %broadcast_in_dim3A_20 : vector<1024x1xf32> to vector<1024x1024xf32>
    %eq3A_22 = arith.cmpf oeq, %convert_element_type3A, %eq3A_21 : vector<1024x1024xf32>
    %jit3A_23 = arith.constant 0x7F800000 : f32
    %broadcast_in_dim3A_24 = vector.broadcast %jit3A_23 : f32 to vector<1024x1024xf32>
    %select_n3A_25 = arith.select %eq3A_22, %broadcast_in_dim3A_24, %sub3A : vector<1024x1024xi1>, vector<1024x1024xf32>
    %reduce_min3A_26 = arith.constant dense<0x7F800000> : vector<1024xf32>
    %reduce_min3A_27 = vector.multi_reduction <minimumf>, %select_n3A_25, %reduce_min3A_26 [1] : vector<1024x1024xf32> to vector<1024xf32>
    %broadcast_in_dim3A_28 = vector.shape_cast %reduce_min3A_27 : vector<1024xf32> to vector<1024x1xf32>
    %eq3A_29 = vector.broadcast %broadcast_in_dim3A_28 : vector<1024x1xf32> to vector<1024x1024xf32>
    %eq3A_30 = arith.cmpf oeq, %select_n3A_25, %eq3A_29 : vector<1024x1024xf32>
    %jit3A_31 = arith.constant 1.024000e+03 : f32
    %broadcast_in_dim3A_32 = vector.broadcast %jit3A_31 : f32 to vector<1024x1024xf32>
    %select_n3A_33 = arith.select %eq3A_30, %convert_element_type3A, %broadcast_in_dim3A_32 : vector<1024x1024xi1>, vector<1024x1024xf32>
    %reduce_min3A_34 = arith.constant dense<0x7F800000> : vector<1024xf32>
    %reduce_min3A_35 = vector.multi_reduction <minimumf>, %select_n3A_33, %reduce_min3A_34 [1] : vector<1024x1024xf32> to vector<1024xf32>
    %broadcast_in_dim3A_36 = vector.shape_cast %reduce_min3A_35 : vector<1024xf32> to vector<1024x1xf32>
    %eq3A_37 = vector.broadcast %broadcast_in_dim3A_36 : vector<1024x1xf32> to vector<1024x1024xf32>
    %eq3A_38 = arith.cmpf oeq, %convert_element_type3A, %eq3A_37 : vector<1024x1024xf32>
    %jit3A_39 = arith.constant 0x7F800000 : f32
    %broadcast_in_dim3A_40 = vector.broadcast %jit3A_39 : f32 to vector<1024x1024xf32>
    %select_n3A_41 = arith.select %eq3A_38, %broadcast_in_dim3A_40, %select_n3A_25 : vector<1024x1024xi1>, vector<1024x1024xf32>
    %reduce_min3A_42 = arith.constant dense<0x7F800000> : vector<1024xf32>
    %reduce_min3A_43 = vector.multi_reduction <minimumf>, %select_n3A_41, %reduce_min3A_42 [1] : vector<1024x1024xf32> to vector<1024xf32>
    %broadcast_in_dim3A_44 = vector.shape_cast %reduce_min3A_43 : vector<1024xf32> to vector<1024x1xf32>
    %eq3A_45 = vector.broadcast %broadcast_in_dim3A_44 : vector<1024x1xf32> to vector<1024x1024xf32>
    %eq3A_46 = arith.cmpf oeq, %select_n3A_41, %eq3A_45 : vector<1024x1024xf32>
    %jit3A_47 = arith.constant 1.024000e+03 : f32
    %broadcast_in_dim3A_48 = vector.broadcast %jit3A_47 : f32 to vector<1024x1024xf32>
    %select_n3A_49 = arith.select %eq3A_46, %convert_element_type3A, %broadcast_in_dim3A_48 : vector<1024x1024xi1>, vector<1024x1024xf32>
    %reduce_min3A_50 = arith.constant dense<0x7F800000> : vector<1024xf32>
    %reduce_min3A_51 = vector.multi_reduction <minimumf>, %select_n3A_49, %reduce_min3A_50 [1] : vector<1024x1024xf32> to vector<1024xf32>
    %broadcast_in_dim3A_52 = vector.shape_cast %reduce_min3A_51 : vector<1024xf32> to vector<1024x1xf32>
    %eq3A_53 = vector.broadcast %broadcast_in_dim3A_52 : vector<1024x1xf32> to vector<1024x1024xf32>
    %eq3A_54 = arith.cmpf oeq, %convert_element_type3A, %eq3A_53 : vector<1024x1024xf32>
    %jit3A_55 = arith.constant 0x7F800000 : f32
    %broadcast_in_dim3A_56 = vector.broadcast %jit3A_55 : f32 to vector<1024x1024xf32>
    %select_n3A_57 = arith.select %eq3A_54, %broadcast_in_dim3A_56, %select_n3A_41 : vector<1024x1024xi1>, vector<1024x1024xf32>
    %reduce_min3A_58 = arith.constant dense<0x7F800000> : vector<1024xf32>
    %reduce_min3A_59 = vector.multi_reduction <minimumf>, %select_n3A_57, %reduce_min3A_58 [1] : vector<1024x1024xf32> to vector<1024xf32>
    %broadcast_in_dim3A_60 = vector.shape_cast %reduce_min3A_59 : vector<1024xf32> to vector<1024x1xf32>
    %eq3A_61 = vector.broadcast %broadcast_in_dim3A_60 : vector<1024x1xf32> to vector<1024x1024xf32>
    %eq3A_62 = arith.cmpf oeq, %select_n3A_57, %eq3A_61 : vector<1024x1024xf32>
    %jit3A_63 = arith.constant 1.024000e+03 : f32
    %broadcast_in_dim3A_64 = vector.broadcast %jit3A_63 : f32 to vector<1024x1024xf32>
    %select_n3A_65 = arith.select %eq3A_62, %convert_element_type3A, %broadcast_in_dim3A_64 : vector<1024x1024xi1>, vector<1024x1024xf32>
    %reduce_min3A_66 = arith.constant dense<0x7F800000> : vector<1024xf32>
    %reduce_min3A_67 = vector.multi_reduction <minimumf>, %select_n3A_65, %reduce_min3A_66 [1] : vector<1024x1024xf32> to vector<1024xf32>
    %broadcast_in_dim3A_68 = vector.shape_cast %reduce_min3A_67 : vector<1024xf32> to vector<1024x1xf32>
    %eq3A_69 = vector.broadcast %broadcast_in_dim3A_68 : vector<1024x1xf32> to vector<1024x1024xf32>
    %eq3A_70 = arith.cmpf oeq, %convert_element_type3A, %eq3A_69 : vector<1024x1024xf32>
    %jit3A_71 = arith.constant 0x7F800000 : f32
    %broadcast_in_dim3A_72 = vector.broadcast %jit3A_71 : f32 to vector<1024x1024xf32>
    %select_n3A_73 = arith.select %eq3A_70, %broadcast_in_dim3A_72, %select_n3A_57 : vector<1024x1024xi1>, vector<1024x1024xf32>
    %reduce_min3A_74 = arith.constant dense<0x7F800000> : vector<1024xf32>
    %reduce_min3A_75 = vector.multi_reduction <minimumf>, %select_n3A_73, %reduce_min3A_74 [1] : vector<1024x1024xf32> to vector<1024xf32>
    %broadcast_in_dim3A_76 = vector.shape_cast %reduce_min3A_75 : vector<1024xf32> to vector<1024x1xf32>
    %eq3A_77 = vector.broadcast %broadcast_in_dim3A_76 : vector<1024x1xf32> to vector<1024x1024xf32>
    %eq3A_78 = arith.cmpf oeq, %select_n3A_73, %eq3A_77 : vector<1024x1024xf32>
    %jit3A_79 = arith.constant 1.024000e+03 : f32
    %broadcast_in_dim3A_80 = vector.broadcast %jit3A_79 : f32 to vector<1024x1024xf32>
    %select_n3A_81 = arith.select %eq3A_78, %convert_element_type3A, %broadcast_in_dim3A_80 : vector<1024x1024xi1>, vector<1024x1024xf32>
    %reduce_min3A_82 = arith.constant dense<0x7F800000> : vector<1024xf32>
    %reduce_min3A_83 = vector.multi_reduction <minimumf>, %select_n3A_81, %reduce_min3A_82 [1] : vector<1024x1024xf32> to vector<1024xf32>
    %broadcast_in_dim3A_84 = vector.shape_cast %reduce_min3A_83 : vector<1024xf32> to vector<1024x1xf32>
    %eq3A_85 = vector.broadcast %broadcast_in_dim3A_84 : vector<1024x1xf32> to vector<1024x1024xf32>
    %eq3A_86 = arith.cmpf oeq, %convert_element_type3A, %eq3A_85 : vector<1024x1024xf32>
    %jit3A_87 = arith.constant 0x7F800000 : f32
    %broadcast_in_dim3A_88 = vector.broadcast %jit3A_87 : f32 to vector<1024x1024xf32>
    %select_n3A_89 = arith.select %eq3A_86, %broadcast_in_dim3A_88, %select_n3A_73 : vector<1024x1024xi1>, vector<1024x1024xf32>
    %reduce_min3A_90 = arith.constant dense<0x7F800000> : vector<1024xf32>
    %reduce_min3A_91 = vector.multi_reduction <minimumf>, %select_n3A_89, %reduce_min3A_90 [1] : vector<1024x1024xf32> to vector<1024xf32>
    %broadcast_in_dim3A_92 = vector.shape_cast %reduce_min3A_91 : vector<1024xf32> to vector<1024x1xf32>
    %eq3A_93 = vector.broadcast %broadcast_in_dim3A_92 : vector<1024x1xf32> to vector<1024x1024xf32>
    %eq3A_94 = arith.cmpf oeq, %select_n3A_89, %eq3A_93 : vector<1024x1024xf32>
    %jit3A_95 = arith.constant 1.024000e+03 : f32
    %broadcast_in_dim3A_96 = vector.broadcast %jit3A_95 : f32 to vector<1024x1024xf32>
    %select_n3A_97 = arith.select %eq3A_94, %convert_element_type3A, %broadcast_in_dim3A_96 : vector<1024x1024xi1>, vector<1024x1024xf32>
    %reduce_min3A_98 = arith.constant dense<0x7F800000> : vector<1024xf32>
    %reduce_min3A_99 = vector.multi_reduction <minimumf>, %select_n3A_97, %reduce_min3A_98 [1] : vector<1024x1024xf32> to vector<1024xf32>
    %broadcast_in_dim3A_100 = vector.shape_cast %reduce_min3A_99 : vector<1024xf32> to vector<1024x1xf32>
    %eq3A_101 = vector.broadcast %broadcast_in_dim3A_100 : vector<1024x1xf32> to vector<1024x1024xf32>
    %eq3A_102 = arith.cmpf oeq, %convert_element_type3A, %eq3A_101 : vector<1024x1024xf32>
    %jit3A_103 = arith.constant 0x7F800000 : f32
    %broadcast_in_dim3A_104 = vector.broadcast %jit3A_103 : f32 to vector<1024x1024xf32>
    %select_n3A_105 = arith.select %eq3A_102, %broadcast_in_dim3A_104, %select_n3A_89 : vector<1024x1024xi1>, vector<1024x1024xf32>
    %reduce_min3A_106 = arith.constant dense<0x7F800000> : vector<1024xf32>
    %reduce_min3A_107 = vector.multi_reduction <minimumf>, %select_n3A_105, %reduce_min3A_106 [1] : vector<1024x1024xf32> to vector<1024xf32>
    %broadcast_in_dim3A_108 = vector.shape_cast %reduce_min3A_107 : vector<1024xf32> to vector<1024x1xf32>
    %eq3A_109 = vector.broadcast %broadcast_in_dim3A_108 : vector<1024x1xf32> to vector<1024x1024xf32>
    %eq3A_110 = arith.cmpf oeq, %select_n3A_105, %eq3A_109 : vector<1024x1024xf32>
    %jit3A_111 = arith.constant 1.024000e+03 : f32
    %broadcast_in_dim3A_112 = vector.broadcast %jit3A_111 : f32 to vector<1024x1024xf32>
    %select_n3A_113 = arith.select %eq3A_110, %convert_element_type3A, %broadcast_in_dim3A_112 : vector<1024x1024xi1>, vector<1024x1024xf32>
    %reduce_min3A_114 = arith.constant dense<0x7F800000> : vector<1024xf32>
    %reduce_min3A_115 = vector.multi_reduction <minimumf>, %select_n3A_113, %reduce_min3A_114 [1] : vector<1024x1024xf32> to vector<1024xf32>
    %broadcast_in_dim3A_116 = vector.shape_cast %reduce_min3A_115 : vector<1024xf32> to vector<1024x1xf32>
    %eq3A_117 = vector.broadcast %broadcast_in_dim3A_116 : vector<1024x1xf32> to vector<1024x1024xf32>
    %eq3A_118 = arith.cmpf oeq, %convert_element_type3A, %eq3A_117 : vector<1024x1024xf32>
    %jit3A_119 = arith.constant 0x7F800000 : f32
    %broadcast_in_dim3A_120 = vector.broadcast %jit3A_119 : f32 to vector<1024x1024xf32>
    %select_n3A_121 = arith.select %eq3A_118, %broadcast_in_dim3A_120, %select_n3A_105 : vector<1024x1024xi1>, vector<1024x1024xf32>
    %reduce_min3A_122 = arith.constant dense<0x7F800000> : vector<1024xf32>
    %reduce_min3A_123 = vector.multi_reduction <minimumf>, %select_n3A_121, %reduce_min3A_122 [1] : vector<1024x1024xf32> to vector<1024xf32>
    %broadcast_in_dim3A_124 = vector.shape_cast %reduce_min3A_123 : vector<1024xf32> to vector<1024x1xf32>
    %eq3A_125 = vector.broadcast %broadcast_in_dim3A_124 : vector<1024x1xf32> to vector<1024x1024xf32>
    %eq3A_126 = arith.cmpf oeq, %select_n3A_121, %eq3A_125 : vector<1024x1024xf32>
    %jit3A_127 = arith.constant 1.024000e+03 : f32
    %broadcast_in_dim3A_128 = vector.broadcast %jit3A_127 : f32 to vector<1024x1024xf32>
    %select_n3A_129 = arith.select %eq3A_126, %convert_element_type3A, %broadcast_in_dim3A_128 : vector<1024x1024xi1>, vector<1024x1024xf32>
    %reduce_min3A_130 = arith.constant dense<0x7F800000> : vector<1024xf32>
    %reduce_min3A_131 = vector.multi_reduction <minimumf>, %select_n3A_129, %reduce_min3A_130 [1] : vector<1024x1024xf32> to vector<1024xf32>
    %broadcast_in_dim3A_132 = vector.shape_cast %reduce_min3A_131 : vector<1024xf32> to vector<1024x1xf32>
    %eq3A_133 = vector.broadcast %broadcast_in_dim3A_132 : vector<1024x1xf32> to vector<1024x1024xf32>
    %eq3A_134 = arith.cmpf oeq, %convert_element_type3A, %eq3A_133 : vector<1024x1024xf32>
    %jit3A_135 = arith.constant 0x7F800000 : f32
    %broadcast_in_dim3A_136 = vector.broadcast %jit3A_135 : f32 to vector<1024x1024xf32>
    %select_n3A_137 = arith.select %eq3A_134, %broadcast_in_dim3A_136, %select_n3A_121 : vector<1024x1024xi1>, vector<1024x1024xf32>
    %reduce_min3A_138 = arith.constant dense<0x7F800000> : vector<1024xf32>
    %reduce_min3A_139 = vector.multi_reduction <minimumf>, %select_n3A_137, %reduce_min3A_138 [1] : vector<1024x1024xf32> to vector<1024xf32>
    %broadcast_in_dim3A_140 = vector.shape_cast %reduce_min3A_139 : vector<1024xf32> to vector<1024x1xf32>
    %eq3A_141 = vector.broadcast %broadcast_in_dim3A_140 : vector<1024x1xf32> to vector<1024x1024xf32>
    %eq3A_142 = arith.cmpf oeq, %select_n3A_137, %eq3A_141 : vector<1024x1024xf32>
    %jit3A_143 = arith.constant 1.024000e+03 : f32
    %broadcast_in_dim3A_144 = vector.broadcast %jit3A_143 : f32 to vector<1024x1024xf32>
    %select_n3A_145 = arith.select %eq3A_142, %convert_element_type3A, %broadcast_in_dim3A_144 : vector<1024x1024xi1>, vector<1024x1024xf32>
    %reduce_min3A_146 = arith.constant dense<0x7F800000> : vector<1024xf32>
    %reduce_min3A_147 = vector.multi_reduction <minimumf>, %select_n3A_145, %reduce_min3A_146 [1] : vector<1024x1024xf32> to vector<1024xf32>
    %broadcast_in_dim3A_148 = vector.shape_cast %reduce_min3A_147 : vector<1024xf32> to vector<1024x1xf32>
    %eq3A_149 = vector.broadcast %broadcast_in_dim3A_148 : vector<1024x1xf32> to vector<1024x1024xf32>
    %eq3A_150 = arith.cmpf oeq, %convert_element_type3A, %eq3A_149 : vector<1024x1024xf32>
    %jit3A_151 = arith.constant 0x7F800000 : f32
    %broadcast_in_dim3A_152 = vector.broadcast %jit3A_151 : f32 to vector<1024x1024xf32>
    %select_n3A_153 = arith.select %eq3A_150, %broadcast_in_dim3A_152, %select_n3A_137 : vector<1024x1024xi1>, vector<1024x1024xf32>
    %reduce_min3A_154 = arith.constant dense<0x7F800000> : vector<1024xf32>
    %reduce_min3A_155 = vector.multi_reduction <minimumf>, %select_n3A_153, %reduce_min3A_154 [1] : vector<1024x1024xf32> to vector<1024xf32>
    %broadcast_in_dim3A_156 = vector.shape_cast %reduce_min3A_155 : vector<1024xf32> to vector<1024x1xf32>
    %eq3A_157 = vector.broadcast %broadcast_in_dim3A_156 : vector<1024x1xf32> to vector<1024x1024xf32>
    %eq3A_158 = arith.cmpf oeq, %select_n3A_153, %eq3A_157 : vector<1024x1024xf32>
    %jit3A_159 = arith.constant 1.024000e+03 : f32
    %broadcast_in_dim3A_160 = vector.broadcast %jit3A_159 : f32 to vector<1024x1024xf32>
    %select_n3A_161 = arith.select %eq3A_158, %convert_element_type3A, %broadcast_in_dim3A_160 : vector<1024x1024xi1>, vector<1024x1024xf32>
    %reduce_min3A_162 = arith.constant dense<0x7F800000> : vector<1024xf32>
    %reduce_min3A_163 = vector.multi_reduction <minimumf>, %select_n3A_161, %reduce_min3A_162 [1] : vector<1024x1024xf32> to vector<1024xf32>
    %broadcast_in_dim3A_164 = vector.shape_cast %reduce_min3A_163 : vector<1024xf32> to vector<1024x1xf32>
    %eq3A_165 = vector.broadcast %broadcast_in_dim3A_164 : vector<1024x1xf32> to vector<1024x1024xf32>
    %eq3A_166 = arith.cmpf oeq, %convert_element_type3A, %eq3A_165 : vector<1024x1024xf32>
    %jit3A_167 = arith.constant 0x7F800000 : f32
    %broadcast_in_dim3A_168 = vector.broadcast %jit3A_167 : f32 to vector<1024x1024xf32>
    %select_n3A_169 = arith.select %eq3A_166, %broadcast_in_dim3A_168, %select_n3A_153 : vector<1024x1024xi1>, vector<1024x1024xf32>
    %reduce_min3A_170 = arith.constant dense<0x7F800000> : vector<1024xf32>
    %reduce_min3A_171 = vector.multi_reduction <minimumf>, %select_n3A_169, %reduce_min3A_170 [1] : vector<1024x1024xf32> to vector<1024xf32>
    %broadcast_in_dim3A_172 = vector.shape_cast %reduce_min3A_171 : vector<1024xf32> to vector<1024x1xf32>
    %eq3A_173 = vector.broadcast %broadcast_in_dim3A_172 : vector<1024x1xf32> to vector<1024x1024xf32>
    %eq3A_174 = arith.cmpf oeq, %select_n3A_169, %eq3A_173 : vector<1024x1024xf32>
    %jit3A_175 = arith.constant 1.024000e+03 : f32
    %broadcast_in_dim3A_176 = vector.broadcast %jit3A_175 : f32 to vector<1024x1024xf32>
    %select_n3A_177 = arith.select %eq3A_174, %convert_element_type3A, %broadcast_in_dim3A_176 : vector<1024x1024xi1>, vector<1024x1024xf32>
    %reduce_min3A_178 = arith.constant dense<0x7F800000> : vector<1024xf32>
    %reduce_min3A_179 = vector.multi_reduction <minimumf>, %select_n3A_177, %reduce_min3A_178 [1] : vector<1024x1024xf32> to vector<1024xf32>
    %broadcast_in_dim3A_180 = vector.shape_cast %reduce_min3A_179 : vector<1024xf32> to vector<1024x1xf32>
    %eq3A_181 = vector.broadcast %broadcast_in_dim3A_180 : vector<1024x1xf32> to vector<1024x1024xf32>
    %eq3A_182 = arith.cmpf oeq, %convert_element_type3A, %eq3A_181 : vector<1024x1024xf32>
    %jit3A_183 = arith.constant 0x7F800000 : f32
    %broadcast_in_dim3A_184 = vector.broadcast %jit3A_183 : f32 to vector<1024x1024xf32>
    %select_n3A_185 = arith.select %eq3A_182, %broadcast_in_dim3A_184, %select_n3A_169 : vector<1024x1024xi1>, vector<1024x1024xf32>
    %reduce_min3A_186 = arith.constant dense<0x7F800000> : vector<1024xf32>
    %reduce_min3A_187 = vector.multi_reduction <minimumf>, %select_n3A_185, %reduce_min3A_186 [1] : vector<1024x1024xf32> to vector<1024xf32>
    %broadcast_in_dim3A_188 = vector.shape_cast %reduce_min3A_187 : vector<1024xf32> to vector<1024x1xf32>
    %eq3A_189 = vector.broadcast %broadcast_in_dim3A_188 : vector<1024x1xf32> to vector<1024x1024xf32>
    %eq3A_190 = arith.cmpf oeq, %select_n3A_185, %eq3A_189 : vector<1024x1024xf32>
    %jit3A_191 = arith.constant 1.024000e+03 : f32
    %broadcast_in_dim3A_192 = vector.broadcast %jit3A_191 : f32 to vector<1024x1024xf32>
    %select_n3A_193 = arith.select %eq3A_190, %convert_element_type3A, %broadcast_in_dim3A_192 : vector<1024x1024xi1>, vector<1024x1024xf32>
    %reduce_min3A_194 = arith.constant dense<0x7F800000> : vector<1024xf32>
    %reduce_min3A_195 = vector.multi_reduction <minimumf>, %select_n3A_193, %reduce_min3A_194 [1] : vector<1024x1024xf32> to vector<1024xf32>
    %broadcast_in_dim3A_196 = vector.shape_cast %reduce_min3A_195 : vector<1024xf32> to vector<1024x1xf32>
    %eq3A_197 = vector.broadcast %broadcast_in_dim3A_196 : vector<1024x1xf32> to vector<1024x1024xf32>
    %eq3A_198 = arith.cmpf oeq, %convert_element_type3A, %eq3A_197 : vector<1024x1024xf32>
    %jit3A_199 = arith.constant 0x7F800000 : f32
    %broadcast_in_dim3A_200 = vector.broadcast %jit3A_199 : f32 to vector<1024x1024xf32>
    %select_n3A_201 = arith.select %eq3A_198, %broadcast_in_dim3A_200, %select_n3A_185 : vector<1024x1024xi1>, vector<1024x1024xf32>
    %reduce_min3A_202 = arith.constant dense<0x7F800000> : vector<1024xf32>
    %reduce_min3A_203 = vector.multi_reduction <minimumf>, %select_n3A_201, %reduce_min3A_202 [1] : vector<1024x1024xf32> to vector<1024xf32>
    %broadcast_in_dim3A_204 = vector.shape_cast %reduce_min3A_203 : vector<1024xf32> to vector<1024x1xf32>
    %eq3A_205 = vector.broadcast %broadcast_in_dim3A_204 : vector<1024x1xf32> to vector<1024x1024xf32>
    %eq3A_206 = arith.cmpf oeq, %select_n3A_201, %eq3A_205 : vector<1024x1024xf32>
    %jit3A_207 = arith.constant 1.024000e+03 : f32
    %broadcast_in_dim3A_208 = vector.broadcast %jit3A_207 : f32 to vector<1024x1024xf32>
    %select_n3A_209 = arith.select %eq3A_206, %convert_element_type3A, %broadcast_in_dim3A_208 : vector<1024x1024xi1>, vector<1024x1024xf32>
    %reduce_min3A_210 = arith.constant dense<0x7F800000> : vector<1024xf32>
    %reduce_min3A_211 = vector.multi_reduction <minimumf>, %select_n3A_209, %reduce_min3A_210 [1] : vector<1024x1024xf32> to vector<1024xf32>
    %broadcast_in_dim3A_212 = vector.shape_cast %reduce_min3A_211 : vector<1024xf32> to vector<1024x1xf32>
    %eq3A_213 = vector.broadcast %broadcast_in_dim3A_212 : vector<1024x1xf32> to vector<1024x1024xf32>
    %eq3A_214 = arith.cmpf oeq, %convert_element_type3A, %eq3A_213 : vector<1024x1024xf32>
    %jit3A_215 = arith.constant 0x7F800000 : f32
    %broadcast_in_dim3A_216 = vector.broadcast %jit3A_215 : f32 to vector<1024x1024xf32>
    %select_n3A_217 = arith.select %eq3A_214, %broadcast_in_dim3A_216, %select_n3A_201 : vector<1024x1024xi1>, vector<1024x1024xf32>
    %reduce_min3A_218 = arith.constant dense<0x7F800000> : vector<1024xf32>
    %reduce_min3A_219 = vector.multi_reduction <minimumf>, %select_n3A_217, %reduce_min3A_218 [1] : vector<1024x1024xf32> to vector<1024xf32>
    %broadcast_in_dim3A_220 = vector.shape_cast %reduce_min3A_219 : vector<1024xf32> to vector<1024x1xf32>
    %eq3A_221 = vector.broadcast %broadcast_in_dim3A_220 : vector<1024x1xf32> to vector<1024x1024xf32>
    %eq3A_222 = arith.cmpf oeq, %select_n3A_217, %eq3A_221 : vector<1024x1024xf32>
    %jit3A_223 = arith.constant 1.024000e+03 : f32
    %broadcast_in_dim3A_224 = vector.broadcast %jit3A_223 : f32 to vector<1024x1024xf32>
    %select_n3A_225 = arith.select %eq3A_222, %convert_element_type3A, %broadcast_in_dim3A_224 : vector<1024x1024xi1>, vector<1024x1024xf32>
    %reduce_min3A_226 = arith.constant dense<0x7F800000> : vector<1024xf32>
    %reduce_min3A_227 = vector.multi_reduction <minimumf>, %select_n3A_225, %reduce_min3A_226 [1] : vector<1024x1024xf32> to vector<1024xf32>
    %broadcast_in_dim3A_228 = vector.shape_cast %reduce_min3A_227 : vector<1024xf32> to vector<1024x1xf32>
    %eq3A_229 = vector.broadcast %broadcast_in_dim3A_228 : vector<1024x1xf32> to vector<1024x1024xf32>
    %eq3A_230 = arith.cmpf oeq, %convert_element_type3A, %eq3A_229 : vector<1024x1024xf32>
    %jit3A_231 = arith.constant 0x7F800000 : f32
    %broadcast_in_dim3A_232 = vector.broadcast %jit3A_231 : f32 to vector<1024x1024xf32>
    %select_n3A_233 = arith.select %eq3A_230, %broadcast_in_dim3A_232, %select_n3A_217 : vector<1024x1024xi1>, vector<1024x1024xf32>
    %reduce_min3A_234 = arith.constant dense<0x7F800000> : vector<1024xf32>
    %reduce_min3A_235 = vector.multi_reduction <minimumf>, %select_n3A_233, %reduce_min3A_234 [1] : vector<1024x1024xf32> to vector<1024xf32>
    %broadcast_in_dim3A_236 = vector.shape_cast %reduce_min3A_235 : vector<1024xf32> to vector<1024x1xf32>
    %eq3A_237 = vector.broadcast %broadcast_in_dim3A_236 : vector<1024x1xf32> to vector<1024x1024xf32>
    %eq3A_238 = arith.cmpf oeq, %select_n3A_233, %eq3A_237 : vector<1024x1024xf32>
    %jit3A_239 = arith.constant 1.024000e+03 : f32
    %broadcast_in_dim3A_240 = vector.broadcast %jit3A_239 : f32 to vector<1024x1024xf32>
    %select_n3A_241 = arith.select %eq3A_238, %convert_element_type3A, %broadcast_in_dim3A_240 : vector<1024x1024xi1>, vector<1024x1024xf32>
    %reduce_min3A_242 = arith.constant dense<0x7F800000> : vector<1024xf32>
    %reduce_min3A_243 = vector.multi_reduction <minimumf>, %select_n3A_241, %reduce_min3A_242 [1] : vector<1024x1024xf32> to vector<1024xf32>
    %broadcast_in_dim3A_244 = vector.shape_cast %reduce_min3A_243 : vector<1024xf32> to vector<1024x1xf32>
    %eq3A_245 = vector.broadcast %broadcast_in_dim3A_244 : vector<1024x1xf32> to vector<1024x1024xf32>
    %eq3A_246 = arith.cmpf oeq, %convert_element_type3A, %eq3A_245 : vector<1024x1024xf32>
    %jit3A_247 = arith.constant 0x7F800000 : f32
    %broadcast_in_dim3A_248 = vector.broadcast %jit3A_247 : f32 to vector<1024x1024xf32>
    %select_n3A_249 = arith.select %eq3A_246, %broadcast_in_dim3A_248, %select_n3A_233 : vector<1024x1024xi1>, vector<1024x1024xf32>
    %reduce_min3A_250 = arith.constant dense<0x7F800000> : vector<1024xf32>
    %reduce_min3A_251 = vector.multi_reduction <minimumf>, %select_n3A_249, %reduce_min3A_250 [1] : vector<1024x1024xf32> to vector<1024xf32>
    %broadcast_in_dim3A_252 = vector.shape_cast %reduce_min3A_251 : vector<1024xf32> to vector<1024x1xf32>
    %eq3A_253 = vector.broadcast %broadcast_in_dim3A_252 : vector<1024x1xf32> to vector<1024x1024xf32>
    %eq3A_254 = arith.cmpf oeq, %select_n3A_249, %eq3A_253 : vector<1024x1024xf32>
    %jit3A_255 = arith.constant 1.024000e+03 : f32
    %broadcast_in_dim3A_256 = vector.broadcast %jit3A_255 : f32 to vector<1024x1024xf32>
    %select_n3A_257 = arith.select %eq3A_254, %convert_element_type3A, %broadcast_in_dim3A_256 : vector<1024x1024xi1>, vector<1024x1024xf32>
    %reduce_min3A_258 = arith.constant dense<0x7F800000> : vector<1024xf32>
    %reduce_min3A_259 = vector.multi_reduction <minimumf>, %select_n3A_257, %reduce_min3A_258 [1] : vector<1024x1024xf32> to vector<1024xf32>
    %stack3A = vector.shape_cast %reduce_min3A_19 : vector<1024xf32> to vector<1024x1xf32>
    %stack3A_260 = vector.shape_cast %reduce_min3A_35 : vector<1024xf32> to vector<1024x1xf32>
    %stack3A_261 = vector.shape_cast %reduce_min3A_51 : vector<1024xf32> to vector<1024x1xf32>
    %stack3A_262 = vector.shape_cast %reduce_min3A_67 : vector<1024xf32> to vector<1024x1xf32>
    %stack3A_263 = vector.shape_cast %reduce_min3A_83 : vector<1024xf32> to vector<1024x1xf32>
    %stack3A_264 = vector.shape_cast %reduce_min3A_99 : vector<1024xf32> to vector<1024x1xf32>
    %stack3A_265 = vector.shape_cast %reduce_min3A_115 : vector<1024xf32> to vector<1024x1xf32>
    %stack3A_266 = vector.shape_cast %reduce_min3A_131 : vector<1024xf32> to vector<1024x1xf32>
    %stack3A_267 = vector.shape_cast %reduce_min3A_147 : vector<1024xf32> to vector<1024x1xf32>
    %stack3A_268 = vector.shape_cast %reduce_min3A_163 : vector<1024xf32> to vector<1024x1xf32>
    %stack3A_269 = vector.shape_cast %reduce_min3A_179 : vector<1024xf32> to vector<1024x1xf32>
    %stack3A_270 = vector.shape_cast %reduce_min3A_195 : vector<1024xf32> to vector<1024x1xf32>
    %stack3A_271 = vector.shape_cast %reduce_min3A_211 : vector<1024xf32> to vector<1024x1xf32>
    %stack3A_272 = vector.shape_cast %reduce_min3A_227 : vector<1024xf32> to vector<1024x1xf32>
    %stack3A_273 = vector.shape_cast %reduce_min3A_243 : vector<1024xf32> to vector<1024x1xf32>
    %stack3A_274 = vector.shape_cast %reduce_min3A_259 : vector<1024xf32> to vector<1024x1xf32>
    %stack3A_275 = tpu.concatenate %stack3A, %stack3A_260, %stack3A_261, %stack3A_262, %stack3A_263, %stack3A_264, %stack3A_265, %stack3A_266, %stack3A_267, %stack3A_268, %stack3A_269, %stack3A_270, %stack3A_271, %stack3A_272, %stack3A_273, %stack3A_274 in 1 : vector<1024x1xf32>, vector<1024x1xf32>, vector<1024x1xf32>, vector<1024x1xf32>, vector<1024x1xf32>, vector<1024x1xf32>, vector<1024x1xf32>, vector<1024x1xf32>, vector<1024x1xf32>, vector<1024x1xf32>, vector<1024x1xf32>, vector<1024x1xf32>, vector<1024x1xf32>, vector<1024x1xf32>, vector<1024x1xf32>, vector<1024x1xf32> -> vector<1024x16xf32>
    %convert_element_type3A_276 = arith.fptosi %stack3A_275 : vector<1024x16xf32> to vector<1024x16xi32>
    %add3A_277 = vector.broadcast %mul3A_13 : i32 to vector<1024x16xi32>
    %add3A_278 = arith.addi %convert_element_type3A_276, %add3A_277 : vector<1024x16xi32>
    %swap3A = arith.constant 0 : index
    %swap3A_279 = arith.constant 0 : index
    %swap3A_280 = vector.load %arg5[%swap3A, %swap3A_279] : memref<1024x16xi32, #tpu.memory_space<vmem>>, vector<1024x16xi32>
    tpu.vector_store %arg5[%swap3A, %swap3A_279], %add3A_278 {strides = array<i32>} : memref<1024x16xi32, #tpu.memory_space<vmem>>, vector<1024x16xi32>,
    %get3A_281 = arith.constant 0 : index
    %get3A_282 = arith.constant 0 : index
    %get3A_283 = vector.load %arg3[%get3A_281, %get3A_282] : memref<128x128xf32, #tpu.memory_space<vmem>>, vector<64x128xf32>
    %dot_general3A_284 = arith.constant dense<0.000000e+00> : vector<1024x128xf32>
    %dot_general3A_285 = tpu.matmul %get3A_1, %get3A_283, %dot_general3A_284 {dimension_numbers = #tpu.dot_dimension_numbers<[1], [0], [0], [1], [0, 0, 1, 1], [], []>, transpose_lhs_hint = false} : vector<1024x64xf32>, vector<64x128xf32>, vector<1024x128xf32> -> vector<1024x128xf32>
    %get3A_286 = arith.constant 0 : index
    %get3A_287 = vector.load %arg4[%get3A_286] : memref<128xf32, #tpu.memory_space<vmem>>, vector<128xf32>
    %broadcast_in_dim3A_288 = vector.shape_cast %get3A_287 : vector<128xf32> to vector<1x128xf32>
    %add3A_289 = vector.broadcast %broadcast_in_dim3A_288 : vector<1x128xf32> to vector<1024x128xf32>
    %add3A_290 = arith.addf %dot_general3A_285, %add3A_289 : vector<1024x128xf32>
    %swap3A_291 = arith.constant 0 : index
    %swap3A_292 = arith.constant 0 : index
    %swap3A_293 = vector.load %arg6[%swap3A_291, %swap3A_292] : memref<1024x128xf32, #tpu.memory_space<vmem>>, vector<1024x128xf32>
    tpu.vector_store %arg6[%swap3A_291, %swap3A_292], %add3A_290 {strides = array<i32>} : memref<1024x128xf32, #tpu.memory_space<vmem>>, vector<1024x128xf32>,
    %broadcast_in_dim3A_294 = arith.constant 0.000000e+00 : f32
    %broadcast_in_dim3A_295 = vector.broadcast %broadcast_in_dim3A_294 : f32 to vector<1024x64xf32>
    %concatenate3A = tpu.concatenate %get3A_1, %broadcast_in_dim3A_295 in 1 : vector<1024x64xf32>, vector<1024x64xf32> -> vector<1024x128xf32>
    %swap3A_296 = arith.constant 0 : index
    %swap3A_297 = arith.constant 0 : index
    %swap3A_298 = vector.load %arg7[%swap3A_296, %swap3A_297] : memref<1024x128xf32, #tpu.memory_space<vmem>>, vector<1024x128xf32>
    tpu.vector_store %arg7[%swap3A_296, %swap3A_297], %concatenate3A {strides = array<i32>} : memref<1024x128xf32, #tpu.memory_space<vmem>>, vector<1024x128xf32>,
    return
  }
  func.func @transform_0(%arg0: i32) -> (i32, i32) {
    %c0_i32 = arith.constant 0 : i32
    %c0_i32_0 = arith.constant 0 : i32
    return %arg0, %c0_i32 : i32, i32
  }
  func.func @transform_1(%arg0: i32) -> (i32, i32, i32) {
    %c0_i32 = arith.constant 0 : i32
    %c0_i32_0 = arith.constant 0 : i32
    %c0_i32_1 = arith.constant 0 : i32
    return %arg0, %c0_i32, %c0_i32_0 : i32, i32, i32
  }
  func.func @transform_2(%arg0: i32) -> (i32, i32) {
    %c0_i32 = arith.constant 0 : i32
    %c0_i32_0 = arith.constant 0 : i32
    %c0_i32_1 = arith.constant 0 : i32
    return %c0_i32, %c0_i32_0 : i32, i32
  }
  func.func @transform_3(%arg0: i32) -> i32 {
    %c0_i32 = arith.constant 0 : i32
    %c0_i32_0 = arith.constant 0 : i32
    return %c0_i32 : i32
  }
  func.func @transform_4(%arg0: i32) -> (i32, i32) {
    %c0_i32 = arith.constant 0 : i32
    %c0_i32_0 = arith.constant 0 : i32
    return %arg0, %c0_i32 : i32, i32
  }
  func.func @transform_5(%arg0: i32) -> (i32, i32) {
    %c0_i32 = arith.constant 0 : i32
    %c0_i32_0 = arith.constant 0 : i32
    return %arg0, %c0_i32 : i32, i32
  }
  func.func @transform_6(%arg0: i32) -> (i32, i32) {
    %c0_i32 = arith.constant 0 : i32
    %c0_i32_0 = arith.constant 0 : i32
    return %arg0, %c0_i32 : i32, i32
  }
}

module attributes {stable_mosaic.version = 14 : i64} {
  func.func @_conv_c_body(%arg0: i32, %arg1: memref<8192x128xf32, #tpu.memory_space<vmem>>, %arg2: memref<512x64xf32, #tpu.memory_space<vmem>>, %arg3: memref<512x128xf32, #tpu.memory_space<vmem>>, %arg4: memref<64x128xf32, #tpu.memory_space<vmem>>, %arg5: memref<512x128xf32, #tpu.memory_space<vmem>>) attributes {dimension_semantics = [#tpu.dimension_semantics<arbitrary>], iteration_bounds = array<i64: 8>, scalar_prefetch = 0 : i64, scratch_operands = 0 : i64, tpu.core_type = #tpu.core_type<tc>, window_params = [{transform_indices = @transform_0, window_bounds = array<i64: 8192, 128>}, {transform_indices = @transform_1, window_bounds = array<i64: 512, 64>}, {transform_indices = @transform_2, window_bounds = array<i64: 512, 128>}, {pipeline_mode = #tpu.pipeline_mode<synchronous>, transform_indices = @transform_3, window_bounds = array<i64: 64, 128>}, {transform_indices = @transform_4, window_bounds = array<i64: 512, 128>}]} {
    %get3A = arith.constant 0 : index
    %get3A_0 = arith.constant 0 : index
    %get3A_1 = vector.load %arg1[%get3A, %get3A_0] : memref<8192x128xf32, #tpu.memory_space<vmem>>, vector<8192x64xf32>
    %get3A_2 = arith.constant 0 : index
    %get3A_3 = arith.constant 0 : index
    %get3A_4 = vector.load %arg2[%get3A_2, %get3A_3] : memref<512x64xf32, #tpu.memory_space<vmem>>, vector<512x64xf32>
    %reshape3A = vector.shape_cast %get3A_1 : vector<8192x64xf32> to vector<512x16x64xf32>
    %broadcast_in_dim3A = vector.shape_cast %get3A_4 : vector<512x64xf32> to vector<512x1x64xf32>
    %sub3A = vector.broadcast %broadcast_in_dim3A : vector<512x1x64xf32> to vector<512x16x64xf32>
    %sub3A_5 = arith.subf %reshape3A, %sub3A : vector<512x16x64xf32>
    %reshape3A_6 = vector.shape_cast %sub3A_5 : vector<512x16x64xf32> to vector<8192x64xf32>
    %get3A_7 = arith.constant 0 : index
    %get3A_8 = arith.constant 0 : index
    %get3A_9 = vector.load %arg4[%get3A_7, %get3A_8] : memref<64x128xf32, #tpu.memory_space<vmem>>, vector<64x128xf32>
    %dot_general3A = arith.constant dense<0.000000e+00> : vector<8192x128xf32>
    %dot_general3A_10 = tpu.matmul %reshape3A_6, %get3A_9, %dot_general3A {dimension_numbers = #tpu.dot_dimension_numbers<[1], [0], [0], [1], [0, 0, 1, 1], [], []>, transpose_lhs_hint = false} : vector<8192x64xf32>, vector<64x128xf32>, vector<8192x128xf32> -> vector<8192x128xf32>
    %reshape3A_11 = vector.shape_cast %dot_general3A_10 : vector<8192x128xf32> to vector<512x16x128xf32>
    %reduce_max3A = arith.constant dense<0xFF800000> : vector<512x128xf32>
    %reduce_max3A_12 = vector.multi_reduction <maximumf>, %reshape3A_11, %reduce_max3A [1] : vector<512x16x128xf32> to vector<512x128xf32>
    %get3A_13 = arith.constant 0 : index
    %get3A_14 = arith.constant 0 : index
    %get3A_15 = vector.load %arg3[%get3A_13, %get3A_14] : memref<512x128xf32, #tpu.memory_space<vmem>>, vector<512x128xf32>
    %add3A = arith.addf %get3A_15, %reduce_max3A_12 : vector<512x128xf32>
    %swap3A = arith.constant 0 : index
    %swap3A_16 = arith.constant 0 : index
    %swap3A_17 = vector.load %arg5[%swap3A, %swap3A_16] : memref<512x128xf32, #tpu.memory_space<vmem>>, vector<512x128xf32>
    tpu.vector_store %arg5[%swap3A, %swap3A_16], %add3A {strides = array<i32>} : memref<512x128xf32, #tpu.memory_space<vmem>>, vector<512x128xf32>,
    return
  }
  func.func @transform_0(%arg0: i32) -> (i32, i32) {
    %c0_i32 = arith.constant 0 : i32
    %c0_i32_0 = arith.constant 0 : i32
    return %arg0, %c0_i32 : i32, i32
  }
  func.func @transform_1(%arg0: i32) -> (i32, i32) {
    %c0_i32 = arith.constant 0 : i32
    %c0_i32_0 = arith.constant 0 : i32
    return %arg0, %c0_i32 : i32, i32
  }
  func.func @transform_2(%arg0: i32) -> (i32, i32) {
    %c0_i32 = arith.constant 0 : i32
    %c0_i32_0 = arith.constant 0 : i32
    return %arg0, %c0_i32 : i32, i32
  }
  func.func @transform_3(%arg0: i32) -> (i32, i32) {
    %c0_i32 = arith.constant 0 : i32
    %c0_i32_0 = arith.constant 0 : i32
    %c0_i32_1 = arith.constant 0 : i32
    return %c0_i32, %c0_i32_0 : i32, i32
  }
  func.func @transform_4(%arg0: i32) -> (i32, i32) {
    %c0_i32 = arith.constant 0 : i32
    %c0_i32_0 = arith.constant 0 : i32
    return %arg0, %c0_i32 : i32, i32
  }
}

module attributes {stable_mosaic.version = 14 : i64} {
  func.func @_conv_a_body(%arg0: i32, %arg1: memref<1024x128xf32, #tpu.memory_space<vmem>>, %arg2: memref<1x1x1024xf32, #tpu.memory_space<vmem>>, %arg3: memref<256x256xf32, #tpu.memory_space<vmem>>, %arg4: memref<256xf32, #tpu.memory_space<vmem>>, %arg5: memref<1024x16xi32, #tpu.memory_space<vmem>>, %arg6: memref<1024x256xf32, #tpu.memory_space<vmem>>, %arg7: memref<1024x128xf32, #tpu.memory_space<vmem>>) attributes {dimension_semantics = [#tpu.dimension_semantics<arbitrary>], iteration_bounds = array<i64: 4>, scalar_prefetch = 0 : i64, scratch_operands = 0 : i64, tpu.core_type = #tpu.core_type<tc>, window_params = [{transform_indices = @transform_0, window_bounds = array<i64: 1024, 128>}, {transform_indices = @transform_1, window_bounds = array<i64: 1, 1, 1024>}, {pipeline_mode = #tpu.pipeline_mode<synchronous>, transform_indices = @transform_2, window_bounds = array<i64: 256, 256>}, {pipeline_mode = #tpu.pipeline_mode<synchronous>, transform_indices = @transform_3, window_bounds = array<i64: 256>}, {transform_indices = @transform_4, window_bounds = array<i64: 1024, 16>}, {transform_indices = @transform_5, window_bounds = array<i64: 1024, 256>}, {transform_indices = @transform_6, window_bounds = array<i64: 1024, 128>}]} {
    %get3A = arith.constant 0 : index
    %get3A_0 = arith.constant 0 : index
    %get3A_1 = vector.load %arg1[%get3A, %get3A_0] : memref<1024x128xf32, #tpu.memory_space<vmem>>, vector<1024x128xf32>
    %dot_general3A = arith.constant dense<0.000000e+00> : vector<1024x1024xf32>
    %dot_general3A_2 = tpu.matmul %get3A_1, %get3A_1, %dot_general3A {dimension_numbers = #tpu.dot_dimension_numbers<[1], [1], [0], [0], [0, 0, 1, 0], [], []>, transpose_lhs_hint = false} : vector<1024x128xf32>, vector<1024x128xf32>, vector<1024x1024xf32> -> vector<1024x1024xf32>
    %get3A_3 = arith.constant 0 : index
    %get3A_4 = arith.constant 0 : index
    %get3A_5 = arith.constant 0 : index
    %get3A_6 = vector.load %arg2[%get3A_3, %get3A_4, %get3A_5] : memref<1x1x1024xf32, #tpu.memory_space<vmem>>, vector<1x1x1024xf32>
    %squeeze3A = vector.shape_cast %get3A_6 : vector<1x1x1024xf32> to vector<1024xf32>
    %broadcast_in_dim3A = vector.shape_cast %squeeze3A : vector<1024xf32> to vector<1024x1xf32>
    %broadcast_in_dim3A_7 = vector.shape_cast %squeeze3A : vector<1024xf32> to vector<1x1024xf32>
    %add3A = vector.broadcast %broadcast_in_dim3A : vector<1024x1xf32> to vector<1024x1024xf32>
    %add3A_8 = vector.broadcast %broadcast_in_dim3A_7 : vector<1x1024xf32> to vector<1024x1024xf32>
    %add3A_9 = arith.addf %add3A, %add3A_8 : vector<1024x1024xf32>
    %mul3A = arith.constant 2.000000e+00 : f32
    %mul3A_10 = vector.broadcast %mul3A : f32 to vector<1024x1024xf32>
    %mul3A_11 = arith.mulf %mul3A_10, %dot_general3A_2 : vector<1024x1024xf32>
    %sub3A = arith.subf %add3A_9, %mul3A_11 : vector<1024x1024xf32>
    %iota3A = tpu.iota {dimensions = array<i32: 1>} : vector<1024x1024xi32>
    %convert_element_type3A = arith.sitofp %iota3A : vector<1024x1024xi32> to vector<1024x1024xf32>
    %mul3A_12 = arith.constant 1024 : i32
    %mul3A_13 = arith.muli %arg0, %mul3A_12 : i32
    %reduce_min3A = arith.constant dense<0x7F800000> : vector<1024xf32>
    %reduce_min3A_14 = vector.multi_reduction <minimumf>, %sub3A, %reduce_min3A [1] : vector<1024x1024xf32> to vector<1024xf32>
    %broadcast_in_dim3A_15 = vector.shape_cast %reduce_min3A_14 : vector<1024xf32> to vector<1024x1xf32>
    %eq3A = vector.broadcast %broadcast_in_dim3A_15 : vector<1024x1xf32> to vector<1024x1024xf32>
    %eq3A_16 = arith.cmpf oeq, %sub3A, %eq3A : vector<1024x1024xf32>
    %jit3A = arith.constant 1.024000e+03 : f32
    %broadcast_in_dim3A_17 = vector.broadcast %jit3A : f32 to vector<1024x1024xf32>
    %select_n3A = arith.select %eq3A_16, %convert_element_type3A, %broadcast_in_dim3A_17 : vector<1024x1024xi1>, vector<1024x1024xf32>
    %reduce_min3A_18 = arith.constant dense<0x7F800000> : vector<1024xf32>
    %reduce_min3A_19 = vector.multi_reduction <minimumf>, %select_n3A, %reduce_min3A_18 [1] : vector<1024x1024xf32> to vector<1024xf32>
    %broadcast_in_dim3A_20 = vector.shape_cast %reduce_min3A_19 : vector<1024xf32> to vector<1024x1xf32>
    %eq3A_21 = vector.broadcast %broadcast_in_dim3A_20 : vector<1024x1xf32> to vector<1024x1024xf32>
    %eq3A_22 = arith.cmpf oeq, %convert_element_type3A, %eq3A_21 : vector<1024x1024xf32>
    %jit3A_23 = arith.constant 0x7F800000 : f32
    %broadcast_in_dim3A_24 = vector.broadcast %jit3A_23 : f32 to vector<1024x1024xf32>
    %select_n3A_25 = arith.select %eq3A_22, %broadcast_in_dim3A_24, %sub3A : vector<1024x1024xi1>, vector<1024x1024xf32>
    %reduce_min3A_26 = arith.constant dense<0x7F800000> : vector<1024xf32>
    %reduce_min3A_27 = vector.multi_reduction <minimumf>, %select_n3A_25, %reduce_min3A_26 [1] : vector<1024x1024xf32> to vector<1024xf32>
    %broadcast_in_dim3A_28 = vector.shape_cast %reduce_min3A_27 : vector<1024xf32> to vector<1024x1xf32>
    %eq3A_29 = vector.broadcast %broadcast_in_dim3A_28 : vector<1024x1xf32> to vector<1024x1024xf32>
    %eq3A_30 = arith.cmpf oeq, %select_n3A_25, %eq3A_29 : vector<1024x1024xf32>
    %jit3A_31 = arith.constant 1.024000e+03 : f32
    %broadcast_in_dim3A_32 = vector.broadcast %jit3A_31 : f32 to vector<1024x1024xf32>
    %select_n3A_33 = arith.select %eq3A_30, %convert_element_type3A, %broadcast_in_dim3A_32 : vector<1024x1024xi1>, vector<1024x1024xf32>
    %reduce_min3A_34 = arith.constant dense<0x7F800000> : vector<1024xf32>
    %reduce_min3A_35 = vector.multi_reduction <minimumf>, %select_n3A_33, %reduce_min3A_34 [1] : vector<1024x1024xf32> to vector<1024xf32>
    %broadcast_in_dim3A_36 = vector.shape_cast %reduce_min3A_35 : vector<1024xf32> to vector<1024x1xf32>
    %eq3A_37 = vector.broadcast %broadcast_in_dim3A_36 : vector<1024x1xf32> to vector<1024x1024xf32>
    %eq3A_38 = arith.cmpf oeq, %convert_element_type3A, %eq3A_37 : vector<1024x1024xf32>
    %jit3A_39 = arith.constant 0x7F800000 : f32
    %broadcast_in_dim3A_40 = vector.broadcast %jit3A_39 : f32 to vector<1024x1024xf32>
    %select_n3A_41 = arith.select %eq3A_38, %broadcast_in_dim3A_40, %select_n3A_25 : vector<1024x1024xi1>, vector<1024x1024xf32>
    %reduce_min3A_42 = arith.constant dense<0x7F800000> : vector<1024xf32>
    %reduce_min3A_43 = vector.multi_reduction <minimumf>, %select_n3A_41, %reduce_min3A_42 [1] : vector<1024x1024xf32> to vector<1024xf32>
    %broadcast_in_dim3A_44 = vector.shape_cast %reduce_min3A_43 : vector<1024xf32> to vector<1024x1xf32>
    %eq3A_45 = vector.broadcast %broadcast_in_dim3A_44 : vector<1024x1xf32> to vector<1024x1024xf32>
    %eq3A_46 = arith.cmpf oeq, %select_n3A_41, %eq3A_45 : vector<1024x1024xf32>
    %jit3A_47 = arith.constant 1.024000e+03 : f32
    %broadcast_in_dim3A_48 = vector.broadcast %jit3A_47 : f32 to vector<1024x1024xf32>
    %select_n3A_49 = arith.select %eq3A_46, %convert_element_type3A, %broadcast_in_dim3A_48 : vector<1024x1024xi1>, vector<1024x1024xf32>
    %reduce_min3A_50 = arith.constant dense<0x7F800000> : vector<1024xf32>
    %reduce_min3A_51 = vector.multi_reduction <minimumf>, %select_n3A_49, %reduce_min3A_50 [1] : vector<1024x1024xf32> to vector<1024xf32>
    %broadcast_in_dim3A_52 = vector.shape_cast %reduce_min3A_51 : vector<1024xf32> to vector<1024x1xf32>
    %eq3A_53 = vector.broadcast %broadcast_in_dim3A_52 : vector<1024x1xf32> to vector<1024x1024xf32>
    %eq3A_54 = arith.cmpf oeq, %convert_element_type3A, %eq3A_53 : vector<1024x1024xf32>
    %jit3A_55 = arith.constant 0x7F800000 : f32
    %broadcast_in_dim3A_56 = vector.broadcast %jit3A_55 : f32 to vector<1024x1024xf32>
    %select_n3A_57 = arith.select %eq3A_54, %broadcast_in_dim3A_56, %select_n3A_41 : vector<1024x1024xi1>, vector<1024x1024xf32>
    %reduce_min3A_58 = arith.constant dense<0x7F800000> : vector<1024xf32>
    %reduce_min3A_59 = vector.multi_reduction <minimumf>, %select_n3A_57, %reduce_min3A_58 [1] : vector<1024x1024xf32> to vector<1024xf32>
    %broadcast_in_dim3A_60 = vector.shape_cast %reduce_min3A_59 : vector<1024xf32> to vector<1024x1xf32>
    %eq3A_61 = vector.broadcast %broadcast_in_dim3A_60 : vector<1024x1xf32> to vector<1024x1024xf32>
    %eq3A_62 = arith.cmpf oeq, %select_n3A_57, %eq3A_61 : vector<1024x1024xf32>
    %jit3A_63 = arith.constant 1.024000e+03 : f32
    %broadcast_in_dim3A_64 = vector.broadcast %jit3A_63 : f32 to vector<1024x1024xf32>
    %select_n3A_65 = arith.select %eq3A_62, %convert_element_type3A, %broadcast_in_dim3A_64 : vector<1024x1024xi1>, vector<1024x1024xf32>
    %reduce_min3A_66 = arith.constant dense<0x7F800000> : vector<1024xf32>
    %reduce_min3A_67 = vector.multi_reduction <minimumf>, %select_n3A_65, %reduce_min3A_66 [1] : vector<1024x1024xf32> to vector<1024xf32>
    %broadcast_in_dim3A_68 = vector.shape_cast %reduce_min3A_67 : vector<1024xf32> to vector<1024x1xf32>
    %eq3A_69 = vector.broadcast %broadcast_in_dim3A_68 : vector<1024x1xf32> to vector<1024x1024xf32>
    %eq3A_70 = arith.cmpf oeq, %convert_element_type3A, %eq3A_69 : vector<1024x1024xf32>
    %jit3A_71 = arith.constant 0x7F800000 : f32
    %broadcast_in_dim3A_72 = vector.broadcast %jit3A_71 : f32 to vector<1024x1024xf32>
    %select_n3A_73 = arith.select %eq3A_70, %broadcast_in_dim3A_72, %select_n3A_57 : vector<1024x1024xi1>, vector<1024x1024xf32>
    %reduce_min3A_74 = arith.constant dense<0x7F800000> : vector<1024xf32>
    %reduce_min3A_75 = vector.multi_reduction <minimumf>, %select_n3A_73, %reduce_min3A_74 [1] : vector<1024x1024xf32> to vector<1024xf32>
    %broadcast_in_dim3A_76 = vector.shape_cast %reduce_min3A_75 : vector<1024xf32> to vector<1024x1xf32>
    %eq3A_77 = vector.broadcast %broadcast_in_dim3A_76 : vector<1024x1xf32> to vector<1024x1024xf32>
    %eq3A_78 = arith.cmpf oeq, %select_n3A_73, %eq3A_77 : vector<1024x1024xf32>
    %jit3A_79 = arith.constant 1.024000e+03 : f32
    %broadcast_in_dim3A_80 = vector.broadcast %jit3A_79 : f32 to vector<1024x1024xf32>
    %select_n3A_81 = arith.select %eq3A_78, %convert_element_type3A, %broadcast_in_dim3A_80 : vector<1024x1024xi1>, vector<1024x1024xf32>
    %reduce_min3A_82 = arith.constant dense<0x7F800000> : vector<1024xf32>
    %reduce_min3A_83 = vector.multi_reduction <minimumf>, %select_n3A_81, %reduce_min3A_82 [1] : vector<1024x1024xf32> to vector<1024xf32>
    %broadcast_in_dim3A_84 = vector.shape_cast %reduce_min3A_83 : vector<1024xf32> to vector<1024x1xf32>
    %eq3A_85 = vector.broadcast %broadcast_in_dim3A_84 : vector<1024x1xf32> to vector<1024x1024xf32>
    %eq3A_86 = arith.cmpf oeq, %convert_element_type3A, %eq3A_85 : vector<1024x1024xf32>
    %jit3A_87 = arith.constant 0x7F800000 : f32
    %broadcast_in_dim3A_88 = vector.broadcast %jit3A_87 : f32 to vector<1024x1024xf32>
    %select_n3A_89 = arith.select %eq3A_86, %broadcast_in_dim3A_88, %select_n3A_73 : vector<1024x1024xi1>, vector<1024x1024xf32>
    %reduce_min3A_90 = arith.constant dense<0x7F800000> : vector<1024xf32>
    %reduce_min3A_91 = vector.multi_reduction <minimumf>, %select_n3A_89, %reduce_min3A_90 [1] : vector<1024x1024xf32> to vector<1024xf32>
    %broadcast_in_dim3A_92 = vector.shape_cast %reduce_min3A_91 : vector<1024xf32> to vector<1024x1xf32>
    %eq3A_93 = vector.broadcast %broadcast_in_dim3A_92 : vector<1024x1xf32> to vector<1024x1024xf32>
    %eq3A_94 = arith.cmpf oeq, %select_n3A_89, %eq3A_93 : vector<1024x1024xf32>
    %jit3A_95 = arith.constant 1.024000e+03 : f32
    %broadcast_in_dim3A_96 = vector.broadcast %jit3A_95 : f32 to vector<1024x1024xf32>
    %select_n3A_97 = arith.select %eq3A_94, %convert_element_type3A, %broadcast_in_dim3A_96 : vector<1024x1024xi1>, vector<1024x1024xf32>
    %reduce_min3A_98 = arith.constant dense<0x7F800000> : vector<1024xf32>
    %reduce_min3A_99 = vector.multi_reduction <minimumf>, %select_n3A_97, %reduce_min3A_98 [1] : vector<1024x1024xf32> to vector<1024xf32>
    %broadcast_in_dim3A_100 = vector.shape_cast %reduce_min3A_99 : vector<1024xf32> to vector<1024x1xf32>
    %eq3A_101 = vector.broadcast %broadcast_in_dim3A_100 : vector<1024x1xf32> to vector<1024x1024xf32>
    %eq3A_102 = arith.cmpf oeq, %convert_element_type3A, %eq3A_101 : vector<1024x1024xf32>
    %jit3A_103 = arith.constant 0x7F800000 : f32
    %broadcast_in_dim3A_104 = vector.broadcast %jit3A_103 : f32 to vector<1024x1024xf32>
    %select_n3A_105 = arith.select %eq3A_102, %broadcast_in_dim3A_104, %select_n3A_89 : vector<1024x1024xi1>, vector<1024x1024xf32>
    %reduce_min3A_106 = arith.constant dense<0x7F800000> : vector<1024xf32>
    %reduce_min3A_107 = vector.multi_reduction <minimumf>, %select_n3A_105, %reduce_min3A_106 [1] : vector<1024x1024xf32> to vector<1024xf32>
    %broadcast_in_dim3A_108 = vector.shape_cast %reduce_min3A_107 : vector<1024xf32> to vector<1024x1xf32>
    %eq3A_109 = vector.broadcast %broadcast_in_dim3A_108 : vector<1024x1xf32> to vector<1024x1024xf32>
    %eq3A_110 = arith.cmpf oeq, %select_n3A_105, %eq3A_109 : vector<1024x1024xf32>
    %jit3A_111 = arith.constant 1.024000e+03 : f32
    %broadcast_in_dim3A_112 = vector.broadcast %jit3A_111 : f32 to vector<1024x1024xf32>
    %select_n3A_113 = arith.select %eq3A_110, %convert_element_type3A, %broadcast_in_dim3A_112 : vector<1024x1024xi1>, vector<1024x1024xf32>
    %reduce_min3A_114 = arith.constant dense<0x7F800000> : vector<1024xf32>
    %reduce_min3A_115 = vector.multi_reduction <minimumf>, %select_n3A_113, %reduce_min3A_114 [1] : vector<1024x1024xf32> to vector<1024xf32>
    %broadcast_in_dim3A_116 = vector.shape_cast %reduce_min3A_115 : vector<1024xf32> to vector<1024x1xf32>
    %eq3A_117 = vector.broadcast %broadcast_in_dim3A_116 : vector<1024x1xf32> to vector<1024x1024xf32>
    %eq3A_118 = arith.cmpf oeq, %convert_element_type3A, %eq3A_117 : vector<1024x1024xf32>
    %jit3A_119 = arith.constant 0x7F800000 : f32
    %broadcast_in_dim3A_120 = vector.broadcast %jit3A_119 : f32 to vector<1024x1024xf32>
    %select_n3A_121 = arith.select %eq3A_118, %broadcast_in_dim3A_120, %select_n3A_105 : vector<1024x1024xi1>, vector<1024x1024xf32>
    %reduce_min3A_122 = arith.constant dense<0x7F800000> : vector<1024xf32>
    %reduce_min3A_123 = vector.multi_reduction <minimumf>, %select_n3A_121, %reduce_min3A_122 [1] : vector<1024x1024xf32> to vector<1024xf32>
    %broadcast_in_dim3A_124 = vector.shape_cast %reduce_min3A_123 : vector<1024xf32> to vector<1024x1xf32>
    %eq3A_125 = vector.broadcast %broadcast_in_dim3A_124 : vector<1024x1xf32> to vector<1024x1024xf32>
    %eq3A_126 = arith.cmpf oeq, %select_n3A_121, %eq3A_125 : vector<1024x1024xf32>
    %jit3A_127 = arith.constant 1.024000e+03 : f32
    %broadcast_in_dim3A_128 = vector.broadcast %jit3A_127 : f32 to vector<1024x1024xf32>
    %select_n3A_129 = arith.select %eq3A_126, %convert_element_type3A, %broadcast_in_dim3A_128 : vector<1024x1024xi1>, vector<1024x1024xf32>
    %reduce_min3A_130 = arith.constant dense<0x7F800000> : vector<1024xf32>
    %reduce_min3A_131 = vector.multi_reduction <minimumf>, %select_n3A_129, %reduce_min3A_130 [1] : vector<1024x1024xf32> to vector<1024xf32>
    %broadcast_in_dim3A_132 = vector.shape_cast %reduce_min3A_131 : vector<1024xf32> to vector<1024x1xf32>
    %eq3A_133 = vector.broadcast %broadcast_in_dim3A_132 : vector<1024x1xf32> to vector<1024x1024xf32>
    %eq3A_134 = arith.cmpf oeq, %convert_element_type3A, %eq3A_133 : vector<1024x1024xf32>
    %jit3A_135 = arith.constant 0x7F800000 : f32
    %broadcast_in_dim3A_136 = vector.broadcast %jit3A_135 : f32 to vector<1024x1024xf32>
    %select_n3A_137 = arith.select %eq3A_134, %broadcast_in_dim3A_136, %select_n3A_121 : vector<1024x1024xi1>, vector<1024x1024xf32>
    %reduce_min3A_138 = arith.constant dense<0x7F800000> : vector<1024xf32>
    %reduce_min3A_139 = vector.multi_reduction <minimumf>, %select_n3A_137, %reduce_min3A_138 [1] : vector<1024x1024xf32> to vector<1024xf32>
    %broadcast_in_dim3A_140 = vector.shape_cast %reduce_min3A_139 : vector<1024xf32> to vector<1024x1xf32>
    %eq3A_141 = vector.broadcast %broadcast_in_dim3A_140 : vector<1024x1xf32> to vector<1024x1024xf32>
    %eq3A_142 = arith.cmpf oeq, %select_n3A_137, %eq3A_141 : vector<1024x1024xf32>
    %jit3A_143 = arith.constant 1.024000e+03 : f32
    %broadcast_in_dim3A_144 = vector.broadcast %jit3A_143 : f32 to vector<1024x1024xf32>
    %select_n3A_145 = arith.select %eq3A_142, %convert_element_type3A, %broadcast_in_dim3A_144 : vector<1024x1024xi1>, vector<1024x1024xf32>
    %reduce_min3A_146 = arith.constant dense<0x7F800000> : vector<1024xf32>
    %reduce_min3A_147 = vector.multi_reduction <minimumf>, %select_n3A_145, %reduce_min3A_146 [1] : vector<1024x1024xf32> to vector<1024xf32>
    %broadcast_in_dim3A_148 = vector.shape_cast %reduce_min3A_147 : vector<1024xf32> to vector<1024x1xf32>
    %eq3A_149 = vector.broadcast %broadcast_in_dim3A_148 : vector<1024x1xf32> to vector<1024x1024xf32>
    %eq3A_150 = arith.cmpf oeq, %convert_element_type3A, %eq3A_149 : vector<1024x1024xf32>
    %jit3A_151 = arith.constant 0x7F800000 : f32
    %broadcast_in_dim3A_152 = vector.broadcast %jit3A_151 : f32 to vector<1024x1024xf32>
    %select_n3A_153 = arith.select %eq3A_150, %broadcast_in_dim3A_152, %select_n3A_137 : vector<1024x1024xi1>, vector<1024x1024xf32>
    %reduce_min3A_154 = arith.constant dense<0x7F800000> : vector<1024xf32>
    %reduce_min3A_155 = vector.multi_reduction <minimumf>, %select_n3A_153, %reduce_min3A_154 [1] : vector<1024x1024xf32> to vector<1024xf32>
    %broadcast_in_dim3A_156 = vector.shape_cast %reduce_min3A_155 : vector<1024xf32> to vector<1024x1xf32>
    %eq3A_157 = vector.broadcast %broadcast_in_dim3A_156 : vector<1024x1xf32> to vector<1024x1024xf32>
    %eq3A_158 = arith.cmpf oeq, %select_n3A_153, %eq3A_157 : vector<1024x1024xf32>
    %jit3A_159 = arith.constant 1.024000e+03 : f32
    %broadcast_in_dim3A_160 = vector.broadcast %jit3A_159 : f32 to vector<1024x1024xf32>
    %select_n3A_161 = arith.select %eq3A_158, %convert_element_type3A, %broadcast_in_dim3A_160 : vector<1024x1024xi1>, vector<1024x1024xf32>
    %reduce_min3A_162 = arith.constant dense<0x7F800000> : vector<1024xf32>
    %reduce_min3A_163 = vector.multi_reduction <minimumf>, %select_n3A_161, %reduce_min3A_162 [1] : vector<1024x1024xf32> to vector<1024xf32>
    %broadcast_in_dim3A_164 = vector.shape_cast %reduce_min3A_163 : vector<1024xf32> to vector<1024x1xf32>
    %eq3A_165 = vector.broadcast %broadcast_in_dim3A_164 : vector<1024x1xf32> to vector<1024x1024xf32>
    %eq3A_166 = arith.cmpf oeq, %convert_element_type3A, %eq3A_165 : vector<1024x1024xf32>
    %jit3A_167 = arith.constant 0x7F800000 : f32
    %broadcast_in_dim3A_168 = vector.broadcast %jit3A_167 : f32 to vector<1024x1024xf32>
    %select_n3A_169 = arith.select %eq3A_166, %broadcast_in_dim3A_168, %select_n3A_153 : vector<1024x1024xi1>, vector<1024x1024xf32>
    %reduce_min3A_170 = arith.constant dense<0x7F800000> : vector<1024xf32>
    %reduce_min3A_171 = vector.multi_reduction <minimumf>, %select_n3A_169, %reduce_min3A_170 [1] : vector<1024x1024xf32> to vector<1024xf32>
    %broadcast_in_dim3A_172 = vector.shape_cast %reduce_min3A_171 : vector<1024xf32> to vector<1024x1xf32>
    %eq3A_173 = vector.broadcast %broadcast_in_dim3A_172 : vector<1024x1xf32> to vector<1024x1024xf32>
    %eq3A_174 = arith.cmpf oeq, %select_n3A_169, %eq3A_173 : vector<1024x1024xf32>
    %jit3A_175 = arith.constant 1.024000e+03 : f32
    %broadcast_in_dim3A_176 = vector.broadcast %jit3A_175 : f32 to vector<1024x1024xf32>
    %select_n3A_177 = arith.select %eq3A_174, %convert_element_type3A, %broadcast_in_dim3A_176 : vector<1024x1024xi1>, vector<1024x1024xf32>
    %reduce_min3A_178 = arith.constant dense<0x7F800000> : vector<1024xf32>
    %reduce_min3A_179 = vector.multi_reduction <minimumf>, %select_n3A_177, %reduce_min3A_178 [1] : vector<1024x1024xf32> to vector<1024xf32>
    %broadcast_in_dim3A_180 = vector.shape_cast %reduce_min3A_179 : vector<1024xf32> to vector<1024x1xf32>
    %eq3A_181 = vector.broadcast %broadcast_in_dim3A_180 : vector<1024x1xf32> to vector<1024x1024xf32>
    %eq3A_182 = arith.cmpf oeq, %convert_element_type3A, %eq3A_181 : vector<1024x1024xf32>
    %jit3A_183 = arith.constant 0x7F800000 : f32
    %broadcast_in_dim3A_184 = vector.broadcast %jit3A_183 : f32 to vector<1024x1024xf32>
    %select_n3A_185 = arith.select %eq3A_182, %broadcast_in_dim3A_184, %select_n3A_169 : vector<1024x1024xi1>, vector<1024x1024xf32>
    %reduce_min3A_186 = arith.constant dense<0x7F800000> : vector<1024xf32>
    %reduce_min3A_187 = vector.multi_reduction <minimumf>, %select_n3A_185, %reduce_min3A_186 [1] : vector<1024x1024xf32> to vector<1024xf32>
    %broadcast_in_dim3A_188 = vector.shape_cast %reduce_min3A_187 : vector<1024xf32> to vector<1024x1xf32>
    %eq3A_189 = vector.broadcast %broadcast_in_dim3A_188 : vector<1024x1xf32> to vector<1024x1024xf32>
    %eq3A_190 = arith.cmpf oeq, %select_n3A_185, %eq3A_189 : vector<1024x1024xf32>
    %jit3A_191 = arith.constant 1.024000e+03 : f32
    %broadcast_in_dim3A_192 = vector.broadcast %jit3A_191 : f32 to vector<1024x1024xf32>
    %select_n3A_193 = arith.select %eq3A_190, %convert_element_type3A, %broadcast_in_dim3A_192 : vector<1024x1024xi1>, vector<1024x1024xf32>
    %reduce_min3A_194 = arith.constant dense<0x7F800000> : vector<1024xf32>
    %reduce_min3A_195 = vector.multi_reduction <minimumf>, %select_n3A_193, %reduce_min3A_194 [1] : vector<1024x1024xf32> to vector<1024xf32>
    %broadcast_in_dim3A_196 = vector.shape_cast %reduce_min3A_195 : vector<1024xf32> to vector<1024x1xf32>
    %eq3A_197 = vector.broadcast %broadcast_in_dim3A_196 : vector<1024x1xf32> to vector<1024x1024xf32>
    %eq3A_198 = arith.cmpf oeq, %convert_element_type3A, %eq3A_197 : vector<1024x1024xf32>
    %jit3A_199 = arith.constant 0x7F800000 : f32
    %broadcast_in_dim3A_200 = vector.broadcast %jit3A_199 : f32 to vector<1024x1024xf32>
    %select_n3A_201 = arith.select %eq3A_198, %broadcast_in_dim3A_200, %select_n3A_185 : vector<1024x1024xi1>, vector<1024x1024xf32>
    %reduce_min3A_202 = arith.constant dense<0x7F800000> : vector<1024xf32>
    %reduce_min3A_203 = vector.multi_reduction <minimumf>, %select_n3A_201, %reduce_min3A_202 [1] : vector<1024x1024xf32> to vector<1024xf32>
    %broadcast_in_dim3A_204 = vector.shape_cast %reduce_min3A_203 : vector<1024xf32> to vector<1024x1xf32>
    %eq3A_205 = vector.broadcast %broadcast_in_dim3A_204 : vector<1024x1xf32> to vector<1024x1024xf32>
    %eq3A_206 = arith.cmpf oeq, %select_n3A_201, %eq3A_205 : vector<1024x1024xf32>
    %jit3A_207 = arith.constant 1.024000e+03 : f32
    %broadcast_in_dim3A_208 = vector.broadcast %jit3A_207 : f32 to vector<1024x1024xf32>
    %select_n3A_209 = arith.select %eq3A_206, %convert_element_type3A, %broadcast_in_dim3A_208 : vector<1024x1024xi1>, vector<1024x1024xf32>
    %reduce_min3A_210 = arith.constant dense<0x7F800000> : vector<1024xf32>
    %reduce_min3A_211 = vector.multi_reduction <minimumf>, %select_n3A_209, %reduce_min3A_210 [1] : vector<1024x1024xf32> to vector<1024xf32>
    %broadcast_in_dim3A_212 = vector.shape_cast %reduce_min3A_211 : vector<1024xf32> to vector<1024x1xf32>
    %eq3A_213 = vector.broadcast %broadcast_in_dim3A_212 : vector<1024x1xf32> to vector<1024x1024xf32>
    %eq3A_214 = arith.cmpf oeq, %convert_element_type3A, %eq3A_213 : vector<1024x1024xf32>
    %jit3A_215 = arith.constant 0x7F800000 : f32
    %broadcast_in_dim3A_216 = vector.broadcast %jit3A_215 : f32 to vector<1024x1024xf32>
    %select_n3A_217 = arith.select %eq3A_214, %broadcast_in_dim3A_216, %select_n3A_201 : vector<1024x1024xi1>, vector<1024x1024xf32>
    %reduce_min3A_218 = arith.constant dense<0x7F800000> : vector<1024xf32>
    %reduce_min3A_219 = vector.multi_reduction <minimumf>, %select_n3A_217, %reduce_min3A_218 [1] : vector<1024x1024xf32> to vector<1024xf32>
    %broadcast_in_dim3A_220 = vector.shape_cast %reduce_min3A_219 : vector<1024xf32> to vector<1024x1xf32>
    %eq3A_221 = vector.broadcast %broadcast_in_dim3A_220 : vector<1024x1xf32> to vector<1024x1024xf32>
    %eq3A_222 = arith.cmpf oeq, %select_n3A_217, %eq3A_221 : vector<1024x1024xf32>
    %jit3A_223 = arith.constant 1.024000e+03 : f32
    %broadcast_in_dim3A_224 = vector.broadcast %jit3A_223 : f32 to vector<1024x1024xf32>
    %select_n3A_225 = arith.select %eq3A_222, %convert_element_type3A, %broadcast_in_dim3A_224 : vector<1024x1024xi1>, vector<1024x1024xf32>
    %reduce_min3A_226 = arith.constant dense<0x7F800000> : vector<1024xf32>
    %reduce_min3A_227 = vector.multi_reduction <minimumf>, %select_n3A_225, %reduce_min3A_226 [1] : vector<1024x1024xf32> to vector<1024xf32>
    %broadcast_in_dim3A_228 = vector.shape_cast %reduce_min3A_227 : vector<1024xf32> to vector<1024x1xf32>
    %eq3A_229 = vector.broadcast %broadcast_in_dim3A_228 : vector<1024x1xf32> to vector<1024x1024xf32>
    %eq3A_230 = arith.cmpf oeq, %convert_element_type3A, %eq3A_229 : vector<1024x1024xf32>
    %jit3A_231 = arith.constant 0x7F800000 : f32
    %broadcast_in_dim3A_232 = vector.broadcast %jit3A_231 : f32 to vector<1024x1024xf32>
    %select_n3A_233 = arith.select %eq3A_230, %broadcast_in_dim3A_232, %select_n3A_217 : vector<1024x1024xi1>, vector<1024x1024xf32>
    %reduce_min3A_234 = arith.constant dense<0x7F800000> : vector<1024xf32>
    %reduce_min3A_235 = vector.multi_reduction <minimumf>, %select_n3A_233, %reduce_min3A_234 [1] : vector<1024x1024xf32> to vector<1024xf32>
    %broadcast_in_dim3A_236 = vector.shape_cast %reduce_min3A_235 : vector<1024xf32> to vector<1024x1xf32>
    %eq3A_237 = vector.broadcast %broadcast_in_dim3A_236 : vector<1024x1xf32> to vector<1024x1024xf32>
    %eq3A_238 = arith.cmpf oeq, %select_n3A_233, %eq3A_237 : vector<1024x1024xf32>
    %jit3A_239 = arith.constant 1.024000e+03 : f32
    %broadcast_in_dim3A_240 = vector.broadcast %jit3A_239 : f32 to vector<1024x1024xf32>
    %select_n3A_241 = arith.select %eq3A_238, %convert_element_type3A, %broadcast_in_dim3A_240 : vector<1024x1024xi1>, vector<1024x1024xf32>
    %reduce_min3A_242 = arith.constant dense<0x7F800000> : vector<1024xf32>
    %reduce_min3A_243 = vector.multi_reduction <minimumf>, %select_n3A_241, %reduce_min3A_242 [1] : vector<1024x1024xf32> to vector<1024xf32>
    %broadcast_in_dim3A_244 = vector.shape_cast %reduce_min3A_243 : vector<1024xf32> to vector<1024x1xf32>
    %eq3A_245 = vector.broadcast %broadcast_in_dim3A_244 : vector<1024x1xf32> to vector<1024x1024xf32>
    %eq3A_246 = arith.cmpf oeq, %convert_element_type3A, %eq3A_245 : vector<1024x1024xf32>
    %jit3A_247 = arith.constant 0x7F800000 : f32
    %broadcast_in_dim3A_248 = vector.broadcast %jit3A_247 : f32 to vector<1024x1024xf32>
    %select_n3A_249 = arith.select %eq3A_246, %broadcast_in_dim3A_248, %select_n3A_233 : vector<1024x1024xi1>, vector<1024x1024xf32>
    %reduce_min3A_250 = arith.constant dense<0x7F800000> : vector<1024xf32>
    %reduce_min3A_251 = vector.multi_reduction <minimumf>, %select_n3A_249, %reduce_min3A_250 [1] : vector<1024x1024xf32> to vector<1024xf32>
    %broadcast_in_dim3A_252 = vector.shape_cast %reduce_min3A_251 : vector<1024xf32> to vector<1024x1xf32>
    %eq3A_253 = vector.broadcast %broadcast_in_dim3A_252 : vector<1024x1xf32> to vector<1024x1024xf32>
    %eq3A_254 = arith.cmpf oeq, %select_n3A_249, %eq3A_253 : vector<1024x1024xf32>
    %jit3A_255 = arith.constant 1.024000e+03 : f32
    %broadcast_in_dim3A_256 = vector.broadcast %jit3A_255 : f32 to vector<1024x1024xf32>
    %select_n3A_257 = arith.select %eq3A_254, %convert_element_type3A, %broadcast_in_dim3A_256 : vector<1024x1024xi1>, vector<1024x1024xf32>
    %reduce_min3A_258 = arith.constant dense<0x7F800000> : vector<1024xf32>
    %reduce_min3A_259 = vector.multi_reduction <minimumf>, %select_n3A_257, %reduce_min3A_258 [1] : vector<1024x1024xf32> to vector<1024xf32>
    %stack3A = vector.shape_cast %reduce_min3A_19 : vector<1024xf32> to vector<1024x1xf32>
    %stack3A_260 = vector.shape_cast %reduce_min3A_35 : vector<1024xf32> to vector<1024x1xf32>
    %stack3A_261 = vector.shape_cast %reduce_min3A_51 : vector<1024xf32> to vector<1024x1xf32>
    %stack3A_262 = vector.shape_cast %reduce_min3A_67 : vector<1024xf32> to vector<1024x1xf32>
    %stack3A_263 = vector.shape_cast %reduce_min3A_83 : vector<1024xf32> to vector<1024x1xf32>
    %stack3A_264 = vector.shape_cast %reduce_min3A_99 : vector<1024xf32> to vector<1024x1xf32>
    %stack3A_265 = vector.shape_cast %reduce_min3A_115 : vector<1024xf32> to vector<1024x1xf32>
    %stack3A_266 = vector.shape_cast %reduce_min3A_131 : vector<1024xf32> to vector<1024x1xf32>
    %stack3A_267 = vector.shape_cast %reduce_min3A_147 : vector<1024xf32> to vector<1024x1xf32>
    %stack3A_268 = vector.shape_cast %reduce_min3A_163 : vector<1024xf32> to vector<1024x1xf32>
    %stack3A_269 = vector.shape_cast %reduce_min3A_179 : vector<1024xf32> to vector<1024x1xf32>
    %stack3A_270 = vector.shape_cast %reduce_min3A_195 : vector<1024xf32> to vector<1024x1xf32>
    %stack3A_271 = vector.shape_cast %reduce_min3A_211 : vector<1024xf32> to vector<1024x1xf32>
    %stack3A_272 = vector.shape_cast %reduce_min3A_227 : vector<1024xf32> to vector<1024x1xf32>
    %stack3A_273 = vector.shape_cast %reduce_min3A_243 : vector<1024xf32> to vector<1024x1xf32>
    %stack3A_274 = vector.shape_cast %reduce_min3A_259 : vector<1024xf32> to vector<1024x1xf32>
    %stack3A_275 = tpu.concatenate %stack3A, %stack3A_260, %stack3A_261, %stack3A_262, %stack3A_263, %stack3A_264, %stack3A_265, %stack3A_266, %stack3A_267, %stack3A_268, %stack3A_269, %stack3A_270, %stack3A_271, %stack3A_272, %stack3A_273, %stack3A_274 in 1 : vector<1024x1xf32>, vector<1024x1xf32>, vector<1024x1xf32>, vector<1024x1xf32>, vector<1024x1xf32>, vector<1024x1xf32>, vector<1024x1xf32>, vector<1024x1xf32>, vector<1024x1xf32>, vector<1024x1xf32>, vector<1024x1xf32>, vector<1024x1xf32>, vector<1024x1xf32>, vector<1024x1xf32>, vector<1024x1xf32>, vector<1024x1xf32> -> vector<1024x16xf32>
    %convert_element_type3A_276 = arith.fptosi %stack3A_275 : vector<1024x16xf32> to vector<1024x16xi32>
    %add3A_277 = vector.broadcast %mul3A_13 : i32 to vector<1024x16xi32>
    %add3A_278 = arith.addi %convert_element_type3A_276, %add3A_277 : vector<1024x16xi32>
    %swap3A = arith.constant 0 : index
    %swap3A_279 = arith.constant 0 : index
    %swap3A_280 = vector.load %arg5[%swap3A, %swap3A_279] : memref<1024x16xi32, #tpu.memory_space<vmem>>, vector<1024x16xi32>
    tpu.vector_store %arg5[%swap3A, %swap3A_279], %add3A_278 {strides = array<i32>} : memref<1024x16xi32, #tpu.memory_space<vmem>>, vector<1024x16xi32>,
    %get3A_281 = arith.constant 0 : index
    %get3A_282 = arith.constant 0 : index
    %get3A_283 = vector.load %arg3[%get3A_281, %get3A_282] : memref<256x256xf32, #tpu.memory_space<vmem>>, vector<128x256xf32>
    %dot_general3A_284 = arith.constant dense<0.000000e+00> : vector<1024x256xf32>
    %dot_general3A_285 = tpu.matmul %get3A_1, %get3A_283, %dot_general3A_284 {dimension_numbers = #tpu.dot_dimension_numbers<[1], [0], [0], [1], [0, 0, 1, 1], [], []>, transpose_lhs_hint = false} : vector<1024x128xf32>, vector<128x256xf32>, vector<1024x256xf32> -> vector<1024x256xf32>
    %get3A_286 = arith.constant 0 : index
    %get3A_287 = vector.load %arg4[%get3A_286] : memref<256xf32, #tpu.memory_space<vmem>>, vector<256xf32>
    %broadcast_in_dim3A_288 = vector.shape_cast %get3A_287 : vector<256xf32> to vector<1x256xf32>
    %add3A_289 = vector.broadcast %broadcast_in_dim3A_288 : vector<1x256xf32> to vector<1024x256xf32>
    %add3A_290 = arith.addf %dot_general3A_285, %add3A_289 : vector<1024x256xf32>
    %swap3A_291 = arith.constant 0 : index
    %swap3A_292 = arith.constant 0 : index
    %swap3A_293 = vector.load %arg6[%swap3A_291, %swap3A_292] : memref<1024x256xf32, #tpu.memory_space<vmem>>, vector<1024x256xf32>
    tpu.vector_store %arg6[%swap3A_291, %swap3A_292], %add3A_290 {strides = array<i32>} : memref<1024x256xf32, #tpu.memory_space<vmem>>, vector<1024x256xf32>,
    %swap3A_294 = arith.constant 0 : index
    %swap3A_295 = arith.constant 0 : index
    %swap3A_296 = vector.load %arg7[%swap3A_294, %swap3A_295] : memref<1024x128xf32, #tpu.memory_space<vmem>>, vector<1024x128xf32>
    tpu.vector_store %arg7[%swap3A_294, %swap3A_295], %get3A_1 {strides = array<i32>} : memref<1024x128xf32, #tpu.memory_space<vmem>>, vector<1024x128xf32>,
    return
  }
  func.func @transform_0(%arg0: i32) -> (i32, i32) {
    %c0_i32 = arith.constant 0 : i32
    %c0_i32_0 = arith.constant 0 : i32
    return %arg0, %c0_i32 : i32, i32
  }
  func.func @transform_1(%arg0: i32) -> (i32, i32, i32) {
    %c0_i32 = arith.constant 0 : i32
    %c0_i32_0 = arith.constant 0 : i32
    %c0_i32_1 = arith.constant 0 : i32
    return %arg0, %c0_i32, %c0_i32_0 : i32, i32, i32
  }
  func.func @transform_2(%arg0: i32) -> (i32, i32) {
    %c0_i32 = arith.constant 0 : i32
    %c0_i32_0 = arith.constant 0 : i32
    %c0_i32_1 = arith.constant 0 : i32
    return %c0_i32, %c0_i32_0 : i32, i32
  }
  func.func @transform_3(%arg0: i32) -> i32 {
    %c0_i32 = arith.constant 0 : i32
    %c0_i32_0 = arith.constant 0 : i32
    return %c0_i32 : i32
  }
  func.func @transform_4(%arg0: i32) -> (i32, i32) {
    %c0_i32 = arith.constant 0 : i32
    %c0_i32_0 = arith.constant 0 : i32
    return %arg0, %c0_i32 : i32, i32
  }
  func.func @transform_5(%arg0: i32) -> (i32, i32) {
    %c0_i32 = arith.constant 0 : i32
    %c0_i32_0 = arith.constant 0 : i32
    return %arg0, %c0_i32 : i32, i32
  }
  func.func @transform_6(%arg0: i32) -> (i32, i32) {
    %c0_i32 = arith.constant 0 : i32
    %c0_i32_0 = arith.constant 0 : i32
    return %arg0, %c0_i32 : i32, i32
  }
}

module attributes {stable_mosaic.version = 14 : i64} {
  func.func @_conv_c_body(%arg0: i32, %arg1: memref<8192x128xf32, #tpu.memory_space<vmem>>, %arg2: memref<512x128xf32, #tpu.memory_space<vmem>>, %arg3: memref<512x256xf32, #tpu.memory_space<vmem>>, %arg4: memref<128x256xf32, #tpu.memory_space<vmem>>, %arg5: memref<512x256xf32, #tpu.memory_space<vmem>>) attributes {dimension_semantics = [#tpu.dimension_semantics<arbitrary>], iteration_bounds = array<i64: 8>, scalar_prefetch = 0 : i64, scratch_operands = 0 : i64, tpu.core_type = #tpu.core_type<tc>, window_params = [{transform_indices = @transform_0, window_bounds = array<i64: 8192, 128>}, {transform_indices = @transform_1, window_bounds = array<i64: 512, 128>}, {transform_indices = @transform_2, window_bounds = array<i64: 512, 256>}, {pipeline_mode = #tpu.pipeline_mode<synchronous>, transform_indices = @transform_3, window_bounds = array<i64: 128, 256>}, {transform_indices = @transform_4, window_bounds = array<i64: 512, 256>}]} {
    %get3A = arith.constant 0 : index
    %get3A_0 = arith.constant 0 : index
    %get3A_1 = vector.load %arg1[%get3A, %get3A_0] : memref<8192x128xf32, #tpu.memory_space<vmem>>, vector<8192x128xf32>
    %get3A_2 = arith.constant 0 : index
    %get3A_3 = arith.constant 0 : index
    %get3A_4 = vector.load %arg2[%get3A_2, %get3A_3] : memref<512x128xf32, #tpu.memory_space<vmem>>, vector<512x128xf32>
    %reshape3A = vector.shape_cast %get3A_1 : vector<8192x128xf32> to vector<512x16x128xf32>
    %broadcast_in_dim3A = vector.shape_cast %get3A_4 : vector<512x128xf32> to vector<512x1x128xf32>
    %sub3A = vector.broadcast %broadcast_in_dim3A : vector<512x1x128xf32> to vector<512x16x128xf32>
    %sub3A_5 = arith.subf %reshape3A, %sub3A : vector<512x16x128xf32>
    %reshape3A_6 = vector.shape_cast %sub3A_5 : vector<512x16x128xf32> to vector<8192x128xf32>
    %get3A_7 = arith.constant 0 : index
    %get3A_8 = arith.constant 0 : index
    %get3A_9 = vector.load %arg4[%get3A_7, %get3A_8] : memref<128x256xf32, #tpu.memory_space<vmem>>, vector<128x256xf32>
    %dot_general3A = arith.constant dense<0.000000e+00> : vector<8192x256xf32>
    %dot_general3A_10 = tpu.matmul %reshape3A_6, %get3A_9, %dot_general3A {dimension_numbers = #tpu.dot_dimension_numbers<[1], [0], [0], [1], [0, 0, 1, 1], [], []>, transpose_lhs_hint = false} : vector<8192x128xf32>, vector<128x256xf32>, vector<8192x256xf32> -> vector<8192x256xf32>
    %reshape3A_11 = vector.shape_cast %dot_general3A_10 : vector<8192x256xf32> to vector<512x16x256xf32>
    %reduce_max3A = arith.constant dense<0xFF800000> : vector<512x256xf32>
    %reduce_max3A_12 = vector.multi_reduction <maximumf>, %reshape3A_11, %reduce_max3A [1] : vector<512x16x256xf32> to vector<512x256xf32>
    %get3A_13 = arith.constant 0 : index
    %get3A_14 = arith.constant 0 : index
    %get3A_15 = vector.load %arg3[%get3A_13, %get3A_14] : memref<512x256xf32, #tpu.memory_space<vmem>>, vector<512x256xf32>
    %add3A = arith.addf %get3A_15, %reduce_max3A_12 : vector<512x256xf32>
    %swap3A = arith.constant 0 : index
    %swap3A_16 = arith.constant 0 : index
    %swap3A_17 = vector.load %arg5[%swap3A, %swap3A_16] : memref<512x256xf32, #tpu.memory_space<vmem>>, vector<512x256xf32>
    tpu.vector_store %arg5[%swap3A, %swap3A_16], %add3A {strides = array<i32>} : memref<512x256xf32, #tpu.memory_space<vmem>>, vector<512x256xf32>,
    return
  }
  func.func @transform_0(%arg0: i32) -> (i32, i32) {
    %c0_i32 = arith.constant 0 : i32
    %c0_i32_0 = arith.constant 0 : i32
    return %arg0, %c0_i32 : i32, i32
  }
  func.func @transform_1(%arg0: i32) -> (i32, i32) {
    %c0_i32 = arith.constant 0 : i32
    %c0_i32_0 = arith.constant 0 : i32
    return %arg0, %c0_i32 : i32, i32
  }
  func.func @transform_2(%arg0: i32) -> (i32, i32) {
    %c0_i32 = arith.constant 0 : i32
    %c0_i32_0 = arith.constant 0 : i32
    return %arg0, %c0_i32 : i32, i32
  }
  func.func @transform_3(%arg0: i32) -> (i32, i32) {
    %c0_i32 = arith.constant 0 : i32
    %c0_i32_0 = arith.constant 0 : i32
    %c0_i32_1 = arith.constant 0 : i32
    return %c0_i32, %c0_i32_0 : i32, i32
  }
  func.func @transform_4(%arg0: i32) -> (i32, i32) {
    %c0_i32 = arith.constant 0 : i32
    %c0_i32_0 = arith.constant 0 : i32
    return %arg0, %c0_i32 : i32, i32
  }
}

module attributes {stable_mosaic.version = 14 : i64} {
  func.func @_head1_body(%arg0: i32, %arg1: memref<1024x64xf32, #tpu.memory_space<vmem>>, %arg2: memref<1024x64xf32, #tpu.memory_space<vmem>>, %arg3: memref<1024x128xf32, #tpu.memory_space<vmem>>, %arg4: memref<1024x256xf32, #tpu.memory_space<vmem>>, %arg5: memref<512x1024xf32, #tpu.memory_space<vmem>>, %arg6: memref<1024xf32, #tpu.memory_space<vmem>>, %arg7: memref<1024x1024xf32, #tpu.memory_space<vmem>>, %arg8: memref<1x1x1024xf32, #tpu.memory_space<vmem>>) attributes {dimension_semantics = [#tpu.dimension_semantics<arbitrary>], iteration_bounds = array<i64: 8>, scalar_prefetch = 0 : i64, scratch_operands = 0 : i64, tpu.core_type = #tpu.core_type<tc>, window_params = [{transform_indices = @transform_0, window_bounds = array<i64: 1024, 64>}, {transform_indices = @transform_1, window_bounds = array<i64: 1024, 64>}, {transform_indices = @transform_2, window_bounds = array<i64: 1024, 128>}, {transform_indices = @transform_3, window_bounds = array<i64: 1024, 256>}, {pipeline_mode = #tpu.pipeline_mode<synchronous>, transform_indices = @transform_4, window_bounds = array<i64: 512, 1024>}, {pipeline_mode = #tpu.pipeline_mode<synchronous>, transform_indices = @transform_5, window_bounds = array<i64: 1024>}, {transform_indices = @transform_6, window_bounds = array<i64: 1024, 1024>}, {transform_indices = @transform_7, window_bounds = array<i64: 1, 1, 1024>}]} {
    %get3A = arith.constant 0 : index
    %get3A_0 = vector.load %arg6[%get3A] : memref<1024xf32, #tpu.memory_space<vmem>>, vector<1024xf32>
    %broadcast_in_dim3A = vector.shape_cast %get3A_0 : vector<1024xf32> to vector<1x1024xf32>
    %broadcast_in_dim3A_1 = vector.shape_cast %broadcast_in_dim3A : vector<1x1024xf32> to vector<1x1024xf32>
    %broadcast_in_dim3A_2 = vector.broadcast %broadcast_in_dim3A_1 : vector<1x1024xf32> to vector<1024x1024xf32>
    %get3A_3 = arith.constant 0 : index
    %get3A_4 = arith.constant 0 : index
    %get3A_5 = vector.load %arg1[%get3A_3, %get3A_4] : memref<1024x64xf32, #tpu.memory_space<vmem>>, vector<1024x64xf32>
    %get3A_6 = arith.constant 0 : index
    %get3A_7 = arith.constant 0 : index
    %get3A_8 = vector.load %arg5[%get3A_6, %get3A_7] : memref<512x1024xf32, #tpu.memory_space<vmem>>, vector<64x1024xf32>
    %dot_general3A = arith.constant dense<0.000000e+00> : vector<1024x1024xf32>
    %dot_general3A_9 = tpu.matmul %get3A_5, %get3A_8, %dot_general3A {dimension_numbers = #tpu.dot_dimension_numbers<[1], [0], [0], [1], [0, 0, 1, 1], [], []>, transpose_lhs_hint = false} : vector<1024x64xf32>, vector<64x1024xf32>, vector<1024x1024xf32> -> vector<1024x1024xf32>
    %add3A = arith.addf %broadcast_in_dim3A_2, %dot_general3A_9 : vector<1024x1024xf32>
    %get3A_10 = arith.constant 0 : index
    %get3A_11 = arith.constant 0 : index
    %get3A_12 = vector.load %arg2[%get3A_10, %get3A_11] : memref<1024x64xf32, #tpu.memory_space<vmem>>, vector<1024x64xf32>
    %get3A_13 = arith.constant 64 : index
    %get3A_14 = arith.constant 0 : index
    %get3A_15 = vector.load %arg5[%get3A_13, %get3A_14] : memref<512x1024xf32, #tpu.memory_space<vmem>>, vector<64x1024xf32>
    %dot_general3A_16 = arith.constant dense<0.000000e+00> : vector<1024x1024xf32>
    %dot_general3A_17 = tpu.matmul %get3A_12, %get3A_15, %dot_general3A_16 {dimension_numbers = #tpu.dot_dimension_numbers<[1], [0], [0], [1], [0, 0, 1, 1], [], []>, transpose_lhs_hint = false} : vector<1024x64xf32>, vector<64x1024xf32>, vector<1024x1024xf32> -> vector<1024x1024xf32>
    %add3A_18 = arith.addf %add3A, %dot_general3A_17 : vector<1024x1024xf32>
    %get3A_19 = arith.constant 0 : index
    %get3A_20 = arith.constant 0 : index
    %get3A_21 = vector.load %arg3[%get3A_19, %get3A_20] : memref<1024x128xf32, #tpu.memory_space<vmem>>, vector<1024x128xf32>
    %get3A_22 = arith.constant 128 : index
    %get3A_23 = arith.constant 0 : index
    %get3A_24 = vector.load %arg5[%get3A_22, %get3A_23] : memref<512x1024xf32, #tpu.memory_space<vmem>>, vector<128x1024xf32>
    %dot_general3A_25 = arith.constant dense<0.000000e+00> : vector<1024x1024xf32>
    %dot_general3A_26 = tpu.matmul %get3A_21, %get3A_24, %dot_general3A_25 {dimension_numbers = #tpu.dot_dimension_numbers<[1], [0], [0], [1], [0, 0, 1, 1], [], []>, transpose_lhs_hint = false} : vector<1024x128xf32>, vector<128x1024xf32>, vector<1024x1024xf32> -> vector<1024x1024xf32>
    %add3A_27 = arith.addf %add3A_18, %dot_general3A_26 : vector<1024x1024xf32>
    %get3A_28 = arith.constant 0 : index
    %get3A_29 = arith.constant 0 : index
    %get3A_30 = vector.load %arg4[%get3A_28, %get3A_29] : memref<1024x256xf32, #tpu.memory_space<vmem>>, vector<1024x256xf32>
    %get3A_31 = arith.constant 256 : index
    %get3A_32 = arith.constant 0 : index
    %get3A_33 = vector.load %arg5[%get3A_31, %get3A_32] : memref<512x1024xf32, #tpu.memory_space<vmem>>, vector<256x1024xf32>
    %dot_general3A_34 = arith.constant dense<0.000000e+00> : vector<1024x1024xf32>
    %dot_general3A_35 = tpu.matmul %get3A_30, %get3A_33, %dot_general3A_34 {dimension_numbers = #tpu.dot_dimension_numbers<[1], [0], [0], [1], [0, 0, 1, 1], [], []>, transpose_lhs_hint = false} : vector<1024x256xf32>, vector<256x1024xf32>, vector<1024x1024xf32> -> vector<1024x1024xf32>
    %add3A_36 = arith.addf %add3A_27, %dot_general3A_35 : vector<1024x1024xf32>
    %swap3A = arith.constant 0 : index
    %swap3A_37 = arith.constant 0 : index
    %swap3A_38 = vector.load %arg7[%swap3A, %swap3A_37] : memref<1024x1024xf32, #tpu.memory_space<vmem>>, vector<1024x1024xf32>
    tpu.vector_store %arg7[%swap3A, %swap3A_37], %add3A_36 {strides = array<i32>} : memref<1024x1024xf32, #tpu.memory_space<vmem>>, vector<1024x1024xf32>,
    %reduce_sum3A = arith.constant dense<0.000000e+00> : vector<1024xf32>
    %reduce_sum3A_39 = vector.multi_reduction <add>, %add3A_36, %reduce_sum3A [0] : vector<1024x1024xf32> to vector<1024xf32>
    %broadcast_in_dim3A_40 = vector.shape_cast %reduce_sum3A_39 : vector<1024xf32> to vector<1x1x1024xf32>
    %swap3A_41 = arith.constant 0 : index
    %swap3A_42 = arith.constant 0 : index
    %swap3A_43 = arith.constant 0 : index
    %swap3A_44 = vector.load %arg8[%swap3A_41, %swap3A_42, %swap3A_43] : memref<1x1x1024xf32, #tpu.memory_space<vmem>>, vector<1x1x1024xf32>
    tpu.vector_store %arg8[%swap3A_41, %swap3A_42, %swap3A_43], %broadcast_in_dim3A_40 {strides = array<i32>} : memref<1x1x1024xf32, #tpu.memory_space<vmem>>, vector<1x1x1024xf32>,
    return
  }
  func.func @transform_0(%arg0: i32) -> (i32, i32) {
    %c0_i32 = arith.constant 0 : i32
    %c0_i32_0 = arith.constant 0 : i32
    return %arg0, %c0_i32 : i32, i32
  }
  func.func @transform_1(%arg0: i32) -> (i32, i32) {
    %c0_i32 = arith.constant 0 : i32
    %c0_i32_0 = arith.constant 0 : i32
    return %arg0, %c0_i32 : i32, i32
  }
  func.func @transform_2(%arg0: i32) -> (i32, i32) {
    %c0_i32 = arith.constant 0 : i32
    %c0_i32_0 = arith.constant 0 : i32
    return %arg0, %c0_i32 : i32, i32
  }
  func.func @transform_3(%arg0: i32) -> (i32, i32) {
    %c0_i32 = arith.constant 0 : i32
    %c0_i32_0 = arith.constant 0 : i32
    return %arg0, %c0_i32 : i32, i32
  }
  func.func @transform_4(%arg0: i32) -> (i32, i32) {
    %c0_i32 = arith.constant 0 : i32
    %c0_i32_0 = arith.constant 0 : i32
    %c0_i32_1 = arith.constant 0 : i32
    return %c0_i32, %c0_i32_0 : i32, i32
  }
  func.func @transform_5(%arg0: i32) -> i32 {
    %c0_i32 = arith.constant 0 : i32
    %c0_i32_0 = arith.constant 0 : i32
    return %c0_i32 : i32
  }
  func.func @transform_6(%arg0: i32) -> (i32, i32) {
    %c0_i32 = arith.constant 0 : i32
    %c0_i32_0 = arith.constant 0 : i32
    return %arg0, %c0_i32 : i32, i32
  }
  func.func @transform_7(%arg0: i32) -> (i32, i32, i32) {
    %c0_i32 = arith.constant 0 : i32
    %c0_i32_0 = arith.constant 0 : i32
    %c0_i32_1 = arith.constant 0 : i32
    return %arg0, %c0_i32, %c0_i32_0 : i32, i32, i32
  }
}

module attributes {stable_mosaic.version = 14 : i64} {
  func.func @_head1b_body(%arg0: i32, %arg1: memref<1024x1024xf32, #tpu.memory_space<vmem>>, %arg2: memref<8x1x1024xf32, #tpu.memory_space<vmem>>, %arg3: memref<1x1x1024xf32, #tpu.memory_space<vmem>>) attributes {dimension_semantics = [#tpu.dimension_semantics<arbitrary>], iteration_bounds = array<i64: 8>, scalar_prefetch = 0 : i64, scratch_operands = 0 : i64, tpu.core_type = #tpu.core_type<tc>, window_params = [{transform_indices = @transform_0, window_bounds = array<i64: 1024, 1024>}, {pipeline_mode = #tpu.pipeline_mode<synchronous>, transform_indices = @transform_1, window_bounds = array<i64: 8, 1, 1024>}, {transform_indices = @transform_2, window_bounds = array<i64: 1, 1, 1024>}]} {
    %get3A = arith.constant 0 : index
    %get3A_0 = arith.constant 0 : index
    %get3A_1 = arith.constant 0 : index
    %get3A_2 = vector.load %arg2[%get3A, %get3A_0, %get3A_1] : memref<8x1x1024xf32, #tpu.memory_space<vmem>>, vector<8x1x1024xf32>
    %reduce_sum3A = arith.constant dense<0.000000e+00> : vector<1024xf32>
    %reduce_sum3A_3 = vector.multi_reduction <add>, %get3A_2, %reduce_sum3A [0, 1] : vector<8x1x1024xf32> to vector<1024xf32>
    %div3A = arith.constant 8.192000e+03 : f32
    %div3A_4 = vector.broadcast %div3A : f32 to vector<1024xf32>
    %div3A_5 = arith.divf %reduce_sum3A_3, %div3A_4 : vector<1024xf32>
    %get3A_6 = arith.constant 0 : index
    %get3A_7 = arith.constant 0 : index
    %get3A_8 = vector.load %arg1[%get3A_6, %get3A_7] : memref<1024x1024xf32, #tpu.memory_space<vmem>>, vector<1024x1024xf32>
    %broadcast_in_dim3A = vector.shape_cast %div3A_5 : vector<1024xf32> to vector<1x1024xf32>
    %sub3A = vector.broadcast %broadcast_in_dim3A : vector<1x1024xf32> to vector<1024x1024xf32>
    %sub3A_9 = arith.subf %get3A_8, %sub3A : vector<1024x1024xf32>
    %mul3A = arith.mulf %sub3A_9, %sub3A_9 : vector<1024x1024xf32>
    %reduce_sum3A_10 = arith.constant dense<0.000000e+00> : vector<1024xf32>
    %reduce_sum3A_11 = vector.multi_reduction <add>, %mul3A, %reduce_sum3A_10 [0] : vector<1024x1024xf32> to vector<1024xf32>
    %broadcast_in_dim3A_12 = vector.shape_cast %reduce_sum3A_11 : vector<1024xf32> to vector<1x1x1024xf32>
    %swap3A = arith.constant 0 : index
    %swap3A_13 = arith.constant 0 : index
    %swap3A_14 = arith.constant 0 : index
    %swap3A_15 = vector.load %arg3[%swap3A, %swap3A_13, %swap3A_14] : memref<1x1x1024xf32, #tpu.memory_space<vmem>>, vector<1x1x1024xf32>
    tpu.vector_store %arg3[%swap3A, %swap3A_13, %swap3A_14], %broadcast_in_dim3A_12 {strides = array<i32>} : memref<1x1x1024xf32, #tpu.memory_space<vmem>>, vector<1x1x1024xf32>,
    return
  }
  func.func @transform_0(%arg0: i32) -> (i32, i32) {
    %c0_i32 = arith.constant 0 : i32
    %c0_i32_0 = arith.constant 0 : i32
    return %arg0, %c0_i32 : i32, i32
  }
  func.func @transform_1(%arg0: i32) -> (i32, i32, i32) {
    %c0_i32 = arith.constant 0 : i32
    %c0_i32_0 = arith.constant 0 : i32
    %c0_i32_1 = arith.constant 0 : i32
    %c0_i32_2 = arith.constant 0 : i32
    return %c0_i32, %c0_i32_0, %c0_i32_1 : i32, i32, i32
  }
  func.func @transform_2(%arg0: i32) -> (i32, i32, i32) {
    %c0_i32 = arith.constant 0 : i32
    %c0_i32_0 = arith.constant 0 : i32
    %c0_i32_1 = arith.constant 0 : i32
    return %arg0, %c0_i32, %c0_i32_0 : i32, i32, i32
  }
}

module attributes {stable_mosaic.version = 14 : i64} {
  func.func @_head2_body(%arg0: i32, %arg1: memref<1024x1024xf32, #tpu.memory_space<vmem>>, %arg2: memref<8x1x1024xf32, #tpu.memory_space<vmem>>, %arg3: memref<8x1x1024xf32, #tpu.memory_space<vmem>>, %arg4: memref<1024xf32, #tpu.memory_space<vmem>>, %arg5: memref<1024xf32, #tpu.memory_space<vmem>>, %arg6: memref<1x1x1024xf32, #tpu.memory_space<vmem>>) attributes {dimension_semantics = [#tpu.dimension_semantics<arbitrary>], iteration_bounds = array<i64: 8>, scalar_prefetch = 0 : i64, scratch_operands = 0 : i64, tpu.core_type = #tpu.core_type<tc>, window_params = [{transform_indices = @transform_0, window_bounds = array<i64: 1024, 1024>}, {pipeline_mode = #tpu.pipeline_mode<synchronous>, transform_indices = @transform_1, window_bounds = array<i64: 8, 1, 1024>}, {pipeline_mode = #tpu.pipeline_mode<synchronous>, transform_indices = @transform_2, window_bounds = array<i64: 8, 1, 1024>}, {pipeline_mode = #tpu.pipeline_mode<synchronous>, transform_indices = @transform_3, window_bounds = array<i64: 1024>}, {pipeline_mode = #tpu.pipeline_mode<synchronous>, transform_indices = @transform_4, window_bounds = array<i64: 1024>}, {transform_indices = @transform_5, window_bounds = array<i64: 1, 1, 1024>}]} {
    %get3A = arith.constant 0 : index
    %get3A_0 = arith.constant 0 : index
    %get3A_1 = arith.constant 0 : index
    %get3A_2 = vector.load %arg2[%get3A, %get3A_0, %get3A_1] : memref<8x1x1024xf32, #tpu.memory_space<vmem>>, vector<8x1x1024xf32>
    %reduce_sum3A = arith.constant dense<0.000000e+00> : vector<1024xf32>
    %reduce_sum3A_3 = vector.multi_reduction <add>, %get3A_2, %reduce_sum3A [0, 1] : vector<8x1x1024xf32> to vector<1024xf32>
    %get3A_4 = arith.constant 0 : index
    %get3A_5 = arith.constant 0 : index
    %get3A_6 = arith.constant 0 : index
    %get3A_7 = vector.load %arg3[%get3A_4, %get3A_5, %get3A_6] : memref<8x1x1024xf32, #tpu.memory_space<vmem>>, vector<8x1x1024xf32>
    %reduce_sum3A_8 = arith.constant dense<0.000000e+00> : vector<1024xf32>
    %reduce_sum3A_9 = vector.multi_reduction <add>, %get3A_7, %reduce_sum3A_8 [0, 1] : vector<8x1x1024xf32> to vector<1024xf32>
    %div3A = arith.constant 8.192000e+03 : f32
    %div3A_10 = vector.broadcast %div3A : f32 to vector<1024xf32>
    %div3A_11 = arith.divf %reduce_sum3A_3, %div3A_10 : vector<1024xf32>
    %div3A_12 = arith.constant 8.192000e+03 : f32
    %div3A_13 = vector.broadcast %div3A_12 : f32 to vector<1024xf32>
    %div3A_14 = arith.divf %reduce_sum3A_9, %div3A_13 : vector<1024xf32>
    %get3A_15 = arith.constant 0 : index
    %get3A_16 = vector.load %arg4[%get3A_15] : memref<1024xf32, #tpu.memory_space<vmem>>, vector<1024xf32>
    %add3A = arith.constant 9.99999974E-6 : f32
    %add3A_17 = vector.broadcast %add3A : f32 to vector<1024xf32>
    %add3A_18 = arith.addf %div3A_14, %add3A_17 : vector<1024xf32>
    %sqrt3A = math.sqrt %add3A_18 : vector<1024xf32>
    %div3A_19 = arith.divf %get3A_16, %sqrt3A : vector<1024xf32>
    %get3A_20 = arith.constant 0 : index
    %get3A_21 = vector.load %arg5[%get3A_20] : memref<1024xf32, #tpu.memory_space<vmem>>, vector<1024xf32>
    %mul3A = arith.mulf %div3A_11, %div3A_19 : vector<1024xf32>
    %sub3A = arith.subf %get3A_21, %mul3A : vector<1024xf32>
    %get3A_22 = arith.constant 0 : index
    %get3A_23 = arith.constant 0 : index
    %get3A_24 = vector.load %arg1[%get3A_22, %get3A_23] : memref<1024x1024xf32, #tpu.memory_space<vmem>>, vector<1024x1024xf32>
    %broadcast_in_dim3A = vector.shape_cast %div3A_19 : vector<1024xf32> to vector<1x1024xf32>
    %mul3A_25 = vector.broadcast %broadcast_in_dim3A : vector<1x1024xf32> to vector<1024x1024xf32>
    %mul3A_26 = arith.mulf %get3A_24, %mul3A_25 : vector<1024x1024xf32>
    %broadcast_in_dim3A_27 = vector.shape_cast %sub3A : vector<1024xf32> to vector<1x1024xf32>
    %add3A_28 = vector.broadcast %broadcast_in_dim3A_27 : vector<1x1024xf32> to vector<1024x1024xf32>
    %add3A_29 = arith.addf %mul3A_26, %add3A_28 : vector<1024x1024xf32>
    %jit3A = arith.constant 2.000000e-01 : f32
    %ge3A = arith.constant 0.000000e+00 : f32
    %ge3A_30 = vector.broadcast %ge3A : f32 to vector<1024x1024xf32>
    %ge3A_31 = arith.cmpf oge, %add3A_29, %ge3A_30 : vector<1024x1024xf32>
    %mul3A_32 = vector.broadcast %jit3A : f32 to vector<1024x1024xf32>
    %mul3A_33 = arith.mulf %mul3A_32, %add3A_29 : vector<1024x1024xf32>
    %select_n3A = arith.select %ge3A_31, %add3A_29, %mul3A_33 : vector<1024x1024xi1>, vector<1024x1024xf32>
    %reduce_max3A = arith.constant dense<0xFF800000> : vector<1024xf32>
    %reduce_max3A_34 = vector.multi_reduction <maximumf>, %select_n3A, %reduce_max3A [0] : vector<1024x1024xf32> to vector<1024xf32>
    %broadcast_in_dim3A_35 = vector.shape_cast %reduce_max3A_34 : vector<1024xf32> to vector<1x1x1024xf32>
    %swap3A = arith.constant 0 : index
    %swap3A_36 = arith.constant 0 : index
    %swap3A_37 = arith.constant 0 : index
    %swap3A_38 = vector.load %arg6[%swap3A, %swap3A_36, %swap3A_37] : memref<1x1x1024xf32, #tpu.memory_space<vmem>>, vector<1x1x1024xf32>
    tpu.vector_store %arg6[%swap3A, %swap3A_36, %swap3A_37], %broadcast_in_dim3A_35 {strides = array<i32>} : memref<1x1x1024xf32, #tpu.memory_space<vmem>>, vector<1x1x1024xf32>,
    return
  }
  func.func @transform_0(%arg0: i32) -> (i32, i32) {
    %c0_i32 = arith.constant 0 : i32
    %c0_i32_0 = arith.constant 0 : i32
    return %arg0, %c0_i32 : i32, i32
  }
  func.func @transform_1(%arg0: i32) -> (i32, i32, i32) {
    %c0_i32 = arith.constant 0 : i32
    %c0_i32_0 = arith.constant 0 : i32
    %c0_i32_1 = arith.constant 0 : i32
    %c0_i32_2 = arith.constant 0 : i32
    return %c0_i32, %c0_i32_0, %c0_i32_1 : i32, i32, i32
  }
  func.func @transform_2(%arg0: i32) -> (i32, i32, i32) {
    %c0_i32 = arith.constant 0 : i32
    %c0_i32_0 = arith.constant 0 : i32
    %c0_i32_1 = arith.constant 0 : i32
    %c0_i32_2 = arith.constant 0 : i32
    return %c0_i32, %c0_i32_0, %c0_i32_1 : i32, i32, i32
  }
  func.func @transform_3(%arg0: i32) -> i32 {
    %c0_i32 = arith.constant 0 : i32
    %c0_i32_0 = arith.constant 0 : i32
    return %c0_i32 : i32
  }
  func.func @transform_4(%arg0: i32) -> i32 {
    %c0_i32 = arith.constant 0 : i32
    %c0_i32_0 = arith.constant 0 : i32
    return %c0_i32 : i32
  }
  func.func @transform_5(%arg0: i32) -> (i32, i32, i32) {
    %c0_i32 = arith.constant 0 : i32
    %c0_i32_0 = arith.constant 0 : i32
    %c0_i32_1 = arith.constant 0 : i32
    return %arg0, %c0_i32, %c0_i32_0 : i32, i32, i32
  }
}

module attributes {stable_mosaic.version = 14 : i64} {
  func.func @_head3_body(%arg0: memref<8x1024xf32, #tpu.memory_space<vmem>>, %arg1: memref<1024x512xf32, #tpu.memory_space<vmem>>, %arg2: memref<512xf32, #tpu.memory_space<vmem>>, %arg3: memref<512xf32, #tpu.memory_space<vmem>>, %arg4: memref<512xf32, #tpu.memory_space<vmem>>, %arg5: memref<512x256xf32, #tpu.memory_space<vmem>>, %arg6: memref<256xf32, #tpu.memory_space<vmem>>, %arg7: memref<256xf32, #tpu.memory_space<vmem>>, %arg8: memref<256xf32, #tpu.memory_space<vmem>>, %arg9: memref<256x40xf32, #tpu.memory_space<vmem>>, %arg10: memref<40xf32, #tpu.memory_space<vmem>>, %arg11: memref<8x40xf32, #tpu.memory_space<vmem>>) attributes {dimension_semantics = [], scalar_prefetch = 0 : i64, scratch_operands = 0 : i64, tpu.core_type = #tpu.core_type<tc>} {
    %get3A = arith.constant 0 : index
    %get3A_0 = arith.constant 0 : index
    %get3A_1 = vector.load %arg0[%get3A, %get3A_0] : memref<8x1024xf32, #tpu.memory_space<vmem>>, vector<8x1024xf32>
    %get3A_2 = arith.constant 0 : index
    %get3A_3 = arith.constant 0 : index
    %get3A_4 = vector.load %arg1[%get3A_2, %get3A_3] : memref<1024x512xf32, #tpu.memory_space<vmem>>, vector<1024x512xf32>
    %dot_general3A = arith.constant dense<0.000000e+00> : vector<8x512xf32>
    %dot_general3A_5 = tpu.matmul %get3A_1, %get3A_4, %dot_general3A {dimension_numbers = #tpu.dot_dimension_numbers<[1], [0], [0], [1], [0, 0, 1, 1], [], []>, transpose_lhs_hint = false} : vector<8x1024xf32>, vector<1024x512xf32>, vector<8x512xf32> -> vector<8x512xf32>
    %get3A_6 = arith.constant 0 : index
    %get3A_7 = vector.load %arg2[%get3A_6] : memref<512xf32, #tpu.memory_space<vmem>>, vector<512xf32>
    %broadcast_in_dim3A = vector.shape_cast %get3A_7 : vector<512xf32> to vector<1x512xf32>
    %add3A = vector.broadcast %broadcast_in_dim3A : vector<1x512xf32> to vector<8x512xf32>
    %add3A_8 = arith.addf %dot_general3A_5, %add3A : vector<8x512xf32>
    %get3A_9 = arith.constant 0 : index
    %get3A_10 = vector.load %arg3[%get3A_9] : memref<512xf32, #tpu.memory_space<vmem>>, vector<512xf32>
    %get3A_11 = arith.constant 0 : index
    %get3A_12 = vector.load %arg4[%get3A_11] : memref<512xf32, #tpu.memory_space<vmem>>, vector<512xf32>
    %reduce_sum3A = arith.constant dense<0.000000e+00> : vector<512xf32>
    %reduce_sum3A_13 = vector.multi_reduction <add>, %add3A_8, %reduce_sum3A [0] : vector<8x512xf32> to vector<512xf32>
    %broadcast_in_dim3A_14 = vector.shape_cast %reduce_sum3A_13 : vector<512xf32> to vector<1x512xf32>
    %div3A = arith.constant 8.000000e+00 : f32
    %div3A_15 = vector.broadcast %div3A : f32 to vector<1x512xf32>
    %div3A_16 = arith.divf %broadcast_in_dim3A_14, %div3A_15 : vector<1x512xf32>
    %sub3A = vector.broadcast %div3A_16 : vector<1x512xf32> to vector<8x512xf32>
    %sub3A_17 = arith.subf %add3A_8, %sub3A : vector<8x512xf32>
    %sub3A_18 = vector.broadcast %div3A_16 : vector<1x512xf32> to vector<8x512xf32>
    %sub3A_19 = arith.subf %add3A_8, %sub3A_18 : vector<8x512xf32>
    %mul3A = arith.mulf %sub3A_17, %sub3A_19 : vector<8x512xf32>
    %reduce_sum3A_20 = arith.constant dense<0.000000e+00> : vector<512xf32>
    %reduce_sum3A_21 = vector.multi_reduction <add>, %mul3A, %reduce_sum3A_20 [0] : vector<8x512xf32> to vector<512xf32>
    %broadcast_in_dim3A_22 = vector.shape_cast %reduce_sum3A_21 : vector<512xf32> to vector<1x512xf32>
    %div3A_23 = arith.constant 8.000000e+00 : f32
    %div3A_24 = vector.broadcast %div3A_23 : f32 to vector<1x512xf32>
    %div3A_25 = arith.divf %broadcast_in_dim3A_22, %div3A_24 : vector<1x512xf32>
    %sub3A_26 = vector.broadcast %div3A_16 : vector<1x512xf32> to vector<8x512xf32>
    %sub3A_27 = arith.subf %add3A_8, %sub3A_26 : vector<8x512xf32>
    %broadcast_in_dim3A_28 = vector.shape_cast %get3A_10 : vector<512xf32> to vector<1x512xf32>
    %mul3A_29 = vector.broadcast %broadcast_in_dim3A_28 : vector<1x512xf32> to vector<8x512xf32>
    %mul3A_30 = arith.mulf %mul3A_29, %sub3A_27 : vector<8x512xf32>
    %add3A_31 = arith.constant 9.99999974E-6 : f32
    %add3A_32 = vector.broadcast %add3A_31 : f32 to vector<1x512xf32>
    %add3A_33 = arith.addf %div3A_25, %add3A_32 : vector<1x512xf32>
    %sqrt3A = math.sqrt %add3A_33 : vector<1x512xf32>
    %div3A_34 = vector.broadcast %sqrt3A : vector<1x512xf32> to vector<8x512xf32>
    %div3A_35 = arith.divf %mul3A_30, %div3A_34 : vector<8x512xf32>
    %broadcast_in_dim3A_36 = vector.shape_cast %get3A_12 : vector<512xf32> to vector<1x512xf32>
    %add3A_37 = vector.broadcast %broadcast_in_dim3A_36 : vector<1x512xf32> to vector<8x512xf32>
    %add3A_38 = arith.addf %div3A_35, %add3A_37 : vector<8x512xf32>
    %jit3A = arith.constant 2.000000e-01 : f32
    %ge3A = arith.constant 0.000000e+00 : f32
    %ge3A_39 = vector.broadcast %ge3A : f32 to vector<8x512xf32>
    %ge3A_40 = arith.cmpf oge, %add3A_38, %ge3A_39 : vector<8x512xf32>
    %mul3A_41 = vector.broadcast %jit3A : f32 to vector<8x512xf32>
    %mul3A_42 = arith.mulf %mul3A_41, %add3A_38 : vector<8x512xf32>
    %select_n3A = arith.select %ge3A_40, %add3A_38, %mul3A_42 : vector<8x512xi1>, vector<8x512xf32>
    %get3A_43 = arith.constant 0 : index
    %get3A_44 = arith.constant 0 : index
    %get3A_45 = vector.load %arg5[%get3A_43, %get3A_44] : memref<512x256xf32, #tpu.memory_space<vmem>>, vector<512x256xf32>
    %dot_general3A_46 = arith.constant dense<0.000000e+00> : vector<8x256xf32>
    %dot_general3A_47 = tpu.matmul %select_n3A, %get3A_45, %dot_general3A_46 {dimension_numbers = #tpu.dot_dimension_numbers<[1], [0], [0], [1], [0, 0, 1, 1], [], []>, transpose_lhs_hint = false} : vector<8x512xf32>, vector<512x256xf32>, vector<8x256xf32> -> vector<8x256xf32>
    %get3A_48 = arith.constant 0 : index
    %get3A_49 = vector.load %arg6[%get3A_48] : memref<256xf32, #tpu.memory_space<vmem>>, vector<256xf32>
    %broadcast_in_dim3A_50 = vector.shape_cast %get3A_49 : vector<256xf32> to vector<1x256xf32>
    %add3A_51 = vector.broadcast %broadcast_in_dim3A_50 : vector<1x256xf32> to vector<8x256xf32>
    %add3A_52 = arith.addf %dot_general3A_47, %add3A_51 : vector<8x256xf32>
    %get3A_53 = arith.constant 0 : index
    %get3A_54 = vector.load %arg7[%get3A_53] : memref<256xf32, #tpu.memory_space<vmem>>, vector<256xf32>
    %get3A_55 = arith.constant 0 : index
    %get3A_56 = vector.load %arg8[%get3A_55] : memref<256xf32, #tpu.memory_space<vmem>>, vector<256xf32>
    %reduce_sum3A_57 = arith.constant dense<0.000000e+00> : vector<256xf32>
    %reduce_sum3A_58 = vector.multi_reduction <add>, %add3A_52, %reduce_sum3A_57 [0] : vector<8x256xf32> to vector<256xf32>
    %broadcast_in_dim3A_59 = vector.shape_cast %reduce_sum3A_58 : vector<256xf32> to vector<1x256xf32>
    %div3A_60 = arith.constant 8.000000e+00 : f32
    %div3A_61 = vector.broadcast %div3A_60 : f32 to vector<1x256xf32>
    %div3A_62 = arith.divf %broadcast_in_dim3A_59, %div3A_61 : vector<1x256xf32>
    %sub3A_63 = vector.broadcast %div3A_62 : vector<1x256xf32> to vector<8x256xf32>
    %sub3A_64 = arith.subf %add3A_52, %sub3A_63 : vector<8x256xf32>
    %sub3A_65 = vector.broadcast %div3A_62 : vector<1x256xf32> to vector<8x256xf32>
    %sub3A_66 = arith.subf %add3A_52, %sub3A_65 : vector<8x256xf32>
    %mul3A_67 = arith.mulf %sub3A_64, %sub3A_66 : vector<8x256xf32>
    %reduce_sum3A_68 = arith.constant dense<0.000000e+00> : vector<256xf32>
    %reduce_sum3A_69 = vector.multi_reduction <add>, %mul3A_67, %reduce_sum3A_68 [0] : vector<8x256xf32> to vector<256xf32>
    %broadcast_in_dim3A_70 = vector.shape_cast %reduce_sum3A_69 : vector<256xf32> to vector<1x256xf32>
    %div3A_71 = arith.constant 8.000000e+00 : f32
    %div3A_72 = vector.broadcast %div3A_71 : f32 to vector<1x256xf32>
    %div3A_73 = arith.divf %broadcast_in_dim3A_70, %div3A_72 : vector<1x256xf32>
    %sub3A_74 = vector.broadcast %div3A_62 : vector<1x256xf32> to vector<8x256xf32>
    %sub3A_75 = arith.subf %add3A_52, %sub3A_74 : vector<8x256xf32>
    %broadcast_in_dim3A_76 = vector.shape_cast %get3A_54 : vector<256xf32> to vector<1x256xf32>
    %mul3A_77 = vector.broadcast %broadcast_in_dim3A_76 : vector<1x256xf32> to vector<8x256xf32>
    %mul3A_78 = arith.mulf %mul3A_77, %sub3A_75 : vector<8x256xf32>
    %add3A_79 = arith.constant 9.99999974E-6 : f32
    %add3A_80 = vector.broadcast %add3A_79 : f32 to vector<1x256xf32>
    %add3A_81 = arith.addf %div3A_73, %add3A_80 : vector<1x256xf32>
    %sqrt3A_82 = math.sqrt %add3A_81 : vector<1x256xf32>
    %div3A_83 = vector.broadcast %sqrt3A_82 : vector<1x256xf32> to vector<8x256xf32>
    %div3A_84 = arith.divf %mul3A_78, %div3A_83 : vector<8x256xf32>
    %broadcast_in_dim3A_85 = vector.shape_cast %get3A_56 : vector<256xf32> to vector<1x256xf32>
    %add3A_86 = vector.broadcast %broadcast_in_dim3A_85 : vector<1x256xf32> to vector<8x256xf32>
    %add3A_87 = arith.addf %div3A_84, %add3A_86 : vector<8x256xf32>
    %jit3A_88 = arith.constant 2.000000e-01 : f32
    %ge3A_89 = arith.constant 0.000000e+00 : f32
    %ge3A_90 = vector.broadcast %ge3A_89 : f32 to vector<8x256xf32>
    %ge3A_91 = arith.cmpf oge, %add3A_87, %ge3A_90 : vector<8x256xf32>
    %mul3A_92 = vector.broadcast %jit3A_88 : f32 to vector<8x256xf32>
    %mul3A_93 = arith.mulf %mul3A_92, %add3A_87 : vector<8x256xf32>
    %select_n3A_94 = arith.select %ge3A_91, %add3A_87, %mul3A_93 : vector<8x256xi1>, vector<8x256xf32>
    %get3A_95 = arith.constant 0 : index
    %get3A_96 = arith.constant 0 : index
    %get3A_97 = vector.load %arg9[%get3A_95, %get3A_96] : memref<256x40xf32, #tpu.memory_space<vmem>>, vector<256x40xf32>
    %dot_general3A_98 = arith.constant dense<0.000000e+00> : vector<8x40xf32>
    %dot_general3A_99 = tpu.matmul %select_n3A_94, %get3A_97, %dot_general3A_98 {dimension_numbers = #tpu.dot_dimension_numbers<[1], [0], [0], [1], [0, 0, 1, 1], [], []>, transpose_lhs_hint = false} : vector<8x256xf32>, vector<256x40xf32>, vector<8x40xf32> -> vector<8x40xf32>
    %get3A_100 = arith.constant 0 : index
    %get3A_101 = vector.load %arg10[%get3A_100] : memref<40xf32, #tpu.memory_space<vmem>>, vector<40xf32>
    %broadcast_in_dim3A_102 = vector.shape_cast %get3A_101 : vector<40xf32> to vector<1x40xf32>
    %add3A_103 = vector.broadcast %broadcast_in_dim3A_102 : vector<1x40xf32> to vector<8x40xf32>
    %add3A_104 = arith.addf %dot_general3A_99, %add3A_103 : vector<8x40xf32>
    %swap3A = arith.constant 0 : index
    %swap3A_105 = arith.constant 0 : index
    %swap3A_106 = vector.load %arg11[%swap3A, %swap3A_105] : memref<8x40xf32, #tpu.memory_space<vmem>>, vector<8x40xf32>
    tpu.vector_store %arg11[%swap3A, %swap3A_105], %add3A_104 {strides = array<i32>} : memref<8x40xf32, #tpu.memory_space<vmem>>, vector<8x40xf32>,
    return
  }
}

</mosaic_0001>

<sc_bundles>
// kernel: kernel.30.cloned.1.call-start
scs
__scs_entry_jumppad:
0x0: {  	(pc) =	sbr.rel $0x88, $3  }
0x1: {  	(tag) =	ssettag $0x0;
	lr =	simm.s32 $0x1  }
0x2: {  	[smem:$0x3F8A] =	sst lr;
	_ =	strace $0xD0000000  }
0x3: {  	_ = 	snop  }
0x4: {  	_ = 	snop  }
0x5: {  	_ = 	snop  }
0x6: {  	_ = 	snop  }
0x7: {  	_ = 	snop  }
__scs_overlays_trampoline_lowered:
0x8: {  	[smem:$0x3F99] =	sst s0  }
0x9: {  	[smem:$0x3F9A] =	sst s1  }
0xa: {  	[smem:$0x3F9B] =	sst s2  }
0xb: {  	[smem:$0x3F9C] =	sst s3  }
0xc: {  	[smem:$0x3F9D] =	sst s4  }
0xd: {  	[smem:$0x3F9E] =	sst s5  }
0xe: {  	[smem:$0x3F9F] =	sst s6  }
0xf: {  	[smem:$0x3FA0] =	sst s7  }
0x10: {  	[smem:$0x3FA1] =	sst s8  }
0x11: {  	[smem:$0x3FA2] =	sst s9;
	s0 =	simm.s32 @!p0 $0x0  }
0x12: {  	s1 =	sld [smem:$0x3F88];
	s0 =	simm.s32 @p0 $0x1  }
0x13: {  	[smem:$0x3FA3] =	sst s0;
	s0 =	simm.s32 @!p1 $0x0  }
0x14: {  	s2 =	sld [smem:$0x3F87];
	s0 =	simm.s32 @p1 $0x1  }
0x15: {  	[smem:$0x3FA4] =	sst s0;
	s0 =	simm.s32 @!p2 $0x0  }
0x16: {  	s3 =	sld [smem:$0x3FDB];
	s0 =	simm.s32 @p2 $0x1  }
0x17: {  	s4 =	simm.s32 $0x1BF5;
	[smem:$0x3FA6] =	sst s0  }
0x18: {  	s0 =	sld [smem:$0x3F89];
	_ =	swait.ge [sflag:s4], $0x0  }
0x19: {  	s7 =	sld [smem:$0x3F8A]  }
0x1a: {  	s8 =	sadd.s32 $0xFFFFE003, lr  }
0x1b: {  	s9 =	sadd.s32 $0xFFFFFEF7, lr;
	s5 =	simm.s32 $0xFFFFFFFF;
	p2 =	slt.u32 s8, $0xFFFFF086  }
0x1c: {  	p1 =	slt.u32 s9, $0xF7A;
	s5 =	simm.s32 @!p2 $0x0  }
0x1d: {  	s5 =	simm.s32 @p1 $0x1;
	p0 =	seq.s32 s7, s2  }
0x1e: {  	s7 =	smul.u32 @!p0 $0xF7A, s2;
	p2 =	seq.s32 @!p0 s5, $0x0  }
0x1f: {  	s9 =	smul.u32 $0xF7A, s1;
	s8 =	simm.s32 @!p0 $0x1BF5;
	p2 =	por !p2, p0  }
0x20: {  	[sflag:s8] =	ssyncset.s32 @!p0 $0xFFFFF086;
	s6 =	sadd.s32 @!p0 s3, s7;
	s7 =	simm.s32 @!p0 $0x108  }
0x21: {  	s3 =	sadd.s32 s3, s9;
	s6 =	sadd.s32 @!p0 $0x88, s6;
	s7 =	simm.s32 @p2 $0x1082  }
0x22: {  	[simem:s7], [sflag:s8] =	dma.local @!p0 [hbm:s6], $0xF7A  }
0x23: {  	s9 =	sor.u32 $0xD0000000, s2;
	s6 =	simm.s32 $0x108;
	_ =	swait.ge @!p0 [sflag:s8], $0x0  }
0x24: {  	s3 =	sadd.s32 $0x88, s3;
	s6 =	simm.s32 @!p1 $0x1082;
	[sflag:s4] =	ssyncset.s32 $0xFFFFF086  }
0x25: {  	[simem:s6], [sflag:s4] =	dma.local [hbm:s3], $0xF7A  }
0x26: {  	[smem:$0x3F8A] =	sst s1;
	(tag) =	ssettag s2;
	_ =	strace s9  }
0x27: {  	s1 =	sld [smem:$0x3F9A]  }
0x28: {  	s2 =	sld [smem:$0x3F9B]  }
0x29: {  	s4 =	sld [smem:$0x3F9D]  }
0x2a: {  	p0 =	seq.s32 s5, $0x0;
	s5 =	sld [smem:$0x3F9E]  }
0x2b: {  	s6 =	sld [smem:$0x3F9F]  }
0x2c: {  	s7 =	sld [smem:$0x3FA0]  }
0x2d: {  	s3 =	simm.s32 $0x108;
	s8 =	sld [smem:$0x3FA1]  }
0x2e: {  	s3 =	simm.s32 @!p0 $0x1082;
	s9 =	sld [smem:$0x3FA2]  }
0x2f: {  	lr =	sadd.s32 s0, s3;
	s0 =	sld [smem:$0x3F99]  }
0x30: {  	s3 =	sld [smem:$0x3F9C]  }
0x31: {  	[smem:$0x3FA5] =	sst s10  }
0x32: {  	s10 =	sld [smem:$0x3FA3];
	_ =	sdelay $0x3  }
0x33: {  	p0 =	seq.s32 s10, $0x1;
	s10 =	sld [smem:$0x3FA5];
	_ =	sdelay $0x3  }
0x34: {  	[smem:$0x3FA5] =	sst s10  }
0x35: {  	s10 =	sld [smem:$0x3FA4];
	_ =	sdelay $0x3  }
0x36: {  	p1 =	seq.s32 s10, $0x1;
	s10 =	sld [smem:$0x3FA5];
	_ =	sdelay $0x3  }
0x37: {  	[smem:$0x3FA5] =	sst s10  }
0x38: {  	s10 =	sld [smem:$0x3FA6]  }
0x39: {  	_ = 	snop;
	(pc) =	sbr.ind lr, $3  }
0x3a: {  	_ = 	snop  }
0x3b: {  	_ = 	snop  }
0x3c: {  	p2 =	seq.s32 s10, $0x1;
	s10 =	sld [smem:$0x3FA5]  }
0x3d: {  	_ =	shalt  }
0x3e: {  	_ =	shalt  }
0x3f: {  	_ =	shalt  }
0x40: {  	_ =	shalt  }
0x41: {  	_ =	shalt  }
0x42: {  	_ =	shalt  }
0x43: {  	_ =	shalt  }
0x44: {  	_ =	shalt  }
0x45: {  	_ =	shalt  }
0x46: {  	_ =	shalt  }
0x47: {  	_ =	shalt  }
0x48: {  	_ =	shalt  }
0x49: {  	_ =	shalt  }
0x4a: {  	_ =	shalt  }
0x4b: {  	_ =	shalt  }
0x4c: {  	_ =	shalt  }
0x4d: {  	_ =	shalt  }
0x4e: {  	_ =	shalt  }
0x4f: {  	_ =	shalt  }
0x50: {  	_ =	shalt  }
0x51: {  	_ =	shalt  }
0x52: {  	_ =	shalt  }
0x53: {  	_ =	shalt  }
0x54: {  	_ =	shalt  }
0x55: {  	_ =	shalt  }
0x56: {  	_ =	shalt  }
0x57: {  	_ =	shalt  }
0x58: {  	_ =	shalt  }
0x59: {  	_ =	shalt  }
0x5a: {  	_ =	shalt  }
0x5b: {  	_ =	shalt  }
0x5c: {  	_ =	shalt  }
0x5d: {  	_ =	shalt  }
0x5e: {  	_ =	shalt  }
0x5f: {  	_ =	shalt  }
0x60: {  	_ =	shalt  }
0x61: {  	_ =	shalt  }
0x62: {  	_ =	shalt  }
0x63: {  	_ =	shalt  }
0x64: {  	_ =	shalt  }
0x65: {  	_ =	shalt  }
0x66: {  	_ =	shalt  }
0x67: {  	_ =	shalt  }
0x68: {  	_ =	shalt  }
0x69: {  	_ =	shalt  }
0x6a: {  	_ =	shalt  }
0x6b: {  	_ =	shalt  }
0x6c: {  	_ =	shalt  }
0x6d: {  	_ =	shalt  }
0x6e: {  	_ =	shalt  }
0x6f: {  	_ =	shalt  }
0x70: {  	_ =	shalt  }
0x71: {  	_ =	shalt  }
0x72: {  	_ =	shalt  }
0x73: {  	_ =	shalt  }
0x74: {  	_ =	shalt  }
0x75: {  	_ =	shalt  }
0x76: {  	_ =	shalt  }
0x77: {  	_ =	shalt  }
0x78: {  	_ =	shalt  }
0x79: {  	_ =	shalt  }
0x7a: {  	_ =	shalt  }
0x7b: {  	_ =	shalt  }
0x7c: {  	_ =	shalt  }
0x7d: {  	_ =	shalt  }
0x7e: {  	_ =	shalt  }
0x7f: {  	_ =	shalt  }
0x80: {  	_ =	shalt  }
0x81: {  	_ =	shalt  }
0x82: {  	_ =	shalt  }
0x83: {  	_ =	shalt  }
0x84: {  	_ =	shalt  }
0x85: {  	_ =	shalt  }
0x86: {  	_ =	shalt  }
0x87: {  	_ =	shalt  }
.Lfunc_end0:
.L_simem_size_0:
called_computation_lowered:
.L_overlay_start_0:
0x88: {  	s2 =	sld [smem:$0x3FD9]  }
0x89: {  	s3 =	sld [smem:$0x3FFE];
	_ =	sdelay $0x1  }
0x8a: {  	s1 =	srdreg.scid  }
0x8b: {  	s0 =	sand.u32 $0x1, s1  }
0x8c: {  	s16 =	sshll.u32 s0, $0xA;
	s2 =	sadd.s32 s3, s2  }
0x8d: {  	s2 =	sadd.s32 s2, s16  }
0x8e: {  	[smem:$0x3FB1] =	sst s2  }
0x8f: {  	_ = 	snop  }
0x90: {  	(tm) =	ssettm $0x1  }
0x91: {  	s17 =	sld [smem:$0x3FFB];
	_ =	sdelay $0x3  }
0x92: {  	_ =	strace s17  }
0x93: {  	s2 =	sld [smem:$0x3FFC];
	_ =	sdelay $0x3  }
0x94: {  	_ =	strace s2  }
0x95: {  	s2 =	sld [smem:$0x3FFD];
	_ =	sdelay $0x3  }
0x96: {  	_ =	strace s2  }
0x97: {  	_ =	strace $0x8FFFFFFF  }
0x98: {  	s18 =	sld [smem:$0x3FDB];
	_ =	sdelay $0x1  }
0x99: {  	s19 =	simm.s32 $_scs_section_size  }
0x9a: {  	s4 =	simm.s32 $_size__tile_overlayer_lowered;
	s5 =	simm.s32 $_tile_overlayer_lowered  }
0x9b: {  	s22 =	simm.s32 $0x1BFF;
	s21 =	sshll.u32 s5, $0x1;
	s2 =	sadd.s32 s19, s18  }
0x9c: {  	s6 =	simm.s32 $0x0;
	s20 =	sshll.u32 s4, $0x1;
	s4 =	sadd.s32 s21, s2  }
0x9d: {  	[timem:s6], [sflag:s22] =	dma.local [hbm:s4], s20  }
0x9e: {  	_ =	swait.ge [sflag:s22], s20  }
0x9f: {  	s3 =	ssub.s32 $0x0, s20;
	[sflag:s22] =	ssyncset.done $0x0  }
0xa0: {  	[sflag:s22] =	ssyncadd.s32 s3;
	_ =	sdelay $0x1  }
0xa1: {  	s23 =	simm.s32 $0x1B8B  }
0xa2: {  	_ =	swait.ge [sflag:s23], $0x1  }
0xa3: {  	[sflag:s23] =	ssyncset.done $0x0  }
0xa4: {  	s25 =	simm.s32 $0x1B8E;
	s24 =	sld [smem:$0x3FFE];
	[sflag:s23] =	ssyncadd.s32 $0xFFFFFFFF  }
0xa5: {  	s26 =	simm.s32 $execute0_lowered;
	[smem:$0x3FD2] =	sst s25  }
0xa6: {  	s4 =	sshll.u32 s26, $0x1;
	_ =	strace $0x80000046;
	[dreg:$0x1] =	wrdreg $0xFFFFFFFF  }
0xa7: {  	s28 =	simm.s32 $_size_execute0_lowered;
	s2 =	sadd.s32 s2, s4;
	[dreg:$0x0] =	wrdreg $0x0  }
0xa8: {  	s4 =	sshll.u32 s28, $0x1;
	[dreg:$0x2] =	wrdreg s2  }
0xa9: {  	[dreg:$0x3] =	wrdreg s4  }
0xaa: {  	[dreg:$0x4] =	wrdreg $0xC0  }
0xab: {  	_ =	task [dreg:s6], $0x5FFFF  }
0xac: {  	[dreg:$0x1] =	wrdreg $0xFFFFFFFF  }
0xad: {  	[dreg:$0x0] =	wrdreg $0x60  }
0xae: {  	[dreg:$0x2] =	wrdreg s24  }
0xaf: {  	[dreg:$0x3] =	wrdreg $0xA  }
0xb0: {  	_ =	task.clear_ibuf [dreg:s6], $0x4FFFF;
	_ =	strace $0x90000046  }
0xb1: {  	s29 =	simm.s32 $0xA;
	_ =	strace $0x80000048  }
0xb2: {  	_ =	swait.ge [sflag:s29], $0x1  }
0xb3: {  	[sflag:s29] =	ssyncadd.s32 $0xFFFFFFFF  }
0xb4: {  	_ =	strace $0x90000048  }
0xb5: {  	_ =	sfence  }
0xb6: {  	s30 =	sld [smem:$0x0];
	_ =	sdelay $0x2  }
0xb7: {  	s31 =	sshll.u32 s1, $0xD;
	s1 =	sshrl.u32 s1, $0x2  }
0xb8: {  	s3 =	sand.u32 $0x4000, s31;
	s1 =	sadd.s32 s1, s30  }
0xb9: {  	s0 =	sor.u32 s3, s0;
	s1 =	sshll.u32 s1, $0x11  }
0xba: {  	s0 =	sor.u32 s1, s0  }
0xbb: {  	s0 =	sadd.s32 $0x8F2B, s0  }
0xbc: {  	[sflag:s0] =	ssyncadd.remote.s32 $0x1  }
0xbd: {  	_ =	sfence.sel $0xFFFF  }
0xbe: {  	[dreg:$0x0] =	wrdreg $0xFFFFFFFF;
	(pc) =	sbr.abs _section_cstart, $3  }
0xbf: {  	[dreg:$0x1] =	wrdreg $0xFFFFFFFF  }
0xc0: {  	_ =	task.clear_ibuf [dreg:s6], $0x2FFFF;
	_ =	strace $0x9FFFFFFF  }
0xc1: {  	(tm) =	ssettm $0x7FFFFFFF  }
tec
execute0_lowered:
.L_overlay_start_1:
0x0: {  	(tag) =	ssettag $0x1  }
0x1: {  	s4 =	rddreg [dreg:$0x0]  }
0x2: {  	s0 =	rddreg [dreg:$0x1];
	s1 =	simm.s32 $0x0  }
0x3: {  	s5 =	srdreg.scid;
	s2 =	stileid.u32;
	s9 =	simm.s32 $0x1  }
0x4: {  	s10 =	simm.s32 $0x0;
	[smem:$0x7FF] =	sst s1;
	s3 =	sadd.s32 $0x4E00, s4  }
0x5: {  	s5 =	sand.u32 $0x1, s5;
	s6 =	sshll.u32 s2, $0x9;
	s7 =	sshll.u32 s2, $0x10  }
0x6: {  	_ =	strace $0x80000047;
	s8 =	ssub.s32 $0x2, s5;
	s6 =	sadd.s32 s6, s4  }
0x7: {  	s7 =	sadd.s32 s7, s4;
	s31 =	sshll.u32 s5, $0xF;
	s5 =	sshll.u32 s5, $0x8  }
0x8: {  	s30 =	sshrl.u32 s8, $0x1;
	s7 =	sadd.s32 s31, s7;
	s6 =	sadd.s32 s5, s6  }
0x9: {  	s4 =	ssub.s32 s8, s30;
	s5 =	sadd.s32 $0x16E00, s7;
	s6 =	sadd.s32 $0x14E00, s6  }
0xa: {  	s7 =	simm.s32 $0x2;
	s8 =	simm.s32 $0x80;
	s4 =	smax.u32 s4, $0x1  }
.LBB2_1:
0xb: {  	s11 =	sadd.s32 $0x0, s6  }
0xc: {  	[tilespmem:s1], [sflag:$0x2] =	stream.linear.gather [hbm4b:s11+s1], $0x80, $0x38;
	[tilespmem:$0x4080] =	vst v63  }
0xd: {  	_ =	swait.ge [sflag:s7], $0x80  }
0xe: {  	[sflag:s7] =	ssyncset.done $0x0  }
0xf: {  	[sflag:s7] =	ssyncadd.s32 $0xFFFFFF80  }
0x10: {  	[tilespmem:s8], [sflag:$0x1] =	stream.indirect.gather [hbm4b:s3+s8], $0x80, s1, s8, $0xb8;
	[tilespmem:$0x4080] =	vst v63  }
0x11: {  	_ =	swait.ge [sflag:s9], $0x4000  }
0x12: {  	[sflag:s9] =	ssyncset.done $0x0  }
0x13: {  	[sflag:s9] =	ssyncadd.s32 $0xFFFFC000  }
0x14: {  	[hbm4b:s5+s1] =	stream.linear.scatter [tilespmem:s8], [sflag:$0x2], $0x4000, $0x38;
	[tilespmem:$0x4080] =	vst v63  }
0x15: {  	s12 =	simm.s32 $0x10;
	_ =	swait.ge [sflag:s7], $0x4000  }
0x16: {  	s13 =	simm.s32 $0x20;
	s11 =	sadd.s32 $0x800, s5;
	[sflag:s7] =	ssyncset.done $0x0  }
.LBB2_2:
0x17: {  	s14 =	sadd.s32 s12, s6  }
0x18: {  	[sflag:s7] =	ssyncadd.s32 $0xFFFFC000;
	s12 =	smov.u32 s13;
	s15 =	sadd.s32 $0x10, s13  }
0x19: {  	[tilespmem:s1], [sflag:$0x2] =	stream.linear.gather [hbm4b:s14+s1], $0x80, $0x38;
	[tilespmem:$0x4080] =	vst v63  }
0x1a: {  	p0 =	sne.s32 s13, $0xF0;
	_ =	swait.ge [sflag:s7], $0x80  }
0x1b: {  	[sflag:s7] =	ssyncset.done $0x0  }
0x1c: {  	[sflag:s7] =	ssyncadd.s32 $0xFFFFFF80  }
0x1d: {  	[tilespmem:s8], [sflag:$0x1] =	stream.indirect.gather [hbm4b:s3+s8], $0x80, s1, s8, $0xb8;
	[tilespmem:$0x4080] =	vst v63  }
0x1e: {  	_ =	swait.ge [sflag:s9], $0x4000  }
.Ltmp0:
0x1f: {  	[sflag:s9] =	ssyncset.done $0x0;
	(pc) =	sbr.rel @p0 .LBB2_2-.Ltmp0, $4  }
0x20: {  	[sflag:s9] =	ssyncadd.s32 $0xFFFFC000  }
0x21: {  	[hbm4b:s11+s1] =	stream.linear.scatter [tilespmem:s8], [sflag:$0x2], $0x4000, $0x38;
	[tilespmem:$0x4080] =	vst v63  }
0x22: {  	_ =	swait.ge [sflag:s7], $0x4000  }
0x23: {  	s13 =	smov.u32 s15;
	s11 =	sadd.s32 $0x800, s11;
	[sflag:s7] =	ssyncset.done $0x0  }
0x24: {  	s12 =	sadd.s32 s12, s6;
	[sflag:s7] =	ssyncadd.s32 $0xFFFFC000  }
0x25: {  	[tilespmem:s1], [sflag:$0x2] =	stream.linear.gather [hbm4b:s12+s1], $0x80, $0x38;
	[tilespmem:$0x4080] =	vst v63  }
0x26: {  	_ =	swait.ge [sflag:s7], $0x80  }
0x27: {  	[sflag:s7] =	ssyncset.done $0x0  }
0x28: {  	[sflag:s7] =	ssyncadd.s32 $0xFFFFFF80  }
0x29: {  	[tilespmem:s8], [sflag:$0x1] =	stream.indirect.gather [hbm4b:s3+s8], $0x80, s1, s8, $0xb8;
	[tilespmem:$0x4080] =	vst v63  }
0x2a: {  	s10 =	sadd.s32 $0x1, s10;
	_ =	swait.ge [sflag:s9], $0x4000  }
0x2b: {  	p0 =	sne.s32 s10, s4;
	[sflag:s9] =	ssyncset.done $0x0  }
.Ltmp1:
0x2c: {  	[sflag:s9] =	ssyncadd.s32 $0xFFFFC000;
	(pc) =	sbr.rel @p0 .LBB2_1-.Ltmp1, $4  }
0x2d: {  	[hbm4b:s11+s1] =	stream.linear.scatter [tilespmem:s8], [sflag:$0x2], $0x4000, $0x38;
	[tilespmem:$0x4080] =	vst v63  }
0x2e: {  	_ =	swait.ge [sflag:s7], $0x4000  }
0x2f: {  	[sflag:s7] =	ssyncset.done $0x0  }
0x30: {  	[sflag:s7] =	ssyncadd.s32 $0xFFFFC000  }
0x31: {  	_ =	sfence.sel $0x180000  }
0x32: {  	[bflag:$0x0] =	sbarrier.arrive $0xFFFF  }
0x33: {  	p0 =	sne.s32 s2, $0x0;
	_ =	strace $0x90000047  }
0x34: {  	s0 =	sadd.s32 @!p0 $0x100000, s0;
	[bflag:$0x2] =	sbarrier.arrive $0xFFFF  }
0x35: {  	[sflag:s0] =	ssyncadd.tile.s32 @!p0 $0x1;
	_ =	shalt  }
.Lfunc_end2:
_tile_overlayer_lowered:
.L_overlay_start_2:
0x36: {  	(tag) =	ssettag $0x2  }
0x37: {  	s0 =	rddreg [dreg:$0x0];
	s2 =	stileid.u32  }
0x38: {  	s1 =	rddreg [dreg:$0x1];
	p0 =	sne.s32 s2, $0x0  }
0x39: {  	s3 =	rddreg [dreg:$0x2];
	[bflag:$0x3] =	sbarrier.arrive $0xFFFF;
	s2 =	simm.s32 @!p0 $0x1C02  }
0x3a: {  	[timem:s3], [sflag:s2] =	dma.local @!p0 [hbm:s0], s1  }
0x3b: {  	s0 =	simm.s32 @!p0 $0x2  }
0x3c: {  	_ =	swait.ge @!p0 [sflag:s0], s1  }
0x3d: {  	s1 =	ssub.s32 @!p0 $0x0, s1;
	[sflag:s0] =	ssyncset.done @!p0 $0x0  }
0x3e: {  	[sflag:s0] =	ssyncadd.s32 @!p0 s1  }
0x3f: {  	[bflag:$0x3] =	sbarrier.arrive $0xFFFF  }
0x40: {  	_ =	shalt  }

// kernel: kernel.33.cloned.1.call-start
scs
__scs_entry_jumppad:
0x0: {  	(pc) =	sbr.rel $0x88, $3  }
0x1: {  	(tag) =	ssettag $0x0;
	lr =	simm.s32 $0x1  }
0x2: {  	[smem:$0x3F8A] =	sst lr;
	_ =	strace $0xD0000000  }
0x3: {  	_ = 	snop  }
0x4: {  	_ = 	snop  }
0x5: {  	_ = 	snop  }
0x6: {  	_ = 	snop  }
0x7: {  	_ = 	snop  }
__scs_overlays_trampoline_lowered:
0x8: {  	[smem:$0x3F99] =	sst s0  }
0x9: {  	[smem:$0x3F9A] =	sst s1  }
0xa: {  	[smem:$0x3F9B] =	sst s2  }
0xb: {  	[smem:$0x3F9C] =	sst s3  }
0xc: {  	[smem:$0x3F9D] =	sst s4  }
0xd: {  	[smem:$0x3F9E] =	sst s5  }
0xe: {  	[smem:$0x3F9F] =	sst s6  }
0xf: {  	[smem:$0x3FA0] =	sst s7  }
0x10: {  	[smem:$0x3FA1] =	sst s8  }
0x11: {  	[smem:$0x3FA2] =	sst s9;
	s0 =	simm.s32 @!p0 $0x0  }
0x12: {  	s1 =	sld [smem:$0x3F88];
	s0 =	simm.s32 @p0 $0x1  }
0x13: {  	[smem:$0x3FA3] =	sst s0;
	s0 =	simm.s32 @!p1 $0x0  }
0x14: {  	s2 =	sld [smem:$0x3F87];
	s0 =	simm.s32 @p1 $0x1  }
0x15: {  	[smem:$0x3FA4] =	sst s0;
	s0 =	simm.s32 @!p2 $0x0  }
0x16: {  	s3 =	sld [smem:$0x3FDB];
	s0 =	simm.s32 @p2 $0x1  }
0x17: {  	s4 =	simm.s32 $0x1BF5;
	[smem:$0x3FA6] =	sst s0  }
0x18: {  	s0 =	sld [smem:$0x3F89];
	_ =	swait.ge [sflag:s4], $0x0  }
0x19: {  	s7 =	sld [smem:$0x3F8A]  }
0x1a: {  	s8 =	sadd.s32 $0xFFFFE003, lr  }
0x1b: {  	s9 =	sadd.s32 $0xFFFFFEF7, lr;
	s5 =	simm.s32 $0xFFFFFFFF;
	p2 =	slt.u32 s8, $0xFFFFF086  }
0x1c: {  	p1 =	slt.u32 s9, $0xF7A;
	s5 =	simm.s32 @!p2 $0x0  }
0x1d: {  	s5 =	simm.s32 @p1 $0x1;
	p0 =	seq.s32 s7, s2  }
0x1e: {  	s7 =	smul.u32 @!p0 $0xF7A, s2;
	p2 =	seq.s32 @!p0 s5, $0x0  }
0x1f: {  	s9 =	smul.u32 $0xF7A, s1;
	s8 =	simm.s32 @!p0 $0x1BF5;
	p2 =	por !p2, p0  }
0x20: {  	[sflag:s8] =	ssyncset.s32 @!p0 $0xFFFFF086;
	s6 =	sadd.s32 @!p0 s3, s7;
	s7 =	simm.s32 @!p0 $0x108  }
0x21: {  	s3 =	sadd.s32 s3, s9;
	s6 =	sadd.s32 @!p0 $0x88, s6;
	s7 =	simm.s32 @p2 $0x1082  }
0x22: {  	[simem:s7], [sflag:s8] =	dma.local @!p0 [hbm:s6], $0xF7A  }
0x23: {  	s9 =	sor.u32 $0xD0000000, s2;
	s6 =	simm.s32 $0x108;
	_ =	swait.ge @!p0 [sflag:s8], $0x0  }
0x24: {  	s3 =	sadd.s32 $0x88, s3;
	s6 =	simm.s32 @!p1 $0x1082;
	[sflag:s4] =	ssyncset.s32 $0xFFFFF086  }
0x25: {  	[simem:s6], [sflag:s4] =	dma.local [hbm:s3], $0xF7A  }
0x26: {  	[smem:$0x3F8A] =	sst s1;
	(tag) =	ssettag s2;
	_ =	strace s9  }
0x27: {  	s1 =	sld [smem:$0x3F9A]  }
0x28: {  	s2 =	sld [smem:$0x3F9B]  }
0x29: {  	s4 =	sld [smem:$0x3F9D]  }
0x2a: {  	p0 =	seq.s32 s5, $0x0;
	s5 =	sld [smem:$0x3F9E]  }
0x2b: {  	s6 =	sld [smem:$0x3F9F]  }
0x2c: {  	s7 =	sld [smem:$0x3FA0]  }
0x2d: {  	s3 =	simm.s32 $0x108;
	s8 =	sld [smem:$0x3FA1]  }
0x2e: {  	s3 =	simm.s32 @!p0 $0x1082;
	s9 =	sld [smem:$0x3FA2]  }
0x2f: {  	lr =	sadd.s32 s0, s3;
	s0 =	sld [smem:$0x3F99]  }
0x30: {  	s3 =	sld [smem:$0x3F9C]  }
0x31: {  	[smem:$0x3FA5] =	sst s10  }
0x32: {  	s10 =	sld [smem:$0x3FA3];
	_ =	sdelay $0x3  }
0x33: {  	p0 =	seq.s32 s10, $0x1;
	s10 =	sld [smem:$0x3FA5];
	_ =	sdelay $0x3  }
0x34: {  	[smem:$0x3FA5] =	sst s10  }
0x35: {  	s10 =	sld [smem:$0x3FA4];
	_ =	sdelay $0x3  }
0x36: {  	p1 =	seq.s32 s10, $0x1;
	s10 =	sld [smem:$0x3FA5];
	_ =	sdelay $0x3  }
0x37: {  	[smem:$0x3FA5] =	sst s10  }
0x38: {  	s10 =	sld [smem:$0x3FA6]  }
0x39: {  	_ = 	snop;
	(pc) =	sbr.ind lr, $3  }
0x3a: {  	_ = 	snop  }
0x3b: {  	_ = 	snop  }
0x3c: {  	p2 =	seq.s32 s10, $0x1;
	s10 =	sld [smem:$0x3FA5]  }
0x3d: {  	_ =	shalt  }
0x3e: {  	_ =	shalt  }
0x3f: {  	_ =	shalt  }
0x40: {  	_ =	shalt  }
0x41: {  	_ =	shalt  }
0x42: {  	_ =	shalt  }
0x43: {  	_ =	shalt  }
0x44: {  	_ =	shalt  }
0x45: {  	_ =	shalt  }
0x46: {  	_ =	shalt  }
0x47: {  	_ =	shalt  }
0x48: {  	_ =	shalt  }
0x49: {  	_ =	shalt  }
0x4a: {  	_ =	shalt  }
0x4b: {  	_ =	shalt  }
0x4c: {  	_ =	shalt  }
0x4d: {  	_ =	shalt  }
0x4e: {  	_ =	shalt  }
0x4f: {  	_ =	shalt  }
0x50: {  	_ =	shalt  }
0x51: {  	_ =	shalt  }
0x52: {  	_ =	shalt  }
0x53: {  	_ =	shalt  }
0x54: {  	_ =	shalt  }
0x55: {  	_ =	shalt  }
0x56: {  	_ =	shalt  }
0x57: {  	_ =	shalt  }
0x58: {  	_ =	shalt  }
0x59: {  	_ =	shalt  }
0x5a: {  	_ =	shalt  }
0x5b: {  	_ =	shalt  }
0x5c: {  	_ =	shalt  }
0x5d: {  	_ =	shalt  }
0x5e: {  	_ =	shalt  }
0x5f: {  	_ =	shalt  }
0x60: {  	_ =	shalt  }
0x61: {  	_ =	shalt  }
0x62: {  	_ =	shalt  }
0x63: {  	_ =	shalt  }
0x64: {  	_ =	shalt  }
0x65: {  	_ =	shalt  }
0x66: {  	_ =	shalt  }
0x67: {  	_ =	shalt  }
0x68: {  	_ =	shalt  }
0x69: {  	_ =	shalt  }
0x6a: {  	_ =	shalt  }
0x6b: {  	_ =	shalt  }
0x6c: {  	_ =	shalt  }
0x6d: {  	_ =	shalt  }
0x6e: {  	_ =	shalt  }
0x6f: {  	_ =	shalt  }
0x70: {  	_ =	shalt  }
0x71: {  	_ =	shalt  }
0x72: {  	_ =	shalt  }
0x73: {  	_ =	shalt  }
0x74: {  	_ =	shalt  }
0x75: {  	_ =	shalt  }
0x76: {  	_ =	shalt  }
0x77: {  	_ =	shalt  }
0x78: {  	_ =	shalt  }
0x79: {  	_ =	shalt  }
0x7a: {  	_ =	shalt  }
0x7b: {  	_ =	shalt  }
0x7c: {  	_ =	shalt  }
0x7d: {  	_ =	shalt  }
0x7e: {  	_ =	shalt  }
0x7f: {  	_ =	shalt  }
0x80: {  	_ =	shalt  }
0x81: {  	_ =	shalt  }
0x82: {  	_ =	shalt  }
0x83: {  	_ =	shalt  }
0x84: {  	_ =	shalt  }
0x85: {  	_ =	shalt  }
0x86: {  	_ =	shalt  }
0x87: {  	_ =	shalt  }
.Lfunc_end0:
.L_simem_size_0:
called_computation.1_lowered:
.L_overlay_start_0:
0x88: {  	s2 =	sld [smem:$0x3FD9]  }
0x89: {  	s3 =	sld [smem:$0x3FFE];
	_ =	sdelay $0x1  }
0x8a: {  	s1 =	srdreg.scid  }
0x8b: {  	s0 =	sand.u32 $0x1, s1  }
0x8c: {  	s17 =	sshll.u32 s0, $0xA;
	s2 =	sadd.s32 s3, s2  }
0x8d: {  	s2 =	sadd.s32 s2, s17  }
0x8e: {  	[smem:$0x3FB1] =	sst s2  }
0x8f: {  	_ = 	snop  }
0x90: {  	(tm) =	ssettm $0x1  }
0x91: {  	s18 =	sld [smem:$0x3FFB];
	_ =	sdelay $0x3  }
0x92: {  	_ =	strace s18  }
0x93: {  	s2 =	sld [smem:$0x3FFC];
	_ =	sdelay $0x3  }
0x94: {  	_ =	strace s2  }
0x95: {  	s2 =	sld [smem:$0x3FFD];
	_ =	sdelay $0x3  }
0x96: {  	_ =	strace s2  }
0x97: {  	_ =	strace $0x8FFFFFFF  }
0x98: {  	s19 =	sld [smem:$0x3FDB];
	_ =	sdelay $0x1  }
0x99: {  	s20 =	simm.s32 $_scs_section_size  }
0x9a: {  	s4 =	simm.s32 $_size__tile_overlayer_lowered;
	s5 =	simm.s32 $_tile_overlayer_lowered  }
0x9b: {  	s6 =	simm.s32 $0x1BFF;
	s21 =	sshll.u32 s5, $0x1;
	s3 =	sadd.s32 s20, s19  }
0x9c: {  	s22 =	simm.s32 $0x0;
	s4 =	sshll.u32 s4, $0x1;
	s5 =	sadd.s32 s21, s3  }
0x9d: {  	[timem:s22], [sflag:s6] =	dma.local [hbm:s5], s4  }
0x9e: {  	_ =	swait.ge [sflag:s6], s4  }
0x9f: {  	s4 =	ssub.s32 $0x0, s4;
	[sflag:s6] =	ssyncset.done $0x0  }
0xa0: {  	[sflag:s6] =	ssyncadd.s32 s4;
	_ =	sdelay $0x1  }
0xa1: {  	s23 =	simm.s32 $0x1B8B  }
0xa2: {  	_ =	swait.ge [sflag:s23], $0x1  }
0xa3: {  	[sflag:s23] =	ssyncset.done $0x0  }
0xa4: {  	[sflag:s23] =	ssyncadd.s32 $0xFFFFFFFF  }
0xa5: {  	s4 =	sld [smem:$0x0]  }
0xa6: {  	s5 =	sand.u32 $0xFFFFFFFE, s1  }
0xa7: {  	p0 =	sne.s32 s1, s5  }
0xa8: {  	s5 =	sshll.u32 @p0 s5, $0xE  }
0xa9: {  	s5 =	sadd.s32 @p0 $0x11B8D, s5;
	s6 =	sshll.u32 @p0 s4, $0x11  }
0xaa: {  	s5 =	sor.u32 @p0 s6, s5  }
0xab: {  	[sflag:s5] =	ssyncadd.remote.s32 @p0 $0x1;
	_ =	sdelay $0x1  }
0xac: {  	s5 =	simm.s32 @p0 $0x1B8D  }
0xad: {  	_ =	swait.eq @p0 [sflag:s5], $0x1  }
0xae: {  	[sflag:s5] =	ssyncadd.s32 @p0 $0xFFFFFFFF  }
0xaf: {  	s6 =	sshll.u32 @!p0 s1, $0xE  }
0xb0: {  	s6 =	sor.u32 @!p0 $0x4000, s6;
	s5 =	simm.s32 @!p0 $0x1B8D  }
0xb1: {  	s4 =	sshll.u32 @!p0 s4, $0x11;
	s6 =	sadd.s32 @!p0 $0x11B8D, s6;
	_ =	swait.eq @!p0 [sflag:s5], $0x1  }
0xb2: {  	s4 =	sor.u32 @!p0 s4, s6;
	[sflag:s5] =	ssyncadd.s32 @!p0 $0xFFFFFFFF  }
0xb3: {  	s25 =	simm.s32 $0x1B8E;
	s24 =	sld [smem:$0x3FFE];
	[sflag:s4] =	ssyncadd.remote.s32 @!p0 $0x1  }
0xb4: {  	s26 =	simm.s32 $execute0_lowered;
	[smem:$0x3FD2] =	sst s25  }
0xb5: {  	s5 =	sshll.u32 s26, $0x1;
	_ =	strace $0x80000049;
	[dreg:$0x1] =	wrdreg $0xFFFFFFFF  }
0xb6: {  	s28 =	simm.s32 $_size_execute0_lowered;
	s3 =	sadd.s32 s3, s5;
	[dreg:$0x0] =	wrdreg $0x0  }
0xb7: {  	s5 =	sshll.u32 s28, $0x1;
	[dreg:$0x2] =	wrdreg s3  }
0xb8: {  	[dreg:$0x3] =	wrdreg s5  }
0xb9: {  	[dreg:$0x4] =	wrdreg $0xC0  }
0xba: {  	_ =	task [dreg:s22], $0x5FFFF  }
0xbb: {  	[dreg:$0x1] =	wrdreg $0xFFFFFFFF  }
0xbc: {  	[dreg:$0x0] =	wrdreg $0x60  }
0xbd: {  	[dreg:$0x2] =	wrdreg s24  }
0xbe: {  	[dreg:$0x3] =	wrdreg $0x9  }
0xbf: {  	_ =	task.clear_ibuf [dreg:s22], $0x4FFFF;
	_ =	strace $0x90000049  }
0xc0: {  	s29 =	simm.s32 $0x9;
	_ =	strace $0x8000004B  }
0xc1: {  	_ =	swait.ge [sflag:s29], $0x1  }
0xc2: {  	[sflag:s29] =	ssyncadd.s32 $0xFFFFFFFF  }
0xc3: {  	_ =	strace $0x9000004B  }
0xc4: {  	_ =	sfence  }
0xc5: {  	s30 =	sld [smem:$0x0];
	_ =	sdelay $0x2  }
0xc6: {  	s31 =	sshll.u32 s1, $0xD;
	s1 =	sshrl.u32 s1, $0x2  }
0xc7: {  	s4 =	sand.u32 $0x4000, s31;
	s1 =	sadd.s32 s1, s30  }
0xc8: {  	s0 =	sor.u32 s4, s0;
	s1 =	sshll.u32 s1, $0x11  }
0xc9: {  	s0 =	sor.u32 s1, s0  }
0xca: {  	s0 =	sadd.s32 $0x8F2B, s0  }
0xcb: {  	[sflag:s0] =	ssyncadd.remote.s32 $0x1  }
0xcc: {  	_ =	sfence.sel $0xFFFF  }
0xcd: {  	[dreg:$0x0] =	wrdreg $0xFFFFFFFF;
	(pc) =	sbr.abs _section_cstart, $3  }
0xce: {  	[dreg:$0x1] =	wrdreg $0xFFFFFFFF  }
0xcf: {  	_ =	task.clear_ibuf [dreg:s22], $0x2FFFF;
	_ =	strace $0x9FFFFFFF  }
0xd0: {  	(tm) =	ssettm $0x7FFFFFFF  }
0xd1: {  	_ =	shalt  }
tec
execute0_lowered:
.L_overlay_start_1:
0x0: {  	(tag) =	ssettag $0x1  }
0x1: {  	s4 =	rddreg [dreg:$0x0]  }
0x2: {  	s0 =	rddreg [dreg:$0x1];
	s1 =	simm.s32 $0x0  }
0x3: {  	s5 =	srdreg.scid;
	s2 =	stileid.u32;
	s9 =	simm.s32 $0x1  }
0x4: {  	s10 =	simm.s32 $0x0;
	[smem:$0x7FF] =	sst s1;
	s3 =	sadd.s32 $0x116E00, s4  }
0x5: {  	s5 =	sand.u32 $0x1, s5;
	s6 =	sshll.u32 s2, $0x9;
	s7 =	sshll.u32 s2, $0x10  }
0x6: {  	_ =	strace $0x8000004A;
	s8 =	ssub.s32 $0x2, s5;
	s6 =	sadd.s32 s6, s4  }
0x7: {  	s7 =	sadd.s32 s7, s4;
	s31 =	sshll.u32 s5, $0xF;
	s5 =	sshll.u32 s5, $0x8  }
0x8: {  	s30 =	sshrl.u32 s8, $0x1;
	s7 =	sadd.s32 s31, s7;
	s6 =	sadd.s32 s5, s6  }
0x9: {  	s4 =	ssub.s32 s8, s30;
	s5 =	sadd.s32 $0x128E00, s7;
	s6 =	sadd.s32 $0x126E00, s6  }
0xa: {  	s7 =	simm.s32 $0x2;
	s8 =	simm.s32 $0x80;
	s4 =	smax.u32 s4, $0x1  }
.LBB2_1:
0xb: {  	s11 =	sadd.s32 $0x0, s6  }
0xc: {  	[tilespmem:s1], [sflag:$0x2] =	stream.linear.gather [hbm4b:s11+s1], $0x80, $0x38;
	[tilespmem:$0x4080] =	vst v63  }
0xd: {  	_ =	swait.ge [sflag:s7], $0x80  }
0xe: {  	[sflag:s7] =	ssyncset.done $0x0  }
0xf: {  	[sflag:s7] =	ssyncadd.s32 $0xFFFFFF80  }
0x10: {  	[tilespmem:s8], [sflag:$0x1] =	stream.indirect.gather [hbm4b:s3+s8], $0x80, s1, s8, $0xb8;
	[tilespmem:$0x4080] =	vst v63  }
0x11: {  	_ =	swait.ge [sflag:s9], $0x4000  }
0x12: {  	[sflag:s9] =	ssyncset.done $0x0  }
0x13: {  	[sflag:s9] =	ssyncadd.s32 $0xFFFFC000  }
0x14: {  	[hbm4b:s5+s1] =	stream.linear.scatter [tilespmem:s8], [sflag:$0x2], $0x4000, $0x38;
	[tilespmem:$0x4080] =	vst v63  }
0x15: {  	s12 =	simm.s32 $0x10;
	_ =	swait.ge [sflag:s7], $0x4000  }
0x16: {  	s13 =	simm.s32 $0x20;
	s11 =	sadd.s32 $0x800, s5;
	[sflag:s7] =	ssyncset.done $0x0  }
.LBB2_2:
0x17: {  	s14 =	sadd.s32 s12, s6  }
0x18: {  	[sflag:s7] =	ssyncadd.s32 $0xFFFFC000;
	s12 =	smov.u32 s13;
	s15 =	sadd.s32 $0x10, s13  }
0x19: {  	[tilespmem:s1], [sflag:$0x2] =	stream.linear.gather [hbm4b:s14+s1], $0x80, $0x38;
	[tilespmem:$0x4080] =	vst v63  }
0x1a: {  	p0 =	sne.s32 s13, $0xF0;
	_ =	swait.ge [sflag:s7], $0x80  }
0x1b: {  	[sflag:s7] =	ssyncset.done $0x0  }
0x1c: {  	[sflag:s7] =	ssyncadd.s32 $0xFFFFFF80  }
0x1d: {  	[tilespmem:s8], [sflag:$0x1] =	stream.indirect.gather [hbm4b:s3+s8], $0x80, s1, s8, $0xb8;
	[tilespmem:$0x4080] =	vst v63  }
0x1e: {  	_ =	swait.ge [sflag:s9], $0x4000  }
.Ltmp0:
0x1f: {  	[sflag:s9] =	ssyncset.done $0x0;
	(pc) =	sbr.rel @p0 .LBB2_2-.Ltmp0, $4  }
0x20: {  	[sflag:s9] =	ssyncadd.s32 $0xFFFFC000  }
0x21: {  	[hbm4b:s11+s1] =	stream.linear.scatter [tilespmem:s8], [sflag:$0x2], $0x4000, $0x38;
	[tilespmem:$0x4080] =	vst v63  }
0x22: {  	_ =	swait.ge [sflag:s7], $0x4000  }
0x23: {  	s13 =	smov.u32 s15;
	s11 =	sadd.s32 $0x800, s11;
	[sflag:s7] =	ssyncset.done $0x0  }
0x24: {  	s12 =	sadd.s32 s12, s6;
	[sflag:s7] =	ssyncadd.s32 $0xFFFFC000  }
0x25: {  	[tilespmem:s1], [sflag:$0x2] =	stream.linear.gather [hbm4b:s12+s1], $0x80, $0x38;
	[tilespmem:$0x4080] =	vst v63  }
0x26: {  	_ =	swait.ge [sflag:s7], $0x80  }
0x27: {  	[sflag:s7] =	ssyncset.done $0x0  }
0x28: {  	[sflag:s7] =	ssyncadd.s32 $0xFFFFFF80  }
0x29: {  	[tilespmem:s8], [sflag:$0x1] =	stream.indirect.gather [hbm4b:s3+s8], $0x80, s1, s8, $0xb8;
	[tilespmem:$0x4080] =	vst v63  }
0x2a: {  	s10 =	sadd.s32 $0x1, s10;
	_ =	swait.ge [sflag:s9], $0x4000  }
0x2b: {  	p0 =	sne.s32 s10, s4;
	[sflag:s9] =	ssyncset.done $0x0  }
.Ltmp1:
0x2c: {  	[sflag:s9] =	ssyncadd.s32 $0xFFFFC000;
	(pc) =	sbr.rel @p0 .LBB2_1-.Ltmp1, $4  }
0x2d: {  	[hbm4b:s11+s1] =	stream.linear.scatter [tilespmem:s8], [sflag:$0x2], $0x4000, $0x38;
	[tilespmem:$0x4080] =	vst v63  }
0x2e: {  	_ =	swait.ge [sflag:s7], $0x4000  }
0x2f: {  	[sflag:s7] =	ssyncset.done $0x0  }
0x30: {  	[sflag:s7] =	ssyncadd.s32 $0xFFFFC000  }
0x31: {  	_ =	sfence.sel $0x180000  }
0x32: {  	[bflag:$0x0] =	sbarrier.arrive $0xFFFF  }
0x33: {  	p0 =	sne.s32 s2, $0x0;
	_ =	strace $0x9000004A  }
0x34: {  	s0 =	sadd.s32 @!p0 $0x100000, s0;
	[bflag:$0x2] =	sbarrier.arrive $0xFFFF  }
0x35: {  	[sflag:s0] =	ssyncadd.tile.s32 @!p0 $0x1;
	_ =	shalt  }
.Lfunc_end2:
_tile_overlayer_lowered:
.L_overlay_start_2:
0x36: {  	(tag) =	ssettag $0x2  }
0x37: {  	s0 =	rddreg [dreg:$0x0];
	s2 =	stileid.u32  }
0x38: {  	s1 =	rddreg [dreg:$0x1];
	p0 =	sne.s32 s2, $0x0  }
0x39: {  	s3 =	rddreg [dreg:$0x2];
	[bflag:$0x3] =	sbarrier.arrive $0xFFFF;
	s2 =	simm.s32 @!p0 $0x1C02  }
0x3a: {  	[timem:s3], [sflag:s2] =	dma.local @!p0 [hbm:s0], s1  }
0x3b: {  	s0 =	simm.s32 @!p0 $0x2  }
0x3c: {  	_ =	swait.ge @!p0 [sflag:s0], s1  }
0x3d: {  	s1 =	ssub.s32 @!p0 $0x0, s1;
	[sflag:s0] =	ssyncset.done @!p0 $0x0  }
0x3e: {  	[sflag:s0] =	ssyncadd.s32 @!p0 s1  }
0x3f: {  	[bflag:$0x3] =	sbarrier.arrive $0xFFFF  }
0x40: {  	_ =	shalt  }

// kernel: kernel.36.cloned.1.call-start
scs
__scs_entry_jumppad:
0x0: {  	(pc) =	sbr.rel $0x88, $3  }
0x1: {  	(tag) =	ssettag $0x0;
	lr =	simm.s32 $0x1  }
0x2: {  	[smem:$0x3F8A] =	sst lr;
	_ =	strace $0xD0000000  }
0x3: {  	_ = 	snop  }
0x4: {  	_ = 	snop  }
0x5: {  	_ = 	snop  }
0x6: {  	_ = 	snop  }
0x7: {  	_ = 	snop  }
__scs_overlays_trampoline_lowered:
0x8: {  	[smem:$0x3F99] =	sst s0  }
0x9: {  	[smem:$0x3F9A] =	sst s1  }
0xa: {  	[smem:$0x3F9B] =	sst s2  }
0xb: {  	[smem:$0x3F9C] =	sst s3  }
0xc: {  	[smem:$0x3F9D] =	sst s4  }
0xd: {  	[smem:$0x3F9E] =	sst s5  }
0xe: {  	[smem:$0x3F9F] =	sst s6  }
0xf: {  	[smem:$0x3FA0] =	sst s7  }
0x10: {  	[smem:$0x3FA1] =	sst s8  }
0x11: {  	[smem:$0x3FA2] =	sst s9;
	s0 =	simm.s32 @!p0 $0x0  }
0x12: {  	s1 =	sld [smem:$0x3F88];
	s0 =	simm.s32 @p0 $0x1  }
0x13: {  	[smem:$0x3FA3] =	sst s0;
	s0 =	simm.s32 @!p1 $0x0  }
0x14: {  	s2 =	sld [smem:$0x3F87];
	s0 =	simm.s32 @p1 $0x1  }
0x15: {  	[smem:$0x3FA4] =	sst s0;
	s0 =	simm.s32 @!p2 $0x0  }
0x16: {  	s3 =	sld [smem:$0x3FDB];
	s0 =	simm.s32 @p2 $0x1  }
0x17: {  	s4 =	simm.s32 $0x1BF5;
	[smem:$0x3FA6] =	sst s0  }
0x18: {  	s0 =	sld [smem:$0x3F89];
	_ =	swait.ge [sflag:s4], $0x0  }
0x19: {  	s7 =	sld [smem:$0x3F8A]  }
0x1a: {  	s8 =	sadd.s32 $0xFFFFE003, lr  }
0x1b: {  	s9 =	sadd.s32 $0xFFFFFEF7, lr;
	s5 =	simm.s32 $0xFFFFFFFF;
	p2 =	slt.u32 s8, $0xFFFFF086  }
0x1c: {  	p1 =	slt.u32 s9, $0xF7A;
	s5 =	simm.s32 @!p2 $0x0  }
0x1d: {  	s5 =	simm.s32 @p1 $0x1;
	p0 =	seq.s32 s7, s2  }
0x1e: {  	s7 =	smul.u32 @!p0 $0xF7A, s2;
	p2 =	seq.s32 @!p0 s5, $0x0  }
0x1f: {  	s9 =	smul.u32 $0xF7A, s1;
	s8 =	simm.s32 @!p0 $0x1BF5;
	p2 =	por !p2, p0  }
0x20: {  	[sflag:s8] =	ssyncset.s32 @!p0 $0xFFFFF086;
	s6 =	sadd.s32 @!p0 s3, s7;
	s7 =	simm.s32 @!p0 $0x108  }
0x21: {  	s3 =	sadd.s32 s3, s9;
	s6 =	sadd.s32 @!p0 $0x88, s6;
	s7 =	simm.s32 @p2 $0x1082  }
0x22: {  	[simem:s7], [sflag:s8] =	dma.local @!p0 [hbm:s6], $0xF7A  }
0x23: {  	s9 =	sor.u32 $0xD0000000, s2;
	s6 =	simm.s32 $0x108;
	_ =	swait.ge @!p0 [sflag:s8], $0x0  }
0x24: {  	s3 =	sadd.s32 $0x88, s3;
	s6 =	simm.s32 @!p1 $0x1082;
	[sflag:s4] =	ssyncset.s32 $0xFFFFF086  }
0x25: {  	[simem:s6], [sflag:s4] =	dma.local [hbm:s3], $0xF7A  }
0x26: {  	[smem:$0x3F8A] =	sst s1;
	(tag) =	ssettag s2;
	_ =	strace s9  }
0x27: {  	s1 =	sld [smem:$0x3F9A]  }
0x28: {  	s2 =	sld [smem:$0x3F9B]  }
0x29: {  	s4 =	sld [smem:$0x3F9D]  }
0x2a: {  	p0 =	seq.s32 s5, $0x0;
	s5 =	sld [smem:$0x3F9E]  }
0x2b: {  	s6 =	sld [smem:$0x3F9F]  }
0x2c: {  	s7 =	sld [smem:$0x3FA0]  }
0x2d: {  	s3 =	simm.s32 $0x108;
	s8 =	sld [smem:$0x3FA1]  }
0x2e: {  	s3 =	simm.s32 @!p0 $0x1082;
	s9 =	sld [smem:$0x3FA2]  }
0x2f: {  	lr =	sadd.s32 s0, s3;
	s0 =	sld [smem:$0x3F99]  }
0x30: {  	s3 =	sld [smem:$0x3F9C]  }
0x31: {  	[smem:$0x3FA5] =	sst s10  }
0x32: {  	s10 =	sld [smem:$0x3FA3];
	_ =	sdelay $0x3  }
0x33: {  	p0 =	seq.s32 s10, $0x1;
	s10 =	sld [smem:$0x3FA5];
	_ =	sdelay $0x3  }
0x34: {  	[smem:$0x3FA5] =	sst s10  }
0x35: {  	s10 =	sld [smem:$0x3FA4];
	_ =	sdelay $0x3  }
0x36: {  	p1 =	seq.s32 s10, $0x1;
	s10 =	sld [smem:$0x3FA5];
	_ =	sdelay $0x3  }
0x37: {  	[smem:$0x3FA5] =	sst s10  }
0x38: {  	s10 =	sld [smem:$0x3FA6]  }
0x39: {  	_ = 	snop;
	(pc) =	sbr.ind lr, $3  }
0x3a: {  	_ = 	snop  }
0x3b: {  	_ = 	snop  }
0x3c: {  	p2 =	seq.s32 s10, $0x1;
	s10 =	sld [smem:$0x3FA5]  }
0x3d: {  	_ =	shalt  }
0x3e: {  	_ =	shalt  }
0x3f: {  	_ =	shalt  }
0x40: {  	_ =	shalt  }
0x41: {  	_ =	shalt  }
0x42: {  	_ =	shalt  }
0x43: {  	_ =	shalt  }
0x44: {  	_ =	shalt  }
0x45: {  	_ =	shalt  }
0x46: {  	_ =	shalt  }
0x47: {  	_ =	shalt  }
0x48: {  	_ =	shalt  }
0x49: {  	_ =	shalt  }
0x4a: {  	_ =	shalt  }
0x4b: {  	_ =	shalt  }
0x4c: {  	_ =	shalt  }
0x4d: {  	_ =	shalt  }
0x4e: {  	_ =	shalt  }
0x4f: {  	_ =	shalt  }
0x50: {  	_ =	shalt  }
0x51: {  	_ =	shalt  }
0x52: {  	_ =	shalt  }
0x53: {  	_ =	shalt  }
0x54: {  	_ =	shalt  }
0x55: {  	_ =	shalt  }
0x56: {  	_ =	shalt  }
0x57: {  	_ =	shalt  }
0x58: {  	_ =	shalt  }
0x59: {  	_ =	shalt  }
0x5a: {  	_ =	shalt  }
0x5b: {  	_ =	shalt  }
0x5c: {  	_ =	shalt  }
0x5d: {  	_ =	shalt  }
0x5e: {  	_ =	shalt  }
0x5f: {  	_ =	shalt  }
0x60: {  	_ =	shalt  }
0x61: {  	_ =	shalt  }
0x62: {  	_ =	shalt  }
0x63: {  	_ =	shalt  }
0x64: {  	_ =	shalt  }
0x65: {  	_ =	shalt  }
0x66: {  	_ =	shalt  }
0x67: {  	_ =	shalt  }
0x68: {  	_ =	shalt  }
0x69: {  	_ =	shalt  }
0x6a: {  	_ =	shalt  }
0x6b: {  	_ =	shalt  }
0x6c: {  	_ =	shalt  }
0x6d: {  	_ =	shalt  }
0x6e: {  	_ =	shalt  }
0x6f: {  	_ =	shalt  }
0x70: {  	_ =	shalt  }
0x71: {  	_ =	shalt  }
0x72: {  	_ =	shalt  }
0x73: {  	_ =	shalt  }
0x74: {  	_ =	shalt  }
0x75: {  	_ =	shalt  }
0x76: {  	_ =	shalt  }
0x77: {  	_ =	shalt  }
0x78: {  	_ =	shalt  }
0x79: {  	_ =	shalt  }
0x7a: {  	_ =	shalt  }
0x7b: {  	_ =	shalt  }
0x7c: {  	_ =	shalt  }
0x7d: {  	_ =	shalt  }
0x7e: {  	_ =	shalt  }
0x7f: {  	_ =	shalt  }
0x80: {  	_ =	shalt  }
0x81: {  	_ =	shalt  }
0x82: {  	_ =	shalt  }
0x83: {  	_ =	shalt  }
0x84: {  	_ =	shalt  }
0x85: {  	_ =	shalt  }
0x86: {  	_ =	shalt  }
0x87: {  	_ =	shalt  }
.Lfunc_end0:
.L_simem_size_0:
called_computation.2_lowered:
.L_overlay_start_0:
0x88: {  	s2 =	sld [smem:$0x3FD9]  }
0x89: {  	s3 =	sld [smem:$0x3FFE];
	_ =	sdelay $0x1  }
0x8a: {  	s1 =	srdreg.scid  }
0x8b: {  	s0 =	sand.u32 $0x1, s1  }
0x8c: {  	s17 =	sshll.u32 s0, $0xA;
	s2 =	sadd.s32 s3, s2  }
0x8d: {  	s2 =	sadd.s32 s2, s17  }
0x8e: {  	[smem:$0x3FB1] =	sst s2  }
0x8f: {  	_ = 	snop  }
0x90: {  	(tm) =	ssettm $0x1  }
0x91: {  	s18 =	sld [smem:$0x3FFB];
	_ =	sdelay $0x3  }
0x92: {  	_ =	strace s18  }
0x93: {  	s2 =	sld [smem:$0x3FFC];
	_ =	sdelay $0x3  }
0x94: {  	_ =	strace s2  }
0x95: {  	s2 =	sld [smem:$0x3FFD];
	_ =	sdelay $0x3  }
0x96: {  	_ =	strace s2  }
0x97: {  	_ =	strace $0x8FFFFFFF  }
0x98: {  	s19 =	sld [smem:$0x3FDB];
	_ =	sdelay $0x1  }
0x99: {  	s20 =	simm.s32 $_scs_section_size  }
0x9a: {  	s4 =	simm.s32 $_size__tile_overlayer_lowered;
	s5 =	simm.s32 $_tile_overlayer_lowered  }
0x9b: {  	s6 =	simm.s32 $0x1BFF;
	s21 =	sshll.u32 s5, $0x1;
	s3 =	sadd.s32 s20, s19  }
0x9c: {  	s22 =	simm.s32 $0x0;
	s4 =	sshll.u32 s4, $0x1;
	s5 =	sadd.s32 s21, s3  }
0x9d: {  	[timem:s22], [sflag:s6] =	dma.local [hbm:s5], s4  }
0x9e: {  	_ =	swait.ge [sflag:s6], s4  }
0x9f: {  	s4 =	ssub.s32 $0x0, s4;
	[sflag:s6] =	ssyncset.done $0x0  }
0xa0: {  	[sflag:s6] =	ssyncadd.s32 s4;
	_ =	sdelay $0x1  }
0xa1: {  	s23 =	simm.s32 $0x1B8B  }
0xa2: {  	_ =	swait.ge [sflag:s23], $0x1  }
0xa3: {  	[sflag:s23] =	ssyncset.done $0x0  }
0xa4: {  	[sflag:s23] =	ssyncadd.s32 $0xFFFFFFFF  }
0xa5: {  	s4 =	sld [smem:$0x0]  }
0xa6: {  	s5 =	sand.u32 $0xFFFFFFFE, s1  }
0xa7: {  	p0 =	sne.s32 s1, s5  }
0xa8: {  	s5 =	sshll.u32 @p0 s5, $0xE  }
0xa9: {  	s5 =	sadd.s32 @p0 $0x11B8D, s5;
	s6 =	sshll.u32 @p0 s4, $0x11  }
0xaa: {  	s5 =	sor.u32 @p0 s6, s5  }
0xab: {  	[sflag:s5] =	ssyncadd.remote.s32 @p0 $0x1;
	_ =	sdelay $0x1  }
0xac: {  	s5 =	simm.s32 @p0 $0x1B8D  }
0xad: {  	_ =	swait.eq @p0 [sflag:s5], $0x1  }
0xae: {  	[sflag:s5] =	ssyncadd.s32 @p0 $0xFFFFFFFF  }
0xaf: {  	s6 =	sshll.u32 @!p0 s1, $0xE  }
0xb0: {  	s6 =	sor.u32 @!p0 $0x4000, s6;
	s5 =	simm.s32 @!p0 $0x1B8D  }
0xb1: {  	s4 =	sshll.u32 @!p0 s4, $0x11;
	s6 =	sadd.s32 @!p0 $0x11B8D, s6;
	_ =	swait.eq @!p0 [sflag:s5], $0x1  }
0xb2: {  	s4 =	sor.u32 @!p0 s4, s6;
	[sflag:s5] =	ssyncadd.s32 @!p0 $0xFFFFFFFF  }
0xb3: {  	s25 =	simm.s32 $0x1B8E;
	s24 =	sld [smem:$0x3FFE];
	[sflag:s4] =	ssyncadd.remote.s32 @!p0 $0x1  }
0xb4: {  	s26 =	simm.s32 $execute0_lowered;
	[smem:$0x3FD2] =	sst s25  }
0xb5: {  	s5 =	sshll.u32 s26, $0x1;
	_ =	strace $0x8000004C;
	[dreg:$0x1] =	wrdreg $0xFFFFFFFF  }
0xb6: {  	s28 =	simm.s32 $_size_execute0_lowered;
	s3 =	sadd.s32 s3, s5;
	[dreg:$0x0] =	wrdreg $0x0  }
0xb7: {  	s5 =	sshll.u32 s28, $0x1;
	[dreg:$0x2] =	wrdreg s3  }
0xb8: {  	[dreg:$0x3] =	wrdreg s5  }
0xb9: {  	[dreg:$0x4] =	wrdreg $0xC0  }
0xba: {  	_ =	task [dreg:s22], $0x5FFFF  }
0xbb: {  	[dreg:$0x1] =	wrdreg $0xFFFFFFFF  }
0xbc: {  	[dreg:$0x0] =	wrdreg $0x60  }
0xbd: {  	[dreg:$0x2] =	wrdreg s24  }
0xbe: {  	[dreg:$0x3] =	wrdreg $0xA  }
0xbf: {  	_ =	task.clear_ibuf [dreg:s22], $0x4FFFF;
	_ =	strace $0x9000004C  }
0xc0: {  	s29 =	simm.s32 $0xA;
	_ =	strace $0x8000004E  }
0xc1: {  	_ =	swait.ge [sflag:s29], $0x1  }
0xc2: {  	[sflag:s29] =	ssyncadd.s32 $0xFFFFFFFF  }
0xc3: {  	_ =	strace $0x9000004E  }
0xc4: {  	_ =	sfence  }
0xc5: {  	s30 =	sld [smem:$0x0];
	_ =	sdelay $0x2  }
0xc6: {  	s31 =	sshll.u32 s1, $0xD;
	s1 =	sshrl.u32 s1, $0x2  }
0xc7: {  	s4 =	sand.u32 $0x4000, s31;
	s1 =	sadd.s32 s1, s30  }
0xc8: {  	s0 =	sor.u32 s4, s0;
	s1 =	sshll.u32 s1, $0x11  }
0xc9: {  	s0 =	sor.u32 s1, s0  }
0xca: {  	s0 =	sadd.s32 $0x8F2B, s0  }
0xcb: {  	[sflag:s0] =	ssyncadd.remote.s32 $0x1  }
0xcc: {  	_ =	sfence.sel $0xFFFF  }
0xcd: {  	[dreg:$0x0] =	wrdreg $0xFFFFFFFF;
	(pc) =	sbr.abs _section_cstart, $3  }
0xce: {  	[dreg:$0x1] =	wrdreg $0xFFFFFFFF  }
0xcf: {  	_ =	task.clear_ibuf [dreg:s22], $0x2FFFF;
	_ =	strace $0x9FFFFFFF  }
0xd0: {  	(tm) =	ssettm $0x7FFFFFFF  }
0xd1: {  	_ =	shalt  }
tec
execute0_lowered:
.L_overlay_start_1:
0x0: {  	(tag) =	ssettag $0x1  }
0x1: {  	s4 =	rddreg [dreg:$0x0]  }
0x2: {  	s0 =	rddreg [dreg:$0x1];
	s1 =	simm.s32 $0x0  }
0x3: {  	s5 =	srdreg.scid;
	s2 =	stileid.u32;
	s9 =	simm.s32 $0x1  }
0x4: {  	s10 =	simm.s32 $0x0;
	[smem:$0x7FF] =	sst s1;
	s3 =	sadd.s32 $0x14E00, s4  }
0x5: {  	s5 =	sand.u32 $0x1, s5;
	s6 =	sshll.u32 s2, $0x9;
	s7 =	sshll.u32 s2, $0x10  }
0x6: {  	_ =	strace $0x8000004D;
	s8 =	ssub.s32 $0x2, s5;
	s6 =	sadd.s32 s6, s4  }
0x7: {  	s7 =	sadd.s32 s7, s4;
	s31 =	sshll.u32 s5, $0xF;
	s5 =	sshll.u32 s5, $0x8  }
0x8: {  	s30 =	sshrl.u32 s8, $0x1;
	s7 =	sadd.s32 s31, s7;
	s6 =	sadd.s32 s5, s6  }
0x9: {  	s4 =	ssub.s32 s8, s30;
	s5 =	sadd.s32 $0x228E00, s7;
	s6 =	sadd.s32 $0x24E00, s6  }
0xa: {  	s7 =	simm.s32 $0x2;
	s8 =	simm.s32 $0x80;
	s4 =	smax.u32 s4, $0x1  }
.LBB2_1:
0xb: {  	s11 =	sadd.s32 $0x0, s6  }
0xc: {  	[tilespmem:s1], [sflag:$0x2] =	stream.linear.gather [hbm4b:s11+s1], $0x80, $0x38;
	[tilespmem:$0x4080] =	vst v63  }
0xd: {  	_ =	swait.ge [sflag:s7], $0x80  }
0xe: {  	[sflag:s7] =	ssyncset.done $0x0  }
0xf: {  	[sflag:s7] =	ssyncadd.s32 $0xFFFFFF80  }
0x10: {  	[tilespmem:s8], [sflag:$0x1] =	stream.indirect.gather [hbm4b:s3+s8], $0x80, s1, s8, $0xb8;
	[tilespmem:$0x4080] =	vst v63  }
0x11: {  	_ =	swait.ge [sflag:s9], $0x4000  }
0x12: {  	[sflag:s9] =	ssyncset.done $0x0  }
0x13: {  	[sflag:s9] =	ssyncadd.s32 $0xFFFFC000  }
0x14: {  	[hbm4b:s5+s1] =	stream.linear.scatter [tilespmem:s8], [sflag:$0x2], $0x4000, $0x38;
	[tilespmem:$0x4080] =	vst v63  }
0x15: {  	s12 =	simm.s32 $0x10;
	_ =	swait.ge [sflag:s7], $0x4000  }
0x16: {  	s13 =	simm.s32 $0x20;
	s11 =	sadd.s32 $0x800, s5;
	[sflag:s7] =	ssyncset.done $0x0  }
.LBB2_2:
0x17: {  	s14 =	sadd.s32 s12, s6  }
0x18: {  	[sflag:s7] =	ssyncadd.s32 $0xFFFFC000;
	s12 =	smov.u32 s13;
	s15 =	sadd.s32 $0x10, s13  }
0x19: {  	[tilespmem:s1], [sflag:$0x2] =	stream.linear.gather [hbm4b:s14+s1], $0x80, $0x38;
	[tilespmem:$0x4080] =	vst v63  }
0x1a: {  	p0 =	sne.s32 s13, $0xF0;
	_ =	swait.ge [sflag:s7], $0x80  }
0x1b: {  	[sflag:s7] =	ssyncset.done $0x0  }
0x1c: {  	[sflag:s7] =	ssyncadd.s32 $0xFFFFFF80  }
0x1d: {  	[tilespmem:s8], [sflag:$0x1] =	stream.indirect.gather [hbm4b:s3+s8], $0x80, s1, s8, $0xb8;
	[tilespmem:$0x4080] =	vst v63  }
0x1e: {  	_ =	swait.ge [sflag:s9], $0x4000  }
.Ltmp0:
0x1f: {  	[sflag:s9] =	ssyncset.done $0x0;
	(pc) =	sbr.rel @p0 .LBB2_2-.Ltmp0, $4  }
0x20: {  	[sflag:s9] =	ssyncadd.s32 $0xFFFFC000  }
0x21: {  	[hbm4b:s11+s1] =	stream.linear.scatter [tilespmem:s8], [sflag:$0x2], $0x4000, $0x38;
	[tilespmem:$0x4080] =	vst v63  }
0x22: {  	_ =	swait.ge [sflag:s7], $0x4000  }
0x23: {  	s13 =	smov.u32 s15;
	s11 =	sadd.s32 $0x800, s11;
	[sflag:s7] =	ssyncset.done $0x0  }
0x24: {  	s12 =	sadd.s32 s12, s6;
	[sflag:s7] =	ssyncadd.s32 $0xFFFFC000  }
0x25: {  	[tilespmem:s1], [sflag:$0x2] =	stream.linear.gather [hbm4b:s12+s1], $0x80, $0x38;
	[tilespmem:$0x4080] =	vst v63  }
0x26: {  	_ =	swait.ge [sflag:s7], $0x80  }
0x27: {  	[sflag:s7] =	ssyncset.done $0x0  }
0x28: {  	[sflag:s7] =	ssyncadd.s32 $0xFFFFFF80  }
0x29: {  	[tilespmem:s8], [sflag:$0x1] =	stream.indirect.gather [hbm4b:s3+s8], $0x80, s1, s8, $0xb8;
	[tilespmem:$0x4080] =	vst v63  }
0x2a: {  	s10 =	sadd.s32 $0x1, s10;
	_ =	swait.ge [sflag:s9], $0x4000  }
0x2b: {  	p0 =	sne.s32 s10, s4;
	[sflag:s9] =	ssyncset.done $0x0  }
.Ltmp1:
0x2c: {  	[sflag:s9] =	ssyncadd.s32 $0xFFFFC000;
	(pc) =	sbr.rel @p0 .LBB2_1-.Ltmp1, $4  }
0x2d: {  	[hbm4b:s11+s1] =	stream.linear.scatter [tilespmem:s8], [sflag:$0x2], $0x4000, $0x38;
	[tilespmem:$0x4080] =	vst v63  }
0x2e: {  	_ =	swait.ge [sflag:s7], $0x4000  }
0x2f: {  	[sflag:s7] =	ssyncset.done $0x0  }
0x30: {  	[sflag:s7] =	ssyncadd.s32 $0xFFFFC000  }
0x31: {  	_ =	sfence.sel $0x180000  }
0x32: {  	[bflag:$0x0] =	sbarrier.arrive $0xFFFF  }
0x33: {  	p0 =	sne.s32 s2, $0x0;
	_ =	strace $0x9000004D  }
0x34: {  	s0 =	sadd.s32 @!p0 $0x100000, s0;
	[bflag:$0x2] =	sbarrier.arrive $0xFFFF  }
0x35: {  	[sflag:s0] =	ssyncadd.tile.s32 @!p0 $0x1;
	_ =	shalt  }
.Lfunc_end2:
_tile_overlayer_lowered:
.L_overlay_start_2:
0x36: {  	(tag) =	ssettag $0x2  }
0x37: {  	s0 =	rddreg [dreg:$0x0];
	s2 =	stileid.u32  }
0x38: {  	s1 =	rddreg [dreg:$0x1];
	p0 =	sne.s32 s2, $0x0  }
0x39: {  	s3 =	rddreg [dreg:$0x2];
	[bflag:$0x3] =	sbarrier.arrive $0xFFFF;
	s2 =	simm.s32 @!p0 $0x1C02  }
0x3a: {  	[timem:s3], [sflag:s2] =	dma.local @!p0 [hbm:s0], s1  }
0x3b: {  	s0 =	simm.s32 @!p0 $0x2  }
0x3c: {  	_ =	swait.ge @!p0 [sflag:s0], s1  }
0x3d: {  	s1 =	ssub.s32 @!p0 $0x0, s1;
	[sflag:s0] =	ssyncset.done @!p0 $0x0  }
0x3e: {  	[sflag:s0] =	ssyncadd.s32 @!p0 s1  }
0x3f: {  	[bflag:$0x3] =	sbarrier.arrive $0xFFFF  }
0x40: {  	_ =	shalt  }

// kernel: kernel.39.cloned.1.call-start
scs
__scs_entry_jumppad:
0x0: {  	(pc) =	sbr.rel $0x88, $3  }
0x1: {  	(tag) =	ssettag $0x0;
	lr =	simm.s32 $0x1  }
0x2: {  	[smem:$0x3F8A] =	sst lr;
	_ =	strace $0xD0000000  }
0x3: {  	_ = 	snop  }
0x4: {  	_ = 	snop  }
0x5: {  	_ = 	snop  }
0x6: {  	_ = 	snop  }
0x7: {  	_ = 	snop  }
__scs_overlays_trampoline_lowered:
0x8: {  	[smem:$0x3F99] =	sst s0  }
0x9: {  	[smem:$0x3F9A] =	sst s1  }
0xa: {  	[smem:$0x3F9B] =	sst s2  }
0xb: {  	[smem:$0x3F9C] =	sst s3  }
0xc: {  	[smem:$0x3F9D] =	sst s4  }
0xd: {  	[smem:$0x3F9E] =	sst s5  }
0xe: {  	[smem:$0x3F9F] =	sst s6  }
0xf: {  	[smem:$0x3FA0] =	sst s7  }
0x10: {  	[smem:$0x3FA1] =	sst s8  }
0x11: {  	[smem:$0x3FA2] =	sst s9;
	s0 =	simm.s32 @!p0 $0x0  }
0x12: {  	s1 =	sld [smem:$0x3F88];
	s0 =	simm.s32 @p0 $0x1  }
0x13: {  	[smem:$0x3FA3] =	sst s0;
	s0 =	simm.s32 @!p1 $0x0  }
0x14: {  	s2 =	sld [smem:$0x3F87];
	s0 =	simm.s32 @p1 $0x1  }
0x15: {  	[smem:$0x3FA4] =	sst s0;
	s0 =	simm.s32 @!p2 $0x0  }
0x16: {  	s3 =	sld [smem:$0x3FDB];
	s0 =	simm.s32 @p2 $0x1  }
0x17: {  	s4 =	simm.s32 $0x1BF5;
	[smem:$0x3FA6] =	sst s0  }
0x18: {  	s0 =	sld [smem:$0x3F89];
	_ =	swait.ge [sflag:s4], $0x0  }
0x19: {  	s7 =	sld [smem:$0x3F8A]  }
0x1a: {  	s8 =	sadd.s32 $0xFFFFE003, lr  }
0x1b: {  	s9 =	sadd.s32 $0xFFFFFEF7, lr;
	s5 =	simm.s32 $0xFFFFFFFF;
	p2 =	slt.u32 s8, $0xFFFFF086  }
0x1c: {  	p1 =	slt.u32 s9, $0xF7A;
	s5 =	simm.s32 @!p2 $0x0  }
0x1d: {  	s5 =	simm.s32 @p1 $0x1;
	p0 =	seq.s32 s7, s2  }
0x1e: {  	s7 =	smul.u32 @!p0 $0xF7A, s2;
	p2 =	seq.s32 @!p0 s5, $0x0  }
0x1f: {  	s9 =	smul.u32 $0xF7A, s1;
	s8 =	simm.s32 @!p0 $0x1BF5;
	p2 =	por !p2, p0  }
0x20: {  	[sflag:s8] =	ssyncset.s32 @!p0 $0xFFFFF086;
	s6 =	sadd.s32 @!p0 s3, s7;
	s7 =	simm.s32 @!p0 $0x108  }
0x21: {  	s3 =	sadd.s32 s3, s9;
	s6 =	sadd.s32 @!p0 $0x88, s6;
	s7 =	simm.s32 @p2 $0x1082  }
0x22: {  	[simem:s7], [sflag:s8] =	dma.local @!p0 [hbm:s6], $0xF7A  }
0x23: {  	s9 =	sor.u32 $0xD0000000, s2;
	s6 =	simm.s32 $0x108;
	_ =	swait.ge @!p0 [sflag:s8], $0x0  }
0x24: {  	s3 =	sadd.s32 $0x88, s3;
	s6 =	simm.s32 @!p1 $0x1082;
	[sflag:s4] =	ssyncset.s32 $0xFFFFF086  }
0x25: {  	[simem:s6], [sflag:s4] =	dma.local [hbm:s3], $0xF7A  }
0x26: {  	[smem:$0x3F8A] =	sst s1;
	(tag) =	ssettag s2;
	_ =	strace s9  }
0x27: {  	s1 =	sld [smem:$0x3F9A]  }
0x28: {  	s2 =	sld [smem:$0x3F9B]  }
0x29: {  	s4 =	sld [smem:$0x3F9D]  }
0x2a: {  	p0 =	seq.s32 s5, $0x0;
	s5 =	sld [smem:$0x3F9E]  }
0x2b: {  	s6 =	sld [smem:$0x3F9F]  }
0x2c: {  	s7 =	sld [smem:$0x3FA0]  }
0x2d: {  	s3 =	simm.s32 $0x108;
	s8 =	sld [smem:$0x3FA1]  }
0x2e: {  	s3 =	simm.s32 @!p0 $0x1082;
	s9 =	sld [smem:$0x3FA2]  }
0x2f: {  	lr =	sadd.s32 s0, s3;
	s0 =	sld [smem:$0x3F99]  }
0x30: {  	s3 =	sld [smem:$0x3F9C]  }
0x31: {  	[smem:$0x3FA5] =	sst s10  }
0x32: {  	s10 =	sld [smem:$0x3FA3];
	_ =	sdelay $0x3  }
0x33: {  	p0 =	seq.s32 s10, $0x1;
	s10 =	sld [smem:$0x3FA5];
	_ =	sdelay $0x3  }
0x34: {  	[smem:$0x3FA5] =	sst s10  }
0x35: {  	s10 =	sld [smem:$0x3FA4];
	_ =	sdelay $0x3  }
0x36: {  	p1 =	seq.s32 s10, $0x1;
	s10 =	sld [smem:$0x3FA5];
	_ =	sdelay $0x3  }
0x37: {  	[smem:$0x3FA5] =	sst s10  }
0x38: {  	s10 =	sld [smem:$0x3FA6]  }
0x39: {  	_ = 	snop;
	(pc) =	sbr.ind lr, $3  }
0x3a: {  	_ = 	snop  }
0x3b: {  	_ = 	snop  }
0x3c: {  	p2 =	seq.s32 s10, $0x1;
	s10 =	sld [smem:$0x3FA5]  }
0x3d: {  	_ =	shalt  }
0x3e: {  	_ =	shalt  }
0x3f: {  	_ =	shalt  }
0x40: {  	_ =	shalt  }
0x41: {  	_ =	shalt  }
0x42: {  	_ =	shalt  }
0x43: {  	_ =	shalt  }
0x44: {  	_ =	shalt  }
0x45: {  	_ =	shalt  }
0x46: {  	_ =	shalt  }
0x47: {  	_ =	shalt  }
0x48: {  	_ =	shalt  }
0x49: {  	_ =	shalt  }
0x4a: {  	_ =	shalt  }
0x4b: {  	_ =	shalt  }
0x4c: {  	_ =	shalt  }
0x4d: {  	_ =	shalt  }
0x4e: {  	_ =	shalt  }
0x4f: {  	_ =	shalt  }
0x50: {  	_ =	shalt  }
0x51: {  	_ =	shalt  }
0x52: {  	_ =	shalt  }
0x53: {  	_ =	shalt  }
0x54: {  	_ =	shalt  }
0x55: {  	_ =	shalt  }
0x56: {  	_ =	shalt  }
0x57: {  	_ =	shalt  }
0x58: {  	_ =	shalt  }
0x59: {  	_ =	shalt  }
0x5a: {  	_ =	shalt  }
0x5b: {  	_ =	shalt  }
0x5c: {  	_ =	shalt  }
0x5d: {  	_ =	shalt  }
0x5e: {  	_ =	shalt  }
0x5f: {  	_ =	shalt  }
0x60: {  	_ =	shalt  }
0x61: {  	_ =	shalt  }
0x62: {  	_ =	shalt  }
0x63: {  	_ =	shalt  }
0x64: {  	_ =	shalt  }
0x65: {  	_ =	shalt  }
0x66: {  	_ =	shalt  }
0x67: {  	_ =	shalt  }
0x68: {  	_ =	shalt  }
0x69: {  	_ =	shalt  }
0x6a: {  	_ =	shalt  }
0x6b: {  	_ =	shalt  }
0x6c: {  	_ =	shalt  }
0x6d: {  	_ =	shalt  }
0x6e: {  	_ =	shalt  }
0x6f: {  	_ =	shalt  }
0x70: {  	_ =	shalt  }
0x71: {  	_ =	shalt  }
0x72: {  	_ =	shalt  }
0x73: {  	_ =	shalt  }
0x74: {  	_ =	shalt  }
0x75: {  	_ =	shalt  }
0x76: {  	_ =	shalt  }
0x77: {  	_ =	shalt  }
0x78: {  	_ =	shalt  }
0x79: {  	_ =	shalt  }
0x7a: {  	_ =	shalt  }
0x7b: {  	_ =	shalt  }
0x7c: {  	_ =	shalt  }
0x7d: {  	_ =	shalt  }
0x7e: {  	_ =	shalt  }
0x7f: {  	_ =	shalt  }
0x80: {  	_ =	shalt  }
0x81: {  	_ =	shalt  }
0x82: {  	_ =	shalt  }
0x83: {  	_ =	shalt  }
0x84: {  	_ =	shalt  }
0x85: {  	_ =	shalt  }
0x86: {  	_ =	shalt  }
0x87: {  	_ =	shalt  }
.Lfunc_end0:
.L_simem_size_0:
called_computation.3_lowered:
.L_overlay_start_0:
0x88: {  	s2 =	sld [smem:$0x3FD9]  }
0x89: {  	s3 =	sld [smem:$0x3FFE];
	_ =	sdelay $0x1  }
0x8a: {  	s1 =	srdreg.scid  }
0x8b: {  	s0 =	sand.u32 $0x1, s1  }
0x8c: {  	s17 =	sshll.u32 s0, $0xA;
	s2 =	sadd.s32 s3, s2  }
0x8d: {  	s2 =	sadd.s32 s2, s17  }
0x8e: {  	[smem:$0x3FB1] =	sst s2  }
0x8f: {  	_ = 	snop  }
0x90: {  	(tm) =	ssettm $0x1  }
0x91: {  	s18 =	sld [smem:$0x3FFB];
	_ =	sdelay $0x3  }
0x92: {  	_ =	strace s18  }
0x93: {  	s2 =	sld [smem:$0x3FFC];
	_ =	sdelay $0x3  }
0x94: {  	_ =	strace s2  }
0x95: {  	s2 =	sld [smem:$0x3FFD];
	_ =	sdelay $0x3  }
0x96: {  	_ =	strace s2  }
0x97: {  	_ =	strace $0x8FFFFFFF  }
0x98: {  	s19 =	sld [smem:$0x3FDB];
	_ =	sdelay $0x1  }
0x99: {  	s20 =	simm.s32 $_scs_section_size  }
0x9a: {  	s4 =	simm.s32 $_size__tile_overlayer_lowered;
	s5 =	simm.s32 $_tile_overlayer_lowered  }
0x9b: {  	s6 =	simm.s32 $0x1BFF;
	s21 =	sshll.u32 s5, $0x1;
	s3 =	sadd.s32 s20, s19  }
0x9c: {  	s22 =	simm.s32 $0x0;
	s4 =	sshll.u32 s4, $0x1;
	s5 =	sadd.s32 s21, s3  }
0x9d: {  	[timem:s22], [sflag:s6] =	dma.local [hbm:s5], s4  }
0x9e: {  	_ =	swait.ge [sflag:s6], s4  }
0x9f: {  	s4 =	ssub.s32 $0x0, s4;
	[sflag:s6] =	ssyncset.done $0x0  }
0xa0: {  	[sflag:s6] =	ssyncadd.s32 s4;
	_ =	sdelay $0x1  }
0xa1: {  	s23 =	simm.s32 $0x1B8B  }
0xa2: {  	_ =	swait.ge [sflag:s23], $0x1  }
0xa3: {  	[sflag:s23] =	ssyncset.done $0x0  }
0xa4: {  	[sflag:s23] =	ssyncadd.s32 $0xFFFFFFFF  }
0xa5: {  	s4 =	sld [smem:$0x0]  }
0xa6: {  	s5 =	sand.u32 $0xFFFFFFFE, s1  }
0xa7: {  	p0 =	sne.s32 s1, s5  }
0xa8: {  	s5 =	sshll.u32 @p0 s5, $0xE  }
0xa9: {  	s5 =	sadd.s32 @p0 $0x11B8D, s5;
	s6 =	sshll.u32 @p0 s4, $0x11  }
0xaa: {  	s5 =	sor.u32 @p0 s6, s5  }
0xab: {  	[sflag:s5] =	ssyncadd.remote.s32 @p0 $0x1;
	_ =	sdelay $0x1  }
0xac: {  	s5 =	simm.s32 @p0 $0x1B8D  }
0xad: {  	_ =	swait.eq @p0 [sflag:s5], $0x1  }
0xae: {  	[sflag:s5] =	ssyncadd.s32 @p0 $0xFFFFFFFF  }
0xaf: {  	s6 =	sshll.u32 @!p0 s1, $0xE  }
0xb0: {  	s6 =	sor.u32 @!p0 $0x4000, s6;
	s5 =	simm.s32 @!p0 $0x1B8D  }
0xb1: {  	s4 =	sshll.u32 @!p0 s4, $0x11;
	s6 =	sadd.s32 @!p0 $0x11B8D, s6;
	_ =	swait.eq @!p0 [sflag:s5], $0x1  }
0xb2: {  	s4 =	sor.u32 @!p0 s4, s6;
	[sflag:s5] =	ssyncadd.s32 @!p0 $0xFFFFFFFF  }
0xb3: {  	s25 =	simm.s32 $0x1B8E;
	s24 =	sld [smem:$0x3FFE];
	[sflag:s4] =	ssyncadd.remote.s32 @!p0 $0x1  }
0xb4: {  	s26 =	simm.s32 $execute0_lowered;
	[smem:$0x3FD2] =	sst s25  }
0xb5: {  	s5 =	sshll.u32 s26, $0x1;
	_ =	strace $0x8000004F;
	[dreg:$0x1] =	wrdreg $0xFFFFFFFF  }
0xb6: {  	s28 =	simm.s32 $_size_execute0_lowered;
	s3 =	sadd.s32 s3, s5;
	[dreg:$0x0] =	wrdreg $0x0  }
0xb7: {  	s5 =	sshll.u32 s28, $0x1;
	[dreg:$0x2] =	wrdreg s3  }
0xb8: {  	[dreg:$0x3] =	wrdreg s5  }
0xb9: {  	[dreg:$0x4] =	wrdreg $0xC0  }
0xba: {  	_ =	task [dreg:s22], $0x5FFFF  }
0xbb: {  	[dreg:$0x1] =	wrdreg $0xFFFFFFFF  }
0xbc: {  	[dreg:$0x0] =	wrdreg $0x60  }
0xbd: {  	[dreg:$0x2] =	wrdreg s24  }
0xbe: {  	[dreg:$0x3] =	wrdreg $0x9  }
0xbf: {  	_ =	task.clear_ibuf [dreg:s22], $0x4FFFF;
	_ =	strace $0x9000004F  }
0xc0: {  	s29 =	simm.s32 $0x9;
	_ =	strace $0x80000051  }
0xc1: {  	_ =	swait.ge [sflag:s29], $0x1  }
0xc2: {  	[sflag:s29] =	ssyncadd.s32 $0xFFFFFFFF  }
0xc3: {  	_ =	strace $0x90000051  }
0xc4: {  	_ =	sfence  }
0xc5: {  	s30 =	sld [smem:$0x0];
	_ =	sdelay $0x2  }
0xc6: {  	s31 =	sshll.u32 s1, $0xD;
	s1 =	sshrl.u32 s1, $0x2  }
0xc7: {  	s4 =	sand.u32 $0x4000, s31;
	s1 =	sadd.s32 s1, s30  }
0xc8: {  	s0 =	sor.u32 s4, s0;
	s1 =	sshll.u32 s1, $0x11  }
0xc9: {  	s0 =	sor.u32 s1, s0  }
0xca: {  	s0 =	sadd.s32 $0x8F2B, s0  }
0xcb: {  	[sflag:s0] =	ssyncadd.remote.s32 $0x1  }
0xcc: {  	_ =	sfence.sel $0xFFFF  }
0xcd: {  	[dreg:$0x0] =	wrdreg $0xFFFFFFFF;
	(pc) =	sbr.abs _section_cstart, $3  }
0xce: {  	[dreg:$0x1] =	wrdreg $0xFFFFFFFF  }
0xcf: {  	_ =	task.clear_ibuf [dreg:s22], $0x2FFFF;
	_ =	strace $0x9FFFFFFF  }
0xd0: {  	(tm) =	ssettm $0x7FFFFFFF  }
0xd1: {  	_ =	shalt  }
tec
execute0_lowered:
.L_overlay_start_1:
0x0: {  	(tag) =	ssettag $0x1  }
0x1: {  	s4 =	rddreg [dreg:$0x0]  }
0x2: {  	s0 =	rddreg [dreg:$0x1];
	s1 =	simm.s32 $0x0  }
0x3: {  	s5 =	srdreg.scid;
	s2 =	stileid.u32;
	s9 =	simm.s32 $0x1  }
0x4: {  	s10 =	simm.s32 $0x0;
	[smem:$0x7FF] =	sst s1;
	s3 =	sadd.s32 $0x26E00, s4  }
0x5: {  	s5 =	sand.u32 $0x1, s5;
	s6 =	sshll.u32 s2, $0x9;
	s7 =	sshll.u32 s2, $0x10  }
0x6: {  	_ =	strace $0x80000050;
	s8 =	ssub.s32 $0x2, s5;
	s6 =	sadd.s32 s6, s4  }
0x7: {  	s7 =	sadd.s32 s7, s4;
	s31 =	sshll.u32 s5, $0xF;
	s5 =	sshll.u32 s5, $0x8  }
0x8: {  	s30 =	sshrl.u32 s8, $0x1;
	s7 =	sadd.s32 s31, s7;
	s6 =	sadd.s32 s5, s6  }
0x9: {  	s4 =	ssub.s32 s8, s30;
	s5 =	sadd.s32 $0x38E00, s7;
	s6 =	sadd.s32 $0x36E00, s6  }
0xa: {  	s7 =	simm.s32 $0x2;
	s8 =	simm.s32 $0x80;
	s4 =	smax.u32 s4, $0x1  }
.LBB2_1:
0xb: {  	s11 =	sadd.s32 $0x0, s6  }
0xc: {  	[tilespmem:s1], [sflag:$0x2] =	stream.linear.gather [hbm4b:s11+s1], $0x80, $0x38;
	[tilespmem:$0x4080] =	vst v63  }
0xd: {  	_ =	swait.ge [sflag:s7], $0x80  }
0xe: {  	[sflag:s7] =	ssyncset.done $0x0  }
0xf: {  	[sflag:s7] =	ssyncadd.s32 $0xFFFFFF80  }
0x10: {  	[tilespmem:s8], [sflag:$0x1] =	stream.indirect.gather [hbm4b:s3+s8], $0x80, s1, s8, $0xb8;
	[tilespmem:$0x4080] =	vst v63  }
0x11: {  	_ =	swait.ge [sflag:s9], $0x4000  }
0x12: {  	[sflag:s9] =	ssyncset.done $0x0  }
0x13: {  	[sflag:s9] =	ssyncadd.s32 $0xFFFFC000  }
0x14: {  	[hbm4b:s5+s1] =	stream.linear.scatter [tilespmem:s8], [sflag:$0x2], $0x4000, $0x38;
	[tilespmem:$0x4080] =	vst v63  }
0x15: {  	s12 =	simm.s32 $0x10;
	_ =	swait.ge [sflag:s7], $0x4000  }
0x16: {  	s13 =	simm.s32 $0x20;
	s11 =	sadd.s32 $0x800, s5;
	[sflag:s7] =	ssyncset.done $0x0  }
.LBB2_2:
0x17: {  	s14 =	sadd.s32 s12, s6  }
0x18: {  	[sflag:s7] =	ssyncadd.s32 $0xFFFFC000;
	s12 =	smov.u32 s13;
	s15 =	sadd.s32 $0x10, s13  }
0x19: {  	[tilespmem:s1], [sflag:$0x2] =	stream.linear.gather [hbm4b:s14+s1], $0x80, $0x38;
	[tilespmem:$0x4080] =	vst v63  }
0x1a: {  	p0 =	sne.s32 s13, $0xF0;
	_ =	swait.ge [sflag:s7], $0x80  }
0x1b: {  	[sflag:s7] =	ssyncset.done $0x0  }
0x1c: {  	[sflag:s7] =	ssyncadd.s32 $0xFFFFFF80  }
0x1d: {  	[tilespmem:s8], [sflag:$0x1] =	stream.indirect.gather [hbm4b:s3+s8], $0x80, s1, s8, $0xb8;
	[tilespmem:$0x4080] =	vst v63  }
0x1e: {  	_ =	swait.ge [sflag:s9], $0x4000  }
.Ltmp0:
0x1f: {  	[sflag:s9] =	ssyncset.done $0x0;
	(pc) =	sbr.rel @p0 .LBB2_2-.Ltmp0, $4  }
0x20: {  	[sflag:s9] =	ssyncadd.s32 $0xFFFFC000  }
0x21: {  	[hbm4b:s11+s1] =	stream.linear.scatter [tilespmem:s8], [sflag:$0x2], $0x4000, $0x38;
	[tilespmem:$0x4080] =	vst v63  }
0x22: {  	_ =	swait.ge [sflag:s7], $0x4000  }
0x23: {  	s13 =	smov.u32 s15;
	s11 =	sadd.s32 $0x800, s11;
	[sflag:s7] =	ssyncset.done $0x0  }
0x24: {  	s12 =	sadd.s32 s12, s6;
	[sflag:s7] =	ssyncadd.s32 $0xFFFFC000  }
0x25: {  	[tilespmem:s1], [sflag:$0x2] =	stream.linear.gather [hbm4b:s12+s1], $0x80, $0x38;
	[tilespmem:$0x4080] =	vst v63  }
0x26: {  	_ =	swait.ge [sflag:s7], $0x80  }
0x27: {  	[sflag:s7] =	ssyncset.done $0x0  }
0x28: {  	[sflag:s7] =	ssyncadd.s32 $0xFFFFFF80  }
0x29: {  	[tilespmem:s8], [sflag:$0x1] =	stream.indirect.gather [hbm4b:s3+s8], $0x80, s1, s8, $0xb8;
	[tilespmem:$0x4080] =	vst v63  }
0x2a: {  	s10 =	sadd.s32 $0x1, s10;
	_ =	swait.ge [sflag:s9], $0x4000  }
0x2b: {  	p0 =	sne.s32 s10, s4;
	[sflag:s9] =	ssyncset.done $0x0  }
.Ltmp1:
0x2c: {  	[sflag:s9] =	ssyncadd.s32 $0xFFFFC000;
	(pc) =	sbr.rel @p0 .LBB2_1-.Ltmp1, $4  }
0x2d: {  	[hbm4b:s11+s1] =	stream.linear.scatter [tilespmem:s8], [sflag:$0x2], $0x4000, $0x38;
	[tilespmem:$0x4080] =	vst v63  }
0x2e: {  	_ =	swait.ge [sflag:s7], $0x4000  }
0x2f: {  	[sflag:s7] =	ssyncset.done $0x0  }
0x30: {  	[sflag:s7] =	ssyncadd.s32 $0xFFFFC000  }
0x31: {  	_ =	sfence.sel $0x180000  }
0x32: {  	[bflag:$0x0] =	sbarrier.arrive $0xFFFF  }
0x33: {  	p0 =	sne.s32 s2, $0x0;
	_ =	strace $0x90000050  }
0x34: {  	s0 =	sadd.s32 @!p0 $0x100000, s0;
	[bflag:$0x2] =	sbarrier.arrive $0xFFFF  }
0x35: {  	[sflag:s0] =	ssyncadd.tile.s32 @!p0 $0x1;
	_ =	shalt  }
.Lfunc_end2:
_tile_overlayer_lowered:
.L_overlay_start_2:
0x36: {  	(tag) =	ssettag $0x2  }
0x37: {  	s0 =	rddreg [dreg:$0x0];
	s2 =	stileid.u32  }
0x38: {  	s1 =	rddreg [dreg:$0x1];
	p0 =	sne.s32 s2, $0x0  }
0x39: {  	s3 =	rddreg [dreg:$0x2];
	[bflag:$0x3] =	sbarrier.arrive $0xFFFF;
	s2 =	simm.s32 @!p0 $0x1C02  }
0x3a: {  	[timem:s3], [sflag:s2] =	dma.local @!p0 [hbm:s0], s1  }
0x3b: {  	s0 =	simm.s32 @!p0 $0x2  }
0x3c: {  	_ =	swait.ge @!p0 [sflag:s0], s1  }
0x3d: {  	s1 =	ssub.s32 @!p0 $0x0, s1;
	[sflag:s0] =	ssyncset.done @!p0 $0x0  }
0x3e: {  	[sflag:s0] =	ssyncadd.s32 @!p0 s1  }
0x3f: {  	[bflag:$0x3] =	sbarrier.arrive $0xFFFF  }
0x40: {  	_ =	shalt  }

// kernel: kernel.42.cloned.1.call-start
scs
__scs_entry_jumppad:
0x0: {  	(pc) =	sbr.rel $0x88, $3  }
0x1: {  	(tag) =	ssettag $0x0;
	lr =	simm.s32 $0x1  }
0x2: {  	[smem:$0x3F8A] =	sst lr;
	_ =	strace $0xD0000000  }
0x3: {  	_ = 	snop  }
0x4: {  	_ = 	snop  }
0x5: {  	_ = 	snop  }
0x6: {  	_ = 	snop  }
0x7: {  	_ = 	snop  }
__scs_overlays_trampoline_lowered:
0x8: {  	[smem:$0x3F99] =	sst s0  }
0x9: {  	[smem:$0x3F9A] =	sst s1  }
0xa: {  	[smem:$0x3F9B] =	sst s2  }
0xb: {  	[smem:$0x3F9C] =	sst s3  }
0xc: {  	[smem:$0x3F9D] =	sst s4  }
0xd: {  	[smem:$0x3F9E] =	sst s5  }
0xe: {  	[smem:$0x3F9F] =	sst s6  }
0xf: {  	[smem:$0x3FA0] =	sst s7  }
0x10: {  	[smem:$0x3FA1] =	sst s8  }
0x11: {  	[smem:$0x3FA2] =	sst s9;
	s0 =	simm.s32 @!p0 $0x0  }
0x12: {  	s1 =	sld [smem:$0x3F88];
	s0 =	simm.s32 @p0 $0x1  }
0x13: {  	[smem:$0x3FA3] =	sst s0;
	s0 =	simm.s32 @!p1 $0x0  }
0x14: {  	s2 =	sld [smem:$0x3F87];
	s0 =	simm.s32 @p1 $0x1  }
0x15: {  	[smem:$0x3FA4] =	sst s0;
	s0 =	simm.s32 @!p2 $0x0  }
0x16: {  	s3 =	sld [smem:$0x3FDB];
	s0 =	simm.s32 @p2 $0x1  }
0x17: {  	s4 =	simm.s32 $0x1BF5;
	[smem:$0x3FA6] =	sst s0  }
0x18: {  	s0 =	sld [smem:$0x3F89];
	_ =	swait.ge [sflag:s4], $0x0  }
0x19: {  	s7 =	sld [smem:$0x3F8A]  }
0x1a: {  	s8 =	sadd.s32 $0xFFFFE003, lr  }
0x1b: {  	s9 =	sadd.s32 $0xFFFFFEF7, lr;
	s5 =	simm.s32 $0xFFFFFFFF;
	p2 =	slt.u32 s8, $0xFFFFF086  }
0x1c: {  	p1 =	slt.u32 s9, $0xF7A;
	s5 =	simm.s32 @!p2 $0x0  }
0x1d: {  	s5 =	simm.s32 @p1 $0x1;
	p0 =	seq.s32 s7, s2  }
0x1e: {  	s7 =	smul.u32 @!p0 $0xF7A, s2;
	p2 =	seq.s32 @!p0 s5, $0x0  }
0x1f: {  	s9 =	smul.u32 $0xF7A, s1;
	s8 =	simm.s32 @!p0 $0x1BF5;
	p2 =	por !p2, p0  }
0x20: {  	[sflag:s8] =	ssyncset.s32 @!p0 $0xFFFFF086;
	s6 =	sadd.s32 @!p0 s3, s7;
	s7 =	simm.s32 @!p0 $0x108  }
0x21: {  	s3 =	sadd.s32 s3, s9;
	s6 =	sadd.s32 @!p0 $0x88, s6;
	s7 =	simm.s32 @p2 $0x1082  }
0x22: {  	[simem:s7], [sflag:s8] =	dma.local @!p0 [hbm:s6], $0xF7A  }
0x23: {  	s9 =	sor.u32 $0xD0000000, s2;
	s6 =	simm.s32 $0x108;
	_ =	swait.ge @!p0 [sflag:s8], $0x0  }
0x24: {  	s3 =	sadd.s32 $0x88, s3;
	s6 =	simm.s32 @!p1 $0x1082;
	[sflag:s4] =	ssyncset.s32 $0xFFFFF086  }
0x25: {  	[simem:s6], [sflag:s4] =	dma.local [hbm:s3], $0xF7A  }
0x26: {  	[smem:$0x3F8A] =	sst s1;
	(tag) =	ssettag s2;
	_ =	strace s9  }
0x27: {  	s1 =	sld [smem:$0x3F9A]  }
0x28: {  	s2 =	sld [smem:$0x3F9B]  }
0x29: {  	s4 =	sld [smem:$0x3F9D]  }
0x2a: {  	p0 =	seq.s32 s5, $0x0;
	s5 =	sld [smem:$0x3F9E]  }
0x2b: {  	s6 =	sld [smem:$0x3F9F]  }
0x2c: {  	s7 =	sld [smem:$0x3FA0]  }
0x2d: {  	s3 =	simm.s32 $0x108;
	s8 =	sld [smem:$0x3FA1]  }
0x2e: {  	s3 =	simm.s32 @!p0 $0x1082;
	s9 =	sld [smem:$0x3FA2]  }
0x2f: {  	lr =	sadd.s32 s0, s3;
	s0 =	sld [smem:$0x3F99]  }
0x30: {  	s3 =	sld [smem:$0x3F9C]  }
0x31: {  	[smem:$0x3FA5] =	sst s10  }
0x32: {  	s10 =	sld [smem:$0x3FA3];
	_ =	sdelay $0x3  }
0x33: {  	p0 =	seq.s32 s10, $0x1;
	s10 =	sld [smem:$0x3FA5];
	_ =	sdelay $0x3  }
0x34: {  	[smem:$0x3FA5] =	sst s10  }
0x35: {  	s10 =	sld [smem:$0x3FA4];
	_ =	sdelay $0x3  }
0x36: {  	p1 =	seq.s32 s10, $0x1;
	s10 =	sld [smem:$0x3FA5];
	_ =	sdelay $0x3  }
0x37: {  	[smem:$0x3FA5] =	sst s10  }
0x38: {  	s10 =	sld [smem:$0x3FA6]  }
0x39: {  	_ = 	snop;
	(pc) =	sbr.ind lr, $3  }
0x3a: {  	_ = 	snop  }
0x3b: {  	_ = 	snop  }
0x3c: {  	p2 =	seq.s32 s10, $0x1;
	s10 =	sld [smem:$0x3FA5]  }
0x3d: {  	_ =	shalt  }
0x3e: {  	_ =	shalt  }
0x3f: {  	_ =	shalt  }
0x40: {  	_ =	shalt  }
0x41: {  	_ =	shalt  }
0x42: {  	_ =	shalt  }
0x43: {  	_ =	shalt  }
0x44: {  	_ =	shalt  }
0x45: {  	_ =	shalt  }
0x46: {  	_ =	shalt  }
0x47: {  	_ =	shalt  }
0x48: {  	_ =	shalt  }
0x49: {  	_ =	shalt  }
0x4a: {  	_ =	shalt  }
0x4b: {  	_ =	shalt  }
0x4c: {  	_ =	shalt  }
0x4d: {  	_ =	shalt  }
0x4e: {  	_ =	shalt  }
0x4f: {  	_ =	shalt  }
0x50: {  	_ =	shalt  }
0x51: {  	_ =	shalt  }
0x52: {  	_ =	shalt  }
0x53: {  	_ =	shalt  }
0x54: {  	_ =	shalt  }
0x55: {  	_ =	shalt  }
0x56: {  	_ =	shalt  }
0x57: {  	_ =	shalt  }
0x58: {  	_ =	shalt  }
0x59: {  	_ =	shalt  }
0x5a: {  	_ =	shalt  }
0x5b: {  	_ =	shalt  }
0x5c: {  	_ =	shalt  }
0x5d: {  	_ =	shalt  }
0x5e: {  	_ =	shalt  }
0x5f: {  	_ =	shalt  }
0x60: {  	_ =	shalt  }
0x61: {  	_ =	shalt  }
0x62: {  	_ =	shalt  }
0x63: {  	_ =	shalt  }
0x64: {  	_ =	shalt  }
0x65: {  	_ =	shalt  }
0x66: {  	_ =	shalt  }
0x67: {  	_ =	shalt  }
0x68: {  	_ =	shalt  }
0x69: {  	_ =	shalt  }
0x6a: {  	_ =	shalt  }
0x6b: {  	_ =	shalt  }
0x6c: {  	_ =	shalt  }
0x6d: {  	_ =	shalt  }
0x6e: {  	_ =	shalt  }
0x6f: {  	_ =	shalt  }
0x70: {  	_ =	shalt  }
0x71: {  	_ =	shalt  }
0x72: {  	_ =	shalt  }
0x73: {  	_ =	shalt  }
0x74: {  	_ =	shalt  }
0x75: {  	_ =	shalt  }
0x76: {  	_ =	shalt  }
0x77: {  	_ =	shalt  }
0x78: {  	_ =	shalt  }
0x79: {  	_ =	shalt  }
0x7a: {  	_ =	shalt  }
0x7b: {  	_ =	shalt  }
0x7c: {  	_ =	shalt  }
0x7d: {  	_ =	shalt  }
0x7e: {  	_ =	shalt  }
0x7f: {  	_ =	shalt  }
0x80: {  	_ =	shalt  }
0x81: {  	_ =	shalt  }
0x82: {  	_ =	shalt  }
0x83: {  	_ =	shalt  }
0x84: {  	_ =	shalt  }
0x85: {  	_ =	shalt  }
0x86: {  	_ =	shalt  }
0x87: {  	_ =	shalt  }
.Lfunc_end0:
.L_simem_size_0:
called_computation.4_lowered:
.L_overlay_start_0:
0x88: {  	s2 =	sld [smem:$0x3FD9]  }
0x89: {  	s3 =	sld [smem:$0x3FFE];
	_ =	sdelay $0x1  }
0x8a: {  	s1 =	srdreg.scid  }
0x8b: {  	s0 =	sand.u32 $0x1, s1  }
0x8c: {  	s17 =	sshll.u32 s0, $0xA;
	s2 =	sadd.s32 s3, s2  }
0x8d: {  	s2 =	sadd.s32 s2, s17  }
0x8e: {  	[smem:$0x3FB1] =	sst s2  }
0x8f: {  	_ = 	snop  }
0x90: {  	(tm) =	ssettm $0x1  }
0x91: {  	s18 =	sld [smem:$0x3FFB];
	_ =	sdelay $0x3  }
0x92: {  	_ =	strace s18  }
0x93: {  	s2 =	sld [smem:$0x3FFC];
	_ =	sdelay $0x3  }
0x94: {  	_ =	strace s2  }
0x95: {  	s2 =	sld [smem:$0x3FFD];
	_ =	sdelay $0x3  }
0x96: {  	_ =	strace s2  }
0x97: {  	_ =	strace $0x8FFFFFFF  }
0x98: {  	s19 =	sld [smem:$0x3FDB];
	_ =	sdelay $0x1  }
0x99: {  	s20 =	simm.s32 $_scs_section_size  }
0x9a: {  	s4 =	simm.s32 $_size__tile_overlayer_lowered;
	s5 =	simm.s32 $_tile_overlayer_lowered  }
0x9b: {  	s6 =	simm.s32 $0x1BFF;
	s21 =	sshll.u32 s5, $0x1;
	s3 =	sadd.s32 s20, s19  }
0x9c: {  	s22 =	simm.s32 $0x0;
	s4 =	sshll.u32 s4, $0x1;
	s5 =	sadd.s32 s21, s3  }
0x9d: {  	[timem:s22], [sflag:s6] =	dma.local [hbm:s5], s4  }
0x9e: {  	_ =	swait.ge [sflag:s6], s4  }
0x9f: {  	s4 =	ssub.s32 $0x0, s4;
	[sflag:s6] =	ssyncset.done $0x0  }
0xa0: {  	[sflag:s6] =	ssyncadd.s32 s4;
	_ =	sdelay $0x1  }
0xa1: {  	s23 =	simm.s32 $0x1B8B  }
0xa2: {  	_ =	swait.ge [sflag:s23], $0x1  }
0xa3: {  	[sflag:s23] =	ssyncset.done $0x0  }
0xa4: {  	[sflag:s23] =	ssyncadd.s32 $0xFFFFFFFF  }
0xa5: {  	s4 =	sld [smem:$0x0]  }
0xa6: {  	s5 =	sand.u32 $0xFFFFFFFE, s1  }
0xa7: {  	p0 =	sne.s32 s1, s5  }
0xa8: {  	s5 =	sshll.u32 @p0 s5, $0xE  }
0xa9: {  	s5 =	sadd.s32 @p0 $0x11B8D, s5;
	s6 =	sshll.u32 @p0 s4, $0x11  }
0xaa: {  	s5 =	sor.u32 @p0 s6, s5  }
0xab: {  	[sflag:s5] =	ssyncadd.remote.s32 @p0 $0x1;
	_ =	sdelay $0x1  }
0xac: {  	s5 =	simm.s32 @p0 $0x1B8D  }
0xad: {  	_ =	swait.eq @p0 [sflag:s5], $0x1  }
0xae: {  	[sflag:s5] =	ssyncadd.s32 @p0 $0xFFFFFFFF  }
0xaf: {  	s6 =	sshll.u32 @!p0 s1, $0xE  }
0xb0: {  	s6 =	sor.u32 @!p0 $0x4000, s6;
	s5 =	simm.s32 @!p0 $0x1B8D  }
0xb1: {  	s4 =	sshll.u32 @!p0 s4, $0x11;
	s6 =	sadd.s32 @!p0 $0x11B8D, s6;
	_ =	swait.eq @!p0 [sflag:s5], $0x1  }
0xb2: {  	s4 =	sor.u32 @!p0 s4, s6;
	[sflag:s5] =	ssyncadd.s32 @!p0 $0xFFFFFFFF  }
0xb3: {  	s25 =	simm.s32 $0x1B8E;
	s24 =	sld [smem:$0x3FFE];
	[sflag:s4] =	ssyncadd.remote.s32 @!p0 $0x1  }
0xb4: {  	s26 =	simm.s32 $execute0_lowered;
	[smem:$0x3FD2] =	sst s25  }
0xb5: {  	s5 =	sshll.u32 s26, $0x1;
	_ =	strace $0x80000052;
	[dreg:$0x1] =	wrdreg $0xFFFFFFFF  }
0xb6: {  	s28 =	simm.s32 $_size_execute0_lowered;
	s3 =	sadd.s32 s3, s5;
	[dreg:$0x0] =	wrdreg $0x0  }
0xb7: {  	s5 =	sshll.u32 s28, $0x1;
	[dreg:$0x2] =	wrdreg s3  }
0xb8: {  	[dreg:$0x3] =	wrdreg s5  }
0xb9: {  	[dreg:$0x4] =	wrdreg $0xC0  }
0xba: {  	_ =	task [dreg:s22], $0x5FFFF  }
0xbb: {  	[dreg:$0x1] =	wrdreg $0xFFFFFFFF  }
0xbc: {  	[dreg:$0x0] =	wrdreg $0x60  }
0xbd: {  	[dreg:$0x2] =	wrdreg s24  }
0xbe: {  	[dreg:$0x3] =	wrdreg $0xA  }
0xbf: {  	_ =	task.clear_ibuf [dreg:s22], $0x4FFFF;
	_ =	strace $0x90000052  }
0xc0: {  	s29 =	simm.s32 $0xA;
	_ =	strace $0x80000054  }
0xc1: {  	_ =	swait.ge [sflag:s29], $0x1  }
0xc2: {  	[sflag:s29] =	ssyncadd.s32 $0xFFFFFFFF  }
0xc3: {  	_ =	strace $0x90000054  }
0xc4: {  	_ =	sfence  }
0xc5: {  	s30 =	sld [smem:$0x0];
	_ =	sdelay $0x2  }
0xc6: {  	s31 =	sshll.u32 s1, $0xD;
	s1 =	sshrl.u32 s1, $0x2  }
0xc7: {  	s4 =	sand.u32 $0x4000, s31;
	s1 =	sadd.s32 s1, s30  }
0xc8: {  	s0 =	sor.u32 s4, s0;
	s1 =	sshll.u32 s1, $0x11  }
0xc9: {  	s0 =	sor.u32 s1, s0  }
0xca: {  	s0 =	sadd.s32 $0x8F2B, s0  }
0xcb: {  	[sflag:s0] =	ssyncadd.remote.s32 $0x1  }
0xcc: {  	_ =	sfence.sel $0xFFFF  }
0xcd: {  	[dreg:$0x0] =	wrdreg $0xFFFFFFFF;
	(pc) =	sbr.abs _section_cstart, $3  }
0xce: {  	[dreg:$0x1] =	wrdreg $0xFFFFFFFF  }
0xcf: {  	_ =	task.clear_ibuf [dreg:s22], $0x2FFFF;
	_ =	strace $0x9FFFFFFF  }
0xd0: {  	(tm) =	ssettm $0x7FFFFFFF  }
0xd1: {  	_ =	shalt  }
tec
execute0_lowered:
.L_overlay_start_1:
0x0: {  	(tag) =	ssettag $0x1  }
0x1: {  	s4 =	rddreg [dreg:$0x0]  }
0x2: {  	s0 =	rddreg [dreg:$0x1];
	s1 =	simm.s32 $0x0  }
0x3: {  	s5 =	srdreg.scid;
	s2 =	stileid.u32;
	s9 =	simm.s32 $0x1  }
0x4: {  	s10 =	simm.s32 $0x0;
	[smem:$0x7FF] =	sst s1;
	s3 =	sadd.s32 $0x14E00, s4  }
0x5: {  	s5 =	sand.u32 $0x1, s5;
	s6 =	sshll.u32 s2, $0x9;
	s7 =	sshll.u32 s2, $0x10  }
0x6: {  	_ =	strace $0x80000053;
	s8 =	ssub.s32 $0x2, s5;
	s6 =	sadd.s32 s6, s4  }
0x7: {  	s7 =	sadd.s32 s7, s4;
	s31 =	sshll.u32 s5, $0xF;
	s5 =	sshll.u32 s5, $0x8  }
0x8: {  	s30 =	sshrl.u32 s8, $0x1;
	s7 =	sadd.s32 s31, s7;
	s6 =	sadd.s32 s5, s6  }
0x9: {  	s4 =	ssub.s32 s8, s30;
	s5 =	sadd.s32 $0x138E00, s7;
	s6 =	sadd.s32 $0x24E00, s6  }
0xa: {  	s7 =	simm.s32 $0x2;
	s8 =	simm.s32 $0x80;
	s4 =	smax.u32 s4, $0x1  }
.LBB2_1:
0xb: {  	s11 =	sadd.s32 $0x0, s6  }
0xc: {  	[tilespmem:s1], [sflag:$0x2] =	stream.linear.gather [hbm4b:s11+s1], $0x80, $0x38;
	[tilespmem:$0x4080] =	vst v63  }
0xd: {  	_ =	swait.ge [sflag:s7], $0x80  }
0xe: {  	[sflag:s7] =	ssyncset.done $0x0  }
0xf: {  	[sflag:s7] =	ssyncadd.s32 $0xFFFFFF80  }
0x10: {  	[tilespmem:s8], [sflag:$0x1] =	stream.indirect.gather [hbm4b:s3+s8], $0x80, s1, s8, $0xb8;
	[tilespmem:$0x4080] =	vst v63  }
0x11: {  	_ =	swait.ge [sflag:s9], $0x4000  }
0x12: {  	[sflag:s9] =	ssyncset.done $0x0  }
0x13: {  	[sflag:s9] =	ssyncadd.s32 $0xFFFFC000  }
0x14: {  	[hbm4b:s5+s1] =	stream.linear.scatter [tilespmem:s8], [sflag:$0x2], $0x4000, $0x38;
	[tilespmem:$0x4080] =	vst v63  }
0x15: {  	s12 =	simm.s32 $0x10;
	_ =	swait.ge [sflag:s7], $0x4000  }
0x16: {  	s13 =	simm.s32 $0x20;
	s11 =	sadd.s32 $0x800, s5;
	[sflag:s7] =	ssyncset.done $0x0  }
.LBB2_2:
0x17: {  	s14 =	sadd.s32 s12, s6  }
0x18: {  	[sflag:s7] =	ssyncadd.s32 $0xFFFFC000;
	s12 =	smov.u32 s13;
	s15 =	sadd.s32 $0x10, s13  }
0x19: {  	[tilespmem:s1], [sflag:$0x2] =	stream.linear.gather [hbm4b:s14+s1], $0x80, $0x38;
	[tilespmem:$0x4080] =	vst v63  }
0x1a: {  	p0 =	sne.s32 s13, $0xF0;
	_ =	swait.ge [sflag:s7], $0x80  }
0x1b: {  	[sflag:s7] =	ssyncset.done $0x0  }
0x1c: {  	[sflag:s7] =	ssyncadd.s32 $0xFFFFFF80  }
0x1d: {  	[tilespmem:s8], [sflag:$0x1] =	stream.indirect.gather [hbm4b:s3+s8], $0x80, s1, s8, $0xb8;
	[tilespmem:$0x4080] =	vst v63  }
0x1e: {  	_ =	swait.ge [sflag:s9], $0x4000  }
.Ltmp0:
0x1f: {  	[sflag:s9] =	ssyncset.done $0x0;
	(pc) =	sbr.rel @p0 .LBB2_2-.Ltmp0, $4  }
0x20: {  	[sflag:s9] =	ssyncadd.s32 $0xFFFFC000  }
0x21: {  	[hbm4b:s11+s1] =	stream.linear.scatter [tilespmem:s8], [sflag:$0x2], $0x4000, $0x38;
	[tilespmem:$0x4080] =	vst v63  }
0x22: {  	_ =	swait.ge [sflag:s7], $0x4000  }
0x23: {  	s13 =	smov.u32 s15;
	s11 =	sadd.s32 $0x800, s11;
	[sflag:s7] =	ssyncset.done $0x0  }
0x24: {  	s12 =	sadd.s32 s12, s6;
	[sflag:s7] =	ssyncadd.s32 $0xFFFFC000  }
0x25: {  	[tilespmem:s1], [sflag:$0x2] =	stream.linear.gather [hbm4b:s12+s1], $0x80, $0x38;
	[tilespmem:$0x4080] =	vst v63  }
0x26: {  	_ =	swait.ge [sflag:s7], $0x80  }
0x27: {  	[sflag:s7] =	ssyncset.done $0x0  }
0x28: {  	[sflag:s7] =	ssyncadd.s32 $0xFFFFFF80  }
0x29: {  	[tilespmem:s8], [sflag:$0x1] =	stream.indirect.gather [hbm4b:s3+s8], $0x80, s1, s8, $0xb8;
	[tilespmem:$0x4080] =	vst v63  }
0x2a: {  	s10 =	sadd.s32 $0x1, s10;
	_ =	swait.ge [sflag:s9], $0x4000  }
0x2b: {  	p0 =	sne.s32 s10, s4;
	[sflag:s9] =	ssyncset.done $0x0  }
.Ltmp1:
0x2c: {  	[sflag:s9] =	ssyncadd.s32 $0xFFFFC000;
	(pc) =	sbr.rel @p0 .LBB2_1-.Ltmp1, $4  }
0x2d: {  	[hbm4b:s11+s1] =	stream.linear.scatter [tilespmem:s8], [sflag:$0x2], $0x4000, $0x38;
	[tilespmem:$0x4080] =	vst v63  }
0x2e: {  	_ =	swait.ge [sflag:s7], $0x4000  }
0x2f: {  	[sflag:s7] =	ssyncset.done $0x0  }
0x30: {  	[sflag:s7] =	ssyncadd.s32 $0xFFFFC000  }
0x31: {  	_ =	sfence.sel $0x180000  }
0x32: {  	[bflag:$0x0] =	sbarrier.arrive $0xFFFF  }
0x33: {  	p0 =	sne.s32 s2, $0x0;
	_ =	strace $0x90000053  }
0x34: {  	s0 =	sadd.s32 @!p0 $0x100000, s0;
	[bflag:$0x2] =	sbarrier.arrive $0xFFFF  }
0x35: {  	[sflag:s0] =	ssyncadd.tile.s32 @!p0 $0x1;
	_ =	shalt  }
.Lfunc_end2:
_tile_overlayer_lowered:
.L_overlay_start_2:
0x36: {  	(tag) =	ssettag $0x2  }
0x37: {  	s0 =	rddreg [dreg:$0x0];
	s2 =	stileid.u32  }
0x38: {  	s1 =	rddreg [dreg:$0x1];
	p0 =	sne.s32 s2, $0x0  }
0x39: {  	s3 =	rddreg [dreg:$0x2];
	[bflag:$0x3] =	sbarrier.arrive $0xFFFF;
	s2 =	simm.s32 @!p0 $0x1C02  }
0x3a: {  	[timem:s3], [sflag:s2] =	dma.local @!p0 [hbm:s0], s1  }
0x3b: {  	s0 =	simm.s32 @!p0 $0x2  }
0x3c: {  	_ =	swait.ge @!p0 [sflag:s0], s1  }
0x3d: {  	s1 =	ssub.s32 @!p0 $0x0, s1;
	[sflag:s0] =	ssyncset.done @!p0 $0x0  }
0x3e: {  	[sflag:s0] =	ssyncadd.s32 @!p0 s1  }
0x3f: {  	[bflag:$0x3] =	sbarrier.arrive $0xFFFF  }
0x40: {  	_ =	shalt  }

// kernel: kernel.45.cloned.1.call-start
scs
__scs_entry_jumppad:
0x0: {  	(pc) =	sbr.rel $0x88, $3  }
0x1: {  	(tag) =	ssettag $0x0;
	lr =	simm.s32 $0x1  }
0x2: {  	[smem:$0x3F8A] =	sst lr;
	_ =	strace $0xD0000000  }
0x3: {  	_ = 	snop  }
0x4: {  	_ = 	snop  }
0x5: {  	_ = 	snop  }
0x6: {  	_ = 	snop  }
0x7: {  	_ = 	snop  }
__scs_overlays_trampoline_lowered:
0x8: {  	[smem:$0x3F99] =	sst s0  }
0x9: {  	[smem:$0x3F9A] =	sst s1  }
0xa: {  	[smem:$0x3F9B] =	sst s2  }
0xb: {  	[smem:$0x3F9C] =	sst s3  }
0xc: {  	[smem:$0x3F9D] =	sst s4  }
0xd: {  	[smem:$0x3F9E] =	sst s5  }
0xe: {  	[smem:$0x3F9F] =	sst s6  }
0xf: {  	[smem:$0x3FA0] =	sst s7  }
0x10: {  	[smem:$0x3FA1] =	sst s8  }
0x11: {  	[smem:$0x3FA2] =	sst s9;
	s0 =	simm.s32 @!p0 $0x0  }
0x12: {  	s1 =	sld [smem:$0x3F88];
	s0 =	simm.s32 @p0 $0x1  }
0x13: {  	[smem:$0x3FA3] =	sst s0;
	s0 =	simm.s32 @!p1 $0x0  }
0x14: {  	s2 =	sld [smem:$0x3F87];
	s0 =	simm.s32 @p1 $0x1  }
0x15: {  	[smem:$0x3FA4] =	sst s0;
	s0 =	simm.s32 @!p2 $0x0  }
0x16: {  	s3 =	sld [smem:$0x3FDB];
	s0 =	simm.s32 @p2 $0x1  }
0x17: {  	s4 =	simm.s32 $0x1BF5;
	[smem:$0x3FA6] =	sst s0  }
0x18: {  	s0 =	sld [smem:$0x3F89];
	_ =	swait.ge [sflag:s4], $0x0  }
0x19: {  	s7 =	sld [smem:$0x3F8A]  }
0x1a: {  	s8 =	sadd.s32 $0xFFFFE003, lr  }
0x1b: {  	s9 =	sadd.s32 $0xFFFFFEF7, lr;
	s5 =	simm.s32 $0xFFFFFFFF;
	p2 =	slt.u32 s8, $0xFFFFF086  }
0x1c: {  	p1 =	slt.u32 s9, $0xF7A;
	s5 =	simm.s32 @!p2 $0x0  }
0x1d: {  	s5 =	simm.s32 @p1 $0x1;
	p0 =	seq.s32 s7, s2  }
0x1e: {  	s7 =	smul.u32 @!p0 $0xF7A, s2;
	p2 =	seq.s32 @!p0 s5, $0x0  }
0x1f: {  	s9 =	smul.u32 $0xF7A, s1;
	s8 =	simm.s32 @!p0 $0x1BF5;
	p2 =	por !p2, p0  }
0x20: {  	[sflag:s8] =	ssyncset.s32 @!p0 $0xFFFFF086;
	s6 =	sadd.s32 @!p0 s3, s7;
	s7 =	simm.s32 @!p0 $0x108  }
0x21: {  	s3 =	sadd.s32 s3, s9;
	s6 =	sadd.s32 @!p0 $0x88, s6;
	s7 =	simm.s32 @p2 $0x1082  }
0x22: {  	[simem:s7], [sflag:s8] =	dma.local @!p0 [hbm:s6], $0xF7A  }
0x23: {  	s9 =	sor.u32 $0xD0000000, s2;
	s6 =	simm.s32 $0x108;
	_ =	swait.ge @!p0 [sflag:s8], $0x0  }
0x24: {  	s3 =	sadd.s32 $0x88, s3;
	s6 =	simm.s32 @!p1 $0x1082;
	[sflag:s4] =	ssyncset.s32 $0xFFFFF086  }
0x25: {  	[simem:s6], [sflag:s4] =	dma.local [hbm:s3], $0xF7A  }
0x26: {  	[smem:$0x3F8A] =	sst s1;
	(tag) =	ssettag s2;
	_ =	strace s9  }
0x27: {  	s1 =	sld [smem:$0x3F9A]  }
0x28: {  	s2 =	sld [smem:$0x3F9B]  }
0x29: {  	s4 =	sld [smem:$0x3F9D]  }
0x2a: {  	p0 =	seq.s32 s5, $0x0;
	s5 =	sld [smem:$0x3F9E]  }
0x2b: {  	s6 =	sld [smem:$0x3F9F]  }
0x2c: {  	s7 =	sld [smem:$0x3FA0]  }
0x2d: {  	s3 =	simm.s32 $0x108;
	s8 =	sld [smem:$0x3FA1]  }
0x2e: {  	s3 =	simm.s32 @!p0 $0x1082;
	s9 =	sld [smem:$0x3FA2]  }
0x2f: {  	lr =	sadd.s32 s0, s3;
	s0 =	sld [smem:$0x3F99]  }
0x30: {  	s3 =	sld [smem:$0x3F9C]  }
0x31: {  	[smem:$0x3FA5] =	sst s10  }
0x32: {  	s10 =	sld [smem:$0x3FA3];
	_ =	sdelay $0x3  }
0x33: {  	p0 =	seq.s32 s10, $0x1;
	s10 =	sld [smem:$0x3FA5];
	_ =	sdelay $0x3  }
0x34: {  	[smem:$0x3FA5] =	sst s10  }
0x35: {  	s10 =	sld [smem:$0x3FA4];
	_ =	sdelay $0x3  }
0x36: {  	p1 =	seq.s32 s10, $0x1;
	s10 =	sld [smem:$0x3FA5];
	_ =	sdelay $0x3  }
0x37: {  	[smem:$0x3FA5] =	sst s10  }
0x38: {  	s10 =	sld [smem:$0x3FA6]  }
0x39: {  	_ = 	snop;
	(pc) =	sbr.ind lr, $3  }
0x3a: {  	_ = 	snop  }
0x3b: {  	_ = 	snop  }
0x3c: {  	p2 =	seq.s32 s10, $0x1;
	s10 =	sld [smem:$0x3FA5]  }
0x3d: {  	_ =	shalt  }
0x3e: {  	_ =	shalt  }
0x3f: {  	_ =	shalt  }
0x40: {  	_ =	shalt  }
0x41: {  	_ =	shalt  }
0x42: {  	_ =	shalt  }
0x43: {  	_ =	shalt  }
0x44: {  	_ =	shalt  }
0x45: {  	_ =	shalt  }
0x46: {  	_ =	shalt  }
0x47: {  	_ =	shalt  }
0x48: {  	_ =	shalt  }
0x49: {  	_ =	shalt  }
0x4a: {  	_ =	shalt  }
0x4b: {  	_ =	shalt  }
0x4c: {  	_ =	shalt  }
0x4d: {  	_ =	shalt  }
0x4e: {  	_ =	shalt  }
0x4f: {  	_ =	shalt  }
0x50: {  	_ =	shalt  }
0x51: {  	_ =	shalt  }
0x52: {  	_ =	shalt  }
0x53: {  	_ =	shalt  }
0x54: {  	_ =	shalt  }
0x55: {  	_ =	shalt  }
0x56: {  	_ =	shalt  }
0x57: {  	_ =	shalt  }
0x58: {  	_ =	shalt  }
0x59: {  	_ =	shalt  }
0x5a: {  	_ =	shalt  }
0x5b: {  	_ =	shalt  }
0x5c: {  	_ =	shalt  }
0x5d: {  	_ =	shalt  }
0x5e: {  	_ =	shalt  }
0x5f: {  	_ =	shalt  }
0x60: {  	_ =	shalt  }
0x61: {  	_ =	shalt  }
0x62: {  	_ =	shalt  }
0x63: {  	_ =	shalt  }
0x64: {  	_ =	shalt  }
0x65: {  	_ =	shalt  }
0x66: {  	_ =	shalt  }
0x67: {  	_ =	shalt  }
0x68: {  	_ =	shalt  }
0x69: {  	_ =	shalt  }
0x6a: {  	_ =	shalt  }
0x6b: {  	_ =	shalt  }
0x6c: {  	_ =	shalt  }
0x6d: {  	_ =	shalt  }
0x6e: {  	_ =	shalt  }
0x6f: {  	_ =	shalt  }
0x70: {  	_ =	shalt  }
0x71: {  	_ =	shalt  }
0x72: {  	_ =	shalt  }
0x73: {  	_ =	shalt  }
0x74: {  	_ =	shalt  }
0x75: {  	_ =	shalt  }
0x76: {  	_ =	shalt  }
0x77: {  	_ =	shalt  }
0x78: {  	_ =	shalt  }
0x79: {  	_ =	shalt  }
0x7a: {  	_ =	shalt  }
0x7b: {  	_ =	shalt  }
0x7c: {  	_ =	shalt  }
0x7d: {  	_ =	shalt  }
0x7e: {  	_ =	shalt  }
0x7f: {  	_ =	shalt  }
0x80: {  	_ =	shalt  }
0x81: {  	_ =	shalt  }
0x82: {  	_ =	shalt  }
0x83: {  	_ =	shalt  }
0x84: {  	_ =	shalt  }
0x85: {  	_ =	shalt  }
0x86: {  	_ =	shalt  }
0x87: {  	_ =	shalt  }
.Lfunc_end0:
.L_simem_size_0:
called_computation.5_lowered:
.L_overlay_start_0:
0x88: {  	s2 =	sld [smem:$0x3FD9]  }
0x89: {  	s3 =	sld [smem:$0x3FFE];
	_ =	sdelay $0x1  }
0x8a: {  	s1 =	srdreg.scid  }
0x8b: {  	s0 =	sand.u32 $0x1, s1  }
0x8c: {  	s17 =	sshll.u32 s0, $0xA;
	s2 =	sadd.s32 s3, s2  }
0x8d: {  	s2 =	sadd.s32 s2, s17  }
0x8e: {  	[smem:$0x3FB1] =	sst s2  }
0x8f: {  	_ = 	snop  }
0x90: {  	(tm) =	ssettm $0x1  }
0x91: {  	s18 =	sld [smem:$0x3FFB];
	_ =	sdelay $0x3  }
0x92: {  	_ =	strace s18  }
0x93: {  	s2 =	sld [smem:$0x3FFC];
	_ =	sdelay $0x3  }
0x94: {  	_ =	strace s2  }
0x95: {  	s2 =	sld [smem:$0x3FFD];
	_ =	sdelay $0x3  }
0x96: {  	_ =	strace s2  }
0x97: {  	_ =	strace $0x8FFFFFFF  }
0x98: {  	s19 =	sld [smem:$0x3FDB];
	_ =	sdelay $0x1  }
0x99: {  	s20 =	simm.s32 $_scs_section_size  }
0x9a: {  	s4 =	simm.s32 $_size__tile_overlayer_lowered;
	s5 =	simm.s32 $_tile_overlayer_lowered  }
0x9b: {  	s6 =	simm.s32 $0x1BFF;
	s21 =	sshll.u32 s5, $0x1;
	s3 =	sadd.s32 s20, s19  }
0x9c: {  	s22 =	simm.s32 $0x0;
	s4 =	sshll.u32 s4, $0x1;
	s5 =	sadd.s32 s21, s3  }
0x9d: {  	[timem:s22], [sflag:s6] =	dma.local [hbm:s5], s4  }
0x9e: {  	_ =	swait.ge [sflag:s6], s4  }
0x9f: {  	s4 =	ssub.s32 $0x0, s4;
	[sflag:s6] =	ssyncset.done $0x0  }
0xa0: {  	[sflag:s6] =	ssyncadd.s32 s4;
	_ =	sdelay $0x1  }
0xa1: {  	s23 =	simm.s32 $0x1B8B  }
0xa2: {  	_ =	swait.ge [sflag:s23], $0x1  }
0xa3: {  	[sflag:s23] =	ssyncset.done $0x0  }
0xa4: {  	[sflag:s23] =	ssyncadd.s32 $0xFFFFFFFF  }
0xa5: {  	s4 =	sld [smem:$0x0]  }
0xa6: {  	s5 =	sand.u32 $0xFFFFFFFE, s1  }
0xa7: {  	p0 =	sne.s32 s1, s5  }
0xa8: {  	s5 =	sshll.u32 @p0 s5, $0xE  }
0xa9: {  	s5 =	sadd.s32 @p0 $0x11B8D, s5;
	s6 =	sshll.u32 @p0 s4, $0x11  }
0xaa: {  	s5 =	sor.u32 @p0 s6, s5  }
0xab: {  	[sflag:s5] =	ssyncadd.remote.s32 @p0 $0x1;
	_ =	sdelay $0x1  }
0xac: {  	s5 =	simm.s32 @p0 $0x1B8D  }
0xad: {  	_ =	swait.eq @p0 [sflag:s5], $0x1  }
0xae: {  	[sflag:s5] =	ssyncadd.s32 @p0 $0xFFFFFFFF  }
0xaf: {  	s6 =	sshll.u32 @!p0 s1, $0xE  }
0xb0: {  	s6 =	sor.u32 @!p0 $0x4000, s6;
	s5 =	simm.s32 @!p0 $0x1B8D  }
0xb1: {  	s4 =	sshll.u32 @!p0 s4, $0x11;
	s6 =	sadd.s32 @!p0 $0x11B8D, s6;
	_ =	swait.eq @!p0 [sflag:s5], $0x1  }
0xb2: {  	s4 =	sor.u32 @!p0 s4, s6;
	[sflag:s5] =	ssyncadd.s32 @!p0 $0xFFFFFFFF  }
0xb3: {  	s25 =	simm.s32 $0x1B8E;
	s24 =	sld [smem:$0x3FFE];
	[sflag:s4] =	ssyncadd.remote.s32 @!p0 $0x1  }
0xb4: {  	s26 =	simm.s32 $execute0_lowered;
	[smem:$0x3FD2] =	sst s25  }
0xb5: {  	s5 =	sshll.u32 s26, $0x1;
	_ =	strace $0x80000055;
	[dreg:$0x1] =	wrdreg $0xFFFFFFFF  }
0xb6: {  	s28 =	simm.s32 $_size_execute0_lowered;
	s3 =	sadd.s32 s3, s5;
	[dreg:$0x0] =	wrdreg $0x0  }
0xb7: {  	s5 =	sshll.u32 s28, $0x1;
	[dreg:$0x2] =	wrdreg s3  }
0xb8: {  	[dreg:$0x3] =	wrdreg s5  }
0xb9: {  	[dreg:$0x4] =	wrdreg $0xC0  }
0xba: {  	_ =	task [dreg:s22], $0x5FFFF  }
0xbb: {  	[dreg:$0x1] =	wrdreg $0xFFFFFFFF  }
0xbc: {  	[dreg:$0x0] =	wrdreg $0x60  }
0xbd: {  	[dreg:$0x2] =	wrdreg s24  }
0xbe: {  	[dreg:$0x3] =	wrdreg $0x9  }
0xbf: {  	_ =	task.clear_ibuf [dreg:s22], $0x4FFFF;
	_ =	strace $0x90000055  }
0xc0: {  	s29 =	simm.s32 $0x9;
	_ =	strace $0x80000057  }
0xc1: {  	_ =	swait.ge [sflag:s29], $0x1  }
0xc2: {  	[sflag:s29] =	ssyncadd.s32 $0xFFFFFFFF  }
0xc3: {  	_ =	strace $0x90000057  }
0xc4: {  	_ =	sfence  }
0xc5: {  	s30 =	sld [smem:$0x0];
	_ =	sdelay $0x2  }
0xc6: {  	s31 =	sshll.u32 s1, $0xD;
	s1 =	sshrl.u32 s1, $0x2  }
0xc7: {  	s4 =	sand.u32 $0x4000, s31;
	s1 =	sadd.s32 s1, s30  }
0xc8: {  	s0 =	sor.u32 s4, s0;
	s1 =	sshll.u32 s1, $0x11  }
0xc9: {  	s0 =	sor.u32 s1, s0  }
0xca: {  	s0 =	sadd.s32 $0x8F2B, s0  }
0xcb: {  	[sflag:s0] =	ssyncadd.remote.s32 $0x1  }
0xcc: {  	_ =	sfence.sel $0xFFFF  }
0xcd: {  	[dreg:$0x0] =	wrdreg $0xFFFFFFFF;
	(pc) =	sbr.abs _section_cstart, $3  }
0xce: {  	[dreg:$0x1] =	wrdreg $0xFFFFFFFF  }
0xcf: {  	_ =	task.clear_ibuf [dreg:s22], $0x2FFFF;
	_ =	strace $0x9FFFFFFF  }
0xd0: {  	(tm) =	ssettm $0x7FFFFFFF  }
0xd1: {  	_ =	shalt  }
tec
execute0_lowered:
.L_overlay_start_1:
0x0: {  	(tag) =	ssettag $0x1  }
0x1: {  	s4 =	rddreg [dreg:$0x0]  }
0x2: {  	s0 =	rddreg [dreg:$0x1];
	s1 =	simm.s32 $0x0  }
0x3: {  	s5 =	srdreg.scid;
	s2 =	stileid.u32;
	s9 =	simm.s32 $0x1  }
0x4: {  	s10 =	simm.s32 $0x0;
	[smem:$0x7FF] =	sst s1;
	s3 =	sadd.s32 $0x26E00, s4  }
0x5: {  	s5 =	sand.u32 $0x1, s5;
	s6 =	sshll.u32 s2, $0x9;
	s7 =	sshll.u32 s2, $0x10  }
0x6: {  	_ =	strace $0x80000056;
	s8 =	ssub.s32 $0x2, s5;
	s6 =	sadd.s32 s6, s4  }
0x7: {  	s7 =	sadd.s32 s7, s4;
	s31 =	sshll.u32 s5, $0xF;
	s5 =	sshll.u32 s5, $0x8  }
0x8: {  	s30 =	sshrl.u32 s8, $0x1;
	s7 =	sadd.s32 s31, s7;
	s6 =	sadd.s32 s5, s6  }
0x9: {  	s4 =	ssub.s32 s8, s30;
	s5 =	sadd.s32 $0x38E00, s7;
	s6 =	sadd.s32 $0x36E00, s6  }
0xa: {  	s7 =	simm.s32 $0x2;
	s8 =	simm.s32 $0x80;
	s4 =	smax.u32 s4, $0x1  }
.LBB2_1:
0xb: {  	s11 =	sadd.s32 $0x0, s6  }
0xc: {  	[tilespmem:s1], [sflag:$0x2] =	stream.linear.gather [hbm4b:s11+s1], $0x80, $0x38;
	[tilespmem:$0x4080] =	vst v63  }
0xd: {  	_ =	swait.ge [sflag:s7], $0x80  }
0xe: {  	[sflag:s7] =	ssyncset.done $0x0  }
0xf: {  	[sflag:s7] =	ssyncadd.s32 $0xFFFFFF80  }
0x10: {  	[tilespmem:s8], [sflag:$0x1] =	stream.indirect.gather [hbm4b:s3+s8], $0x80, s1, s8, $0xb8;
	[tilespmem:$0x4080] =	vst v63  }
0x11: {  	_ =	swait.ge [sflag:s9], $0x4000  }
0x12: {  	[sflag:s9] =	ssyncset.done $0x0  }
0x13: {  	[sflag:s9] =	ssyncadd.s32 $0xFFFFC000  }
0x14: {  	[hbm4b:s5+s1] =	stream.linear.scatter [tilespmem:s8], [sflag:$0x2], $0x4000, $0x38;
	[tilespmem:$0x4080] =	vst v63  }
0x15: {  	s12 =	simm.s32 $0x10;
	_ =	swait.ge [sflag:s7], $0x4000  }
0x16: {  	s13 =	simm.s32 $0x20;
	s11 =	sadd.s32 $0x800, s5;
	[sflag:s7] =	ssyncset.done $0x0  }
.LBB2_2:
0x17: {  	s14 =	sadd.s32 s12, s6  }
0x18: {  	[sflag:s7] =	ssyncadd.s32 $0xFFFFC000;
	s12 =	smov.u32 s13;
	s15 =	sadd.s32 $0x10, s13  }
0x19: {  	[tilespmem:s1], [sflag:$0x2] =	stream.linear.gather [hbm4b:s14+s1], $0x80, $0x38;
	[tilespmem:$0x4080] =	vst v63  }
0x1a: {  	p0 =	sne.s32 s13, $0xF0;
	_ =	swait.ge [sflag:s7], $0x80  }
0x1b: {  	[sflag:s7] =	ssyncset.done $0x0  }
0x1c: {  	[sflag:s7] =	ssyncadd.s32 $0xFFFFFF80  }
0x1d: {  	[tilespmem:s8], [sflag:$0x1] =	stream.indirect.gather [hbm4b:s3+s8], $0x80, s1, s8, $0xb8;
	[tilespmem:$0x4080] =	vst v63  }
0x1e: {  	_ =	swait.ge [sflag:s9], $0x4000  }
.Ltmp0:
0x1f: {  	[sflag:s9] =	ssyncset.done $0x0;
	(pc) =	sbr.rel @p0 .LBB2_2-.Ltmp0, $4  }
0x20: {  	[sflag:s9] =	ssyncadd.s32 $0xFFFFC000  }
0x21: {  	[hbm4b:s11+s1] =	stream.linear.scatter [tilespmem:s8], [sflag:$0x2], $0x4000, $0x38;
	[tilespmem:$0x4080] =	vst v63  }
0x22: {  	_ =	swait.ge [sflag:s7], $0x4000  }
0x23: {  	s13 =	smov.u32 s15;
	s11 =	sadd.s32 $0x800, s11;
	[sflag:s7] =	ssyncset.done $0x0  }
0x24: {  	s12 =	sadd.s32 s12, s6;
	[sflag:s7] =	ssyncadd.s32 $0xFFFFC000  }
0x25: {  	[tilespmem:s1], [sflag:$0x2] =	stream.linear.gather [hbm4b:s12+s1], $0x80, $0x38;
	[tilespmem:$0x4080] =	vst v63  }
0x26: {  	_ =	swait.ge [sflag:s7], $0x80  }
0x27: {  	[sflag:s7] =	ssyncset.done $0x0  }
0x28: {  	[sflag:s7] =	ssyncadd.s32 $0xFFFFFF80  }
0x29: {  	[tilespmem:s8], [sflag:$0x1] =	stream.indirect.gather [hbm4b:s3+s8], $0x80, s1, s8, $0xb8;
	[tilespmem:$0x4080] =	vst v63  }
0x2a: {  	s10 =	sadd.s32 $0x1, s10;
	_ =	swait.ge [sflag:s9], $0x4000  }
0x2b: {  	p0 =	sne.s32 s10, s4;
	[sflag:s9] =	ssyncset.done $0x0  }
.Ltmp1:
0x2c: {  	[sflag:s9] =	ssyncadd.s32 $0xFFFFC000;
	(pc) =	sbr.rel @p0 .LBB2_1-.Ltmp1, $4  }
0x2d: {  	[hbm4b:s11+s1] =	stream.linear.scatter [tilespmem:s8], [sflag:$0x2], $0x4000, $0x38;
	[tilespmem:$0x4080] =	vst v63  }
0x2e: {  	_ =	swait.ge [sflag:s7], $0x4000  }
0x2f: {  	[sflag:s7] =	ssyncset.done $0x0  }
0x30: {  	[sflag:s7] =	ssyncadd.s32 $0xFFFFC000  }
0x31: {  	_ =	sfence.sel $0x180000  }
0x32: {  	[bflag:$0x0] =	sbarrier.arrive $0xFFFF  }
0x33: {  	p0 =	sne.s32 s2, $0x0;
	_ =	strace $0x90000056  }
0x34: {  	s0 =	sadd.s32 @!p0 $0x100000, s0;
	[bflag:$0x2] =	sbarrier.arrive $0xFFFF  }
0x35: {  	[sflag:s0] =	ssyncadd.tile.s32 @!p0 $0x1;
	_ =	shalt  }
.Lfunc_end2:
_tile_overlayer_lowered:
.L_overlay_start_2:
0x36: {  	(tag) =	ssettag $0x2  }
0x37: {  	s0 =	rddreg [dreg:$0x0];
	s2 =	stileid.u32  }
0x38: {  	s1 =	rddreg [dreg:$0x1];
	p0 =	sne.s32 s2, $0x0  }
0x39: {  	s3 =	rddreg [dreg:$0x2];
	[bflag:$0x3] =	sbarrier.arrive $0xFFFF;
	s2 =	simm.s32 @!p0 $0x1C02  }
0x3a: {  	[timem:s3], [sflag:s2] =	dma.local @!p0 [hbm:s0], s1  }
0x3b: {  	s0 =	simm.s32 @!p0 $0x2  }
0x3c: {  	_ =	swait.ge @!p0 [sflag:s0], s1  }
0x3d: {  	s1 =	ssub.s32 @!p0 $0x0, s1;
	[sflag:s0] =	ssyncset.done @!p0 $0x0  }
0x3e: {  	[sflag:s0] =	ssyncadd.s32 @!p0 s1  }
0x3f: {  	[bflag:$0x3] =	sbarrier.arrive $0xFFFF  }
0x40: {  	_ =	shalt  }

// kernel: kernel.48.cloned.1.call-start
scs
__scs_entry_jumppad:
0x0: {  	(pc) =	sbr.rel $0x88, $3  }
0x1: {  	(tag) =	ssettag $0x0;
	lr =	simm.s32 $0x1  }
0x2: {  	[smem:$0x3F8A] =	sst lr;
	_ =	strace $0xD0000000  }
0x3: {  	_ = 	snop  }
0x4: {  	_ = 	snop  }
0x5: {  	_ = 	snop  }
0x6: {  	_ = 	snop  }
0x7: {  	_ = 	snop  }
__scs_overlays_trampoline_lowered:
0x8: {  	[smem:$0x3F99] =	sst s0  }
0x9: {  	[smem:$0x3F9A] =	sst s1  }
0xa: {  	[smem:$0x3F9B] =	sst s2  }
0xb: {  	[smem:$0x3F9C] =	sst s3  }
0xc: {  	[smem:$0x3F9D] =	sst s4  }
0xd: {  	[smem:$0x3F9E] =	sst s5  }
0xe: {  	[smem:$0x3F9F] =	sst s6  }
0xf: {  	[smem:$0x3FA0] =	sst s7  }
0x10: {  	[smem:$0x3FA1] =	sst s8  }
0x11: {  	[smem:$0x3FA2] =	sst s9;
	s0 =	simm.s32 @!p0 $0x0  }
0x12: {  	s1 =	sld [smem:$0x3F88];
	s0 =	simm.s32 @p0 $0x1  }
0x13: {  	[smem:$0x3FA3] =	sst s0;
	s0 =	simm.s32 @!p1 $0x0  }
0x14: {  	s2 =	sld [smem:$0x3F87];
	s0 =	simm.s32 @p1 $0x1  }
0x15: {  	[smem:$0x3FA4] =	sst s0;
	s0 =	simm.s32 @!p2 $0x0  }
0x16: {  	s3 =	sld [smem:$0x3FDB];
	s0 =	simm.s32 @p2 $0x1  }
0x17: {  	s4 =	simm.s32 $0x1BF5;
	[smem:$0x3FA6] =	sst s0  }
0x18: {  	s0 =	sld [smem:$0x3F89];
	_ =	swait.ge [sflag:s4], $0x0  }
0x19: {  	s7 =	sld [smem:$0x3F8A]  }
0x1a: {  	s8 =	sadd.s32 $0xFFFFE003, lr  }
0x1b: {  	s9 =	sadd.s32 $0xFFFFFEF7, lr;
	s5 =	simm.s32 $0xFFFFFFFF;
	p2 =	slt.u32 s8, $0xFFFFF086  }
0x1c: {  	p1 =	slt.u32 s9, $0xF7A;
	s5 =	simm.s32 @!p2 $0x0  }
0x1d: {  	s5 =	simm.s32 @p1 $0x1;
	p0 =	seq.s32 s7, s2  }
0x1e: {  	s7 =	smul.u32 @!p0 $0xF7A, s2;
	p2 =	seq.s32 @!p0 s5, $0x0  }
0x1f: {  	s9 =	smul.u32 $0xF7A, s1;
	s8 =	simm.s32 @!p0 $0x1BF5;
	p2 =	por !p2, p0  }
0x20: {  	[sflag:s8] =	ssyncset.s32 @!p0 $0xFFFFF086;
	s6 =	sadd.s32 @!p0 s3, s7;
	s7 =	simm.s32 @!p0 $0x108  }
0x21: {  	s3 =	sadd.s32 s3, s9;
	s6 =	sadd.s32 @!p0 $0x88, s6;
	s7 =	simm.s32 @p2 $0x1082  }
0x22: {  	[simem:s7], [sflag:s8] =	dma.local @!p0 [hbm:s6], $0xF7A  }
0x23: {  	s9 =	sor.u32 $0xD0000000, s2;
	s6 =	simm.s32 $0x108;
	_ =	swait.ge @!p0 [sflag:s8], $0x0  }
0x24: {  	s3 =	sadd.s32 $0x88, s3;
	s6 =	simm.s32 @!p1 $0x1082;
	[sflag:s4] =	ssyncset.s32 $0xFFFFF086  }
0x25: {  	[simem:s6], [sflag:s4] =	dma.local [hbm:s3], $0xF7A  }
0x26: {  	[smem:$0x3F8A] =	sst s1;
	(tag) =	ssettag s2;
	_ =	strace s9  }
0x27: {  	s1 =	sld [smem:$0x3F9A]  }
0x28: {  	s2 =	sld [smem:$0x3F9B]  }
0x29: {  	s4 =	sld [smem:$0x3F9D]  }
0x2a: {  	p0 =	seq.s32 s5, $0x0;
	s5 =	sld [smem:$0x3F9E]  }
0x2b: {  	s6 =	sld [smem:$0x3F9F]  }
0x2c: {  	s7 =	sld [smem:$0x3FA0]  }
0x2d: {  	s3 =	simm.s32 $0x108;
	s8 =	sld [smem:$0x3FA1]  }
0x2e: {  	s3 =	simm.s32 @!p0 $0x1082;
	s9 =	sld [smem:$0x3FA2]  }
0x2f: {  	lr =	sadd.s32 s0, s3;
	s0 =	sld [smem:$0x3F99]  }
0x30: {  	s3 =	sld [smem:$0x3F9C]  }
0x31: {  	[smem:$0x3FA5] =	sst s10  }
0x32: {  	s10 =	sld [smem:$0x3FA3];
	_ =	sdelay $0x3  }
0x33: {  	p0 =	seq.s32 s10, $0x1;
	s10 =	sld [smem:$0x3FA5];
	_ =	sdelay $0x3  }
0x34: {  	[smem:$0x3FA5] =	sst s10  }
0x35: {  	s10 =	sld [smem:$0x3FA4];
	_ =	sdelay $0x3  }
0x36: {  	p1 =	seq.s32 s10, $0x1;
	s10 =	sld [smem:$0x3FA5];
	_ =	sdelay $0x3  }
0x37: {  	[smem:$0x3FA5] =	sst s10  }
0x38: {  	s10 =	sld [smem:$0x3FA6]  }
0x39: {  	_ = 	snop;
	(pc) =	sbr.ind lr, $3  }
0x3a: {  	_ = 	snop  }
0x3b: {  	_ = 	snop  }
0x3c: {  	p2 =	seq.s32 s10, $0x1;
	s10 =	sld [smem:$0x3FA5]  }
0x3d: {  	_ =	shalt  }
0x3e: {  	_ =	shalt  }
0x3f: {  	_ =	shalt  }
0x40: {  	_ =	shalt  }
0x41: {  	_ =	shalt  }
0x42: {  	_ =	shalt  }
0x43: {  	_ =	shalt  }
0x44: {  	_ =	shalt  }
0x45: {  	_ =	shalt  }
0x46: {  	_ =	shalt  }
0x47: {  	_ =	shalt  }
0x48: {  	_ =	shalt  }
0x49: {  	_ =	shalt  }
0x4a: {  	_ =	shalt  }
0x4b: {  	_ =	shalt  }
0x4c: {  	_ =	shalt  }
0x4d: {  	_ =	shalt  }
0x4e: {  	_ =	shalt  }
0x4f: {  	_ =	shalt  }
0x50: {  	_ =	shalt  }
0x51: {  	_ =	shalt  }
0x52: {  	_ =	shalt  }
0x53: {  	_ =	shalt  }
0x54: {  	_ =	shalt  }
0x55: {  	_ =	shalt  }
0x56: {  	_ =	shalt  }
0x57: {  	_ =	shalt  }
0x58: {  	_ =	shalt  }
0x59: {  	_ =	shalt  }
0x5a: {  	_ =	shalt  }
0x5b: {  	_ =	shalt  }
0x5c: {  	_ =	shalt  }
0x5d: {  	_ =	shalt  }
0x5e: {  	_ =	shalt  }
0x5f: {  	_ =	shalt  }
0x60: {  	_ =	shalt  }
0x61: {  	_ =	shalt  }
0x62: {  	_ =	shalt  }
0x63: {  	_ =	shalt  }
0x64: {  	_ =	shalt  }
0x65: {  	_ =	shalt  }
0x66: {  	_ =	shalt  }
0x67: {  	_ =	shalt  }
0x68: {  	_ =	shalt  }
0x69: {  	_ =	shalt  }
0x6a: {  	_ =	shalt  }
0x6b: {  	_ =	shalt  }
0x6c: {  	_ =	shalt  }
0x6d: {  	_ =	shalt  }
0x6e: {  	_ =	shalt  }
0x6f: {  	_ =	shalt  }
0x70: {  	_ =	shalt  }
0x71: {  	_ =	shalt  }
0x72: {  	_ =	shalt  }
0x73: {  	_ =	shalt  }
0x74: {  	_ =	shalt  }
0x75: {  	_ =	shalt  }
0x76: {  	_ =	shalt  }
0x77: {  	_ =	shalt  }
0x78: {  	_ =	shalt  }
0x79: {  	_ =	shalt  }
0x7a: {  	_ =	shalt  }
0x7b: {  	_ =	shalt  }
0x7c: {  	_ =	shalt  }
0x7d: {  	_ =	shalt  }
0x7e: {  	_ =	shalt  }
0x7f: {  	_ =	shalt  }
0x80: {  	_ =	shalt  }
0x81: {  	_ =	shalt  }
0x82: {  	_ =	shalt  }
0x83: {  	_ =	shalt  }
0x84: {  	_ =	shalt  }
0x85: {  	_ =	shalt  }
0x86: {  	_ =	shalt  }
0x87: {  	_ =	shalt  }
.Lfunc_end0:
.L_simem_size_0:
called_computation.6_lowered:
.L_overlay_start_0:
0x88: {  	s2 =	sld [smem:$0x3FD9]  }
0x89: {  	s3 =	sld [smem:$0x3FFE];
	_ =	sdelay $0x1  }
0x8a: {  	s1 =	srdreg.scid  }
0x8b: {  	s0 =	sand.u32 $0x1, s1  }
0x8c: {  	s17 =	sshll.u32 s0, $0xA;
	s2 =	sadd.s32 s3, s2  }
0x8d: {  	s2 =	sadd.s32 s2, s17  }
0x8e: {  	[smem:$0x3FB1] =	sst s2  }
0x8f: {  	_ = 	snop  }
0x90: {  	(tm) =	ssettm $0x1  }
0x91: {  	s18 =	sld [smem:$0x3FFB];
	_ =	sdelay $0x3  }
0x92: {  	_ =	strace s18  }
0x93: {  	s2 =	sld [smem:$0x3FFC];
	_ =	sdelay $0x3  }
0x94: {  	_ =	strace s2  }
0x95: {  	s2 =	sld [smem:$0x3FFD];
	_ =	sdelay $0x3  }
0x96: {  	_ =	strace s2  }
0x97: {  	_ =	strace $0x8FFFFFFF  }
0x98: {  	s19 =	sld [smem:$0x3FDB];
	_ =	sdelay $0x1  }
0x99: {  	s20 =	simm.s32 $_scs_section_size  }
0x9a: {  	s4 =	simm.s32 $_size__tile_overlayer_lowered;
	s5 =	simm.s32 $_tile_overlayer_lowered  }
0x9b: {  	s6 =	simm.s32 $0x1BFF;
	s21 =	sshll.u32 s5, $0x1;
	s3 =	sadd.s32 s20, s19  }
0x9c: {  	s22 =	simm.s32 $0x0;
	s4 =	sshll.u32 s4, $0x1;
	s5 =	sadd.s32 s21, s3  }
0x9d: {  	[timem:s22], [sflag:s6] =	dma.local [hbm:s5], s4  }
0x9e: {  	_ =	swait.ge [sflag:s6], s4  }
0x9f: {  	s4 =	ssub.s32 $0x0, s4;
	[sflag:s6] =	ssyncset.done $0x0  }
0xa0: {  	[sflag:s6] =	ssyncadd.s32 s4;
	_ =	sdelay $0x1  }
0xa1: {  	s23 =	simm.s32 $0x1B8B  }
0xa2: {  	_ =	swait.ge [sflag:s23], $0x1  }
0xa3: {  	[sflag:s23] =	ssyncset.done $0x0  }
0xa4: {  	[sflag:s23] =	ssyncadd.s32 $0xFFFFFFFF  }
0xa5: {  	s4 =	sld [smem:$0x0]  }
0xa6: {  	s5 =	sand.u32 $0xFFFFFFFE, s1  }
0xa7: {  	p0 =	sne.s32 s1, s5  }
0xa8: {  	s5 =	sshll.u32 @p0 s5, $0xE  }
0xa9: {  	s5 =	sadd.s32 @p0 $0x11B8D, s5;
	s6 =	sshll.u32 @p0 s4, $0x11  }
0xaa: {  	s5 =	sor.u32 @p0 s6, s5  }
0xab: {  	[sflag:s5] =	ssyncadd.remote.s32 @p0 $0x1;
	_ =	sdelay $0x1  }
0xac: {  	s5 =	simm.s32 @p0 $0x1B8D  }
0xad: {  	_ =	swait.eq @p0 [sflag:s5], $0x1  }
0xae: {  	[sflag:s5] =	ssyncadd.s32 @p0 $0xFFFFFFFF  }
0xaf: {  	s6 =	sshll.u32 @!p0 s1, $0xE  }
0xb0: {  	s6 =	sor.u32 @!p0 $0x4000, s6;
	s5 =	simm.s32 @!p0 $0x1B8D  }
0xb1: {  	s4 =	sshll.u32 @!p0 s4, $0x11;
	s6 =	sadd.s32 @!p0 $0x11B8D, s6;
	_ =	swait.eq @!p0 [sflag:s5], $0x1  }
0xb2: {  	s4 =	sor.u32 @!p0 s4, s6;
	[sflag:s5] =	ssyncadd.s32 @!p0 $0xFFFFFFFF  }
0xb3: {  	s25 =	simm.s32 $0x1B8E;
	s24 =	sld [smem:$0x3FFE];
	[sflag:s4] =	ssyncadd.remote.s32 @!p0 $0x1  }
0xb4: {  	s26 =	simm.s32 $execute0_lowered;
	[smem:$0x3FD2] =	sst s25  }
0xb5: {  	s5 =	sshll.u32 s26, $0x1;
	_ =	strace $0x80000058;
	[dreg:$0x1] =	wrdreg $0xFFFFFFFF  }
0xb6: {  	s28 =	simm.s32 $_size_execute0_lowered;
	s3 =	sadd.s32 s3, s5;
	[dreg:$0x0] =	wrdreg $0x0  }
0xb7: {  	s5 =	sshll.u32 s28, $0x1;
	[dreg:$0x2] =	wrdreg s3  }
0xb8: {  	[dreg:$0x3] =	wrdreg s5  }
0xb9: {  	[dreg:$0x4] =	wrdreg $0xC0  }
0xba: {  	_ =	task [dreg:s22], $0x5FFFF  }
0xbb: {  	[dreg:$0x1] =	wrdreg $0xFFFFFFFF  }
0xbc: {  	[dreg:$0x0] =	wrdreg $0x60  }
0xbd: {  	[dreg:$0x2] =	wrdreg s24  }
0xbe: {  	[dreg:$0x3] =	wrdreg $0xA  }
0xbf: {  	_ =	task.clear_ibuf [dreg:s22], $0x4FFFF;
	_ =	strace $0x90000058  }
0xc0: {  	s29 =	simm.s32 $0xA;
	_ =	strace $0x8000005A  }
0xc1: {  	_ =	swait.ge [sflag:s29], $0x1  }
0xc2: {  	[sflag:s29] =	ssyncadd.s32 $0xFFFFFFFF  }
0xc3: {  	_ =	strace $0x9000005A  }
0xc4: {  	_ =	sfence  }
0xc5: {  	s30 =	sld [smem:$0x0];
	_ =	sdelay $0x2  }
0xc6: {  	s31 =	sshll.u32 s1, $0xD;
	s1 =	sshrl.u32 s1, $0x2  }
0xc7: {  	s4 =	sand.u32 $0x4000, s31;
	s1 =	sadd.s32 s1, s30  }
0xc8: {  	s0 =	sor.u32 s4, s0;
	s1 =	sshll.u32 s1, $0x11  }
0xc9: {  	s0 =	sor.u32 s1, s0  }
0xca: {  	s0 =	sadd.s32 $0x8F2B, s0  }
0xcb: {  	[sflag:s0] =	ssyncadd.remote.s32 $0x1  }
0xcc: {  	_ =	sfence.sel $0xFFFF  }
0xcd: {  	[dreg:$0x0] =	wrdreg $0xFFFFFFFF;
	(pc) =	sbr.abs _section_cstart, $3  }
0xce: {  	[dreg:$0x1] =	wrdreg $0xFFFFFFFF  }
0xcf: {  	_ =	task.clear_ibuf [dreg:s22], $0x2FFFF;
	_ =	strace $0x9FFFFFFF  }
0xd0: {  	(tm) =	ssettm $0x7FFFFFFF  }
0xd1: {  	_ =	shalt  }
tec
execute0_lowered:
.L_overlay_start_1:
0x0: {  	(tag) =	ssettag $0x1  }
0x1: {  	s4 =	rddreg [dreg:$0x0]  }
0x2: {  	s0 =	rddreg [dreg:$0x1];
	s1 =	simm.s32 $0x0  }
0x3: {  	s5 =	srdreg.scid;
	s2 =	stileid.u32;
	s9 =	simm.s32 $0x1  }
0x4: {  	s10 =	simm.s32 $0x0;
	[smem:$0x7FF] =	sst s1;
	s3 =	sadd.s32 $0x14E00, s4  }
0x5: {  	s5 =	sand.u32 $0x1, s5;
	s6 =	sshll.u32 s2, $0x9;
	s7 =	sshll.u32 s2, $0x10  }
0x6: {  	_ =	strace $0x80000059;
	s8 =	ssub.s32 $0x2, s5;
	s6 =	sadd.s32 s6, s4  }
0x7: {  	s7 =	sadd.s32 s7, s4;
	s31 =	sshll.u32 s5, $0xF;
	s5 =	sshll.u32 s5, $0x8  }
0x8: {  	s30 =	sshrl.u32 s8, $0x1;
	s7 =	sadd.s32 s31, s7;
	s6 =	sadd.s32 s5, s6  }
0x9: {  	s4 =	ssub.s32 s8, s30;
	s5 =	sadd.s32 $0x138E00, s7;
	s6 =	sadd.s32 $0x24E00, s6  }
0xa: {  	s7 =	simm.s32 $0x2;
	s8 =	simm.s32 $0x80;
	s4 =	smax.u32 s4, $0x1  }
.LBB2_1:
0xb: {  	s11 =	sadd.s32 $0x0, s6  }
0xc: {  	[tilespmem:s1], [sflag:$0x2] =	stream.linear.gather [hbm4b:s11+s1], $0x80, $0x38;
	[tilespmem:$0x4080] =	vst v63  }
0xd: {  	_ =	swait.ge [sflag:s7], $0x80  }
0xe: {  	[sflag:s7] =	ssyncset.done $0x0  }
0xf: {  	[sflag:s7] =	ssyncadd.s32 $0xFFFFFF80  }
0x10: {  	[tilespmem:s8], [sflag:$0x1] =	stream.indirect.gather [hbm4b:s3+s8], $0x80, s1, s8, $0xb8;
	[tilespmem:$0x4080] =	vst v63  }
0x11: {  	_ =	swait.ge [sflag:s9], $0x4000  }
0x12: {  	[sflag:s9] =	ssyncset.done $0x0  }
0x13: {  	[sflag:s9] =	ssyncadd.s32 $0xFFFFC000  }
0x14: {  	[hbm4b:s5+s1] =	stream.linear.scatter [tilespmem:s8], [sflag:$0x2], $0x4000, $0x38;
	[tilespmem:$0x4080] =	vst v63  }
0x15: {  	s12 =	simm.s32 $0x10;
	_ =	swait.ge [sflag:s7], $0x4000  }
0x16: {  	s13 =	simm.s32 $0x20;
	s11 =	sadd.s32 $0x800, s5;
	[sflag:s7] =	ssyncset.done $0x0  }
.LBB2_2:
0x17: {  	s14 =	sadd.s32 s12, s6  }
0x18: {  	[sflag:s7] =	ssyncadd.s32 $0xFFFFC000;
	s12 =	smov.u32 s13;
	s15 =	sadd.s32 $0x10, s13  }
0x19: {  	[tilespmem:s1], [sflag:$0x2] =	stream.linear.gather [hbm4b:s14+s1], $0x80, $0x38;
	[tilespmem:$0x4080] =	vst v63  }
0x1a: {  	p0 =	sne.s32 s13, $0xF0;
	_ =	swait.ge [sflag:s7], $0x80  }
0x1b: {  	[sflag:s7] =	ssyncset.done $0x0  }
0x1c: {  	[sflag:s7] =	ssyncadd.s32 $0xFFFFFF80  }
0x1d: {  	[tilespmem:s8], [sflag:$0x1] =	stream.indirect.gather [hbm4b:s3+s8], $0x80, s1, s8, $0xb8;
	[tilespmem:$0x4080] =	vst v63  }
0x1e: {  	_ =	swait.ge [sflag:s9], $0x4000  }
.Ltmp0:
0x1f: {  	[sflag:s9] =	ssyncset.done $0x0;
	(pc) =	sbr.rel @p0 .LBB2_2-.Ltmp0, $4  }
0x20: {  	[sflag:s9] =	ssyncadd.s32 $0xFFFFC000  }
0x21: {  	[hbm4b:s11+s1] =	stream.linear.scatter [tilespmem:s8], [sflag:$0x2], $0x4000, $0x38;
	[tilespmem:$0x4080] =	vst v63  }
0x22: {  	_ =	swait.ge [sflag:s7], $0x4000  }
0x23: {  	s13 =	smov.u32 s15;
	s11 =	sadd.s32 $0x800, s11;
	[sflag:s7] =	ssyncset.done $0x0  }
0x24: {  	s12 =	sadd.s32 s12, s6;
	[sflag:s7] =	ssyncadd.s32 $0xFFFFC000  }
0x25: {  	[tilespmem:s1], [sflag:$0x2] =	stream.linear.gather [hbm4b:s12+s1], $0x80, $0x38;
	[tilespmem:$0x4080] =	vst v63  }
0x26: {  	_ =	swait.ge [sflag:s7], $0x80  }
0x27: {  	[sflag:s7] =	ssyncset.done $0x0  }
0x28: {  	[sflag:s7] =	ssyncadd.s32 $0xFFFFFF80  }
0x29: {  	[tilespmem:s8], [sflag:$0x1] =	stream.indirect.gather [hbm4b:s3+s8], $0x80, s1, s8, $0xb8;
	[tilespmem:$0x4080] =	vst v63  }
0x2a: {  	s10 =	sadd.s32 $0x1, s10;
	_ =	swait.ge [sflag:s9], $0x4000  }
0x2b: {  	p0 =	sne.s32 s10, s4;
	[sflag:s9] =	ssyncset.done $0x0  }
.Ltmp1:
0x2c: {  	[sflag:s9] =	ssyncadd.s32 $0xFFFFC000;
	(pc) =	sbr.rel @p0 .LBB2_1-.Ltmp1, $4  }
0x2d: {  	[hbm4b:s11+s1] =	stream.linear.scatter [tilespmem:s8], [sflag:$0x2], $0x4000, $0x38;
	[tilespmem:$0x4080] =	vst v63  }
0x2e: {  	_ =	swait.ge [sflag:s7], $0x4000  }
0x2f: {  	[sflag:s7] =	ssyncset.done $0x0  }
0x30: {  	[sflag:s7] =	ssyncadd.s32 $0xFFFFC000  }
0x31: {  	_ =	sfence.sel $0x180000  }
0x32: {  	[bflag:$0x0] =	sbarrier.arrive $0xFFFF  }
0x33: {  	p0 =	sne.s32 s2, $0x0;
	_ =	strace $0x90000059  }
0x34: {  	s0 =	sadd.s32 @!p0 $0x100000, s0;
	[bflag:$0x2] =	sbarrier.arrive $0xFFFF  }
0x35: {  	[sflag:s0] =	ssyncadd.tile.s32 @!p0 $0x1;
	_ =	shalt  }
.Lfunc_end2:
_tile_overlayer_lowered:
.L_overlay_start_2:
0x36: {  	(tag) =	ssettag $0x2  }
0x37: {  	s0 =	rddreg [dreg:$0x0];
	s2 =	stileid.u32  }
0x38: {  	s1 =	rddreg [dreg:$0x1];
	p0 =	sne.s32 s2, $0x0  }
0x39: {  	s3 =	rddreg [dreg:$0x2];
	[bflag:$0x3] =	sbarrier.arrive $0xFFFF;
	s2 =	simm.s32 @!p0 $0x1C02  }
0x3a: {  	[timem:s3], [sflag:s2] =	dma.local @!p0 [hbm:s0], s1  }
0x3b: {  	s0 =	simm.s32 @!p0 $0x2  }
0x3c: {  	_ =	swait.ge @!p0 [sflag:s0], s1  }
0x3d: {  	s1 =	ssub.s32 @!p0 $0x0, s1;
	[sflag:s0] =	ssyncset.done @!p0 $0x0  }
0x3e: {  	[sflag:s0] =	ssyncadd.s32 @!p0 s1  }
0x3f: {  	[bflag:$0x3] =	sbarrier.arrive $0xFFFF  }
0x40: {  	_ =	shalt  }

// kernel: kernel.51.cloned.1.call-start
scs
__scs_entry_jumppad:
0x0: {  	(pc) =	sbr.rel $0x88, $3  }
0x1: {  	(tag) =	ssettag $0x0;
	lr =	simm.s32 $0x1  }
0x2: {  	[smem:$0x3F8A] =	sst lr;
	_ =	strace $0xD0000000  }
0x3: {  	_ = 	snop  }
0x4: {  	_ = 	snop  }
0x5: {  	_ = 	snop  }
0x6: {  	_ = 	snop  }
0x7: {  	_ = 	snop  }
__scs_overlays_trampoline_lowered:
0x8: {  	[smem:$0x3F99] =	sst s0  }
0x9: {  	[smem:$0x3F9A] =	sst s1  }
0xa: {  	[smem:$0x3F9B] =	sst s2  }
0xb: {  	[smem:$0x3F9C] =	sst s3  }
0xc: {  	[smem:$0x3F9D] =	sst s4  }
0xd: {  	[smem:$0x3F9E] =	sst s5  }
0xe: {  	[smem:$0x3F9F] =	sst s6  }
0xf: {  	[smem:$0x3FA0] =	sst s7  }
0x10: {  	[smem:$0x3FA1] =	sst s8  }
0x11: {  	[smem:$0x3FA2] =	sst s9;
	s0 =	simm.s32 @!p0 $0x0  }
0x12: {  	s1 =	sld [smem:$0x3F88];
	s0 =	simm.s32 @p0 $0x1  }
0x13: {  	[smem:$0x3FA3] =	sst s0;
	s0 =	simm.s32 @!p1 $0x0  }
0x14: {  	s2 =	sld [smem:$0x3F87];
	s0 =	simm.s32 @p1 $0x1  }
0x15: {  	[smem:$0x3FA4] =	sst s0;
	s0 =	simm.s32 @!p2 $0x0  }
0x16: {  	s3 =	sld [smem:$0x3FDB];
	s0 =	simm.s32 @p2 $0x1  }
0x17: {  	s4 =	simm.s32 $0x1BF5;
	[smem:$0x3FA6] =	sst s0  }
0x18: {  	s0 =	sld [smem:$0x3F89];
	_ =	swait.ge [sflag:s4], $0x0  }
0x19: {  	s7 =	sld [smem:$0x3F8A]  }
0x1a: {  	s8 =	sadd.s32 $0xFFFFE003, lr  }
0x1b: {  	s9 =	sadd.s32 $0xFFFFFEF7, lr;
	s5 =	simm.s32 $0xFFFFFFFF;
	p2 =	slt.u32 s8, $0xFFFFF086  }
0x1c: {  	p1 =	slt.u32 s9, $0xF7A;
	s5 =	simm.s32 @!p2 $0x0  }
0x1d: {  	s5 =	simm.s32 @p1 $0x1;
	p0 =	seq.s32 s7, s2  }
0x1e: {  	s7 =	smul.u32 @!p0 $0xF7A, s2;
	p2 =	seq.s32 @!p0 s5, $0x0  }
0x1f: {  	s9 =	smul.u32 $0xF7A, s1;
	s8 =	simm.s32 @!p0 $0x1BF5;
	p2 =	por !p2, p0  }
0x20: {  	[sflag:s8] =	ssyncset.s32 @!p0 $0xFFFFF086;
	s6 =	sadd.s32 @!p0 s3, s7;
	s7 =	simm.s32 @!p0 $0x108  }
0x21: {  	s3 =	sadd.s32 s3, s9;
	s6 =	sadd.s32 @!p0 $0x88, s6;
	s7 =	simm.s32 @p2 $0x1082  }
0x22: {  	[simem:s7], [sflag:s8] =	dma.local @!p0 [hbm:s6], $0xF7A  }
0x23: {  	s9 =	sor.u32 $0xD0000000, s2;
	s6 =	simm.s32 $0x108;
	_ =	swait.ge @!p0 [sflag:s8], $0x0  }
0x24: {  	s3 =	sadd.s32 $0x88, s3;
	s6 =	simm.s32 @!p1 $0x1082;
	[sflag:s4] =	ssyncset.s32 $0xFFFFF086  }
0x25: {  	[simem:s6], [sflag:s4] =	dma.local [hbm:s3], $0xF7A  }
0x26: {  	[smem:$0x3F8A] =	sst s1;
	(tag) =	ssettag s2;
	_ =	strace s9  }
0x27: {  	s1 =	sld [smem:$0x3F9A]  }
0x28: {  	s2 =	sld [smem:$0x3F9B]  }
0x29: {  	s4 =	sld [smem:$0x3F9D]  }
0x2a: {  	p0 =	seq.s32 s5, $0x0;
	s5 =	sld [smem:$0x3F9E]  }
0x2b: {  	s6 =	sld [smem:$0x3F9F]  }
0x2c: {  	s7 =	sld [smem:$0x3FA0]  }
0x2d: {  	s3 =	simm.s32 $0x108;
	s8 =	sld [smem:$0x3FA1]  }
0x2e: {  	s3 =	simm.s32 @!p0 $0x1082;
	s9 =	sld [smem:$0x3FA2]  }
0x2f: {  	lr =	sadd.s32 s0, s3;
	s0 =	sld [smem:$0x3F99]  }
0x30: {  	s3 =	sld [smem:$0x3F9C]  }
0x31: {  	[smem:$0x3FA5] =	sst s10  }
0x32: {  	s10 =	sld [smem:$0x3FA3];
	_ =	sdelay $0x3  }
0x33: {  	p0 =	seq.s32 s10, $0x1;
	s10 =	sld [smem:$0x3FA5];
	_ =	sdelay $0x3  }
0x34: {  	[smem:$0x3FA5] =	sst s10  }
0x35: {  	s10 =	sld [smem:$0x3FA4];
	_ =	sdelay $0x3  }
0x36: {  	p1 =	seq.s32 s10, $0x1;
	s10 =	sld [smem:$0x3FA5];
	_ =	sdelay $0x3  }
0x37: {  	[smem:$0x3FA5] =	sst s10  }
0x38: {  	s10 =	sld [smem:$0x3FA6]  }
0x39: {  	_ = 	snop;
	(pc) =	sbr.ind lr, $3  }
0x3a: {  	_ = 	snop  }
0x3b: {  	_ = 	snop  }
0x3c: {  	p2 =	seq.s32 s10, $0x1;
	s10 =	sld [smem:$0x3FA5]  }
0x3d: {  	_ =	shalt  }
0x3e: {  	_ =	shalt  }
0x3f: {  	_ =	shalt  }
0x40: {  	_ =	shalt  }
0x41: {  	_ =	shalt  }
0x42: {  	_ =	shalt  }
0x43: {  	_ =	shalt  }
0x44: {  	_ =	shalt  }
0x45: {  	_ =	shalt  }
0x46: {  	_ =	shalt  }
0x47: {  	_ =	shalt  }
0x48: {  	_ =	shalt  }
0x49: {  	_ =	shalt  }
0x4a: {  	_ =	shalt  }
0x4b: {  	_ =	shalt  }
0x4c: {  	_ =	shalt  }
0x4d: {  	_ =	shalt  }
0x4e: {  	_ =	shalt  }
0x4f: {  	_ =	shalt  }
0x50: {  	_ =	shalt  }
0x51: {  	_ =	shalt  }
0x52: {  	_ =	shalt  }
0x53: {  	_ =	shalt  }
0x54: {  	_ =	shalt  }
0x55: {  	_ =	shalt  }
0x56: {  	_ =	shalt  }
0x57: {  	_ =	shalt  }
0x58: {  	_ =	shalt  }
0x59: {  	_ =	shalt  }
0x5a: {  	_ =	shalt  }
0x5b: {  	_ =	shalt  }
0x5c: {  	_ =	shalt  }
0x5d: {  	_ =	shalt  }
0x5e: {  	_ =	shalt  }
0x5f: {  	_ =	shalt  }
0x60: {  	_ =	shalt  }
0x61: {  	_ =	shalt  }
0x62: {  	_ =	shalt  }
0x63: {  	_ =	shalt  }
0x64: {  	_ =	shalt  }
0x65: {  	_ =	shalt  }
0x66: {  	_ =	shalt  }
0x67: {  	_ =	shalt  }
0x68: {  	_ =	shalt  }
0x69: {  	_ =	shalt  }
0x6a: {  	_ =	shalt  }
0x6b: {  	_ =	shalt  }
0x6c: {  	_ =	shalt  }
0x6d: {  	_ =	shalt  }
0x6e: {  	_ =	shalt  }
0x6f: {  	_ =	shalt  }
0x70: {  	_ =	shalt  }
0x71: {  	_ =	shalt  }
0x72: {  	_ =	shalt  }
0x73: {  	_ =	shalt  }
0x74: {  	_ =	shalt  }
0x75: {  	_ =	shalt  }
0x76: {  	_ =	shalt  }
0x77: {  	_ =	shalt  }
0x78: {  	_ =	shalt  }
0x79: {  	_ =	shalt  }
0x7a: {  	_ =	shalt  }
0x7b: {  	_ =	shalt  }
0x7c: {  	_ =	shalt  }
0x7d: {  	_ =	shalt  }
0x7e: {  	_ =	shalt  }
0x7f: {  	_ =	shalt  }
0x80: {  	_ =	shalt  }
0x81: {  	_ =	shalt  }
0x82: {  	_ =	shalt  }
0x83: {  	_ =	shalt  }
0x84: {  	_ =	shalt  }
0x85: {  	_ =	shalt  }
0x86: {  	_ =	shalt  }
0x87: {  	_ =	shalt  }
.Lfunc_end0:
.L_simem_size_0:
called_computation.7_lowered:
.L_overlay_start_0:
0x88: {  	s2 =	sld [smem:$0x3FD9]  }
0x89: {  	s3 =	sld [smem:$0x3FFE];
	_ =	sdelay $0x1  }
0x8a: {  	s1 =	srdreg.scid  }
0x8b: {  	s0 =	sand.u32 $0x1, s1  }
0x8c: {  	s17 =	sshll.u32 s0, $0xA;
	s2 =	sadd.s32 s3, s2  }
0x8d: {  	s2 =	sadd.s32 s2, s17  }
0x8e: {  	[smem:$0x3FB1] =	sst s2  }
0x8f: {  	_ = 	snop  }
0x90: {  	(tm) =	ssettm $0x1  }
0x91: {  	s18 =	sld [smem:$0x3FFB];
	_ =	sdelay $0x3  }
0x92: {  	_ =	strace s18  }
0x93: {  	s2 =	sld [smem:$0x3FFC];
	_ =	sdelay $0x3  }
0x94: {  	_ =	strace s2  }
0x95: {  	s2 =	sld [smem:$0x3FFD];
	_ =	sdelay $0x3  }
0x96: {  	_ =	strace s2  }
0x97: {  	_ =	strace $0x8FFFFFFF  }
0x98: {  	s19 =	sld [smem:$0x3FDB];
	_ =	sdelay $0x1  }
0x99: {  	s20 =	simm.s32 $_scs_section_size  }
0x9a: {  	s4 =	simm.s32 $_size__tile_overlayer_lowered;
	s5 =	simm.s32 $_tile_overlayer_lowered  }
0x9b: {  	s6 =	simm.s32 $0x1BFF;
	s21 =	sshll.u32 s5, $0x1;
	s3 =	sadd.s32 s20, s19  }
0x9c: {  	s22 =	simm.s32 $0x0;
	s4 =	sshll.u32 s4, $0x1;
	s5 =	sadd.s32 s21, s3  }
0x9d: {  	[timem:s22], [sflag:s6] =	dma.local [hbm:s5], s4  }
0x9e: {  	_ =	swait.ge [sflag:s6], s4  }
0x9f: {  	s4 =	ssub.s32 $0x0, s4;
	[sflag:s6] =	ssyncset.done $0x0  }
0xa0: {  	[sflag:s6] =	ssyncadd.s32 s4;
	_ =	sdelay $0x1  }
0xa1: {  	s23 =	simm.s32 $0x1B8B  }
0xa2: {  	_ =	swait.ge [sflag:s23], $0x1  }
0xa3: {  	[sflag:s23] =	ssyncset.done $0x0  }
0xa4: {  	[sflag:s23] =	ssyncadd.s32 $0xFFFFFFFF  }
0xa5: {  	s4 =	sld [smem:$0x0]  }
0xa6: {  	s5 =	sand.u32 $0xFFFFFFFE, s1  }
0xa7: {  	p0 =	sne.s32 s1, s5  }
0xa8: {  	s5 =	sshll.u32 @p0 s5, $0xE  }
0xa9: {  	s5 =	sadd.s32 @p0 $0x11B8D, s5;
	s6 =	sshll.u32 @p0 s4, $0x11  }
0xaa: {  	s5 =	sor.u32 @p0 s6, s5  }
0xab: {  	[sflag:s5] =	ssyncadd.remote.s32 @p0 $0x1;
	_ =	sdelay $0x1  }
0xac: {  	s5 =	simm.s32 @p0 $0x1B8D  }
0xad: {  	_ =	swait.eq @p0 [sflag:s5], $0x1  }
0xae: {  	[sflag:s5] =	ssyncadd.s32 @p0 $0xFFFFFFFF  }
0xaf: {  	s6 =	sshll.u32 @!p0 s1, $0xE  }
0xb0: {  	s6 =	sor.u32 @!p0 $0x4000, s6;
	s5 =	simm.s32 @!p0 $0x1B8D  }
0xb1: {  	s4 =	sshll.u32 @!p0 s4, $0x11;
	s6 =	sadd.s32 @!p0 $0x11B8D, s6;
	_ =	swait.eq @!p0 [sflag:s5], $0x1  }
0xb2: {  	s4 =	sor.u32 @!p0 s4, s6;
	[sflag:s5] =	ssyncadd.s32 @!p0 $0xFFFFFFFF  }
0xb3: {  	s25 =	simm.s32 $0x1B8E;
	s24 =	sld [smem:$0x3FFE];
	[sflag:s4] =	ssyncadd.remote.s32 @!p0 $0x1  }
0xb4: {  	s26 =	simm.s32 $execute0_lowered;
	[smem:$0x3FD2] =	sst s25  }
0xb5: {  	s5 =	sshll.u32 s26, $0x1;
	_ =	strace $0x8000005B;
	[dreg:$0x1] =	wrdreg $0xFFFFFFFF  }
0xb6: {  	s28 =	simm.s32 $_size_execute0_lowered;
	s3 =	sadd.s32 s3, s5;
	[dreg:$0x0] =	wrdreg $0x0  }
0xb7: {  	s5 =	sshll.u32 s28, $0x1;
	[dreg:$0x2] =	wrdreg s3  }
0xb8: {  	[dreg:$0x3] =	wrdreg s5  }
0xb9: {  	[dreg:$0x4] =	wrdreg $0xC0  }
0xba: {  	_ =	task [dreg:s22], $0x5FFFF  }
0xbb: {  	[dreg:$0x1] =	wrdreg $0xFFFFFFFF  }
0xbc: {  	[dreg:$0x0] =	wrdreg $0x60  }
0xbd: {  	[dreg:$0x2] =	wrdreg s24  }
0xbe: {  	[dreg:$0x3] =	wrdreg $0x9  }
0xbf: {  	_ =	task.clear_ibuf [dreg:s22], $0x4FFFF;
	_ =	strace $0x9000005B  }
0xc0: {  	s29 =	simm.s32 $0x9;
	_ =	strace $0x8000005D  }
0xc1: {  	_ =	swait.ge [sflag:s29], $0x1  }
0xc2: {  	[sflag:s29] =	ssyncadd.s32 $0xFFFFFFFF  }
0xc3: {  	_ =	strace $0x9000005D  }
0xc4: {  	_ =	sfence  }
0xc5: {  	s30 =	sld [smem:$0x0];
	_ =	sdelay $0x2  }
0xc6: {  	s31 =	sshll.u32 s1, $0xD;
	s1 =	sshrl.u32 s1, $0x2  }
0xc7: {  	s4 =	sand.u32 $0x4000, s31;
	s1 =	sadd.s32 s1, s30  }
0xc8: {  	s0 =	sor.u32 s4, s0;
	s1 =	sshll.u32 s1, $0x11  }
0xc9: {  	s0 =	sor.u32 s1, s0  }
0xca: {  	s0 =	sadd.s32 $0x8F2B, s0  }
0xcb: {  	[sflag:s0] =	ssyncadd.remote.s32 $0x1  }
0xcc: {  	_ =	sfence.sel $0xFFFF  }
0xcd: {  	[dreg:$0x0] =	wrdreg $0xFFFFFFFF;
	(pc) =	sbr.abs _section_cstart, $3  }
0xce: {  	[dreg:$0x1] =	wrdreg $0xFFFFFFFF  }
0xcf: {  	_ =	task.clear_ibuf [dreg:s22], $0x2FFFF;
	_ =	strace $0x9FFFFFFF  }
0xd0: {  	(tm) =	ssettm $0x7FFFFFFF  }
0xd1: {  	_ =	shalt  }
tec
execute0_lowered:
.L_overlay_start_1:
0x0: {  	(tag) =	ssettag $0x1  }
0x1: {  	s4 =	rddreg [dreg:$0x0]  }
0x2: {  	s0 =	rddreg [dreg:$0x1];
	s1 =	simm.s32 $0x0  }
0x3: {  	s5 =	srdreg.scid;
	s2 =	stileid.u32;
	s9 =	simm.s32 $0x1  }
0x4: {  	s10 =	simm.s32 $0x0;
	[smem:$0x7FF] =	sst s1;
	s3 =	sadd.s32 $0x26E00, s4  }
0x5: {  	s5 =	sand.u32 $0x1, s5;
	s6 =	sshll.u32 s2, $0x9;
	s7 =	sshll.u32 s2, $0x10  }
0x6: {  	_ =	strace $0x8000005C;
	s8 =	ssub.s32 $0x2, s5;
	s6 =	sadd.s32 s6, s4  }
0x7: {  	s7 =	sadd.s32 s7, s4;
	s31 =	sshll.u32 s5, $0xF;
	s5 =	sshll.u32 s5, $0x8  }
0x8: {  	s30 =	sshrl.u32 s8, $0x1;
	s7 =	sadd.s32 s31, s7;
	s6 =	sadd.s32 s5, s6  }
0x9: {  	s4 =	ssub.s32 s8, s30;
	s5 =	sadd.s32 $0x238E00, s7;
	s6 =	sadd.s32 $0x56E00, s6  }
0xa: {  	s7 =	simm.s32 $0x2;
	s8 =	simm.s32 $0x80;
	s4 =	smax.u32 s4, $0x1  }
.LBB2_1:
0xb: {  	s11 =	sadd.s32 $0x0, s6  }
0xc: {  	[tilespmem:s1], [sflag:$0x2] =	stream.linear.gather [hbm4b:s11+s1], $0x80, $0x38;
	[tilespmem:$0x4080] =	vst v63  }
0xd: {  	_ =	swait.ge [sflag:s7], $0x80  }
0xe: {  	[sflag:s7] =	ssyncset.done $0x0  }
0xf: {  	[sflag:s7] =	ssyncadd.s32 $0xFFFFFF80  }
0x10: {  	[tilespmem:s8], [sflag:$0x1] =	stream.indirect.gather [hbm4b:s3+s8], $0x80, s1, s8, $0xb8;
	[tilespmem:$0x4080] =	vst v63  }
0x11: {  	_ =	swait.ge [sflag:s9], $0x4000  }
0x12: {  	[sflag:s9] =	ssyncset.done $0x0  }
0x13: {  	[sflag:s9] =	ssyncadd.s32 $0xFFFFC000  }
0x14: {  	[hbm4b:s5+s1] =	stream.linear.scatter [tilespmem:s8], [sflag:$0x2], $0x4000, $0x38;
	[tilespmem:$0x4080] =	vst v63  }
0x15: {  	s12 =	simm.s32 $0x10;
	_ =	swait.ge [sflag:s7], $0x4000  }
0x16: {  	s13 =	simm.s32 $0x20;
	s11 =	sadd.s32 $0x800, s5;
	[sflag:s7] =	ssyncset.done $0x0  }
.LBB2_2:
0x17: {  	s14 =	sadd.s32 s12, s6  }
0x18: {  	[sflag:s7] =	ssyncadd.s32 $0xFFFFC000;
	s12 =	smov.u32 s13;
	s15 =	sadd.s32 $0x10, s13  }
0x19: {  	[tilespmem:s1], [sflag:$0x2] =	stream.linear.gather [hbm4b:s14+s1], $0x80, $0x38;
	[tilespmem:$0x4080] =	vst v63  }
0x1a: {  	p0 =	sne.s32 s13, $0xF0;
	_ =	swait.ge [sflag:s7], $0x80  }
0x1b: {  	[sflag:s7] =	ssyncset.done $0x0  }
0x1c: {  	[sflag:s7] =	ssyncadd.s32 $0xFFFFFF80  }
0x1d: {  	[tilespmem:s8], [sflag:$0x1] =	stream.indirect.gather [hbm4b:s3+s8], $0x80, s1, s8, $0xb8;
	[tilespmem:$0x4080] =	vst v63  }
0x1e: {  	_ =	swait.ge [sflag:s9], $0x4000  }
.Ltmp0:
0x1f: {  	[sflag:s9] =	ssyncset.done $0x0;
	(pc) =	sbr.rel @p0 .LBB2_2-.Ltmp0, $4  }
0x20: {  	[sflag:s9] =	ssyncadd.s32 $0xFFFFC000  }
0x21: {  	[hbm4b:s11+s1] =	stream.linear.scatter [tilespmem:s8], [sflag:$0x2], $0x4000, $0x38;
	[tilespmem:$0x4080] =	vst v63  }
0x22: {  	_ =	swait.ge [sflag:s7], $0x4000  }
0x23: {  	s13 =	smov.u32 s15;
	s11 =	sadd.s32 $0x800, s11;
	[sflag:s7] =	ssyncset.done $0x0  }
0x24: {  	s12 =	sadd.s32 s12, s6;
	[sflag:s7] =	ssyncadd.s32 $0xFFFFC000  }
0x25: {  	[tilespmem:s1], [sflag:$0x2] =	stream.linear.gather [hbm4b:s12+s1], $0x80, $0x38;
	[tilespmem:$0x4080] =	vst v63  }
0x26: {  	_ =	swait.ge [sflag:s7], $0x80  }
0x27: {  	[sflag:s7] =	ssyncset.done $0x0  }
0x28: {  	[sflag:s7] =	ssyncadd.s32 $0xFFFFFF80  }
0x29: {  	[tilespmem:s8], [sflag:$0x1] =	stream.indirect.gather [hbm4b:s3+s8], $0x80, s1, s8, $0xb8;
	[tilespmem:$0x4080] =	vst v63  }
0x2a: {  	s10 =	sadd.s32 $0x1, s10;
	_ =	swait.ge [sflag:s9], $0x4000  }
0x2b: {  	p0 =	sne.s32 s10, s4;
	[sflag:s9] =	ssyncset.done $0x0  }
.Ltmp1:
0x2c: {  	[sflag:s9] =	ssyncadd.s32 $0xFFFFC000;
	(pc) =	sbr.rel @p0 .LBB2_1-.Ltmp1, $4  }
0x2d: {  	[hbm4b:s11+s1] =	stream.linear.scatter [tilespmem:s8], [sflag:$0x2], $0x4000, $0x38;
	[tilespmem:$0x4080] =	vst v63  }
0x2e: {  	_ =	swait.ge [sflag:s7], $0x4000  }
0x2f: {  	[sflag:s7] =	ssyncset.done $0x0  }
0x30: {  	[sflag:s7] =	ssyncadd.s32 $0xFFFFC000  }
0x31: {  	_ =	sfence.sel $0x180000  }
0x32: {  	[bflag:$0x0] =	sbarrier.arrive $0xFFFF  }
0x33: {  	p0 =	sne.s32 s2, $0x0;
	_ =	strace $0x9000005C  }
0x34: {  	s0 =	sadd.s32 @!p0 $0x100000, s0;
	[bflag:$0x2] =	sbarrier.arrive $0xFFFF  }
0x35: {  	[sflag:s0] =	ssyncadd.tile.s32 @!p0 $0x1;
	_ =	shalt  }
.Lfunc_end2:
_tile_overlayer_lowered:
.L_overlay_start_2:
0x36: {  	(tag) =	ssettag $0x2  }
0x37: {  	s0 =	rddreg [dreg:$0x0];
	s2 =	stileid.u32  }
0x38: {  	s1 =	rddreg [dreg:$0x1];
	p0 =	sne.s32 s2, $0x0  }
0x39: {  	s3 =	rddreg [dreg:$0x2];
	[bflag:$0x3] =	sbarrier.arrive $0xFFFF;
	s2 =	simm.s32 @!p0 $0x1C02  }
0x3a: {  	[timem:s3], [sflag:s2] =	dma.local @!p0 [hbm:s0], s1  }
0x3b: {  	s0 =	simm.s32 @!p0 $0x2  }
0x3c: {  	_ =	swait.ge @!p0 [sflag:s0], s1  }
0x3d: {  	s1 =	ssub.s32 @!p0 $0x0, s1;
	[sflag:s0] =	ssyncset.done @!p0 $0x0  }
0x3e: {  	[sflag:s0] =	ssyncadd.s32 @!p0 s1  }
0x3f: {  	[bflag:$0x3] =	sbarrier.arrive $0xFFFF  }
0x40: {  	_ =	shalt  }

</sc_bundles>
